<compile_context>
chip_gen: v7x
topology: tpu7x:2x2x1
jax: 0.10.2.dev20260603
libtpu: 0.0.44.dev20260713+nightly
codegen_flags: <defaults>
</compile_context>

<pallas_src>
import jax
import jax.numpy as jnp
from jax import lax
from jax.experimental import pallas as pl
from jax.experimental.pallas import tpu as pltpu
from jax.experimental.pallas import tpu_sc as plsc

B, NF, E, U, NNZ = 4, 512, 8192, 16384, 131072
NC, NS, L = 2, 16, 16
Q = NF // 128
EPT = NNZ // NS
CH = 2048
P = (B * U) // (CH * NC)
RPT = CH // NS
BK = 32
SEL = EPT + 2 * BK
FB = 15


def _scale_rows(rowbuf, vv0, vv1, i16):
    for g, vv in ((0, vv0), (1, vv1)):
        rows = i16 + g * L

        @plsc.parallel_loop(0, NF, unroll=8)
        def _(k):
            flat = (k + i16) & (NF - 1)
            qs = jax.lax.shift_right_logical(flat, 7)
            cols = flat & 127
            colv = plsc.load_gather(rowbuf, [rows, qs, cols])
            plsc.store_scatter(rowbuf, [rows, qs, cols], colv * vv)


def _body(feat_ref, bidx_ref, ridx_ref, cidx_ref, gval_ref, occ_ref, out_ref,
          combo_vm, vals_vm, sel_idx, gstage0, dstage0, gstage1, dstage1,
          rowbuf0, rowbuf1, zerobuf, shared,
          gsem0, gsem1, ssem0, ssem1, csem):
    cid = lax.axis_index("c")
    sid = lax.axis_index("s")
    base = sid * EPT
    i16 = jnp.arange(L, dtype=jnp.int32)
    zf = jnp.zeros((L,), jnp.float32)

    pltpu.sync_copy(bidx_ref.at[pl.ds(base, EPT)], combo_vm)
    pltpu.sync_copy(cidx_ref.at[pl.ds(base, EPT)], sel_idx.at[pl.ds(0, EPT)])

    @plsc.parallel_loop(0, EPT // L, unroll=4)
    def _(i):
        s = pl.ds(i * L, L)
        combo_vm[s] = (combo_vm[s] * U + sel_idx[s]) * (2 ** FB)

    pltpu.sync_copy(ridx_ref.at[pl.ds(base, EPT)], sel_idx.at[pl.ds(0, EPT)])

    @plsc.parallel_loop(0, EPT // L, unroll=4)
    def _(i):
        s = pl.ds(i * L, L)
        cb = combo_vm[s]
        b = jax.lax.shift_right_logical(cb, FB + 14)
        combo_vm[s] = cb + b * E + sel_idx[s]

    pltpu.sync_copy(gval_ref.at[pl.ds(base, EPT)], vals_vm)

    @plsc.parallel_loop(0, EPT // L, unroll=4)
    def _(i):
        s = pl.ds(i * L, L)
        sel_idx[s] = jax.lax.shift_right_logical(combo_vm[s], FB)

    descs = [
        pltpu.async_copy(occ_ref.at[sel_idx.at[pl.ds(i * 128, 128)]],
                         rowbuf0.at[i // Q, i % Q], gsem0)
        for i in range(EPT // 128)
    ]
    for d in descs:
        d.wait()

    def div_body(j, _):
        for q in range(Q):
            @plsc.parallel_loop(0, 128 // L, unroll=4)
            def _(m):
                s = pl.ds(((j * Q + q) * 8 + m) * L, L)
                vals_vm[s] = vals_vm[s] / rowbuf0[j, q, pl.ds(m * L, L)]
        return 0
    lax.fori_loop(0, EPT // (Q * 128), div_body, 0)

    def zb_row(j, _):
        for q in range(Q):
            def zb_col(k, _):
                zerobuf[j, q, pl.ds(k * L, L)] = zf
                return 0
            lax.fori_loop(0, 128 // L, zb_col, 0)
        return 0
    lax.fori_loop(0, 8, zb_row, 0)

    def stage_block(blk, lo, gstage, dstage):
        iv0 = sel_idx[pl.ds(blk * BK, L)]
        iv1 = sel_idx[pl.ds(blk * BK + L, L)]
        out = []
        for h, iv in ((0, iv0), (1, iv1)):
            pad = iv >= EPT
            ic = jnp.where(pad, 0, iv)
            cb = plsc.load_gather(combo_vm, [ic])
            vv = jnp.where(pad, 0.0, plsc.load_gather(vals_vm, [ic]))
            key = jax.lax.shift_right_logical(cb, FB)
            dest = jnp.clip(key - lo, 0, CH - 1)
            fx = cb & (2 ** FB - 1)
            gstage[pl.ds(h * L, L)] = fx
            dstage[pl.ds(h * L, L)] = dest
            out.append(vv)
        return out[0], out[1]

    CB = 11

    def pass_body(p, _):
        chunk = p * NC + cid
        lo = chunk * CH
        myrow = sid * RPT

        @plsc.parallel_loop(0, EPT // L, unroll=4, carry=jnp.int32(0))
        def mcnt(i, off):
            s = pl.ds(i * L, L)
            cid16 = jax.lax.shift_right_logical(combo_vm[s], FB + CB)
            m = cid16 == chunk
            mi = jnp.where(m, jnp.int32(1), jnp.int32(0))
            pref = plsc.cumsum(mi)
            pos = off + pref - 1
            plsc.store_scatter(sel_idx, [pos], i * L + i16, mask=m)
            return off + pref[L - 1]

        @pl.when(p > 0)
        def _():
            pltpu.make_async_copy(
                shared.at[pl.ds(myrow, RPT)],
                out_ref.at[pl.ds(lo + myrow, RPT)], csem).wait()

        zds = [
            pltpu.async_copy(zerobuf, shared.at[pl.ds(myrow + i * 8, 8)], gsem0)
            for i in range(RPT // 8)
        ]
        for zd in zds:
            zd.wait()
        plsc.subcore_barrier()

        senti = jnp.full((L,), EPT, jnp.int32)
        for t in range(2 * BK // L):
            sel_idx[pl.ds(mcnt + t * L, L)] = senti

        npair = (mcnt + 2 * BK - 1) // (2 * BK)

        def pair_body(i, _):
            v00, v01 = stage_block(2 * i, lo, gstage0, dstage0)
            g0 = pltpu.async_copy(feat_ref.at[gstage0], rowbuf0, gsem0)
            v10, v11 = stage_block(2 * i + 1, lo, gstage1, dstage1)
            g1 = pltpu.async_copy(feat_ref.at[gstage1], rowbuf1, gsem1)
            g0.wait()
            _scale_rows(rowbuf0, v00, v01, i16)
            s0 = pltpu.async_copy(rowbuf0, shared.at[dstage0], ssem0, add=True)
            g1.wait()
            _scale_rows(rowbuf1, v10, v11, i16)
            s1 = pltpu.async_copy(rowbuf1, shared.at[dstage1], ssem1, add=True)
            s0.wait()
            s1.wait()
            return 0
        lax.fori_loop(0, npair, pair_body, 0)

        plsc.subcore_barrier()
        pltpu.async_copy(shared.at[pl.ds(myrow, RPT)],
                         out_ref.at[pl.ds(lo + myrow, RPT)], csem)
        return 0
    lax.fori_loop(0, P, pass_body, 0)

    lastlo = ((P - 1) * NC + cid) * CH
    pltpu.make_async_copy(
        shared.at[pl.ds(sid * RPT, RPT)],
        out_ref.at[pl.ds(lastlo + sid * RPT, RPT)], csem).wait()


_sc = pl.kernel(
    _body,
    out_type=jax.ShapeDtypeStruct((B * U, Q, 128), jnp.float32),
    mesh=plsc.VectorSubcoreMesh(core_axis_name="c", subcore_axis_name="s"),
    compiler_params=pltpu.CompilerParams(needs_layout_passes=False),
    scratch_types=[
        pltpu.VMEM((EPT,), jnp.int32),
        pltpu.VMEM((EPT,), jnp.float32),
        pltpu.VMEM((SEL,), jnp.int32),
        pltpu.VMEM((BK,), jnp.int32),
        pltpu.VMEM((BK,), jnp.int32),
        pltpu.VMEM((BK,), jnp.int32),
        pltpu.VMEM((BK,), jnp.int32),
        pltpu.VMEM((BK, Q, 128), jnp.float32),
        pltpu.VMEM((BK, Q, 128), jnp.float32),
        pltpu.VMEM((8, Q, 128), jnp.float32),
        pltpu.VMEM_SHARED((CH, Q, 128), jnp.float32),
        pltpu.SemaphoreType.DMA,
        pltpu.SemaphoreType.DMA,
        pltpu.SemaphoreType.DMA,
        pltpu.SemaphoreType.DMA,
        pltpu.SemaphoreType.DMA,
    ],
)


@jax.jit
def kernel(features, batch_idx, row_idx, col_idx, group_values, occurrences):
    feat3d = features.transpose(0, 2, 1).reshape(B * E, Q, 128)
    occf = occurrences.reshape(B * U)
    out3d = _sc(feat3d, batch_idx, row_idx, col_idx, group_values, occf)
    return out3d.reshape(B, U, NF).transpose(0, 2, 1)

# --- scband reference (transcript-rebuilt; emitter-appended) ---
"""Pipeline reference for scband-mesh-unpool-31336081392112 (READ-ONLY COPY).

The authoritative reference and input builder live on the scoring server;
editing this copy changes nothing except your own understanding.
"""

import jax, jax.numpy as jnp
import numpy as np

B, NF, E, U, NNZ = 4, 512, 8192, 16384, 131072

def setup_inputs(seed: int = 0) -> dict:
    key = jax.random.key(seed)
    ks = jax.random.split(key, 6)
    features = jax.random.normal(ks[0], (B, NF, E), dtype=jnp.float32)
    batch_idx = jax.random.randint(ks[1], (NNZ,), 0, B, dtype=jnp.int32)
    row_idx = jax.random.randint(ks[2], (NNZ,), 0, E, dtype=jnp.int32)
    col_idx = jax.random.randint(ks[3], (NNZ,), 0, U, dtype=jnp.int32)
    group_values = jax.random.uniform(ks[4], (NNZ,), dtype=jnp.float32)
    # occurrence counts are >= 1 in the original mesh (padded entries are 1)
    occurrences = jax.random.randint(ks[5], (B, U), 1, 5).astype(jnp.float32)
    return {
        'features': features,
        'batch_idx': batch_idx,
        'row_idx': row_idx,
        'col_idx': col_idx,
        'group_values': group_values,
        'occurrences': occurrences,
    }

def reference(features, batch_idx, row_idx, col_idx, group_values, occurrences):
    # Original: per-batch spmm of sparse group matrix S[col,row]=G[row,col]/occ[col]
    # against features^T, i.e. result[b,f,c] = sum_r features[b,f,r] * G_b[r,c] / occ[b,c].
    # We fuse all batches via the concatenated COO indices, matching the torch code's
    # indices = stack([b, col, row]) + masked spmm loop.
    vals = group_values / occurrences[batch_idx, col_idx]          # [NNZ]
    gathered = features[batch_idx, :, row_idx] * vals[:, None]     # [NNZ, NF] gather over edges
    Bsz, nf, _ = features.shape
    Usz = occurrences.shape[1]
    result = jnp.zeros((Bsz, nf, Usz), dtype=features.dtype)
    result = result.at[batch_idx, :, col_idx].add(gathered)        # scatter-add into unrolled edges
    return result

if __name__ == "__main__":
    import jax
    _d = setup_inputs()
    print(jax.jit(kernel)(*tuple(_d.values())))

</pallas_src>

<mosaic_0001>
#map = affine_map<(d0, d1) -> (0, 0, 0)>
#map1 = affine_map<(d0, d1) -> (0)>
module attributes {stable_mosaic.version = 14 : i64} {
  func.func @_body(%arg0: i32, %arg1: i32, %arg2: memref<32768x4x128xf32, #tpu.memory_space<hbm>>, %arg3: memref<131072xi32, #tpu.memory_space<hbm>>, %arg4: memref<131072xi32, #tpu.memory_space<hbm>>, %arg5: memref<131072xi32, #tpu.memory_space<hbm>>, %arg6: memref<131072xf32, #tpu.memory_space<hbm>>, %arg7: memref<65536xf32, #tpu.memory_space<hbm>>, %arg8: memref<65536x4x128xf32, #tpu.memory_space<hbm>>, %arg9: memref<8192xi32, #tpu.memory_space<vmem>>, %arg10: memref<8192xf32, #tpu.memory_space<vmem>>, %arg11: memref<8256xi32, #tpu.memory_space<vmem>>, %arg12: memref<32xi32, #tpu.memory_space<vmem>>, %arg13: memref<32xi32, #tpu.memory_space<vmem>>, %arg14: memref<32xi32, #tpu.memory_space<vmem>>, %arg15: memref<32xi32, #tpu.memory_space<vmem>>, %arg16: memref<32x4x128xf32, #tpu.memory_space<vmem>>, %arg17: memref<32x4x128xf32, #tpu.memory_space<vmem>>, %arg18: memref<8x4x128xf32, #tpu.memory_space<vmem>>, %arg19: memref<2048x4x128xf32, #tpu.memory_space<vmem_shared>>, %arg20: memref<!tpu.dma_semaphore, #tpu.memory_space<semaphore_mem>>, %arg21: memref<!tpu.dma_semaphore, #tpu.memory_space<semaphore_mem>>, %arg22: memref<!tpu.dma_semaphore, #tpu.memory_space<semaphore_mem>>, %arg23: memref<!tpu.dma_semaphore, #tpu.memory_space<semaphore_mem>>, %arg24: memref<!tpu.dma_semaphore, #tpu.memory_space<semaphore_mem>>) attributes {dimension_semantics = [#tpu.dimension_semantics<core_parallel>, #tpu.dimension_semantics<subcore_parallel>], iteration_bounds = array<i64: 2, 16>, scalar_prefetch = 0 : i64, scratch_operands = 16 : i64, tpu.core_type = #tpu.core_type<sc_vector_subcore>, window_params = [{transform_indices = #map}, {transform_indices = #map1}, {transform_indices = #map1}, {transform_indices = #map1}, {transform_indices = #map1}, {transform_indices = #map1}, {transform_indices = #map}]} {
    %mul3A = arith.constant 8192 : i32
    %mul3A_0 = arith.muli %arg1, %mul3A : i32
    %iota3A = tpu.iota {dimensions = array<i32: 0>} : vector<16xi32>
    %broadcast_in_dim3A = arith.constant 0.000000e+00 : f32
    %broadcast_in_dim3A_1 = vector.broadcast %broadcast_in_dim3A : f32 to vector<16xf32>
    "tpu.region"() ({
      %run_scoped3A = tpu.sem_alloc : memref<!tpu.dma_semaphore, #tpu.memory_space<semaphore_mem>>
      %dma_start3A_1194 = tpu.memref_slice %arg3[%mul3A_0] : memref<131072xi32, #tpu.memory_space<hbm>> -> memref<8192xi32, #tpu.memory_space<hbm>>
      %dma_start3A_1195 = tpu.memref_slice %arg3[%mul3A_0] : memref<131072xi32, #tpu.memory_space<hbm>> -> memref<8192xi32, #tpu.memory_space<hbm>>
      tpu.enqueue_dma source(%dma_start3A_1195 : memref<8192xi32, #tpu.memory_space<hbm>>) target(%arg9 : memref<8192xi32, #tpu.memory_space<vmem>>) target_semaphore(%run_scoped3A : memref<!tpu.dma_semaphore, #tpu.memory_space<semaphore_mem>>)
      %dma_wait3A_1196 = tpu.memref_slice %arg3[%mul3A_0] : memref<131072xi32, #tpu.memory_space<hbm>> -> memref<8192xi32, #tpu.memory_space<hbm>>
      %dma_wait3A_1197 = tpu.memref_slice %arg3[%mul3A_0] : memref<131072xi32, #tpu.memory_space<hbm>> -> memref<8192xi32, #tpu.memory_space<hbm>>
      tpu.wait_dma2 semaphore(%run_scoped3A : memref<!tpu.dma_semaphore, #tpu.memory_space<semaphore_mem>>) src(%dma_wait3A_1197 : memref<8192xi32, #tpu.memory_space<hbm>>) dst(%arg9 : memref<8192xi32, #tpu.memory_space<vmem>>)
      tpu.yield
    }) : () -> ()
    "tpu.region"() ({
      %run_scoped3A = tpu.sem_alloc : memref<!tpu.dma_semaphore, #tpu.memory_space<semaphore_mem>>
      %dma_start3A_1194 = arith.constant 0 : i32
      %dma_start3A_1195 = tpu.memref_slice %arg11[%dma_start3A_1194] : memref<8256xi32, #tpu.memory_space<vmem>> -> memref<8192xi32, #tpu.memory_space<vmem>>
      %dma_start3A_1196 = tpu.memref_slice %arg5[%mul3A_0] : memref<131072xi32, #tpu.memory_space<hbm>> -> memref<8192xi32, #tpu.memory_space<hbm>>
      %dma_start3A_1197 = arith.constant 0 : i32
      %dma_start3A_1198 = tpu.memref_slice %arg11[%dma_start3A_1197] : memref<8256xi32, #tpu.memory_space<vmem>> -> memref<8192xi32, #tpu.memory_space<vmem>>
      %dma_start3A_1199 = tpu.memref_slice %arg5[%mul3A_0] : memref<131072xi32, #tpu.memory_space<hbm>> -> memref<8192xi32, #tpu.memory_space<hbm>>
      tpu.enqueue_dma source(%dma_start3A_1199 : memref<8192xi32, #tpu.memory_space<hbm>>) target(%dma_start3A_1198 : memref<8192xi32, #tpu.memory_space<vmem>>) target_semaphore(%run_scoped3A : memref<!tpu.dma_semaphore, #tpu.memory_space<semaphore_mem>>)
      %dma_wait3A_1200 = arith.constant 0 : i32
      %dma_wait3A_1201 = tpu.memref_slice %arg11[%dma_wait3A_1200] : memref<8256xi32, #tpu.memory_space<vmem>> -> memref<8192xi32, #tpu.memory_space<vmem>>
      %dma_wait3A_1202 = tpu.memref_slice %arg5[%mul3A_0] : memref<131072xi32, #tpu.memory_space<hbm>> -> memref<8192xi32, #tpu.memory_space<hbm>>
      %dma_wait3A_1203 = arith.constant 0 : i32
      %dma_wait3A_1204 = tpu.memref_slice %arg11[%dma_wait3A_1203] : memref<8256xi32, #tpu.memory_space<vmem>> -> memref<8192xi32, #tpu.memory_space<vmem>>
      %dma_wait3A_1205 = tpu.memref_slice %arg5[%mul3A_0] : memref<131072xi32, #tpu.memory_space<hbm>> -> memref<8192xi32, #tpu.memory_space<hbm>>
      tpu.wait_dma2 semaphore(%run_scoped3A : memref<!tpu.dma_semaphore, #tpu.memory_space<semaphore_mem>>) src(%dma_wait3A_1205 : memref<8192xi32, #tpu.memory_space<hbm>>) dst(%dma_wait3A_1204 : memref<8192xi32, #tpu.memory_space<vmem>>)
      tpu.yield
    }) : () -> ()
    %parallel_loop3A = arith.constant 0 : i32
    %parallel_loop3A_2 = arith.constant 512 : i32
    %parallel_loop3A_3 = arith.constant 1 : i32
    scf.for %parallel_loop3A_1194 = %parallel_loop3A to %parallel_loop3A_2 step %parallel_loop3A_3  : i32 {
      %parallel_loop3A_1195 = arith.constant 16 : i32
      %parallel_loop3A_1196 = arith.muli %parallel_loop3A_1194, %parallel_loop3A_1195 : i32
      %parallel_loop3A_1197 = arith.index_cast %parallel_loop3A_1196 : i32 to index
      %parallel_loop3A_1198 = tpu.vector_load %arg9[%parallel_loop3A_1197] {strides = array<i32>} : memref<8192xi32, #tpu.memory_space<vmem>>, vector<16xi32>,
      %parallel_loop3A_1199 = arith.constant 16384 : i32
      %parallel_loop3A_1200 = vector.broadcast %parallel_loop3A_1199 : i32 to vector<16xi32>
      %parallel_loop3A_1201 = arith.muli %parallel_loop3A_1198, %parallel_loop3A_1200 : vector<16xi32>
      %parallel_loop3A_1202 = arith.index_cast %parallel_loop3A_1196 : i32 to index
      %parallel_loop3A_1203 = tpu.vector_load %arg11[%parallel_loop3A_1202] {strides = array<i32>} : memref<8256xi32, #tpu.memory_space<vmem>>, vector<16xi32>,
      %parallel_loop3A_1204 = arith.addi %parallel_loop3A_1201, %parallel_loop3A_1203 : vector<16xi32>
      %parallel_loop3A_1205 = arith.constant 32768 : i32
      %parallel_loop3A_1206 = vector.broadcast %parallel_loop3A_1205 : i32 to vector<16xi32>
      %parallel_loop3A_1207 = arith.muli %parallel_loop3A_1204, %parallel_loop3A_1206 : vector<16xi32>
      %parallel_loop3A_1208 = arith.index_cast %parallel_loop3A_1196 : i32 to index
      %parallel_loop3A_1209 = tpu.vector_load %arg9[%parallel_loop3A_1208] {strides = array<i32>} : memref<8192xi32, #tpu.memory_space<vmem>>, vector<16xi32>,
      tpu.vector_store %arg9[%parallel_loop3A_1208], %parallel_loop3A_1207 {strides = array<i32>} : memref<8192xi32, #tpu.memory_space<vmem>>, vector<16xi32>,
    } {sc.loop_unroll_factor = 4 : i64, sc.parallel_access}
    "tpu.region"() ({
      %run_scoped3A = tpu.sem_alloc : memref<!tpu.dma_semaphore, #tpu.memory_space<semaphore_mem>>
      %dma_start3A_1194 = arith.constant 0 : i32
      %dma_start3A_1195 = tpu.memref_slice %arg11[%dma_start3A_1194] : memref<8256xi32, #tpu.memory_space<vmem>> -> memref<8192xi32, #tpu.memory_space<vmem>>
      %dma_start3A_1196 = tpu.memref_slice %arg4[%mul3A_0] : memref<131072xi32, #tpu.memory_space<hbm>> -> memref<8192xi32, #tpu.memory_space<hbm>>
      %dma_start3A_1197 = arith.constant 0 : i32
      %dma_start3A_1198 = tpu.memref_slice %arg11[%dma_start3A_1197] : memref<8256xi32, #tpu.memory_space<vmem>> -> memref<8192xi32, #tpu.memory_space<vmem>>
      %dma_start3A_1199 = tpu.memref_slice %arg4[%mul3A_0] : memref<131072xi32, #tpu.memory_space<hbm>> -> memref<8192xi32, #tpu.memory_space<hbm>>
      tpu.enqueue_dma source(%dma_start3A_1199 : memref<8192xi32, #tpu.memory_space<hbm>>) target(%dma_start3A_1198 : memref<8192xi32, #tpu.memory_space<vmem>>) target_semaphore(%run_scoped3A : memref<!tpu.dma_semaphore, #tpu.memory_space<semaphore_mem>>)
      %dma_wait3A_1200 = arith.constant 0 : i32
      %dma_wait3A_1201 = tpu.memref_slice %arg11[%dma_wait3A_1200] : memref<8256xi32, #tpu.memory_space<vmem>> -> memref<8192xi32, #tpu.memory_space<vmem>>
      %dma_wait3A_1202 = tpu.memref_slice %arg4[%mul3A_0] : memref<131072xi32, #tpu.memory_space<hbm>> -> memref<8192xi32, #tpu.memory_space<hbm>>
      %dma_wait3A_1203 = arith.constant 0 : i32
      %dma_wait3A_1204 = tpu.memref_slice %arg11[%dma_wait3A_1203] : memref<8256xi32, #tpu.memory_space<vmem>> -> memref<8192xi32, #tpu.memory_space<vmem>>
      %dma_wait3A_1205 = tpu.memref_slice %arg4[%mul3A_0] : memref<131072xi32, #tpu.memory_space<hbm>> -> memref<8192xi32, #tpu.memory_space<hbm>>
      tpu.wait_dma2 semaphore(%run_scoped3A : memref<!tpu.dma_semaphore, #tpu.memory_space<semaphore_mem>>) src(%dma_wait3A_1205 : memref<8192xi32, #tpu.memory_space<hbm>>) dst(%dma_wait3A_1204 : memref<8192xi32, #tpu.memory_space<vmem>>)
      tpu.yield
    }) : () -> ()
    %parallel_loop3A_4 = arith.constant 0 : i32
    %parallel_loop3A_5 = arith.constant 512 : i32
    %parallel_loop3A_6 = arith.constant 1 : i32
    scf.for %parallel_loop3A_1194 = %parallel_loop3A_4 to %parallel_loop3A_5 step %parallel_loop3A_6  : i32 {
      %parallel_loop3A_1195 = arith.constant 16 : i32
      %parallel_loop3A_1196 = arith.muli %parallel_loop3A_1194, %parallel_loop3A_1195 : i32
      %parallel_loop3A_1197 = arith.index_cast %parallel_loop3A_1196 : i32 to index
      %parallel_loop3A_1198 = tpu.vector_load %arg9[%parallel_loop3A_1197] {strides = array<i32>} : memref<8192xi32, #tpu.memory_space<vmem>>, vector<16xi32>,
      %parallel_loop3A_1199 = arith.constant 29 : i32
      %parallel_loop3A_1200 = vector.broadcast %parallel_loop3A_1199 : i32 to vector<16xi32>
      %parallel_loop3A_1201 = arith.shrui %parallel_loop3A_1198, %parallel_loop3A_1200 : vector<16xi32>
      %parallel_loop3A_1202 = arith.constant 8192 : i32
      %parallel_loop3A_1203 = vector.broadcast %parallel_loop3A_1202 : i32 to vector<16xi32>
      %parallel_loop3A_1204 = arith.muli %parallel_loop3A_1201, %parallel_loop3A_1203 : vector<16xi32>
      %parallel_loop3A_1205 = arith.addi %parallel_loop3A_1198, %parallel_loop3A_1204 : vector<16xi32>
      %parallel_loop3A_1206 = arith.index_cast %parallel_loop3A_1196 : i32 to index
      %parallel_loop3A_1207 = tpu.vector_load %arg11[%parallel_loop3A_1206] {strides = array<i32>} : memref<8256xi32, #tpu.memory_space<vmem>>, vector<16xi32>,
      %parallel_loop3A_1208 = arith.addi %parallel_loop3A_1205, %parallel_loop3A_1207 : vector<16xi32>
      %parallel_loop3A_1209 = arith.index_cast %parallel_loop3A_1196 : i32 to index
      %parallel_loop3A_1210 = tpu.vector_load %arg9[%parallel_loop3A_1209] {strides = array<i32>} : memref<8192xi32, #tpu.memory_space<vmem>>, vector<16xi32>,
      tpu.vector_store %arg9[%parallel_loop3A_1209], %parallel_loop3A_1208 {strides = array<i32>} : memref<8192xi32, #tpu.memory_space<vmem>>, vector<16xi32>,
    } {sc.loop_unroll_factor = 4 : i64, sc.parallel_access}
    "tpu.region"() ({
      %run_scoped3A = tpu.sem_alloc : memref<!tpu.dma_semaphore, #tpu.memory_space<semaphore_mem>>
      %dma_start3A_1194 = tpu.memref_slice %arg6[%mul3A_0] : memref<131072xf32, #tpu.memory_space<hbm>> -> memref<8192xf32, #tpu.memory_space<hbm>>
      %dma_start3A_1195 = tpu.memref_slice %arg6[%mul3A_0] : memref<131072xf32, #tpu.memory_space<hbm>> -> memref<8192xf32, #tpu.memory_space<hbm>>
      tpu.enqueue_dma source(%dma_start3A_1195 : memref<8192xf32, #tpu.memory_space<hbm>>) target(%arg10 : memref<8192xf32, #tpu.memory_space<vmem>>) target_semaphore(%run_scoped3A : memref<!tpu.dma_semaphore, #tpu.memory_space<semaphore_mem>>)
      %dma_wait3A_1196 = tpu.memref_slice %arg6[%mul3A_0] : memref<131072xf32, #tpu.memory_space<hbm>> -> memref<8192xf32, #tpu.memory_space<hbm>>
      %dma_wait3A_1197 = tpu.memref_slice %arg6[%mul3A_0] : memref<131072xf32, #tpu.memory_space<hbm>> -> memref<8192xf32, #tpu.memory_space<hbm>>
      tpu.wait_dma2 semaphore(%run_scoped3A : memref<!tpu.dma_semaphore, #tpu.memory_space<semaphore_mem>>) src(%dma_wait3A_1197 : memref<8192xf32, #tpu.memory_space<hbm>>) dst(%arg10 : memref<8192xf32, #tpu.memory_space<vmem>>)
      tpu.yield
    }) : () -> ()
    %parallel_loop3A_7 = arith.constant 0 : i32
    %parallel_loop3A_8 = arith.constant 512 : i32
    %parallel_loop3A_9 = arith.constant 1 : i32
    scf.for %parallel_loop3A_1194 = %parallel_loop3A_7 to %parallel_loop3A_8 step %parallel_loop3A_9  : i32 {
      %parallel_loop3A_1195 = arith.constant 16 : i32
      %parallel_loop3A_1196 = arith.muli %parallel_loop3A_1194, %parallel_loop3A_1195 : i32
      %parallel_loop3A_1197 = arith.index_cast %parallel_loop3A_1196 : i32 to index
      %parallel_loop3A_1198 = tpu.vector_load %arg9[%parallel_loop3A_1197] {strides = array<i32>} : memref<8192xi32, #tpu.memory_space<vmem>>, vector<16xi32>,
      %parallel_loop3A_1199 = arith.constant 15 : i32
      %parallel_loop3A_1200 = vector.broadcast %parallel_loop3A_1199 : i32 to vector<16xi32>
      %parallel_loop3A_1201 = arith.shrui %parallel_loop3A_1198, %parallel_loop3A_1200 : vector<16xi32>
      %parallel_loop3A_1202 = arith.index_cast %parallel_loop3A_1196 : i32 to index
      %parallel_loop3A_1203 = tpu.vector_load %arg11[%parallel_loop3A_1202] {strides = array<i32>} : memref<8256xi32, #tpu.memory_space<vmem>>, vector<16xi32>,
      tpu.vector_store %arg11[%parallel_loop3A_1202], %parallel_loop3A_1201 {strides = array<i32>} : memref<8256xi32, #tpu.memory_space<vmem>>, vector<16xi32>,
    } {sc.loop_unroll_factor = 4 : i64, sc.parallel_access}
    %dma_start3A = arith.constant 0 : i32
    %dma_start3A_10 = arith.constant 0 : i32
    %dma_start3A_11 = arith.constant 0 : i32
    %dma_start3A_12 = tpu.memref_slice %arg16[%dma_start3A, %dma_start3A_10, %dma_start3A_11] : memref<32x4x128xf32, #tpu.memory_space<vmem>> -> memref<1x1x128xf32, #tpu.memory_space<vmem>>
    %dma_start3A_13 = tpu.memref_squeeze %dma_start3A_12 : memref<1x1x128xf32, #tpu.memory_space<vmem>> -> memref<128xf32, #tpu.memory_space<vmem>>
    %dma_start3A_14 = arith.constant 0 : i32
    %dma_start3A_15 = tpu.memref_slice %arg11[%dma_start3A_14] : memref<8256xi32, #tpu.memory_space<vmem>> -> memref<128xi32, #tpu.memory_space<vmem>>
    %dma_start3A_16 = arith.constant 0 : i32
    %dma_start3A_17 = tpu.memref_slice %arg7[%dma_start3A_16] : memref<65536xf32, #tpu.memory_space<hbm>> -> memref<65536xf32, #tpu.memory_space<hbm>>
    tpu.enqueue_indirect_dma source(%dma_start3A_17 : memref<65536xf32, #tpu.memory_space<hbm>>) target(%dma_start3A_13 : memref<128xf32, #tpu.memory_space<vmem>>) offsets(%dma_start3A_15 : memref<128xi32, #tpu.memory_space<vmem>>) semaphore(%arg20 : memref<!tpu.dma_semaphore, #tpu.memory_space<semaphore_mem>>)
    %dma_start3A_18 = arith.constant 0 : i32
    %dma_start3A_19 = arith.constant 1 : i32
    %dma_start3A_20 = arith.constant 0 : i32
    %dma_start3A_21 = tpu.memref_slice %arg16[%dma_start3A_18, %dma_start3A_19, %dma_start3A_20] : memref<32x4x128xf32, #tpu.memory_space<vmem>> -> memref<1x1x128xf32, #tpu.memory_space<vmem>>
    %dma_start3A_22 = tpu.memref_squeeze %dma_start3A_21 : memref<1x1x128xf32, #tpu.memory_space<vmem>> -> memref<128xf32, #tpu.memory_space<vmem>>
    %dma_start3A_23 = arith.constant 128 : i32
    %dma_start3A_24 = tpu.memref_slice %arg11[%dma_start3A_23] : memref<8256xi32, #tpu.memory_space<vmem>> -> memref<128xi32, #tpu.memory_space<vmem>>
    %dma_start3A_25 = arith.constant 0 : i32
    %dma_start3A_26 = tpu.memref_slice %arg7[%dma_start3A_25] : memref<65536xf32, #tpu.memory_space<hbm>> -> memref<65536xf32, #tpu.memory_space<hbm>>
    tpu.enqueue_indirect_dma source(%dma_start3A_26 : memref<65536xf32, #tpu.memory_space<hbm>>) target(%dma_start3A_22 : memref<128xf32, #tpu.memory_space<vmem>>) offsets(%dma_start3A_24 : memref<128xi32, #tpu.memory_space<vmem>>) semaphore(%arg20 : memref<!tpu.dma_semaphore, #tpu.memory_space<semaphore_mem>>)
    %dma_start3A_27 = arith.constant 0 : i32
    %dma_start3A_28 = arith.constant 2 : i32
    %dma_start3A_29 = arith.constant 0 : i32
    %dma_start3A_30 = tpu.memref_slice %arg16[%dma_start3A_27, %dma_start3A_28, %dma_start3A_29] : memref<32x4x128xf32, #tpu.memory_space<vmem>> -> memref<1x1x128xf32, #tpu.memory_space<vmem>>
    %dma_start3A_31 = tpu.memref_squeeze %dma_start3A_30 : memref<1x1x128xf32, #tpu.memory_space<vmem>> -> memref<128xf32, #tpu.memory_space<vmem>>
    %dma_start3A_32 = arith.constant 256 : i32
    %dma_start3A_33 = tpu.memref_slice %arg11[%dma_start3A_32] : memref<8256xi32, #tpu.memory_space<vmem>> -> memref<128xi32, #tpu.memory_space<vmem>>
    %dma_start3A_34 = arith.constant 0 : i32
    %dma_start3A_35 = tpu.memref_slice %arg7[%dma_start3A_34] : memref<65536xf32, #tpu.memory_space<hbm>> -> memref<65536xf32, #tpu.memory_space<hbm>>
    tpu.enqueue_indirect_dma source(%dma_start3A_35 : memref<65536xf32, #tpu.memory_space<hbm>>) target(%dma_start3A_31 : memref<128xf32, #tpu.memory_space<vmem>>) offsets(%dma_start3A_33 : memref<128xi32, #tpu.memory_space<vmem>>) semaphore(%arg20 : memref<!tpu.dma_semaphore, #tpu.memory_space<semaphore_mem>>)
    %dma_start3A_36 = arith.constant 0 : i32
    %dma_start3A_37 = arith.constant 3 : i32
    %dma_start3A_38 = arith.constant 0 : i32
    %dma_start3A_39 = tpu.memref_slice %arg16[%dma_start3A_36, %dma_start3A_37, %dma_start3A_38] : memref<32x4x128xf32, #tpu.memory_space<vmem>> -> memref<1x1x128xf32, #tpu.memory_space<vmem>>
    %dma_start3A_40 = tpu.memref_squeeze %dma_start3A_39 : memref<1x1x128xf32, #tpu.memory_space<vmem>> -> memref<128xf32, #tpu.memory_space<vmem>>
    %dma_start3A_41 = arith.constant 384 : i32
    %dma_start3A_42 = tpu.memref_slice %arg11[%dma_start3A_41] : memref<8256xi32, #tpu.memory_space<vmem>> -> memref<128xi32, #tpu.memory_space<vmem>>
    %dma_start3A_43 = arith.constant 0 : i32
    %dma_start3A_44 = tpu.memref_slice %arg7[%dma_start3A_43] : memref<65536xf32, #tpu.memory_space<hbm>> -> memref<65536xf32, #tpu.memory_space<hbm>>
    tpu.enqueue_indirect_dma source(%dma_start3A_44 : memref<65536xf32, #tpu.memory_space<hbm>>) target(%dma_start3A_40 : memref<128xf32, #tpu.memory_space<vmem>>) offsets(%dma_start3A_42 : memref<128xi32, #tpu.memory_space<vmem>>) semaphore(%arg20 : memref<!tpu.dma_semaphore, #tpu.memory_space<semaphore_mem>>)
    %dma_start3A_45 = arith.constant 1 : i32
    %dma_start3A_46 = arith.constant 0 : i32
    %dma_start3A_47 = arith.constant 0 : i32
    %dma_start3A_48 = tpu.memref_slice %arg16[%dma_start3A_45, %dma_start3A_46, %dma_start3A_47] : memref<32x4x128xf32, #tpu.memory_space<vmem>> -> memref<1x1x128xf32, #tpu.memory_space<vmem>>
    %dma_start3A_49 = tpu.memref_squeeze %dma_start3A_48 : memref<1x1x128xf32, #tpu.memory_space<vmem>> -> memref<128xf32, #tpu.memory_space<vmem>>
    %dma_start3A_50 = arith.constant 512 : i32
    %dma_start3A_51 = tpu.memref_slice %arg11[%dma_start3A_50] : memref<8256xi32, #tpu.memory_space<vmem>> -> memref<128xi32, #tpu.memory_space<vmem>>
    %dma_start3A_52 = arith.constant 0 : i32
    %dma_start3A_53 = tpu.memref_slice %arg7[%dma_start3A_52] : memref<65536xf32, #tpu.memory_space<hbm>> -> memref<65536xf32, #tpu.memory_space<hbm>>
    tpu.enqueue_indirect_dma source(%dma_start3A_53 : memref<65536xf32, #tpu.memory_space<hbm>>) target(%dma_start3A_49 : memref<128xf32, #tpu.memory_space<vmem>>) offsets(%dma_start3A_51 : memref<128xi32, #tpu.memory_space<vmem>>) semaphore(%arg20 : memref<!tpu.dma_semaphore, #tpu.memory_space<semaphore_mem>>)
    %dma_start3A_54 = arith.constant 1 : i32
    %dma_start3A_55 = arith.constant 1 : i32
    %dma_start3A_56 = arith.constant 0 : i32
    %dma_start3A_57 = tpu.memref_slice %arg16[%dma_start3A_54, %dma_start3A_55, %dma_start3A_56] : memref<32x4x128xf32, #tpu.memory_space<vmem>> -> memref<1x1x128xf32, #tpu.memory_space<vmem>>
    %dma_start3A_58 = tpu.memref_squeeze %dma_start3A_57 : memref<1x1x128xf32, #tpu.memory_space<vmem>> -> memref<128xf32, #tpu.memory_space<vmem>>
    %dma_start3A_59 = arith.constant 640 : i32
    %dma_start3A_60 = tpu.memref_slice %arg11[%dma_start3A_59] : memref<8256xi32, #tpu.memory_space<vmem>> -> memref<128xi32, #tpu.memory_space<vmem>>
    %dma_start3A_61 = arith.constant 0 : i32
    %dma_start3A_62 = tpu.memref_slice %arg7[%dma_start3A_61] : memref<65536xf32, #tpu.memory_space<hbm>> -> memref<65536xf32, #tpu.memory_space<hbm>>
    tpu.enqueue_indirect_dma source(%dma_start3A_62 : memref<65536xf32, #tpu.memory_space<hbm>>) target(%dma_start3A_58 : memref<128xf32, #tpu.memory_space<vmem>>) offsets(%dma_start3A_60 : memref<128xi32, #tpu.memory_space<vmem>>) semaphore(%arg20 : memref<!tpu.dma_semaphore, #tpu.memory_space<semaphore_mem>>)
    %dma_start3A_63 = arith.constant 1 : i32
    %dma_start3A_64 = arith.constant 2 : i32
    %dma_start3A_65 = arith.constant 0 : i32
    %dma_start3A_66 = tpu.memref_slice %arg16[%dma_start3A_63, %dma_start3A_64, %dma_start3A_65] : memref<32x4x128xf32, #tpu.memory_space<vmem>> -> memref<1x1x128xf32, #tpu.memory_space<vmem>>
    %dma_start3A_67 = tpu.memref_squeeze %dma_start3A_66 : memref<1x1x128xf32, #tpu.memory_space<vmem>> -> memref<128xf32, #tpu.memory_space<vmem>>
    %dma_start3A_68 = arith.constant 768 : i32
    %dma_start3A_69 = tpu.memref_slice %arg11[%dma_start3A_68] : memref<8256xi32, #tpu.memory_space<vmem>> -> memref<128xi32, #tpu.memory_space<vmem>>
    %dma_start3A_70 = arith.constant 0 : i32
    %dma_start3A_71 = tpu.memref_slice %arg7[%dma_start3A_70] : memref<65536xf32, #tpu.memory_space<hbm>> -> memref<65536xf32, #tpu.memory_space<hbm>>
    tpu.enqueue_indirect_dma source(%dma_start3A_71 : memref<65536xf32, #tpu.memory_space<hbm>>) target(%dma_start3A_67 : memref<128xf32, #tpu.memory_space<vmem>>) offsets(%dma_start3A_69 : memref<128xi32, #tpu.memory_space<vmem>>) semaphore(%arg20 : memref<!tpu.dma_semaphore, #tpu.memory_space<semaphore_mem>>)
    %dma_start3A_72 = arith.constant 1 : i32
    %dma_start3A_73 = arith.constant 3 : i32
    %dma_start3A_74 = arith.constant 0 : i32
    %dma_start3A_75 = tpu.memref_slice %arg16[%dma_start3A_72, %dma_start3A_73, %dma_start3A_74] : memref<32x4x128xf32, #tpu.memory_space<vmem>> -> memref<1x1x128xf32, #tpu.memory_space<vmem>>
    %dma_start3A_76 = tpu.memref_squeeze %dma_start3A_75 : memref<1x1x128xf32, #tpu.memory_space<vmem>> -> memref<128xf32, #tpu.memory_space<vmem>>
    %dma_start3A_77 = arith.constant 896 : i32
    %dma_start3A_78 = tpu.memref_slice %arg11[%dma_start3A_77] : memref<8256xi32, #tpu.memory_space<vmem>> -> memref<128xi32, #tpu.memory_space<vmem>>
    %dma_start3A_79 = arith.constant 0 : i32
    %dma_start3A_80 = tpu.memref_slice %arg7[%dma_start3A_79] : memref<65536xf32, #tpu.memory_space<hbm>> -> memref<65536xf32, #tpu.memory_space<hbm>>
    tpu.enqueue_indirect_dma source(%dma_start3A_80 : memref<65536xf32, #tpu.memory_space<hbm>>) target(%dma_start3A_76 : memref<128xf32, #tpu.memory_space<vmem>>) offsets(%dma_start3A_78 : memref<128xi32, #tpu.memory_space<vmem>>) semaphore(%arg20 : memref<!tpu.dma_semaphore, #tpu.memory_space<semaphore_mem>>)
    %dma_start3A_81 = arith.constant 2 : i32
    %dma_start3A_82 = arith.constant 0 : i32
    %dma_start3A_83 = arith.constant 0 : i32
    %dma_start3A_84 = tpu.memref_slice %arg16[%dma_start3A_81, %dma_start3A_82, %dma_start3A_83] : memref<32x4x128xf32, #tpu.memory_space<vmem>> -> memref<1x1x128xf32, #tpu.memory_space<vmem>>
    %dma_start3A_85 = tpu.memref_squeeze %dma_start3A_84 : memref<1x1x128xf32, #tpu.memory_space<vmem>> -> memref<128xf32, #tpu.memory_space<vmem>>
    %dma_start3A_86 = arith.constant 1024 : i32
    %dma_start3A_87 = tpu.memref_slice %arg11[%dma_start3A_86] : memref<8256xi32, #tpu.memory_space<vmem>> -> memref<128xi32, #tpu.memory_space<vmem>>
    %dma_start3A_88 = arith.constant 0 : i32
    %dma_start3A_89 = tpu.memref_slice %arg7[%dma_start3A_88] : memref<65536xf32, #tpu.memory_space<hbm>> -> memref<65536xf32, #tpu.memory_space<hbm>>
    tpu.enqueue_indirect_dma source(%dma_start3A_89 : memref<65536xf32, #tpu.memory_space<hbm>>) target(%dma_start3A_85 : memref<128xf32, #tpu.memory_space<vmem>>) offsets(%dma_start3A_87 : memref<128xi32, #tpu.memory_space<vmem>>) semaphore(%arg20 : memref<!tpu.dma_semaphore, #tpu.memory_space<semaphore_mem>>)
    %dma_start3A_90 = arith.constant 2 : i32
    %dma_start3A_91 = arith.constant 1 : i32
    %dma_start3A_92 = arith.constant 0 : i32
    %dma_start3A_93 = tpu.memref_slice %arg16[%dma_start3A_90, %dma_start3A_91, %dma_start3A_92] : memref<32x4x128xf32, #tpu.memory_space<vmem>> -> memref<1x1x128xf32, #tpu.memory_space<vmem>>
    %dma_start3A_94 = tpu.memref_squeeze %dma_start3A_93 : memref<1x1x128xf32, #tpu.memory_space<vmem>> -> memref<128xf32, #tpu.memory_space<vmem>>
    %dma_start3A_95 = arith.constant 1152 : i32
    %dma_start3A_96 = tpu.memref_slice %arg11[%dma_start3A_95] : memref<8256xi32, #tpu.memory_space<vmem>> -> memref<128xi32, #tpu.memory_space<vmem>>
    %dma_start3A_97 = arith.constant 0 : i32
    %dma_start3A_98 = tpu.memref_slice %arg7[%dma_start3A_97] : memref<65536xf32, #tpu.memory_space<hbm>> -> memref<65536xf32, #tpu.memory_space<hbm>>
    tpu.enqueue_indirect_dma source(%dma_start3A_98 : memref<65536xf32, #tpu.memory_space<hbm>>) target(%dma_start3A_94 : memref<128xf32, #tpu.memory_space<vmem>>) offsets(%dma_start3A_96 : memref<128xi32, #tpu.memory_space<vmem>>) semaphore(%arg20 : memref<!tpu.dma_semaphore, #tpu.memory_space<semaphore_mem>>)
    %dma_start3A_99 = arith.constant 2 : i32
    %dma_start3A_100 = arith.constant 2 : i32
    %dma_start3A_101 = arith.constant 0 : i32
    %dma_start3A_102 = tpu.memref_slice %arg16[%dma_start3A_99, %dma_start3A_100, %dma_start3A_101] : memref<32x4x128xf32, #tpu.memory_space<vmem>> -> memref<1x1x128xf32, #tpu.memory_space<vmem>>
    %dma_start3A_103 = tpu.memref_squeeze %dma_start3A_102 : memref<1x1x128xf32, #tpu.memory_space<vmem>> -> memref<128xf32, #tpu.memory_space<vmem>>
    %dma_start3A_104 = arith.constant 1280 : i32
    %dma_start3A_105 = tpu.memref_slice %arg11[%dma_start3A_104] : memref<8256xi32, #tpu.memory_space<vmem>> -> memref<128xi32, #tpu.memory_space<vmem>>
    %dma_start3A_106 = arith.constant 0 : i32
    %dma_start3A_107 = tpu.memref_slice %arg7[%dma_start3A_106] : memref<65536xf32, #tpu.memory_space<hbm>> -> memref<65536xf32, #tpu.memory_space<hbm>>
    tpu.enqueue_indirect_dma source(%dma_start3A_107 : memref<65536xf32, #tpu.memory_space<hbm>>) target(%dma_start3A_103 : memref<128xf32, #tpu.memory_space<vmem>>) offsets(%dma_start3A_105 : memref<128xi32, #tpu.memory_space<vmem>>) semaphore(%arg20 : memref<!tpu.dma_semaphore, #tpu.memory_space<semaphore_mem>>)
    %dma_start3A_108 = arith.constant 2 : i32
    %dma_start3A_109 = arith.constant 3 : i32
    %dma_start3A_110 = arith.constant 0 : i32
    %dma_start3A_111 = tpu.memref_slice %arg16[%dma_start3A_108, %dma_start3A_109, %dma_start3A_110] : memref<32x4x128xf32, #tpu.memory_space<vmem>> -> memref<1x1x128xf32, #tpu.memory_space<vmem>>
    %dma_start3A_112 = tpu.memref_squeeze %dma_start3A_111 : memref<1x1x128xf32, #tpu.memory_space<vmem>> -> memref<128xf32, #tpu.memory_space<vmem>>
    %dma_start3A_113 = arith.constant 1408 : i32
    %dma_start3A_114 = tpu.memref_slice %arg11[%dma_start3A_113] : memref<8256xi32, #tpu.memory_space<vmem>> -> memref<128xi32, #tpu.memory_space<vmem>>
    %dma_start3A_115 = arith.constant 0 : i32
    %dma_start3A_116 = tpu.memref_slice %arg7[%dma_start3A_115] : memref<65536xf32, #tpu.memory_space<hbm>> -> memref<65536xf32, #tpu.memory_space<hbm>>
    tpu.enqueue_indirect_dma source(%dma_start3A_116 : memref<65536xf32, #tpu.memory_space<hbm>>) target(%dma_start3A_112 : memref<128xf32, #tpu.memory_space<vmem>>) offsets(%dma_start3A_114 : memref<128xi32, #tpu.memory_space<vmem>>) semaphore(%arg20 : memref<!tpu.dma_semaphore, #tpu.memory_space<semaphore_mem>>)
    %dma_start3A_117 = arith.constant 3 : i32
    %dma_start3A_118 = arith.constant 0 : i32
    %dma_start3A_119 = arith.constant 0 : i32
    %dma_start3A_120 = tpu.memref_slice %arg16[%dma_start3A_117, %dma_start3A_118, %dma_start3A_119] : memref<32x4x128xf32, #tpu.memory_space<vmem>> -> memref<1x1x128xf32, #tpu.memory_space<vmem>>
    %dma_start3A_121 = tpu.memref_squeeze %dma_start3A_120 : memref<1x1x128xf32, #tpu.memory_space<vmem>> -> memref<128xf32, #tpu.memory_space<vmem>>
    %dma_start3A_122 = arith.constant 1536 : i32
    %dma_start3A_123 = tpu.memref_slice %arg11[%dma_start3A_122] : memref<8256xi32, #tpu.memory_space<vmem>> -> memref<128xi32, #tpu.memory_space<vmem>>
    %dma_start3A_124 = arith.constant 0 : i32
    %dma_start3A_125 = tpu.memref_slice %arg7[%dma_start3A_124] : memref<65536xf32, #tpu.memory_space<hbm>> -> memref<65536xf32, #tpu.memory_space<hbm>>
    tpu.enqueue_indirect_dma source(%dma_start3A_125 : memref<65536xf32, #tpu.memory_space<hbm>>) target(%dma_start3A_121 : memref<128xf32, #tpu.memory_space<vmem>>) offsets(%dma_start3A_123 : memref<128xi32, #tpu.memory_space<vmem>>) semaphore(%arg20 : memref<!tpu.dma_semaphore, #tpu.memory_space<semaphore_mem>>)
    %dma_start3A_126 = arith.constant 3 : i32
    %dma_start3A_127 = arith.constant 1 : i32
    %dma_start3A_128 = arith.constant 0 : i32
    %dma_start3A_129 = tpu.memref_slice %arg16[%dma_start3A_126, %dma_start3A_127, %dma_start3A_128] : memref<32x4x128xf32, #tpu.memory_space<vmem>> -> memref<1x1x128xf32, #tpu.memory_space<vmem>>
    %dma_start3A_130 = tpu.memref_squeeze %dma_start3A_129 : memref<1x1x128xf32, #tpu.memory_space<vmem>> -> memref<128xf32, #tpu.memory_space<vmem>>
    %dma_start3A_131 = arith.constant 1664 : i32
    %dma_start3A_132 = tpu.memref_slice %arg11[%dma_start3A_131] : memref<8256xi32, #tpu.memory_space<vmem>> -> memref<128xi32, #tpu.memory_space<vmem>>
    %dma_start3A_133 = arith.constant 0 : i32
    %dma_start3A_134 = tpu.memref_slice %arg7[%dma_start3A_133] : memref<65536xf32, #tpu.memory_space<hbm>> -> memref<65536xf32, #tpu.memory_space<hbm>>
    tpu.enqueue_indirect_dma source(%dma_start3A_134 : memref<65536xf32, #tpu.memory_space<hbm>>) target(%dma_start3A_130 : memref<128xf32, #tpu.memory_space<vmem>>) offsets(%dma_start3A_132 : memref<128xi32, #tpu.memory_space<vmem>>) semaphore(%arg20 : memref<!tpu.dma_semaphore, #tpu.memory_space<semaphore_mem>>)
    %dma_start3A_135 = arith.constant 3 : i32
    %dma_start3A_136 = arith.constant 2 : i32
    %dma_start3A_137 = arith.constant 0 : i32
    %dma_start3A_138 = tpu.memref_slice %arg16[%dma_start3A_135, %dma_start3A_136, %dma_start3A_137] : memref<32x4x128xf32, #tpu.memory_space<vmem>> -> memref<1x1x128xf32, #tpu.memory_space<vmem>>
    %dma_start3A_139 = tpu.memref_squeeze %dma_start3A_138 : memref<1x1x128xf32, #tpu.memory_space<vmem>> -> memref<128xf32, #tpu.memory_space<vmem>>
    %dma_start3A_140 = arith.constant 1792 : i32
    %dma_start3A_141 = tpu.memref_slice %arg11[%dma_start3A_140] : memref<8256xi32, #tpu.memory_space<vmem>> -> memref<128xi32, #tpu.memory_space<vmem>>
    %dma_start3A_142 = arith.constant 0 : i32
    %dma_start3A_143 = tpu.memref_slice %arg7[%dma_start3A_142] : memref<65536xf32, #tpu.memory_space<hbm>> -> memref<65536xf32, #tpu.memory_space<hbm>>
    tpu.enqueue_indirect_dma source(%dma_start3A_143 : memref<65536xf32, #tpu.memory_space<hbm>>) target(%dma_start3A_139 : memref<128xf32, #tpu.memory_space<vmem>>) offsets(%dma_start3A_141 : memref<128xi32, #tpu.memory_space<vmem>>) semaphore(%arg20 : memref<!tpu.dma_semaphore, #tpu.memory_space<semaphore_mem>>)
    %dma_start3A_144 = arith.constant 3 : i32
    %dma_start3A_145 = arith.constant 3 : i32
    %dma_start3A_146 = arith.constant 0 : i32
    %dma_start3A_147 = tpu.memref_slice %arg16[%dma_start3A_144, %dma_start3A_145, %dma_start3A_146] : memref<32x4x128xf32, #tpu.memory_space<vmem>> -> memref<1x1x128xf32, #tpu.memory_space<vmem>>
    %dma_start3A_148 = tpu.memref_squeeze %dma_start3A_147 : memref<1x1x128xf32, #tpu.memory_space<vmem>> -> memref<128xf32, #tpu.memory_space<vmem>>
    %dma_start3A_149 = arith.constant 1920 : i32
    %dma_start3A_150 = tpu.memref_slice %arg11[%dma_start3A_149] : memref<8256xi32, #tpu.memory_space<vmem>> -> memref<128xi32, #tpu.memory_space<vmem>>
    %dma_start3A_151 = arith.constant 0 : i32
    %dma_start3A_152 = tpu.memref_slice %arg7[%dma_start3A_151] : memref<65536xf32, #tpu.memory_space<hbm>> -> memref<65536xf32, #tpu.memory_space<hbm>>
    tpu.enqueue_indirect_dma source(%dma_start3A_152 : memref<65536xf32, #tpu.memory_space<hbm>>) target(%dma_start3A_148 : memref<128xf32, #tpu.memory_space<vmem>>) offsets(%dma_start3A_150 : memref<128xi32, #tpu.memory_space<vmem>>) semaphore(%arg20 : memref<!tpu.dma_semaphore, #tpu.memory_space<semaphore_mem>>)
    %dma_start3A_153 = arith.constant 4 : i32
    %dma_start3A_154 = arith.constant 0 : i32
    %dma_start3A_155 = arith.constant 0 : i32
    %dma_start3A_156 = tpu.memref_slice %arg16[%dma_start3A_153, %dma_start3A_154, %dma_start3A_155] : memref<32x4x128xf32, #tpu.memory_space<vmem>> -> memref<1x1x128xf32, #tpu.memory_space<vmem>>
    %dma_start3A_157 = tpu.memref_squeeze %dma_start3A_156 : memref<1x1x128xf32, #tpu.memory_space<vmem>> -> memref<128xf32, #tpu.memory_space<vmem>>
    %dma_start3A_158 = arith.constant 2048 : i32
    %dma_start3A_159 = tpu.memref_slice %arg11[%dma_start3A_158] : memref<8256xi32, #tpu.memory_space<vmem>> -> memref<128xi32, #tpu.memory_space<vmem>>
    %dma_start3A_160 = arith.constant 0 : i32
    %dma_start3A_161 = tpu.memref_slice %arg7[%dma_start3A_160] : memref<65536xf32, #tpu.memory_space<hbm>> -> memref<65536xf32, #tpu.memory_space<hbm>>
    tpu.enqueue_indirect_dma source(%dma_start3A_161 : memref<65536xf32, #tpu.memory_space<hbm>>) target(%dma_start3A_157 : memref<128xf32, #tpu.memory_space<vmem>>) offsets(%dma_start3A_159 : memref<128xi32, #tpu.memory_space<vmem>>) semaphore(%arg20 : memref<!tpu.dma_semaphore, #tpu.memory_space<semaphore_mem>>)
    %dma_start3A_162 = arith.constant 4 : i32
    %dma_start3A_163 = arith.constant 1 : i32
    %dma_start3A_164 = arith.constant 0 : i32
    %dma_start3A_165 = tpu.memref_slice %arg16[%dma_start3A_162, %dma_start3A_163, %dma_start3A_164] : memref<32x4x128xf32, #tpu.memory_space<vmem>> -> memref<1x1x128xf32, #tpu.memory_space<vmem>>
    %dma_start3A_166 = tpu.memref_squeeze %dma_start3A_165 : memref<1x1x128xf32, #tpu.memory_space<vmem>> -> memref<128xf32, #tpu.memory_space<vmem>>
    %dma_start3A_167 = arith.constant 2176 : i32
    %dma_start3A_168 = tpu.memref_slice %arg11[%dma_start3A_167] : memref<8256xi32, #tpu.memory_space<vmem>> -> memref<128xi32, #tpu.memory_space<vmem>>
    %dma_start3A_169 = arith.constant 0 : i32
    %dma_start3A_170 = tpu.memref_slice %arg7[%dma_start3A_169] : memref<65536xf32, #tpu.memory_space<hbm>> -> memref<65536xf32, #tpu.memory_space<hbm>>
    tpu.enqueue_indirect_dma source(%dma_start3A_170 : memref<65536xf32, #tpu.memory_space<hbm>>) target(%dma_start3A_166 : memref<128xf32, #tpu.memory_space<vmem>>) offsets(%dma_start3A_168 : memref<128xi32, #tpu.memory_space<vmem>>) semaphore(%arg20 : memref<!tpu.dma_semaphore, #tpu.memory_space<semaphore_mem>>)
    %dma_start3A_171 = arith.constant 4 : i32
    %dma_start3A_172 = arith.constant 2 : i32
    %dma_start3A_173 = arith.constant 0 : i32
    %dma_start3A_174 = tpu.memref_slice %arg16[%dma_start3A_171, %dma_start3A_172, %dma_start3A_173] : memref<32x4x128xf32, #tpu.memory_space<vmem>> -> memref<1x1x128xf32, #tpu.memory_space<vmem>>
    %dma_start3A_175 = tpu.memref_squeeze %dma_start3A_174 : memref<1x1x128xf32, #tpu.memory_space<vmem>> -> memref<128xf32, #tpu.memory_space<vmem>>
    %dma_start3A_176 = arith.constant 2304 : i32
    %dma_start3A_177 = tpu.memref_slice %arg11[%dma_start3A_176] : memref<8256xi32, #tpu.memory_space<vmem>> -> memref<128xi32, #tpu.memory_space<vmem>>
    %dma_start3A_178 = arith.constant 0 : i32
    %dma_start3A_179 = tpu.memref_slice %arg7[%dma_start3A_178] : memref<65536xf32, #tpu.memory_space<hbm>> -> memref<65536xf32, #tpu.memory_space<hbm>>
    tpu.enqueue_indirect_dma source(%dma_start3A_179 : memref<65536xf32, #tpu.memory_space<hbm>>) target(%dma_start3A_175 : memref<128xf32, #tpu.memory_space<vmem>>) offsets(%dma_start3A_177 : memref<128xi32, #tpu.memory_space<vmem>>) semaphore(%arg20 : memref<!tpu.dma_semaphore, #tpu.memory_space<semaphore_mem>>)
    %dma_start3A_180 = arith.constant 4 : i32
    %dma_start3A_181 = arith.constant 3 : i32
    %dma_start3A_182 = arith.constant 0 : i32
    %dma_start3A_183 = tpu.memref_slice %arg16[%dma_start3A_180, %dma_start3A_181, %dma_start3A_182] : memref<32x4x128xf32, #tpu.memory_space<vmem>> -> memref<1x1x128xf32, #tpu.memory_space<vmem>>
    %dma_start3A_184 = tpu.memref_squeeze %dma_start3A_183 : memref<1x1x128xf32, #tpu.memory_space<vmem>> -> memref<128xf32, #tpu.memory_space<vmem>>
    %dma_start3A_185 = arith.constant 2432 : i32
    %dma_start3A_186 = tpu.memref_slice %arg11[%dma_start3A_185] : memref<8256xi32, #tpu.memory_space<vmem>> -> memref<128xi32, #tpu.memory_space<vmem>>
    %dma_start3A_187 = arith.constant 0 : i32
    %dma_start3A_188 = tpu.memref_slice %arg7[%dma_start3A_187] : memref<65536xf32, #tpu.memory_space<hbm>> -> memref<65536xf32, #tpu.memory_space<hbm>>
    tpu.enqueue_indirect_dma source(%dma_start3A_188 : memref<65536xf32, #tpu.memory_space<hbm>>) target(%dma_start3A_184 : memref<128xf32, #tpu.memory_space<vmem>>) offsets(%dma_start3A_186 : memref<128xi32, #tpu.memory_space<vmem>>) semaphore(%arg20 : memref<!tpu.dma_semaphore, #tpu.memory_space<semaphore_mem>>)
    %dma_start3A_189 = arith.constant 5 : i32
    %dma_start3A_190 = arith.constant 0 : i32
    %dma_start3A_191 = arith.constant 0 : i32
    %dma_start3A_192 = tpu.memref_slice %arg16[%dma_start3A_189, %dma_start3A_190, %dma_start3A_191] : memref<32x4x128xf32, #tpu.memory_space<vmem>> -> memref<1x1x128xf32, #tpu.memory_space<vmem>>
    %dma_start3A_193 = tpu.memref_squeeze %dma_start3A_192 : memref<1x1x128xf32, #tpu.memory_space<vmem>> -> memref<128xf32, #tpu.memory_space<vmem>>
    %dma_start3A_194 = arith.constant 2560 : i32
    %dma_start3A_195 = tpu.memref_slice %arg11[%dma_start3A_194] : memref<8256xi32, #tpu.memory_space<vmem>> -> memref<128xi32, #tpu.memory_space<vmem>>
    %dma_start3A_196 = arith.constant 0 : i32
    %dma_start3A_197 = tpu.memref_slice %arg7[%dma_start3A_196] : memref<65536xf32, #tpu.memory_space<hbm>> -> memref<65536xf32, #tpu.memory_space<hbm>>
    tpu.enqueue_indirect_dma source(%dma_start3A_197 : memref<65536xf32, #tpu.memory_space<hbm>>) target(%dma_start3A_193 : memref<128xf32, #tpu.memory_space<vmem>>) offsets(%dma_start3A_195 : memref<128xi32, #tpu.memory_space<vmem>>) semaphore(%arg20 : memref<!tpu.dma_semaphore, #tpu.memory_space<semaphore_mem>>)
    %dma_start3A_198 = arith.constant 5 : i32
    %dma_start3A_199 = arith.constant 1 : i32
    %dma_start3A_200 = arith.constant 0 : i32
    %dma_start3A_201 = tpu.memref_slice %arg16[%dma_start3A_198, %dma_start3A_199, %dma_start3A_200] : memref<32x4x128xf32, #tpu.memory_space<vmem>> -> memref<1x1x128xf32, #tpu.memory_space<vmem>>
    %dma_start3A_202 = tpu.memref_squeeze %dma_start3A_201 : memref<1x1x128xf32, #tpu.memory_space<vmem>> -> memref<128xf32, #tpu.memory_space<vmem>>
    %dma_start3A_203 = arith.constant 2688 : i32
    %dma_start3A_204 = tpu.memref_slice %arg11[%dma_start3A_203] : memref<8256xi32, #tpu.memory_space<vmem>> -> memref<128xi32, #tpu.memory_space<vmem>>
    %dma_start3A_205 = arith.constant 0 : i32
    %dma_start3A_206 = tpu.memref_slice %arg7[%dma_start3A_205] : memref<65536xf32, #tpu.memory_space<hbm>> -> memref<65536xf32, #tpu.memory_space<hbm>>
    tpu.enqueue_indirect_dma source(%dma_start3A_206 : memref<65536xf32, #tpu.memory_space<hbm>>) target(%dma_start3A_202 : memref<128xf32, #tpu.memory_space<vmem>>) offsets(%dma_start3A_204 : memref<128xi32, #tpu.memory_space<vmem>>) semaphore(%arg20 : memref<!tpu.dma_semaphore, #tpu.memory_space<semaphore_mem>>)
    %dma_start3A_207 = arith.constant 5 : i32
    %dma_start3A_208 = arith.constant 2 : i32
    %dma_start3A_209 = arith.constant 0 : i32
    %dma_start3A_210 = tpu.memref_slice %arg16[%dma_start3A_207, %dma_start3A_208, %dma_start3A_209] : memref<32x4x128xf32, #tpu.memory_space<vmem>> -> memref<1x1x128xf32, #tpu.memory_space<vmem>>
    %dma_start3A_211 = tpu.memref_squeeze %dma_start3A_210 : memref<1x1x128xf32, #tpu.memory_space<vmem>> -> memref<128xf32, #tpu.memory_space<vmem>>
    %dma_start3A_212 = arith.constant 2816 : i32
    %dma_start3A_213 = tpu.memref_slice %arg11[%dma_start3A_212] : memref<8256xi32, #tpu.memory_space<vmem>> -> memref<128xi32, #tpu.memory_space<vmem>>
    %dma_start3A_214 = arith.constant 0 : i32
    %dma_start3A_215 = tpu.memref_slice %arg7[%dma_start3A_214] : memref<65536xf32, #tpu.memory_space<hbm>> -> memref<65536xf32, #tpu.memory_space<hbm>>
    tpu.enqueue_indirect_dma source(%dma_start3A_215 : memref<65536xf32, #tpu.memory_space<hbm>>) target(%dma_start3A_211 : memref<128xf32, #tpu.memory_space<vmem>>) offsets(%dma_start3A_213 : memref<128xi32, #tpu.memory_space<vmem>>) semaphore(%arg20 : memref<!tpu.dma_semaphore, #tpu.memory_space<semaphore_mem>>)
    %dma_start3A_216 = arith.constant 5 : i32
    %dma_start3A_217 = arith.constant 3 : i32
    %dma_start3A_218 = arith.constant 0 : i32
    %dma_start3A_219 = tpu.memref_slice %arg16[%dma_start3A_216, %dma_start3A_217, %dma_start3A_218] : memref<32x4x128xf32, #tpu.memory_space<vmem>> -> memref<1x1x128xf32, #tpu.memory_space<vmem>>
    %dma_start3A_220 = tpu.memref_squeeze %dma_start3A_219 : memref<1x1x128xf32, #tpu.memory_space<vmem>> -> memref<128xf32, #tpu.memory_space<vmem>>
    %dma_start3A_221 = arith.constant 2944 : i32
    %dma_start3A_222 = tpu.memref_slice %arg11[%dma_start3A_221] : memref<8256xi32, #tpu.memory_space<vmem>> -> memref<128xi32, #tpu.memory_space<vmem>>
    %dma_start3A_223 = arith.constant 0 : i32
    %dma_start3A_224 = tpu.memref_slice %arg7[%dma_start3A_223] : memref<65536xf32, #tpu.memory_space<hbm>> -> memref<65536xf32, #tpu.memory_space<hbm>>
    tpu.enqueue_indirect_dma source(%dma_start3A_224 : memref<65536xf32, #tpu.memory_space<hbm>>) target(%dma_start3A_220 : memref<128xf32, #tpu.memory_space<vmem>>) offsets(%dma_start3A_222 : memref<128xi32, #tpu.memory_space<vmem>>) semaphore(%arg20 : memref<!tpu.dma_semaphore, #tpu.memory_space<semaphore_mem>>)
    %dma_start3A_225 = arith.constant 6 : i32
    %dma_start3A_226 = arith.constant 0 : i32
    %dma_start3A_227 = arith.constant 0 : i32
    %dma_start3A_228 = tpu.memref_slice %arg16[%dma_start3A_225, %dma_start3A_226, %dma_start3A_227] : memref<32x4x128xf32, #tpu.memory_space<vmem>> -> memref<1x1x128xf32, #tpu.memory_space<vmem>>
    %dma_start3A_229 = tpu.memref_squeeze %dma_start3A_228 : memref<1x1x128xf32, #tpu.memory_space<vmem>> -> memref<128xf32, #tpu.memory_space<vmem>>
    %dma_start3A_230 = arith.constant 3072 : i32
    %dma_start3A_231 = tpu.memref_slice %arg11[%dma_start3A_230] : memref<8256xi32, #tpu.memory_space<vmem>> -> memref<128xi32, #tpu.memory_space<vmem>>
    %dma_start3A_232 = arith.constant 0 : i32
    %dma_start3A_233 = tpu.memref_slice %arg7[%dma_start3A_232] : memref<65536xf32, #tpu.memory_space<hbm>> -> memref<65536xf32, #tpu.memory_space<hbm>>
    tpu.enqueue_indirect_dma source(%dma_start3A_233 : memref<65536xf32, #tpu.memory_space<hbm>>) target(%dma_start3A_229 : memref<128xf32, #tpu.memory_space<vmem>>) offsets(%dma_start3A_231 : memref<128xi32, #tpu.memory_space<vmem>>) semaphore(%arg20 : memref<!tpu.dma_semaphore, #tpu.memory_space<semaphore_mem>>)
    %dma_start3A_234 = arith.constant 6 : i32
    %dma_start3A_235 = arith.constant 1 : i32
    %dma_start3A_236 = arith.constant 0 : i32
    %dma_start3A_237 = tpu.memref_slice %arg16[%dma_start3A_234, %dma_start3A_235, %dma_start3A_236] : memref<32x4x128xf32, #tpu.memory_space<vmem>> -> memref<1x1x128xf32, #tpu.memory_space<vmem>>
    %dma_start3A_238 = tpu.memref_squeeze %dma_start3A_237 : memref<1x1x128xf32, #tpu.memory_space<vmem>> -> memref<128xf32, #tpu.memory_space<vmem>>
    %dma_start3A_239 = arith.constant 3200 : i32
    %dma_start3A_240 = tpu.memref_slice %arg11[%dma_start3A_239] : memref<8256xi32, #tpu.memory_space<vmem>> -> memref<128xi32, #tpu.memory_space<vmem>>
    %dma_start3A_241 = arith.constant 0 : i32
    %dma_start3A_242 = tpu.memref_slice %arg7[%dma_start3A_241] : memref<65536xf32, #tpu.memory_space<hbm>> -> memref<65536xf32, #tpu.memory_space<hbm>>
    tpu.enqueue_indirect_dma source(%dma_start3A_242 : memref<65536xf32, #tpu.memory_space<hbm>>) target(%dma_start3A_238 : memref<128xf32, #tpu.memory_space<vmem>>) offsets(%dma_start3A_240 : memref<128xi32, #tpu.memory_space<vmem>>) semaphore(%arg20 : memref<!tpu.dma_semaphore, #tpu.memory_space<semaphore_mem>>)
    %dma_start3A_243 = arith.constant 6 : i32
    %dma_start3A_244 = arith.constant 2 : i32
    %dma_start3A_245 = arith.constant 0 : i32
    %dma_start3A_246 = tpu.memref_slice %arg16[%dma_start3A_243, %dma_start3A_244, %dma_start3A_245] : memref<32x4x128xf32, #tpu.memory_space<vmem>> -> memref<1x1x128xf32, #tpu.memory_space<vmem>>
    %dma_start3A_247 = tpu.memref_squeeze %dma_start3A_246 : memref<1x1x128xf32, #tpu.memory_space<vmem>> -> memref<128xf32, #tpu.memory_space<vmem>>
    %dma_start3A_248 = arith.constant 3328 : i32
    %dma_start3A_249 = tpu.memref_slice %arg11[%dma_start3A_248] : memref<8256xi32, #tpu.memory_space<vmem>> -> memref<128xi32, #tpu.memory_space<vmem>>
    %dma_start3A_250 = arith.constant 0 : i32
    %dma_start3A_251 = tpu.memref_slice %arg7[%dma_start3A_250] : memref<65536xf32, #tpu.memory_space<hbm>> -> memref<65536xf32, #tpu.memory_space<hbm>>
    tpu.enqueue_indirect_dma source(%dma_start3A_251 : memref<65536xf32, #tpu.memory_space<hbm>>) target(%dma_start3A_247 : memref<128xf32, #tpu.memory_space<vmem>>) offsets(%dma_start3A_249 : memref<128xi32, #tpu.memory_space<vmem>>) semaphore(%arg20 : memref<!tpu.dma_semaphore, #tpu.memory_space<semaphore_mem>>)
    %dma_start3A_252 = arith.constant 6 : i32
    %dma_start3A_253 = arith.constant 3 : i32
    %dma_start3A_254 = arith.constant 0 : i32
    %dma_start3A_255 = tpu.memref_slice %arg16[%dma_start3A_252, %dma_start3A_253, %dma_start3A_254] : memref<32x4x128xf32, #tpu.memory_space<vmem>> -> memref<1x1x128xf32, #tpu.memory_space<vmem>>
    %dma_start3A_256 = tpu.memref_squeeze %dma_start3A_255 : memref<1x1x128xf32, #tpu.memory_space<vmem>> -> memref<128xf32, #tpu.memory_space<vmem>>
    %dma_start3A_257 = arith.constant 3456 : i32
    %dma_start3A_258 = tpu.memref_slice %arg11[%dma_start3A_257] : memref<8256xi32, #tpu.memory_space<vmem>> -> memref<128xi32, #tpu.memory_space<vmem>>
    %dma_start3A_259 = arith.constant 0 : i32
    %dma_start3A_260 = tpu.memref_slice %arg7[%dma_start3A_259] : memref<65536xf32, #tpu.memory_space<hbm>> -> memref<65536xf32, #tpu.memory_space<hbm>>
    tpu.enqueue_indirect_dma source(%dma_start3A_260 : memref<65536xf32, #tpu.memory_space<hbm>>) target(%dma_start3A_256 : memref<128xf32, #tpu.memory_space<vmem>>) offsets(%dma_start3A_258 : memref<128xi32, #tpu.memory_space<vmem>>) semaphore(%arg20 : memref<!tpu.dma_semaphore, #tpu.memory_space<semaphore_mem>>)
    %dma_start3A_261 = arith.constant 7 : i32
    %dma_start3A_262 = arith.constant 0 : i32
    %dma_start3A_263 = arith.constant 0 : i32
    %dma_start3A_264 = tpu.memref_slice %arg16[%dma_start3A_261, %dma_start3A_262, %dma_start3A_263] : memref<32x4x128xf32, #tpu.memory_space<vmem>> -> memref<1x1x128xf32, #tpu.memory_space<vmem>>
    %dma_start3A_265 = tpu.memref_squeeze %dma_start3A_264 : memref<1x1x128xf32, #tpu.memory_space<vmem>> -> memref<128xf32, #tpu.memory_space<vmem>>
    %dma_start3A_266 = arith.constant 3584 : i32
    %dma_start3A_267 = tpu.memref_slice %arg11[%dma_start3A_266] : memref<8256xi32, #tpu.memory_space<vmem>> -> memref<128xi32, #tpu.memory_space<vmem>>
    %dma_start3A_268 = arith.constant 0 : i32
    %dma_start3A_269 = tpu.memref_slice %arg7[%dma_start3A_268] : memref<65536xf32, #tpu.memory_space<hbm>> -> memref<65536xf32, #tpu.memory_space<hbm>>
    tpu.enqueue_indirect_dma source(%dma_start3A_269 : memref<65536xf32, #tpu.memory_space<hbm>>) target(%dma_start3A_265 : memref<128xf32, #tpu.memory_space<vmem>>) offsets(%dma_start3A_267 : memref<128xi32, #tpu.memory_space<vmem>>) semaphore(%arg20 : memref<!tpu.dma_semaphore, #tpu.memory_space<semaphore_mem>>)
    %dma_start3A_270 = arith.constant 7 : i32
    %dma_start3A_271 = arith.constant 1 : i32
    %dma_start3A_272 = arith.constant 0 : i32
    %dma_start3A_273 = tpu.memref_slice %arg16[%dma_start3A_270, %dma_start3A_271, %dma_start3A_272] : memref<32x4x128xf32, #tpu.memory_space<vmem>> -> memref<1x1x128xf32, #tpu.memory_space<vmem>>
    %dma_start3A_274 = tpu.memref_squeeze %dma_start3A_273 : memref<1x1x128xf32, #tpu.memory_space<vmem>> -> memref<128xf32, #tpu.memory_space<vmem>>
    %dma_start3A_275 = arith.constant 3712 : i32
    %dma_start3A_276 = tpu.memref_slice %arg11[%dma_start3A_275] : memref<8256xi32, #tpu.memory_space<vmem>> -> memref<128xi32, #tpu.memory_space<vmem>>
    %dma_start3A_277 = arith.constant 0 : i32
    %dma_start3A_278 = tpu.memref_slice %arg7[%dma_start3A_277] : memref<65536xf32, #tpu.memory_space<hbm>> -> memref<65536xf32, #tpu.memory_space<hbm>>
    tpu.enqueue_indirect_dma source(%dma_start3A_278 : memref<65536xf32, #tpu.memory_space<hbm>>) target(%dma_start3A_274 : memref<128xf32, #tpu.memory_space<vmem>>) offsets(%dma_start3A_276 : memref<128xi32, #tpu.memory_space<vmem>>) semaphore(%arg20 : memref<!tpu.dma_semaphore, #tpu.memory_space<semaphore_mem>>)
    %dma_start3A_279 = arith.constant 7 : i32
    %dma_start3A_280 = arith.constant 2 : i32
    %dma_start3A_281 = arith.constant 0 : i32
    %dma_start3A_282 = tpu.memref_slice %arg16[%dma_start3A_279, %dma_start3A_280, %dma_start3A_281] : memref<32x4x128xf32, #tpu.memory_space<vmem>> -> memref<1x1x128xf32, #tpu.memory_space<vmem>>
    %dma_start3A_283 = tpu.memref_squeeze %dma_start3A_282 : memref<1x1x128xf32, #tpu.memory_space<vmem>> -> memref<128xf32, #tpu.memory_space<vmem>>
    %dma_start3A_284 = arith.constant 3840 : i32
    %dma_start3A_285 = tpu.memref_slice %arg11[%dma_start3A_284] : memref<8256xi32, #tpu.memory_space<vmem>> -> memref<128xi32, #tpu.memory_space<vmem>>
    %dma_start3A_286 = arith.constant 0 : i32
    %dma_start3A_287 = tpu.memref_slice %arg7[%dma_start3A_286] : memref<65536xf32, #tpu.memory_space<hbm>> -> memref<65536xf32, #tpu.memory_space<hbm>>
    tpu.enqueue_indirect_dma source(%dma_start3A_287 : memref<65536xf32, #tpu.memory_space<hbm>>) target(%dma_start3A_283 : memref<128xf32, #tpu.memory_space<vmem>>) offsets(%dma_start3A_285 : memref<128xi32, #tpu.memory_space<vmem>>) semaphore(%arg20 : memref<!tpu.dma_semaphore, #tpu.memory_space<semaphore_mem>>)
    %dma_start3A_288 = arith.constant 7 : i32
    %dma_start3A_289 = arith.constant 3 : i32
    %dma_start3A_290 = arith.constant 0 : i32
    %dma_start3A_291 = tpu.memref_slice %arg16[%dma_start3A_288, %dma_start3A_289, %dma_start3A_290] : memref<32x4x128xf32, #tpu.memory_space<vmem>> -> memref<1x1x128xf32, #tpu.memory_space<vmem>>
    %dma_start3A_292 = tpu.memref_squeeze %dma_start3A_291 : memref<1x1x128xf32, #tpu.memory_space<vmem>> -> memref<128xf32, #tpu.memory_space<vmem>>
    %dma_start3A_293 = arith.constant 3968 : i32
    %dma_start3A_294 = tpu.memref_slice %arg11[%dma_start3A_293] : memref<8256xi32, #tpu.memory_space<vmem>> -> memref<128xi32, #tpu.memory_space<vmem>>
    %dma_start3A_295 = arith.constant 0 : i32
    %dma_start3A_296 = tpu.memref_slice %arg7[%dma_start3A_295] : memref<65536xf32, #tpu.memory_space<hbm>> -> memref<65536xf32, #tpu.memory_space<hbm>>
    tpu.enqueue_indirect_dma source(%dma_start3A_296 : memref<65536xf32, #tpu.memory_space<hbm>>) target(%dma_start3A_292 : memref<128xf32, #tpu.memory_space<vmem>>) offsets(%dma_start3A_294 : memref<128xi32, #tpu.memory_space<vmem>>) semaphore(%arg20 : memref<!tpu.dma_semaphore, #tpu.memory_space<semaphore_mem>>)
    %dma_start3A_297 = arith.constant 8 : i32
    %dma_start3A_298 = arith.constant 0 : i32
    %dma_start3A_299 = arith.constant 0 : i32
    %dma_start3A_300 = tpu.memref_slice %arg16[%dma_start3A_297, %dma_start3A_298, %dma_start3A_299] : memref<32x4x128xf32, #tpu.memory_space<vmem>> -> memref<1x1x128xf32, #tpu.memory_space<vmem>>
    %dma_start3A_301 = tpu.memref_squeeze %dma_start3A_300 : memref<1x1x128xf32, #tpu.memory_space<vmem>> -> memref<128xf32, #tpu.memory_space<vmem>>
    %dma_start3A_302 = arith.constant 4096 : i32
    %dma_start3A_303 = tpu.memref_slice %arg11[%dma_start3A_302] : memref<8256xi32, #tpu.memory_space<vmem>> -> memref<128xi32, #tpu.memory_space<vmem>>
    %dma_start3A_304 = arith.constant 0 : i32
    %dma_start3A_305 = tpu.memref_slice %arg7[%dma_start3A_304] : memref<65536xf32, #tpu.memory_space<hbm>> -> memref<65536xf32, #tpu.memory_space<hbm>>
    tpu.enqueue_indirect_dma source(%dma_start3A_305 : memref<65536xf32, #tpu.memory_space<hbm>>) target(%dma_start3A_301 : memref<128xf32, #tpu.memory_space<vmem>>) offsets(%dma_start3A_303 : memref<128xi32, #tpu.memory_space<vmem>>) semaphore(%arg20 : memref<!tpu.dma_semaphore, #tpu.memory_space<semaphore_mem>>)
    %dma_start3A_306 = arith.constant 8 : i32
    %dma_start3A_307 = arith.constant 1 : i32
    %dma_start3A_308 = arith.constant 0 : i32
    %dma_start3A_309 = tpu.memref_slice %arg16[%dma_start3A_306, %dma_start3A_307, %dma_start3A_308] : memref<32x4x128xf32, #tpu.memory_space<vmem>> -> memref<1x1x128xf32, #tpu.memory_space<vmem>>
    %dma_start3A_310 = tpu.memref_squeeze %dma_start3A_309 : memref<1x1x128xf32, #tpu.memory_space<vmem>> -> memref<128xf32, #tpu.memory_space<vmem>>
    %dma_start3A_311 = arith.constant 4224 : i32
    %dma_start3A_312 = tpu.memref_slice %arg11[%dma_start3A_311] : memref<8256xi32, #tpu.memory_space<vmem>> -> memref<128xi32, #tpu.memory_space<vmem>>
    %dma_start3A_313 = arith.constant 0 : i32
    %dma_start3A_314 = tpu.memref_slice %arg7[%dma_start3A_313] : memref<65536xf32, #tpu.memory_space<hbm>> -> memref<65536xf32, #tpu.memory_space<hbm>>
    tpu.enqueue_indirect_dma source(%dma_start3A_314 : memref<65536xf32, #tpu.memory_space<hbm>>) target(%dma_start3A_310 : memref<128xf32, #tpu.memory_space<vmem>>) offsets(%dma_start3A_312 : memref<128xi32, #tpu.memory_space<vmem>>) semaphore(%arg20 : memref<!tpu.dma_semaphore, #tpu.memory_space<semaphore_mem>>)
    %dma_start3A_315 = arith.constant 8 : i32
    %dma_start3A_316 = arith.constant 2 : i32
    %dma_start3A_317 = arith.constant 0 : i32
    %dma_start3A_318 = tpu.memref_slice %arg16[%dma_start3A_315, %dma_start3A_316, %dma_start3A_317] : memref<32x4x128xf32, #tpu.memory_space<vmem>> -> memref<1x1x128xf32, #tpu.memory_space<vmem>>
    %dma_start3A_319 = tpu.memref_squeeze %dma_start3A_318 : memref<1x1x128xf32, #tpu.memory_space<vmem>> -> memref<128xf32, #tpu.memory_space<vmem>>
    %dma_start3A_320 = arith.constant 4352 : i32
    %dma_start3A_321 = tpu.memref_slice %arg11[%dma_start3A_320] : memref<8256xi32, #tpu.memory_space<vmem>> -> memref<128xi32, #tpu.memory_space<vmem>>
    %dma_start3A_322 = arith.constant 0 : i32
    %dma_start3A_323 = tpu.memref_slice %arg7[%dma_start3A_322] : memref<65536xf32, #tpu.memory_space<hbm>> -> memref<65536xf32, #tpu.memory_space<hbm>>
    tpu.enqueue_indirect_dma source(%dma_start3A_323 : memref<65536xf32, #tpu.memory_space<hbm>>) target(%dma_start3A_319 : memref<128xf32, #tpu.memory_space<vmem>>) offsets(%dma_start3A_321 : memref<128xi32, #tpu.memory_space<vmem>>) semaphore(%arg20 : memref<!tpu.dma_semaphore, #tpu.memory_space<semaphore_mem>>)
    %dma_start3A_324 = arith.constant 8 : i32
    %dma_start3A_325 = arith.constant 3 : i32
    %dma_start3A_326 = arith.constant 0 : i32
    %dma_start3A_327 = tpu.memref_slice %arg16[%dma_start3A_324, %dma_start3A_325, %dma_start3A_326] : memref<32x4x128xf32, #tpu.memory_space<vmem>> -> memref<1x1x128xf32, #tpu.memory_space<vmem>>
    %dma_start3A_328 = tpu.memref_squeeze %dma_start3A_327 : memref<1x1x128xf32, #tpu.memory_space<vmem>> -> memref<128xf32, #tpu.memory_space<vmem>>
    %dma_start3A_329 = arith.constant 4480 : i32
    %dma_start3A_330 = tpu.memref_slice %arg11[%dma_start3A_329] : memref<8256xi32, #tpu.memory_space<vmem>> -> memref<128xi32, #tpu.memory_space<vmem>>
    %dma_start3A_331 = arith.constant 0 : i32
    %dma_start3A_332 = tpu.memref_slice %arg7[%dma_start3A_331] : memref<65536xf32, #tpu.memory_space<hbm>> -> memref<65536xf32, #tpu.memory_space<hbm>>
    tpu.enqueue_indirect_dma source(%dma_start3A_332 : memref<65536xf32, #tpu.memory_space<hbm>>) target(%dma_start3A_328 : memref<128xf32, #tpu.memory_space<vmem>>) offsets(%dma_start3A_330 : memref<128xi32, #tpu.memory_space<vmem>>) semaphore(%arg20 : memref<!tpu.dma_semaphore, #tpu.memory_space<semaphore_mem>>)
    %dma_start3A_333 = arith.constant 9 : i32
    %dma_start3A_334 = arith.constant 0 : i32
    %dma_start3A_335 = arith.constant 0 : i32
    %dma_start3A_336 = tpu.memref_slice %arg16[%dma_start3A_333, %dma_start3A_334, %dma_start3A_335] : memref<32x4x128xf32, #tpu.memory_space<vmem>> -> memref<1x1x128xf32, #tpu.memory_space<vmem>>
    %dma_start3A_337 = tpu.memref_squeeze %dma_start3A_336 : memref<1x1x128xf32, #tpu.memory_space<vmem>> -> memref<128xf32, #tpu.memory_space<vmem>>
    %dma_start3A_338 = arith.constant 4608 : i32
    %dma_start3A_339 = tpu.memref_slice %arg11[%dma_start3A_338] : memref<8256xi32, #tpu.memory_space<vmem>> -> memref<128xi32, #tpu.memory_space<vmem>>
    %dma_start3A_340 = arith.constant 0 : i32
    %dma_start3A_341 = tpu.memref_slice %arg7[%dma_start3A_340] : memref<65536xf32, #tpu.memory_space<hbm>> -> memref<65536xf32, #tpu.memory_space<hbm>>
    tpu.enqueue_indirect_dma source(%dma_start3A_341 : memref<65536xf32, #tpu.memory_space<hbm>>) target(%dma_start3A_337 : memref<128xf32, #tpu.memory_space<vmem>>) offsets(%dma_start3A_339 : memref<128xi32, #tpu.memory_space<vmem>>) semaphore(%arg20 : memref<!tpu.dma_semaphore, #tpu.memory_space<semaphore_mem>>)
    %dma_start3A_342 = arith.constant 9 : i32
    %dma_start3A_343 = arith.constant 1 : i32
    %dma_start3A_344 = arith.constant 0 : i32
    %dma_start3A_345 = tpu.memref_slice %arg16[%dma_start3A_342, %dma_start3A_343, %dma_start3A_344] : memref<32x4x128xf32, #tpu.memory_space<vmem>> -> memref<1x1x128xf32, #tpu.memory_space<vmem>>
    %dma_start3A_346 = tpu.memref_squeeze %dma_start3A_345 : memref<1x1x128xf32, #tpu.memory_space<vmem>> -> memref<128xf32, #tpu.memory_space<vmem>>
    %dma_start3A_347 = arith.constant 4736 : i32
    %dma_start3A_348 = tpu.memref_slice %arg11[%dma_start3A_347] : memref<8256xi32, #tpu.memory_space<vmem>> -> memref<128xi32, #tpu.memory_space<vmem>>
    %dma_start3A_349 = arith.constant 0 : i32
    %dma_start3A_350 = tpu.memref_slice %arg7[%dma_start3A_349] : memref<65536xf32, #tpu.memory_space<hbm>> -> memref<65536xf32, #tpu.memory_space<hbm>>
    tpu.enqueue_indirect_dma source(%dma_start3A_350 : memref<65536xf32, #tpu.memory_space<hbm>>) target(%dma_start3A_346 : memref<128xf32, #tpu.memory_space<vmem>>) offsets(%dma_start3A_348 : memref<128xi32, #tpu.memory_space<vmem>>) semaphore(%arg20 : memref<!tpu.dma_semaphore, #tpu.memory_space<semaphore_mem>>)
    %dma_start3A_351 = arith.constant 9 : i32
    %dma_start3A_352 = arith.constant 2 : i32
    %dma_start3A_353 = arith.constant 0 : i32
    %dma_start3A_354 = tpu.memref_slice %arg16[%dma_start3A_351, %dma_start3A_352, %dma_start3A_353] : memref<32x4x128xf32, #tpu.memory_space<vmem>> -> memref<1x1x128xf32, #tpu.memory_space<vmem>>
    %dma_start3A_355 = tpu.memref_squeeze %dma_start3A_354 : memref<1x1x128xf32, #tpu.memory_space<vmem>> -> memref<128xf32, #tpu.memory_space<vmem>>
    %dma_start3A_356 = arith.constant 4864 : i32
    %dma_start3A_357 = tpu.memref_slice %arg11[%dma_start3A_356] : memref<8256xi32, #tpu.memory_space<vmem>> -> memref<128xi32, #tpu.memory_space<vmem>>
    %dma_start3A_358 = arith.constant 0 : i32
    %dma_start3A_359 = tpu.memref_slice %arg7[%dma_start3A_358] : memref<65536xf32, #tpu.memory_space<hbm>> -> memref<65536xf32, #tpu.memory_space<hbm>>
    tpu.enqueue_indirect_dma source(%dma_start3A_359 : memref<65536xf32, #tpu.memory_space<hbm>>) target(%dma_start3A_355 : memref<128xf32, #tpu.memory_space<vmem>>) offsets(%dma_start3A_357 : memref<128xi32, #tpu.memory_space<vmem>>) semaphore(%arg20 : memref<!tpu.dma_semaphore, #tpu.memory_space<semaphore_mem>>)
    %dma_start3A_360 = arith.constant 9 : i32
    %dma_start3A_361 = arith.constant 3 : i32
    %dma_start3A_362 = arith.constant 0 : i32
    %dma_start3A_363 = tpu.memref_slice %arg16[%dma_start3A_360, %dma_start3A_361, %dma_start3A_362] : memref<32x4x128xf32, #tpu.memory_space<vmem>> -> memref<1x1x128xf32, #tpu.memory_space<vmem>>
    %dma_start3A_364 = tpu.memref_squeeze %dma_start3A_363 : memref<1x1x128xf32, #tpu.memory_space<vmem>> -> memref<128xf32, #tpu.memory_space<vmem>>
    %dma_start3A_365 = arith.constant 4992 : i32
    %dma_start3A_366 = tpu.memref_slice %arg11[%dma_start3A_365] : memref<8256xi32, #tpu.memory_space<vmem>> -> memref<128xi32, #tpu.memory_space<vmem>>
    %dma_start3A_367 = arith.constant 0 : i32
    %dma_start3A_368 = tpu.memref_slice %arg7[%dma_start3A_367] : memref<65536xf32, #tpu.memory_space<hbm>> -> memref<65536xf32, #tpu.memory_space<hbm>>
    tpu.enqueue_indirect_dma source(%dma_start3A_368 : memref<65536xf32, #tpu.memory_space<hbm>>) target(%dma_start3A_364 : memref<128xf32, #tpu.memory_space<vmem>>) offsets(%dma_start3A_366 : memref<128xi32, #tpu.memory_space<vmem>>) semaphore(%arg20 : memref<!tpu.dma_semaphore, #tpu.memory_space<semaphore_mem>>)
    %dma_start3A_369 = arith.constant 10 : i32
    %dma_start3A_370 = arith.constant 0 : i32
    %dma_start3A_371 = arith.constant 0 : i32
    %dma_start3A_372 = tpu.memref_slice %arg16[%dma_start3A_369, %dma_start3A_370, %dma_start3A_371] : memref<32x4x128xf32, #tpu.memory_space<vmem>> -> memref<1x1x128xf32, #tpu.memory_space<vmem>>
    %dma_start3A_373 = tpu.memref_squeeze %dma_start3A_372 : memref<1x1x128xf32, #tpu.memory_space<vmem>> -> memref<128xf32, #tpu.memory_space<vmem>>
    %dma_start3A_374 = arith.constant 5120 : i32
    %dma_start3A_375 = tpu.memref_slice %arg11[%dma_start3A_374] : memref<8256xi32, #tpu.memory_space<vmem>> -> memref<128xi32, #tpu.memory_space<vmem>>
    %dma_start3A_376 = arith.constant 0 : i32
    %dma_start3A_377 = tpu.memref_slice %arg7[%dma_start3A_376] : memref<65536xf32, #tpu.memory_space<hbm>> -> memref<65536xf32, #tpu.memory_space<hbm>>
    tpu.enqueue_indirect_dma source(%dma_start3A_377 : memref<65536xf32, #tpu.memory_space<hbm>>) target(%dma_start3A_373 : memref<128xf32, #tpu.memory_space<vmem>>) offsets(%dma_start3A_375 : memref<128xi32, #tpu.memory_space<vmem>>) semaphore(%arg20 : memref<!tpu.dma_semaphore, #tpu.memory_space<semaphore_mem>>)
    %dma_start3A_378 = arith.constant 10 : i32
    %dma_start3A_379 = arith.constant 1 : i32
    %dma_start3A_380 = arith.constant 0 : i32
    %dma_start3A_381 = tpu.memref_slice %arg16[%dma_start3A_378, %dma_start3A_379, %dma_start3A_380] : memref<32x4x128xf32, #tpu.memory_space<vmem>> -> memref<1x1x128xf32, #tpu.memory_space<vmem>>
    %dma_start3A_382 = tpu.memref_squeeze %dma_start3A_381 : memref<1x1x128xf32, #tpu.memory_space<vmem>> -> memref<128xf32, #tpu.memory_space<vmem>>
    %dma_start3A_383 = arith.constant 5248 : i32
    %dma_start3A_384 = tpu.memref_slice %arg11[%dma_start3A_383] : memref<8256xi32, #tpu.memory_space<vmem>> -> memref<128xi32, #tpu.memory_space<vmem>>
    %dma_start3A_385 = arith.constant 0 : i32
    %dma_start3A_386 = tpu.memref_slice %arg7[%dma_start3A_385] : memref<65536xf32, #tpu.memory_space<hbm>> -> memref<65536xf32, #tpu.memory_space<hbm>>
    tpu.enqueue_indirect_dma source(%dma_start3A_386 : memref<65536xf32, #tpu.memory_space<hbm>>) target(%dma_start3A_382 : memref<128xf32, #tpu.memory_space<vmem>>) offsets(%dma_start3A_384 : memref<128xi32, #tpu.memory_space<vmem>>) semaphore(%arg20 : memref<!tpu.dma_semaphore, #tpu.memory_space<semaphore_mem>>)
    %dma_start3A_387 = arith.constant 10 : i32
    %dma_start3A_388 = arith.constant 2 : i32
    %dma_start3A_389 = arith.constant 0 : i32
    %dma_start3A_390 = tpu.memref_slice %arg16[%dma_start3A_387, %dma_start3A_388, %dma_start3A_389] : memref<32x4x128xf32, #tpu.memory_space<vmem>> -> memref<1x1x128xf32, #tpu.memory_space<vmem>>
    %dma_start3A_391 = tpu.memref_squeeze %dma_start3A_390 : memref<1x1x128xf32, #tpu.memory_space<vmem>> -> memref<128xf32, #tpu.memory_space<vmem>>
    %dma_start3A_392 = arith.constant 5376 : i32
    %dma_start3A_393 = tpu.memref_slice %arg11[%dma_start3A_392] : memref<8256xi32, #tpu.memory_space<vmem>> -> memref<128xi32, #tpu.memory_space<vmem>>
    %dma_start3A_394 = arith.constant 0 : i32
    %dma_start3A_395 = tpu.memref_slice %arg7[%dma_start3A_394] : memref<65536xf32, #tpu.memory_space<hbm>> -> memref<65536xf32, #tpu.memory_space<hbm>>
    tpu.enqueue_indirect_dma source(%dma_start3A_395 : memref<65536xf32, #tpu.memory_space<hbm>>) target(%dma_start3A_391 : memref<128xf32, #tpu.memory_space<vmem>>) offsets(%dma_start3A_393 : memref<128xi32, #tpu.memory_space<vmem>>) semaphore(%arg20 : memref<!tpu.dma_semaphore, #tpu.memory_space<semaphore_mem>>)
    %dma_start3A_396 = arith.constant 10 : i32
    %dma_start3A_397 = arith.constant 3 : i32
    %dma_start3A_398 = arith.constant 0 : i32
    %dma_start3A_399 = tpu.memref_slice %arg16[%dma_start3A_396, %dma_start3A_397, %dma_start3A_398] : memref<32x4x128xf32, #tpu.memory_space<vmem>> -> memref<1x1x128xf32, #tpu.memory_space<vmem>>
    %dma_start3A_400 = tpu.memref_squeeze %dma_start3A_399 : memref<1x1x128xf32, #tpu.memory_space<vmem>> -> memref<128xf32, #tpu.memory_space<vmem>>
    %dma_start3A_401 = arith.constant 5504 : i32
    %dma_start3A_402 = tpu.memref_slice %arg11[%dma_start3A_401] : memref<8256xi32, #tpu.memory_space<vmem>> -> memref<128xi32, #tpu.memory_space<vmem>>
    %dma_start3A_403 = arith.constant 0 : i32
    %dma_start3A_404 = tpu.memref_slice %arg7[%dma_start3A_403] : memref<65536xf32, #tpu.memory_space<hbm>> -> memref<65536xf32, #tpu.memory_space<hbm>>
    tpu.enqueue_indirect_dma source(%dma_start3A_404 : memref<65536xf32, #tpu.memory_space<hbm>>) target(%dma_start3A_400 : memref<128xf32, #tpu.memory_space<vmem>>) offsets(%dma_start3A_402 : memref<128xi32, #tpu.memory_space<vmem>>) semaphore(%arg20 : memref<!tpu.dma_semaphore, #tpu.memory_space<semaphore_mem>>)
    %dma_start3A_405 = arith.constant 11 : i32
    %dma_start3A_406 = arith.constant 0 : i32
    %dma_start3A_407 = arith.constant 0 : i32
    %dma_start3A_408 = tpu.memref_slice %arg16[%dma_start3A_405, %dma_start3A_406, %dma_start3A_407] : memref<32x4x128xf32, #tpu.memory_space<vmem>> -> memref<1x1x128xf32, #tpu.memory_space<vmem>>
    %dma_start3A_409 = tpu.memref_squeeze %dma_start3A_408 : memref<1x1x128xf32, #tpu.memory_space<vmem>> -> memref<128xf32, #tpu.memory_space<vmem>>
    %dma_start3A_410 = arith.constant 5632 : i32
    %dma_start3A_411 = tpu.memref_slice %arg11[%dma_start3A_410] : memref<8256xi32, #tpu.memory_space<vmem>> -> memref<128xi32, #tpu.memory_space<vmem>>
    %dma_start3A_412 = arith.constant 0 : i32
    %dma_start3A_413 = tpu.memref_slice %arg7[%dma_start3A_412] : memref<65536xf32, #tpu.memory_space<hbm>> -> memref<65536xf32, #tpu.memory_space<hbm>>
    tpu.enqueue_indirect_dma source(%dma_start3A_413 : memref<65536xf32, #tpu.memory_space<hbm>>) target(%dma_start3A_409 : memref<128xf32, #tpu.memory_space<vmem>>) offsets(%dma_start3A_411 : memref<128xi32, #tpu.memory_space<vmem>>) semaphore(%arg20 : memref<!tpu.dma_semaphore, #tpu.memory_space<semaphore_mem>>)
    %dma_start3A_414 = arith.constant 11 : i32
    %dma_start3A_415 = arith.constant 1 : i32
    %dma_start3A_416 = arith.constant 0 : i32
    %dma_start3A_417 = tpu.memref_slice %arg16[%dma_start3A_414, %dma_start3A_415, %dma_start3A_416] : memref<32x4x128xf32, #tpu.memory_space<vmem>> -> memref<1x1x128xf32, #tpu.memory_space<vmem>>
    %dma_start3A_418 = tpu.memref_squeeze %dma_start3A_417 : memref<1x1x128xf32, #tpu.memory_space<vmem>> -> memref<128xf32, #tpu.memory_space<vmem>>
    %dma_start3A_419 = arith.constant 5760 : i32
    %dma_start3A_420 = tpu.memref_slice %arg11[%dma_start3A_419] : memref<8256xi32, #tpu.memory_space<vmem>> -> memref<128xi32, #tpu.memory_space<vmem>>
    %dma_start3A_421 = arith.constant 0 : i32
    %dma_start3A_422 = tpu.memref_slice %arg7[%dma_start3A_421] : memref<65536xf32, #tpu.memory_space<hbm>> -> memref<65536xf32, #tpu.memory_space<hbm>>
    tpu.enqueue_indirect_dma source(%dma_start3A_422 : memref<65536xf32, #tpu.memory_space<hbm>>) target(%dma_start3A_418 : memref<128xf32, #tpu.memory_space<vmem>>) offsets(%dma_start3A_420 : memref<128xi32, #tpu.memory_space<vmem>>) semaphore(%arg20 : memref<!tpu.dma_semaphore, #tpu.memory_space<semaphore_mem>>)
    %dma_start3A_423 = arith.constant 11 : i32
    %dma_start3A_424 = arith.constant 2 : i32
    %dma_start3A_425 = arith.constant 0 : i32
    %dma_start3A_426 = tpu.memref_slice %arg16[%dma_start3A_423, %dma_start3A_424, %dma_start3A_425] : memref<32x4x128xf32, #tpu.memory_space<vmem>> -> memref<1x1x128xf32, #tpu.memory_space<vmem>>
    %dma_start3A_427 = tpu.memref_squeeze %dma_start3A_426 : memref<1x1x128xf32, #tpu.memory_space<vmem>> -> memref<128xf32, #tpu.memory_space<vmem>>
    %dma_start3A_428 = arith.constant 5888 : i32
    %dma_start3A_429 = tpu.memref_slice %arg11[%dma_start3A_428] : memref<8256xi32, #tpu.memory_space<vmem>> -> memref<128xi32, #tpu.memory_space<vmem>>
    %dma_start3A_430 = arith.constant 0 : i32
    %dma_start3A_431 = tpu.memref_slice %arg7[%dma_start3A_430] : memref<65536xf32, #tpu.memory_space<hbm>> -> memref<65536xf32, #tpu.memory_space<hbm>>
    tpu.enqueue_indirect_dma source(%dma_start3A_431 : memref<65536xf32, #tpu.memory_space<hbm>>) target(%dma_start3A_427 : memref<128xf32, #tpu.memory_space<vmem>>) offsets(%dma_start3A_429 : memref<128xi32, #tpu.memory_space<vmem>>) semaphore(%arg20 : memref<!tpu.dma_semaphore, #tpu.memory_space<semaphore_mem>>)
    %dma_start3A_432 = arith.constant 11 : i32
    %dma_start3A_433 = arith.constant 3 : i32
    %dma_start3A_434 = arith.constant 0 : i32
    %dma_start3A_435 = tpu.memref_slice %arg16[%dma_start3A_432, %dma_start3A_433, %dma_start3A_434] : memref<32x4x128xf32, #tpu.memory_space<vmem>> -> memref<1x1x128xf32, #tpu.memory_space<vmem>>
    %dma_start3A_436 = tpu.memref_squeeze %dma_start3A_435 : memref<1x1x128xf32, #tpu.memory_space<vmem>> -> memref<128xf32, #tpu.memory_space<vmem>>
    %dma_start3A_437 = arith.constant 6016 : i32
    %dma_start3A_438 = tpu.memref_slice %arg11[%dma_start3A_437] : memref<8256xi32, #tpu.memory_space<vmem>> -> memref<128xi32, #tpu.memory_space<vmem>>
    %dma_start3A_439 = arith.constant 0 : i32
    %dma_start3A_440 = tpu.memref_slice %arg7[%dma_start3A_439] : memref<65536xf32, #tpu.memory_space<hbm>> -> memref<65536xf32, #tpu.memory_space<hbm>>
    tpu.enqueue_indirect_dma source(%dma_start3A_440 : memref<65536xf32, #tpu.memory_space<hbm>>) target(%dma_start3A_436 : memref<128xf32, #tpu.memory_space<vmem>>) offsets(%dma_start3A_438 : memref<128xi32, #tpu.memory_space<vmem>>) semaphore(%arg20 : memref<!tpu.dma_semaphore, #tpu.memory_space<semaphore_mem>>)
    %dma_start3A_441 = arith.constant 12 : i32
    %dma_start3A_442 = arith.constant 0 : i32
    %dma_start3A_443 = arith.constant 0 : i32
    %dma_start3A_444 = tpu.memref_slice %arg16[%dma_start3A_441, %dma_start3A_442, %dma_start3A_443] : memref<32x4x128xf32, #tpu.memory_space<vmem>> -> memref<1x1x128xf32, #tpu.memory_space<vmem>>
    %dma_start3A_445 = tpu.memref_squeeze %dma_start3A_444 : memref<1x1x128xf32, #tpu.memory_space<vmem>> -> memref<128xf32, #tpu.memory_space<vmem>>
    %dma_start3A_446 = arith.constant 6144 : i32
    %dma_start3A_447 = tpu.memref_slice %arg11[%dma_start3A_446] : memref<8256xi32, #tpu.memory_space<vmem>> -> memref<128xi32, #tpu.memory_space<vmem>>
    %dma_start3A_448 = arith.constant 0 : i32
    %dma_start3A_449 = tpu.memref_slice %arg7[%dma_start3A_448] : memref<65536xf32, #tpu.memory_space<hbm>> -> memref<65536xf32, #tpu.memory_space<hbm>>
    tpu.enqueue_indirect_dma source(%dma_start3A_449 : memref<65536xf32, #tpu.memory_space<hbm>>) target(%dma_start3A_445 : memref<128xf32, #tpu.memory_space<vmem>>) offsets(%dma_start3A_447 : memref<128xi32, #tpu.memory_space<vmem>>) semaphore(%arg20 : memref<!tpu.dma_semaphore, #tpu.memory_space<semaphore_mem>>)
    %dma_start3A_450 = arith.constant 12 : i32
    %dma_start3A_451 = arith.constant 1 : i32
    %dma_start3A_452 = arith.constant 0 : i32
    %dma_start3A_453 = tpu.memref_slice %arg16[%dma_start3A_450, %dma_start3A_451, %dma_start3A_452] : memref<32x4x128xf32, #tpu.memory_space<vmem>> -> memref<1x1x128xf32, #tpu.memory_space<vmem>>
    %dma_start3A_454 = tpu.memref_squeeze %dma_start3A_453 : memref<1x1x128xf32, #tpu.memory_space<vmem>> -> memref<128xf32, #tpu.memory_space<vmem>>
    %dma_start3A_455 = arith.constant 6272 : i32
    %dma_start3A_456 = tpu.memref_slice %arg11[%dma_start3A_455] : memref<8256xi32, #tpu.memory_space<vmem>> -> memref<128xi32, #tpu.memory_space<vmem>>
    %dma_start3A_457 = arith.constant 0 : i32
    %dma_start3A_458 = tpu.memref_slice %arg7[%dma_start3A_457] : memref<65536xf32, #tpu.memory_space<hbm>> -> memref<65536xf32, #tpu.memory_space<hbm>>
    tpu.enqueue_indirect_dma source(%dma_start3A_458 : memref<65536xf32, #tpu.memory_space<hbm>>) target(%dma_start3A_454 : memref<128xf32, #tpu.memory_space<vmem>>) offsets(%dma_start3A_456 : memref<128xi32, #tpu.memory_space<vmem>>) semaphore(%arg20 : memref<!tpu.dma_semaphore, #tpu.memory_space<semaphore_mem>>)
    %dma_start3A_459 = arith.constant 12 : i32
    %dma_start3A_460 = arith.constant 2 : i32
    %dma_start3A_461 = arith.constant 0 : i32
    %dma_start3A_462 = tpu.memref_slice %arg16[%dma_start3A_459, %dma_start3A_460, %dma_start3A_461] : memref<32x4x128xf32, #tpu.memory_space<vmem>> -> memref<1x1x128xf32, #tpu.memory_space<vmem>>
    %dma_start3A_463 = tpu.memref_squeeze %dma_start3A_462 : memref<1x1x128xf32, #tpu.memory_space<vmem>> -> memref<128xf32, #tpu.memory_space<vmem>>
    %dma_start3A_464 = arith.constant 6400 : i32
    %dma_start3A_465 = tpu.memref_slice %arg11[%dma_start3A_464] : memref<8256xi32, #tpu.memory_space<vmem>> -> memref<128xi32, #tpu.memory_space<vmem>>
    %dma_start3A_466 = arith.constant 0 : i32
    %dma_start3A_467 = tpu.memref_slice %arg7[%dma_start3A_466] : memref<65536xf32, #tpu.memory_space<hbm>> -> memref<65536xf32, #tpu.memory_space<hbm>>
    tpu.enqueue_indirect_dma source(%dma_start3A_467 : memref<65536xf32, #tpu.memory_space<hbm>>) target(%dma_start3A_463 : memref<128xf32, #tpu.memory_space<vmem>>) offsets(%dma_start3A_465 : memref<128xi32, #tpu.memory_space<vmem>>) semaphore(%arg20 : memref<!tpu.dma_semaphore, #tpu.memory_space<semaphore_mem>>)
    %dma_start3A_468 = arith.constant 12 : i32
    %dma_start3A_469 = arith.constant 3 : i32
    %dma_start3A_470 = arith.constant 0 : i32
    %dma_start3A_471 = tpu.memref_slice %arg16[%dma_start3A_468, %dma_start3A_469, %dma_start3A_470] : memref<32x4x128xf32, #tpu.memory_space<vmem>> -> memref<1x1x128xf32, #tpu.memory_space<vmem>>
    %dma_start3A_472 = tpu.memref_squeeze %dma_start3A_471 : memref<1x1x128xf32, #tpu.memory_space<vmem>> -> memref<128xf32, #tpu.memory_space<vmem>>
    %dma_start3A_473 = arith.constant 6528 : i32
    %dma_start3A_474 = tpu.memref_slice %arg11[%dma_start3A_473] : memref<8256xi32, #tpu.memory_space<vmem>> -> memref<128xi32, #tpu.memory_space<vmem>>
    %dma_start3A_475 = arith.constant 0 : i32
    %dma_start3A_476 = tpu.memref_slice %arg7[%dma_start3A_475] : memref<65536xf32, #tpu.memory_space<hbm>> -> memref<65536xf32, #tpu.memory_space<hbm>>
    tpu.enqueue_indirect_dma source(%dma_start3A_476 : memref<65536xf32, #tpu.memory_space<hbm>>) target(%dma_start3A_472 : memref<128xf32, #tpu.memory_space<vmem>>) offsets(%dma_start3A_474 : memref<128xi32, #tpu.memory_space<vmem>>) semaphore(%arg20 : memref<!tpu.dma_semaphore, #tpu.memory_space<semaphore_mem>>)
    %dma_start3A_477 = arith.constant 13 : i32
    %dma_start3A_478 = arith.constant 0 : i32
    %dma_start3A_479 = arith.constant 0 : i32
    %dma_start3A_480 = tpu.memref_slice %arg16[%dma_start3A_477, %dma_start3A_478, %dma_start3A_479] : memref<32x4x128xf32, #tpu.memory_space<vmem>> -> memref<1x1x128xf32, #tpu.memory_space<vmem>>
    %dma_start3A_481 = tpu.memref_squeeze %dma_start3A_480 : memref<1x1x128xf32, #tpu.memory_space<vmem>> -> memref<128xf32, #tpu.memory_space<vmem>>
    %dma_start3A_482 = arith.constant 6656 : i32
    %dma_start3A_483 = tpu.memref_slice %arg11[%dma_start3A_482] : memref<8256xi32, #tpu.memory_space<vmem>> -> memref<128xi32, #tpu.memory_space<vmem>>
    %dma_start3A_484 = arith.constant 0 : i32
    %dma_start3A_485 = tpu.memref_slice %arg7[%dma_start3A_484] : memref<65536xf32, #tpu.memory_space<hbm>> -> memref<65536xf32, #tpu.memory_space<hbm>>
    tpu.enqueue_indirect_dma source(%dma_start3A_485 : memref<65536xf32, #tpu.memory_space<hbm>>) target(%dma_start3A_481 : memref<128xf32, #tpu.memory_space<vmem>>) offsets(%dma_start3A_483 : memref<128xi32, #tpu.memory_space<vmem>>) semaphore(%arg20 : memref<!tpu.dma_semaphore, #tpu.memory_space<semaphore_mem>>)
    %dma_start3A_486 = arith.constant 13 : i32
    %dma_start3A_487 = arith.constant 1 : i32
    %dma_start3A_488 = arith.constant 0 : i32
    %dma_start3A_489 = tpu.memref_slice %arg16[%dma_start3A_486, %dma_start3A_487, %dma_start3A_488] : memref<32x4x128xf32, #tpu.memory_space<vmem>> -> memref<1x1x128xf32, #tpu.memory_space<vmem>>
    %dma_start3A_490 = tpu.memref_squeeze %dma_start3A_489 : memref<1x1x128xf32, #tpu.memory_space<vmem>> -> memref<128xf32, #tpu.memory_space<vmem>>
    %dma_start3A_491 = arith.constant 6784 : i32
    %dma_start3A_492 = tpu.memref_slice %arg11[%dma_start3A_491] : memref<8256xi32, #tpu.memory_space<vmem>> -> memref<128xi32, #tpu.memory_space<vmem>>
    %dma_start3A_493 = arith.constant 0 : i32
    %dma_start3A_494 = tpu.memref_slice %arg7[%dma_start3A_493] : memref<65536xf32, #tpu.memory_space<hbm>> -> memref<65536xf32, #tpu.memory_space<hbm>>
    tpu.enqueue_indirect_dma source(%dma_start3A_494 : memref<65536xf32, #tpu.memory_space<hbm>>) target(%dma_start3A_490 : memref<128xf32, #tpu.memory_space<vmem>>) offsets(%dma_start3A_492 : memref<128xi32, #tpu.memory_space<vmem>>) semaphore(%arg20 : memref<!tpu.dma_semaphore, #tpu.memory_space<semaphore_mem>>)
    %dma_start3A_495 = arith.constant 13 : i32
    %dma_start3A_496 = arith.constant 2 : i32
    %dma_start3A_497 = arith.constant 0 : i32
    %dma_start3A_498 = tpu.memref_slice %arg16[%dma_start3A_495, %dma_start3A_496, %dma_start3A_497] : memref<32x4x128xf32, #tpu.memory_space<vmem>> -> memref<1x1x128xf32, #tpu.memory_space<vmem>>
    %dma_start3A_499 = tpu.memref_squeeze %dma_start3A_498 : memref<1x1x128xf32, #tpu.memory_space<vmem>> -> memref<128xf32, #tpu.memory_space<vmem>>
    %dma_start3A_500 = arith.constant 6912 : i32
    %dma_start3A_501 = tpu.memref_slice %arg11[%dma_start3A_500] : memref<8256xi32, #tpu.memory_space<vmem>> -> memref<128xi32, #tpu.memory_space<vmem>>
    %dma_start3A_502 = arith.constant 0 : i32
    %dma_start3A_503 = tpu.memref_slice %arg7[%dma_start3A_502] : memref<65536xf32, #tpu.memory_space<hbm>> -> memref<65536xf32, #tpu.memory_space<hbm>>
    tpu.enqueue_indirect_dma source(%dma_start3A_503 : memref<65536xf32, #tpu.memory_space<hbm>>) target(%dma_start3A_499 : memref<128xf32, #tpu.memory_space<vmem>>) offsets(%dma_start3A_501 : memref<128xi32, #tpu.memory_space<vmem>>) semaphore(%arg20 : memref<!tpu.dma_semaphore, #tpu.memory_space<semaphore_mem>>)
    %dma_start3A_504 = arith.constant 13 : i32
    %dma_start3A_505 = arith.constant 3 : i32
    %dma_start3A_506 = arith.constant 0 : i32
    %dma_start3A_507 = tpu.memref_slice %arg16[%dma_start3A_504, %dma_start3A_505, %dma_start3A_506] : memref<32x4x128xf32, #tpu.memory_space<vmem>> -> memref<1x1x128xf32, #tpu.memory_space<vmem>>
    %dma_start3A_508 = tpu.memref_squeeze %dma_start3A_507 : memref<1x1x128xf32, #tpu.memory_space<vmem>> -> memref<128xf32, #tpu.memory_space<vmem>>
    %dma_start3A_509 = arith.constant 7040 : i32
    %dma_start3A_510 = tpu.memref_slice %arg11[%dma_start3A_509] : memref<8256xi32, #tpu.memory_space<vmem>> -> memref<128xi32, #tpu.memory_space<vmem>>
    %dma_start3A_511 = arith.constant 0 : i32
    %dma_start3A_512 = tpu.memref_slice %arg7[%dma_start3A_511] : memref<65536xf32, #tpu.memory_space<hbm>> -> memref<65536xf32, #tpu.memory_space<hbm>>
    tpu.enqueue_indirect_dma source(%dma_start3A_512 : memref<65536xf32, #tpu.memory_space<hbm>>) target(%dma_start3A_508 : memref<128xf32, #tpu.memory_space<vmem>>) offsets(%dma_start3A_510 : memref<128xi32, #tpu.memory_space<vmem>>) semaphore(%arg20 : memref<!tpu.dma_semaphore, #tpu.memory_space<semaphore_mem>>)
    %dma_start3A_513 = arith.constant 14 : i32
    %dma_start3A_514 = arith.constant 0 : i32
    %dma_start3A_515 = arith.constant 0 : i32
    %dma_start3A_516 = tpu.memref_slice %arg16[%dma_start3A_513, %dma_start3A_514, %dma_start3A_515] : memref<32x4x128xf32, #tpu.memory_space<vmem>> -> memref<1x1x128xf32, #tpu.memory_space<vmem>>
    %dma_start3A_517 = tpu.memref_squeeze %dma_start3A_516 : memref<1x1x128xf32, #tpu.memory_space<vmem>> -> memref<128xf32, #tpu.memory_space<vmem>>
    %dma_start3A_518 = arith.constant 7168 : i32
    %dma_start3A_519 = tpu.memref_slice %arg11[%dma_start3A_518] : memref<8256xi32, #tpu.memory_space<vmem>> -> memref<128xi32, #tpu.memory_space<vmem>>
    %dma_start3A_520 = arith.constant 0 : i32
    %dma_start3A_521 = tpu.memref_slice %arg7[%dma_start3A_520] : memref<65536xf32, #tpu.memory_space<hbm>> -> memref<65536xf32, #tpu.memory_space<hbm>>
    tpu.enqueue_indirect_dma source(%dma_start3A_521 : memref<65536xf32, #tpu.memory_space<hbm>>) target(%dma_start3A_517 : memref<128xf32, #tpu.memory_space<vmem>>) offsets(%dma_start3A_519 : memref<128xi32, #tpu.memory_space<vmem>>) semaphore(%arg20 : memref<!tpu.dma_semaphore, #tpu.memory_space<semaphore_mem>>)
    %dma_start3A_522 = arith.constant 14 : i32
    %dma_start3A_523 = arith.constant 1 : i32
    %dma_start3A_524 = arith.constant 0 : i32
    %dma_start3A_525 = tpu.memref_slice %arg16[%dma_start3A_522, %dma_start3A_523, %dma_start3A_524] : memref<32x4x128xf32, #tpu.memory_space<vmem>> -> memref<1x1x128xf32, #tpu.memory_space<vmem>>
    %dma_start3A_526 = tpu.memref_squeeze %dma_start3A_525 : memref<1x1x128xf32, #tpu.memory_space<vmem>> -> memref<128xf32, #tpu.memory_space<vmem>>
    %dma_start3A_527 = arith.constant 7296 : i32
    %dma_start3A_528 = tpu.memref_slice %arg11[%dma_start3A_527] : memref<8256xi32, #tpu.memory_space<vmem>> -> memref<128xi32, #tpu.memory_space<vmem>>
    %dma_start3A_529 = arith.constant 0 : i32
    %dma_start3A_530 = tpu.memref_slice %arg7[%dma_start3A_529] : memref<65536xf32, #tpu.memory_space<hbm>> -> memref<65536xf32, #tpu.memory_space<hbm>>
    tpu.enqueue_indirect_dma source(%dma_start3A_530 : memref<65536xf32, #tpu.memory_space<hbm>>) target(%dma_start3A_526 : memref<128xf32, #tpu.memory_space<vmem>>) offsets(%dma_start3A_528 : memref<128xi32, #tpu.memory_space<vmem>>) semaphore(%arg20 : memref<!tpu.dma_semaphore, #tpu.memory_space<semaphore_mem>>)
    %dma_start3A_531 = arith.constant 14 : i32
    %dma_start3A_532 = arith.constant 2 : i32
    %dma_start3A_533 = arith.constant 0 : i32
    %dma_start3A_534 = tpu.memref_slice %arg16[%dma_start3A_531, %dma_start3A_532, %dma_start3A_533] : memref<32x4x128xf32, #tpu.memory_space<vmem>> -> memref<1x1x128xf32, #tpu.memory_space<vmem>>
    %dma_start3A_535 = tpu.memref_squeeze %dma_start3A_534 : memref<1x1x128xf32, #tpu.memory_space<vmem>> -> memref<128xf32, #tpu.memory_space<vmem>>
    %dma_start3A_536 = arith.constant 7424 : i32
    %dma_start3A_537 = tpu.memref_slice %arg11[%dma_start3A_536] : memref<8256xi32, #tpu.memory_space<vmem>> -> memref<128xi32, #tpu.memory_space<vmem>>
    %dma_start3A_538 = arith.constant 0 : i32
    %dma_start3A_539 = tpu.memref_slice %arg7[%dma_start3A_538] : memref<65536xf32, #tpu.memory_space<hbm>> -> memref<65536xf32, #tpu.memory_space<hbm>>
    tpu.enqueue_indirect_dma source(%dma_start3A_539 : memref<65536xf32, #tpu.memory_space<hbm>>) target(%dma_start3A_535 : memref<128xf32, #tpu.memory_space<vmem>>) offsets(%dma_start3A_537 : memref<128xi32, #tpu.memory_space<vmem>>) semaphore(%arg20 : memref<!tpu.dma_semaphore, #tpu.memory_space<semaphore_mem>>)
    %dma_start3A_540 = arith.constant 14 : i32
    %dma_start3A_541 = arith.constant 3 : i32
    %dma_start3A_542 = arith.constant 0 : i32
    %dma_start3A_543 = tpu.memref_slice %arg16[%dma_start3A_540, %dma_start3A_541, %dma_start3A_542] : memref<32x4x128xf32, #tpu.memory_space<vmem>> -> memref<1x1x128xf32, #tpu.memory_space<vmem>>
    %dma_start3A_544 = tpu.memref_squeeze %dma_start3A_543 : memref<1x1x128xf32, #tpu.memory_space<vmem>> -> memref<128xf32, #tpu.memory_space<vmem>>
    %dma_start3A_545 = arith.constant 7552 : i32
    %dma_start3A_546 = tpu.memref_slice %arg11[%dma_start3A_545] : memref<8256xi32, #tpu.memory_space<vmem>> -> memref<128xi32, #tpu.memory_space<vmem>>
    %dma_start3A_547 = arith.constant 0 : i32
    %dma_start3A_548 = tpu.memref_slice %arg7[%dma_start3A_547] : memref<65536xf32, #tpu.memory_space<hbm>> -> memref<65536xf32, #tpu.memory_space<hbm>>
    tpu.enqueue_indirect_dma source(%dma_start3A_548 : memref<65536xf32, #tpu.memory_space<hbm>>) target(%dma_start3A_544 : memref<128xf32, #tpu.memory_space<vmem>>) offsets(%dma_start3A_546 : memref<128xi32, #tpu.memory_space<vmem>>) semaphore(%arg20 : memref<!tpu.dma_semaphore, #tpu.memory_space<semaphore_mem>>)
    %dma_start3A_549 = arith.constant 15 : i32
    %dma_start3A_550 = arith.constant 0 : i32
    %dma_start3A_551 = arith.constant 0 : i32
    %dma_start3A_552 = tpu.memref_slice %arg16[%dma_start3A_549, %dma_start3A_550, %dma_start3A_551] : memref<32x4x128xf32, #tpu.memory_space<vmem>> -> memref<1x1x128xf32, #tpu.memory_space<vmem>>
    %dma_start3A_553 = tpu.memref_squeeze %dma_start3A_552 : memref<1x1x128xf32, #tpu.memory_space<vmem>> -> memref<128xf32, #tpu.memory_space<vmem>>
    %dma_start3A_554 = arith.constant 7680 : i32
    %dma_start3A_555 = tpu.memref_slice %arg11[%dma_start3A_554] : memref<8256xi32, #tpu.memory_space<vmem>> -> memref<128xi32, #tpu.memory_space<vmem>>
    %dma_start3A_556 = arith.constant 0 : i32
    %dma_start3A_557 = tpu.memref_slice %arg7[%dma_start3A_556] : memref<65536xf32, #tpu.memory_space<hbm>> -> memref<65536xf32, #tpu.memory_space<hbm>>
    tpu.enqueue_indirect_dma source(%dma_start3A_557 : memref<65536xf32, #tpu.memory_space<hbm>>) target(%dma_start3A_553 : memref<128xf32, #tpu.memory_space<vmem>>) offsets(%dma_start3A_555 : memref<128xi32, #tpu.memory_space<vmem>>) semaphore(%arg20 : memref<!tpu.dma_semaphore, #tpu.memory_space<semaphore_mem>>)
    %dma_start3A_558 = arith.constant 15 : i32
    %dma_start3A_559 = arith.constant 1 : i32
    %dma_start3A_560 = arith.constant 0 : i32
    %dma_start3A_561 = tpu.memref_slice %arg16[%dma_start3A_558, %dma_start3A_559, %dma_start3A_560] : memref<32x4x128xf32, #tpu.memory_space<vmem>> -> memref<1x1x128xf32, #tpu.memory_space<vmem>>
    %dma_start3A_562 = tpu.memref_squeeze %dma_start3A_561 : memref<1x1x128xf32, #tpu.memory_space<vmem>> -> memref<128xf32, #tpu.memory_space<vmem>>
    %dma_start3A_563 = arith.constant 7808 : i32
    %dma_start3A_564 = tpu.memref_slice %arg11[%dma_start3A_563] : memref<8256xi32, #tpu.memory_space<vmem>> -> memref<128xi32, #tpu.memory_space<vmem>>
    %dma_start3A_565 = arith.constant 0 : i32
    %dma_start3A_566 = tpu.memref_slice %arg7[%dma_start3A_565] : memref<65536xf32, #tpu.memory_space<hbm>> -> memref<65536xf32, #tpu.memory_space<hbm>>
    tpu.enqueue_indirect_dma source(%dma_start3A_566 : memref<65536xf32, #tpu.memory_space<hbm>>) target(%dma_start3A_562 : memref<128xf32, #tpu.memory_space<vmem>>) offsets(%dma_start3A_564 : memref<128xi32, #tpu.memory_space<vmem>>) semaphore(%arg20 : memref<!tpu.dma_semaphore, #tpu.memory_space<semaphore_mem>>)
    %dma_start3A_567 = arith.constant 15 : i32
    %dma_start3A_568 = arith.constant 2 : i32
    %dma_start3A_569 = arith.constant 0 : i32
    %dma_start3A_570 = tpu.memref_slice %arg16[%dma_start3A_567, %dma_start3A_568, %dma_start3A_569] : memref<32x4x128xf32, #tpu.memory_space<vmem>> -> memref<1x1x128xf32, #tpu.memory_space<vmem>>
    %dma_start3A_571 = tpu.memref_squeeze %dma_start3A_570 : memref<1x1x128xf32, #tpu.memory_space<vmem>> -> memref<128xf32, #tpu.memory_space<vmem>>
    %dma_start3A_572 = arith.constant 7936 : i32
    %dma_start3A_573 = tpu.memref_slice %arg11[%dma_start3A_572] : memref<8256xi32, #tpu.memory_space<vmem>> -> memref<128xi32, #tpu.memory_space<vmem>>
    %dma_start3A_574 = arith.constant 0 : i32
    %dma_start3A_575 = tpu.memref_slice %arg7[%dma_start3A_574] : memref<65536xf32, #tpu.memory_space<hbm>> -> memref<65536xf32, #tpu.memory_space<hbm>>
    tpu.enqueue_indirect_dma source(%dma_start3A_575 : memref<65536xf32, #tpu.memory_space<hbm>>) target(%dma_start3A_571 : memref<128xf32, #tpu.memory_space<vmem>>) offsets(%dma_start3A_573 : memref<128xi32, #tpu.memory_space<vmem>>) semaphore(%arg20 : memref<!tpu.dma_semaphore, #tpu.memory_space<semaphore_mem>>)
    %dma_start3A_576 = arith.constant 15 : i32
    %dma_start3A_577 = arith.constant 3 : i32
    %dma_start3A_578 = arith.constant 0 : i32
    %dma_start3A_579 = tpu.memref_slice %arg16[%dma_start3A_576, %dma_start3A_577, %dma_start3A_578] : memref<32x4x128xf32, #tpu.memory_space<vmem>> -> memref<1x1x128xf32, #tpu.memory_space<vmem>>
    %dma_start3A_580 = tpu.memref_squeeze %dma_start3A_579 : memref<1x1x128xf32, #tpu.memory_space<vmem>> -> memref<128xf32, #tpu.memory_space<vmem>>
    %dma_start3A_581 = arith.constant 8064 : i32
    %dma_start3A_582 = tpu.memref_slice %arg11[%dma_start3A_581] : memref<8256xi32, #tpu.memory_space<vmem>> -> memref<128xi32, #tpu.memory_space<vmem>>
    %dma_start3A_583 = arith.constant 0 : i32
    %dma_start3A_584 = tpu.memref_slice %arg7[%dma_start3A_583] : memref<65536xf32, #tpu.memory_space<hbm>> -> memref<65536xf32, #tpu.memory_space<hbm>>
    tpu.enqueue_indirect_dma source(%dma_start3A_584 : memref<65536xf32, #tpu.memory_space<hbm>>) target(%dma_start3A_580 : memref<128xf32, #tpu.memory_space<vmem>>) offsets(%dma_start3A_582 : memref<128xi32, #tpu.memory_space<vmem>>) semaphore(%arg20 : memref<!tpu.dma_semaphore, #tpu.memory_space<semaphore_mem>>)
    %dma_wait3A = arith.constant 0 : i32
    %dma_wait3A_585 = arith.constant 0 : i32
    %dma_wait3A_586 = arith.constant 0 : i32
    %dma_wait3A_587 = tpu.memref_slice %arg16[%dma_wait3A, %dma_wait3A_585, %dma_wait3A_586] : memref<32x4x128xf32, #tpu.memory_space<vmem>> -> memref<1x1x128xf32, #tpu.memory_space<vmem>>
    %dma_wait3A_588 = tpu.memref_squeeze %dma_wait3A_587 : memref<1x1x128xf32, #tpu.memory_space<vmem>> -> memref<128xf32, #tpu.memory_space<vmem>>
    %dma_wait3A_589 = arith.constant 0 : i32
    %dma_wait3A_590 = tpu.memref_slice %arg11[%dma_wait3A_589] : memref<8256xi32, #tpu.memory_space<vmem>> -> memref<128xi32, #tpu.memory_space<vmem>>
    %dma_wait3A_591 = arith.constant 0 : i32
    %dma_wait3A_592 = tpu.memref_slice %arg7[%dma_wait3A_591] : memref<65536xf32, #tpu.memory_space<hbm>> -> memref<65536xf32, #tpu.memory_space<hbm>>
    tpu.wait_indirect_dma semaphore(%arg20 : memref<!tpu.dma_semaphore, #tpu.memory_space<semaphore_mem>>) src(%dma_wait3A_592 : memref<65536xf32, #tpu.memory_space<hbm>>) dst(%dma_wait3A_588 : memref<128xf32, #tpu.memory_space<vmem>>)
    %dma_wait3A_593 = arith.constant 0 : i32
    %dma_wait3A_594 = arith.constant 1 : i32
    %dma_wait3A_595 = arith.constant 0 : i32
    %dma_wait3A_596 = tpu.memref_slice %arg16[%dma_wait3A_593, %dma_wait3A_594, %dma_wait3A_595] : memref<32x4x128xf32, #tpu.memory_space<vmem>> -> memref<1x1x128xf32, #tpu.memory_space<vmem>>
    %dma_wait3A_597 = tpu.memref_squeeze %dma_wait3A_596 : memref<1x1x128xf32, #tpu.memory_space<vmem>> -> memref<128xf32, #tpu.memory_space<vmem>>
    %dma_wait3A_598 = arith.constant 128 : i32
    %dma_wait3A_599 = tpu.memref_slice %arg11[%dma_wait3A_598] : memref<8256xi32, #tpu.memory_space<vmem>> -> memref<128xi32, #tpu.memory_space<vmem>>
    %dma_wait3A_600 = arith.constant 0 : i32
    %dma_wait3A_601 = tpu.memref_slice %arg7[%dma_wait3A_600] : memref<65536xf32, #tpu.memory_space<hbm>> -> memref<65536xf32, #tpu.memory_space<hbm>>
    tpu.wait_indirect_dma semaphore(%arg20 : memref<!tpu.dma_semaphore, #tpu.memory_space<semaphore_mem>>) src(%dma_wait3A_601 : memref<65536xf32, #tpu.memory_space<hbm>>) dst(%dma_wait3A_597 : memref<128xf32, #tpu.memory_space<vmem>>)
    %dma_wait3A_602 = arith.constant 0 : i32
    %dma_wait3A_603 = arith.constant 2 : i32
    %dma_wait3A_604 = arith.constant 0 : i32
    %dma_wait3A_605 = tpu.memref_slice %arg16[%dma_wait3A_602, %dma_wait3A_603, %dma_wait3A_604] : memref<32x4x128xf32, #tpu.memory_space<vmem>> -> memref<1x1x128xf32, #tpu.memory_space<vmem>>
    %dma_wait3A_606 = tpu.memref_squeeze %dma_wait3A_605 : memref<1x1x128xf32, #tpu.memory_space<vmem>> -> memref<128xf32, #tpu.memory_space<vmem>>
    %dma_wait3A_607 = arith.constant 256 : i32
    %dma_wait3A_608 = tpu.memref_slice %arg11[%dma_wait3A_607] : memref<8256xi32, #tpu.memory_space<vmem>> -> memref<128xi32, #tpu.memory_space<vmem>>
    %dma_wait3A_609 = arith.constant 0 : i32
    %dma_wait3A_610 = tpu.memref_slice %arg7[%dma_wait3A_609] : memref<65536xf32, #tpu.memory_space<hbm>> -> memref<65536xf32, #tpu.memory_space<hbm>>
    tpu.wait_indirect_dma semaphore(%arg20 : memref<!tpu.dma_semaphore, #tpu.memory_space<semaphore_mem>>) src(%dma_wait3A_610 : memref<65536xf32, #tpu.memory_space<hbm>>) dst(%dma_wait3A_606 : memref<128xf32, #tpu.memory_space<vmem>>)
    %dma_wait3A_611 = arith.constant 0 : i32
    %dma_wait3A_612 = arith.constant 3 : i32
    %dma_wait3A_613 = arith.constant 0 : i32
    %dma_wait3A_614 = tpu.memref_slice %arg16[%dma_wait3A_611, %dma_wait3A_612, %dma_wait3A_613] : memref<32x4x128xf32, #tpu.memory_space<vmem>> -> memref<1x1x128xf32, #tpu.memory_space<vmem>>
    %dma_wait3A_615 = tpu.memref_squeeze %dma_wait3A_614 : memref<1x1x128xf32, #tpu.memory_space<vmem>> -> memref<128xf32, #tpu.memory_space<vmem>>
    %dma_wait3A_616 = arith.constant 384 : i32
    %dma_wait3A_617 = tpu.memref_slice %arg11[%dma_wait3A_616] : memref<8256xi32, #tpu.memory_space<vmem>> -> memref<128xi32, #tpu.memory_space<vmem>>
    %dma_wait3A_618 = arith.constant 0 : i32
    %dma_wait3A_619 = tpu.memref_slice %arg7[%dma_wait3A_618] : memref<65536xf32, #tpu.memory_space<hbm>> -> memref<65536xf32, #tpu.memory_space<hbm>>
    tpu.wait_indirect_dma semaphore(%arg20 : memref<!tpu.dma_semaphore, #tpu.memory_space<semaphore_mem>>) src(%dma_wait3A_619 : memref<65536xf32, #tpu.memory_space<hbm>>) dst(%dma_wait3A_615 : memref<128xf32, #tpu.memory_space<vmem>>)
    %dma_wait3A_620 = arith.constant 1 : i32
    %dma_wait3A_621 = arith.constant 0 : i32
    %dma_wait3A_622 = arith.constant 0 : i32
    %dma_wait3A_623 = tpu.memref_slice %arg16[%dma_wait3A_620, %dma_wait3A_621, %dma_wait3A_622] : memref<32x4x128xf32, #tpu.memory_space<vmem>> -> memref<1x1x128xf32, #tpu.memory_space<vmem>>
    %dma_wait3A_624 = tpu.memref_squeeze %dma_wait3A_623 : memref<1x1x128xf32, #tpu.memory_space<vmem>> -> memref<128xf32, #tpu.memory_space<vmem>>
    %dma_wait3A_625 = arith.constant 512 : i32
    %dma_wait3A_626 = tpu.memref_slice %arg11[%dma_wait3A_625] : memref<8256xi32, #tpu.memory_space<vmem>> -> memref<128xi32, #tpu.memory_space<vmem>>
    %dma_wait3A_627 = arith.constant 0 : i32
    %dma_wait3A_628 = tpu.memref_slice %arg7[%dma_wait3A_627] : memref<65536xf32, #tpu.memory_space<hbm>> -> memref<65536xf32, #tpu.memory_space<hbm>>
    tpu.wait_indirect_dma semaphore(%arg20 : memref<!tpu.dma_semaphore, #tpu.memory_space<semaphore_mem>>) src(%dma_wait3A_628 : memref<65536xf32, #tpu.memory_space<hbm>>) dst(%dma_wait3A_624 : memref<128xf32, #tpu.memory_space<vmem>>)
    %dma_wait3A_629 = arith.constant 1 : i32
    %dma_wait3A_630 = arith.constant 1 : i32
    %dma_wait3A_631 = arith.constant 0 : i32
    %dma_wait3A_632 = tpu.memref_slice %arg16[%dma_wait3A_629, %dma_wait3A_630, %dma_wait3A_631] : memref<32x4x128xf32, #tpu.memory_space<vmem>> -> memref<1x1x128xf32, #tpu.memory_space<vmem>>
    %dma_wait3A_633 = tpu.memref_squeeze %dma_wait3A_632 : memref<1x1x128xf32, #tpu.memory_space<vmem>> -> memref<128xf32, #tpu.memory_space<vmem>>
    %dma_wait3A_634 = arith.constant 640 : i32
    %dma_wait3A_635 = tpu.memref_slice %arg11[%dma_wait3A_634] : memref<8256xi32, #tpu.memory_space<vmem>> -> memref<128xi32, #tpu.memory_space<vmem>>
    %dma_wait3A_636 = arith.constant 0 : i32
    %dma_wait3A_637 = tpu.memref_slice %arg7[%dma_wait3A_636] : memref<65536xf32, #tpu.memory_space<hbm>> -> memref<65536xf32, #tpu.memory_space<hbm>>
    tpu.wait_indirect_dma semaphore(%arg20 : memref<!tpu.dma_semaphore, #tpu.memory_space<semaphore_mem>>) src(%dma_wait3A_637 : memref<65536xf32, #tpu.memory_space<hbm>>) dst(%dma_wait3A_633 : memref<128xf32, #tpu.memory_space<vmem>>)
    %dma_wait3A_638 = arith.constant 1 : i32
    %dma_wait3A_639 = arith.constant 2 : i32
    %dma_wait3A_640 = arith.constant 0 : i32
    %dma_wait3A_641 = tpu.memref_slice %arg16[%dma_wait3A_638, %dma_wait3A_639, %dma_wait3A_640] : memref<32x4x128xf32, #tpu.memory_space<vmem>> -> memref<1x1x128xf32, #tpu.memory_space<vmem>>
    %dma_wait3A_642 = tpu.memref_squeeze %dma_wait3A_641 : memref<1x1x128xf32, #tpu.memory_space<vmem>> -> memref<128xf32, #tpu.memory_space<vmem>>
    %dma_wait3A_643 = arith.constant 768 : i32
    %dma_wait3A_644 = tpu.memref_slice %arg11[%dma_wait3A_643] : memref<8256xi32, #tpu.memory_space<vmem>> -> memref<128xi32, #tpu.memory_space<vmem>>
    %dma_wait3A_645 = arith.constant 0 : i32
    %dma_wait3A_646 = tpu.memref_slice %arg7[%dma_wait3A_645] : memref<65536xf32, #tpu.memory_space<hbm>> -> memref<65536xf32, #tpu.memory_space<hbm>>
    tpu.wait_indirect_dma semaphore(%arg20 : memref<!tpu.dma_semaphore, #tpu.memory_space<semaphore_mem>>) src(%dma_wait3A_646 : memref<65536xf32, #tpu.memory_space<hbm>>) dst(%dma_wait3A_642 : memref<128xf32, #tpu.memory_space<vmem>>)
    %dma_wait3A_647 = arith.constant 1 : i32
    %dma_wait3A_648 = arith.constant 3 : i32
    %dma_wait3A_649 = arith.constant 0 : i32
    %dma_wait3A_650 = tpu.memref_slice %arg16[%dma_wait3A_647, %dma_wait3A_648, %dma_wait3A_649] : memref<32x4x128xf32, #tpu.memory_space<vmem>> -> memref<1x1x128xf32, #tpu.memory_space<vmem>>
    %dma_wait3A_651 = tpu.memref_squeeze %dma_wait3A_650 : memref<1x1x128xf32, #tpu.memory_space<vmem>> -> memref<128xf32, #tpu.memory_space<vmem>>
    %dma_wait3A_652 = arith.constant 896 : i32
    %dma_wait3A_653 = tpu.memref_slice %arg11[%dma_wait3A_652] : memref<8256xi32, #tpu.memory_space<vmem>> -> memref<128xi32, #tpu.memory_space<vmem>>
    %dma_wait3A_654 = arith.constant 0 : i32
    %dma_wait3A_655 = tpu.memref_slice %arg7[%dma_wait3A_654] : memref<65536xf32, #tpu.memory_space<hbm>> -> memref<65536xf32, #tpu.memory_space<hbm>>
    tpu.wait_indirect_dma semaphore(%arg20 : memref<!tpu.dma_semaphore, #tpu.memory_space<semaphore_mem>>) src(%dma_wait3A_655 : memref<65536xf32, #tpu.memory_space<hbm>>) dst(%dma_wait3A_651 : memref<128xf32, #tpu.memory_space<vmem>>)
    %dma_wait3A_656 = arith.constant 2 : i32
    %dma_wait3A_657 = arith.constant 0 : i32
    %dma_wait3A_658 = arith.constant 0 : i32
    %dma_wait3A_659 = tpu.memref_slice %arg16[%dma_wait3A_656, %dma_wait3A_657, %dma_wait3A_658] : memref<32x4x128xf32, #tpu.memory_space<vmem>> -> memref<1x1x128xf32, #tpu.memory_space<vmem>>
    %dma_wait3A_660 = tpu.memref_squeeze %dma_wait3A_659 : memref<1x1x128xf32, #tpu.memory_space<vmem>> -> memref<128xf32, #tpu.memory_space<vmem>>
    %dma_wait3A_661 = arith.constant 1024 : i32
    %dma_wait3A_662 = tpu.memref_slice %arg11[%dma_wait3A_661] : memref<8256xi32, #tpu.memory_space<vmem>> -> memref<128xi32, #tpu.memory_space<vmem>>
    %dma_wait3A_663 = arith.constant 0 : i32
    %dma_wait3A_664 = tpu.memref_slice %arg7[%dma_wait3A_663] : memref<65536xf32, #tpu.memory_space<hbm>> -> memref<65536xf32, #tpu.memory_space<hbm>>
    tpu.wait_indirect_dma semaphore(%arg20 : memref<!tpu.dma_semaphore, #tpu.memory_space<semaphore_mem>>) src(%dma_wait3A_664 : memref<65536xf32, #tpu.memory_space<hbm>>) dst(%dma_wait3A_660 : memref<128xf32, #tpu.memory_space<vmem>>)
    %dma_wait3A_665 = arith.constant 2 : i32
    %dma_wait3A_666 = arith.constant 1 : i32
    %dma_wait3A_667 = arith.constant 0 : i32
    %dma_wait3A_668 = tpu.memref_slice %arg16[%dma_wait3A_665, %dma_wait3A_666, %dma_wait3A_667] : memref<32x4x128xf32, #tpu.memory_space<vmem>> -> memref<1x1x128xf32, #tpu.memory_space<vmem>>
    %dma_wait3A_669 = tpu.memref_squeeze %dma_wait3A_668 : memref<1x1x128xf32, #tpu.memory_space<vmem>> -> memref<128xf32, #tpu.memory_space<vmem>>
    %dma_wait3A_670 = arith.constant 1152 : i32
    %dma_wait3A_671 = tpu.memref_slice %arg11[%dma_wait3A_670] : memref<8256xi32, #tpu.memory_space<vmem>> -> memref<128xi32, #tpu.memory_space<vmem>>
    %dma_wait3A_672 = arith.constant 0 : i32
    %dma_wait3A_673 = tpu.memref_slice %arg7[%dma_wait3A_672] : memref<65536xf32, #tpu.memory_space<hbm>> -> memref<65536xf32, #tpu.memory_space<hbm>>
    tpu.wait_indirect_dma semaphore(%arg20 : memref<!tpu.dma_semaphore, #tpu.memory_space<semaphore_mem>>) src(%dma_wait3A_673 : memref<65536xf32, #tpu.memory_space<hbm>>) dst(%dma_wait3A_669 : memref<128xf32, #tpu.memory_space<vmem>>)
    %dma_wait3A_674 = arith.constant 2 : i32
    %dma_wait3A_675 = arith.constant 2 : i32
    %dma_wait3A_676 = arith.constant 0 : i32
    %dma_wait3A_677 = tpu.memref_slice %arg16[%dma_wait3A_674, %dma_wait3A_675, %dma_wait3A_676] : memref<32x4x128xf32, #tpu.memory_space<vmem>> -> memref<1x1x128xf32, #tpu.memory_space<vmem>>
    %dma_wait3A_678 = tpu.memref_squeeze %dma_wait3A_677 : memref<1x1x128xf32, #tpu.memory_space<vmem>> -> memref<128xf32, #tpu.memory_space<vmem>>
    %dma_wait3A_679 = arith.constant 1280 : i32
    %dma_wait3A_680 = tpu.memref_slice %arg11[%dma_wait3A_679] : memref<8256xi32, #tpu.memory_space<vmem>> -> memref<128xi32, #tpu.memory_space<vmem>>
    %dma_wait3A_681 = arith.constant 0 : i32
    %dma_wait3A_682 = tpu.memref_slice %arg7[%dma_wait3A_681] : memref<65536xf32, #tpu.memory_space<hbm>> -> memref<65536xf32, #tpu.memory_space<hbm>>
    tpu.wait_indirect_dma semaphore(%arg20 : memref<!tpu.dma_semaphore, #tpu.memory_space<semaphore_mem>>) src(%dma_wait3A_682 : memref<65536xf32, #tpu.memory_space<hbm>>) dst(%dma_wait3A_678 : memref<128xf32, #tpu.memory_space<vmem>>)
    %dma_wait3A_683 = arith.constant 2 : i32
    %dma_wait3A_684 = arith.constant 3 : i32
    %dma_wait3A_685 = arith.constant 0 : i32
    %dma_wait3A_686 = tpu.memref_slice %arg16[%dma_wait3A_683, %dma_wait3A_684, %dma_wait3A_685] : memref<32x4x128xf32, #tpu.memory_space<vmem>> -> memref<1x1x128xf32, #tpu.memory_space<vmem>>
    %dma_wait3A_687 = tpu.memref_squeeze %dma_wait3A_686 : memref<1x1x128xf32, #tpu.memory_space<vmem>> -> memref<128xf32, #tpu.memory_space<vmem>>
    %dma_wait3A_688 = arith.constant 1408 : i32
    %dma_wait3A_689 = tpu.memref_slice %arg11[%dma_wait3A_688] : memref<8256xi32, #tpu.memory_space<vmem>> -> memref<128xi32, #tpu.memory_space<vmem>>
    %dma_wait3A_690 = arith.constant 0 : i32
    %dma_wait3A_691 = tpu.memref_slice %arg7[%dma_wait3A_690] : memref<65536xf32, #tpu.memory_space<hbm>> -> memref<65536xf32, #tpu.memory_space<hbm>>
    tpu.wait_indirect_dma semaphore(%arg20 : memref<!tpu.dma_semaphore, #tpu.memory_space<semaphore_mem>>) src(%dma_wait3A_691 : memref<65536xf32, #tpu.memory_space<hbm>>) dst(%dma_wait3A_687 : memref<128xf32, #tpu.memory_space<vmem>>)
    %dma_wait3A_692 = arith.constant 3 : i32
    %dma_wait3A_693 = arith.constant 0 : i32
    %dma_wait3A_694 = arith.constant 0 : i32
    %dma_wait3A_695 = tpu.memref_slice %arg16[%dma_wait3A_692, %dma_wait3A_693, %dma_wait3A_694] : memref<32x4x128xf32, #tpu.memory_space<vmem>> -> memref<1x1x128xf32, #tpu.memory_space<vmem>>
    %dma_wait3A_696 = tpu.memref_squeeze %dma_wait3A_695 : memref<1x1x128xf32, #tpu.memory_space<vmem>> -> memref<128xf32, #tpu.memory_space<vmem>>
    %dma_wait3A_697 = arith.constant 1536 : i32
    %dma_wait3A_698 = tpu.memref_slice %arg11[%dma_wait3A_697] : memref<8256xi32, #tpu.memory_space<vmem>> -> memref<128xi32, #tpu.memory_space<vmem>>
    %dma_wait3A_699 = arith.constant 0 : i32
    %dma_wait3A_700 = tpu.memref_slice %arg7[%dma_wait3A_699] : memref<65536xf32, #tpu.memory_space<hbm>> -> memref<65536xf32, #tpu.memory_space<hbm>>
    tpu.wait_indirect_dma semaphore(%arg20 : memref<!tpu.dma_semaphore, #tpu.memory_space<semaphore_mem>>) src(%dma_wait3A_700 : memref<65536xf32, #tpu.memory_space<hbm>>) dst(%dma_wait3A_696 : memref<128xf32, #tpu.memory_space<vmem>>)
    %dma_wait3A_701 = arith.constant 3 : i32
    %dma_wait3A_702 = arith.constant 1 : i32
    %dma_wait3A_703 = arith.constant 0 : i32
    %dma_wait3A_704 = tpu.memref_slice %arg16[%dma_wait3A_701, %dma_wait3A_702, %dma_wait3A_703] : memref<32x4x128xf32, #tpu.memory_space<vmem>> -> memref<1x1x128xf32, #tpu.memory_space<vmem>>
    %dma_wait3A_705 = tpu.memref_squeeze %dma_wait3A_704 : memref<1x1x128xf32, #tpu.memory_space<vmem>> -> memref<128xf32, #tpu.memory_space<vmem>>
    %dma_wait3A_706 = arith.constant 1664 : i32
    %dma_wait3A_707 = tpu.memref_slice %arg11[%dma_wait3A_706] : memref<8256xi32, #tpu.memory_space<vmem>> -> memref<128xi32, #tpu.memory_space<vmem>>
    %dma_wait3A_708 = arith.constant 0 : i32
    %dma_wait3A_709 = tpu.memref_slice %arg7[%dma_wait3A_708] : memref<65536xf32, #tpu.memory_space<hbm>> -> memref<65536xf32, #tpu.memory_space<hbm>>
    tpu.wait_indirect_dma semaphore(%arg20 : memref<!tpu.dma_semaphore, #tpu.memory_space<semaphore_mem>>) src(%dma_wait3A_709 : memref<65536xf32, #tpu.memory_space<hbm>>) dst(%dma_wait3A_705 : memref<128xf32, #tpu.memory_space<vmem>>)
    %dma_wait3A_710 = arith.constant 3 : i32
    %dma_wait3A_711 = arith.constant 2 : i32
    %dma_wait3A_712 = arith.constant 0 : i32
    %dma_wait3A_713 = tpu.memref_slice %arg16[%dma_wait3A_710, %dma_wait3A_711, %dma_wait3A_712] : memref<32x4x128xf32, #tpu.memory_space<vmem>> -> memref<1x1x128xf32, #tpu.memory_space<vmem>>
    %dma_wait3A_714 = tpu.memref_squeeze %dma_wait3A_713 : memref<1x1x128xf32, #tpu.memory_space<vmem>> -> memref<128xf32, #tpu.memory_space<vmem>>
    %dma_wait3A_715 = arith.constant 1792 : i32
    %dma_wait3A_716 = tpu.memref_slice %arg11[%dma_wait3A_715] : memref<8256xi32, #tpu.memory_space<vmem>> -> memref<128xi32, #tpu.memory_space<vmem>>
    %dma_wait3A_717 = arith.constant 0 : i32
    %dma_wait3A_718 = tpu.memref_slice %arg7[%dma_wait3A_717] : memref<65536xf32, #tpu.memory_space<hbm>> -> memref<65536xf32, #tpu.memory_space<hbm>>
    tpu.wait_indirect_dma semaphore(%arg20 : memref<!tpu.dma_semaphore, #tpu.memory_space<semaphore_mem>>) src(%dma_wait3A_718 : memref<65536xf32, #tpu.memory_space<hbm>>) dst(%dma_wait3A_714 : memref<128xf32, #tpu.memory_space<vmem>>)
    %dma_wait3A_719 = arith.constant 3 : i32
    %dma_wait3A_720 = arith.constant 3 : i32
    %dma_wait3A_721 = arith.constant 0 : i32
    %dma_wait3A_722 = tpu.memref_slice %arg16[%dma_wait3A_719, %dma_wait3A_720, %dma_wait3A_721] : memref<32x4x128xf32, #tpu.memory_space<vmem>> -> memref<1x1x128xf32, #tpu.memory_space<vmem>>
    %dma_wait3A_723 = tpu.memref_squeeze %dma_wait3A_722 : memref<1x1x128xf32, #tpu.memory_space<vmem>> -> memref<128xf32, #tpu.memory_space<vmem>>
    %dma_wait3A_724 = arith.constant 1920 : i32
    %dma_wait3A_725 = tpu.memref_slice %arg11[%dma_wait3A_724] : memref<8256xi32, #tpu.memory_space<vmem>> -> memref<128xi32, #tpu.memory_space<vmem>>
    %dma_wait3A_726 = arith.constant 0 : i32
    %dma_wait3A_727 = tpu.memref_slice %arg7[%dma_wait3A_726] : memref<65536xf32, #tpu.memory_space<hbm>> -> memref<65536xf32, #tpu.memory_space<hbm>>
    tpu.wait_indirect_dma semaphore(%arg20 : memref<!tpu.dma_semaphore, #tpu.memory_space<semaphore_mem>>) src(%dma_wait3A_727 : memref<65536xf32, #tpu.memory_space<hbm>>) dst(%dma_wait3A_723 : memref<128xf32, #tpu.memory_space<vmem>>)
    %dma_wait3A_728 = arith.constant 4 : i32
    %dma_wait3A_729 = arith.constant 0 : i32
    %dma_wait3A_730 = arith.constant 0 : i32
    %dma_wait3A_731 = tpu.memref_slice %arg16[%dma_wait3A_728, %dma_wait3A_729, %dma_wait3A_730] : memref<32x4x128xf32, #tpu.memory_space<vmem>> -> memref<1x1x128xf32, #tpu.memory_space<vmem>>
    %dma_wait3A_732 = tpu.memref_squeeze %dma_wait3A_731 : memref<1x1x128xf32, #tpu.memory_space<vmem>> -> memref<128xf32, #tpu.memory_space<vmem>>
    %dma_wait3A_733 = arith.constant 2048 : i32
    %dma_wait3A_734 = tpu.memref_slice %arg11[%dma_wait3A_733] : memref<8256xi32, #tpu.memory_space<vmem>> -> memref<128xi32, #tpu.memory_space<vmem>>
    %dma_wait3A_735 = arith.constant 0 : i32
    %dma_wait3A_736 = tpu.memref_slice %arg7[%dma_wait3A_735] : memref<65536xf32, #tpu.memory_space<hbm>> -> memref<65536xf32, #tpu.memory_space<hbm>>
    tpu.wait_indirect_dma semaphore(%arg20 : memref<!tpu.dma_semaphore, #tpu.memory_space<semaphore_mem>>) src(%dma_wait3A_736 : memref<65536xf32, #tpu.memory_space<hbm>>) dst(%dma_wait3A_732 : memref<128xf32, #tpu.memory_space<vmem>>)
    %dma_wait3A_737 = arith.constant 4 : i32
    %dma_wait3A_738 = arith.constant 1 : i32
    %dma_wait3A_739 = arith.constant 0 : i32
    %dma_wait3A_740 = tpu.memref_slice %arg16[%dma_wait3A_737, %dma_wait3A_738, %dma_wait3A_739] : memref<32x4x128xf32, #tpu.memory_space<vmem>> -> memref<1x1x128xf32, #tpu.memory_space<vmem>>
    %dma_wait3A_741 = tpu.memref_squeeze %dma_wait3A_740 : memref<1x1x128xf32, #tpu.memory_space<vmem>> -> memref<128xf32, #tpu.memory_space<vmem>>
    %dma_wait3A_742 = arith.constant 2176 : i32
    %dma_wait3A_743 = tpu.memref_slice %arg11[%dma_wait3A_742] : memref<8256xi32, #tpu.memory_space<vmem>> -> memref<128xi32, #tpu.memory_space<vmem>>
    %dma_wait3A_744 = arith.constant 0 : i32
    %dma_wait3A_745 = tpu.memref_slice %arg7[%dma_wait3A_744] : memref<65536xf32, #tpu.memory_space<hbm>> -> memref<65536xf32, #tpu.memory_space<hbm>>
    tpu.wait_indirect_dma semaphore(%arg20 : memref<!tpu.dma_semaphore, #tpu.memory_space<semaphore_mem>>) src(%dma_wait3A_745 : memref<65536xf32, #tpu.memory_space<hbm>>) dst(%dma_wait3A_741 : memref<128xf32, #tpu.memory_space<vmem>>)
    %dma_wait3A_746 = arith.constant 4 : i32
    %dma_wait3A_747 = arith.constant 2 : i32
    %dma_wait3A_748 = arith.constant 0 : i32
    %dma_wait3A_749 = tpu.memref_slice %arg16[%dma_wait3A_746, %dma_wait3A_747, %dma_wait3A_748] : memref<32x4x128xf32, #tpu.memory_space<vmem>> -> memref<1x1x128xf32, #tpu.memory_space<vmem>>
    %dma_wait3A_750 = tpu.memref_squeeze %dma_wait3A_749 : memref<1x1x128xf32, #tpu.memory_space<vmem>> -> memref<128xf32, #tpu.memory_space<vmem>>
    %dma_wait3A_751 = arith.constant 2304 : i32
    %dma_wait3A_752 = tpu.memref_slice %arg11[%dma_wait3A_751] : memref<8256xi32, #tpu.memory_space<vmem>> -> memref<128xi32, #tpu.memory_space<vmem>>
    %dma_wait3A_753 = arith.constant 0 : i32
    %dma_wait3A_754 = tpu.memref_slice %arg7[%dma_wait3A_753] : memref<65536xf32, #tpu.memory_space<hbm>> -> memref<65536xf32, #tpu.memory_space<hbm>>
    tpu.wait_indirect_dma semaphore(%arg20 : memref<!tpu.dma_semaphore, #tpu.memory_space<semaphore_mem>>) src(%dma_wait3A_754 : memref<65536xf32, #tpu.memory_space<hbm>>) dst(%dma_wait3A_750 : memref<128xf32, #tpu.memory_space<vmem>>)
    %dma_wait3A_755 = arith.constant 4 : i32
    %dma_wait3A_756 = arith.constant 3 : i32
    %dma_wait3A_757 = arith.constant 0 : i32
    %dma_wait3A_758 = tpu.memref_slice %arg16[%dma_wait3A_755, %dma_wait3A_756, %dma_wait3A_757] : memref<32x4x128xf32, #tpu.memory_space<vmem>> -> memref<1x1x128xf32, #tpu.memory_space<vmem>>
    %dma_wait3A_759 = tpu.memref_squeeze %dma_wait3A_758 : memref<1x1x128xf32, #tpu.memory_space<vmem>> -> memref<128xf32, #tpu.memory_space<vmem>>
    %dma_wait3A_760 = arith.constant 2432 : i32
    %dma_wait3A_761 = tpu.memref_slice %arg11[%dma_wait3A_760] : memref<8256xi32, #tpu.memory_space<vmem>> -> memref<128xi32, #tpu.memory_space<vmem>>
    %dma_wait3A_762 = arith.constant 0 : i32
    %dma_wait3A_763 = tpu.memref_slice %arg7[%dma_wait3A_762] : memref<65536xf32, #tpu.memory_space<hbm>> -> memref<65536xf32, #tpu.memory_space<hbm>>
    tpu.wait_indirect_dma semaphore(%arg20 : memref<!tpu.dma_semaphore, #tpu.memory_space<semaphore_mem>>) src(%dma_wait3A_763 : memref<65536xf32, #tpu.memory_space<hbm>>) dst(%dma_wait3A_759 : memref<128xf32, #tpu.memory_space<vmem>>)
    %dma_wait3A_764 = arith.constant 5 : i32
    %dma_wait3A_765 = arith.constant 0 : i32
    %dma_wait3A_766 = arith.constant 0 : i32
    %dma_wait3A_767 = tpu.memref_slice %arg16[%dma_wait3A_764, %dma_wait3A_765, %dma_wait3A_766] : memref<32x4x128xf32, #tpu.memory_space<vmem>> -> memref<1x1x128xf32, #tpu.memory_space<vmem>>
    %dma_wait3A_768 = tpu.memref_squeeze %dma_wait3A_767 : memref<1x1x128xf32, #tpu.memory_space<vmem>> -> memref<128xf32, #tpu.memory_space<vmem>>
    %dma_wait3A_769 = arith.constant 2560 : i32
    %dma_wait3A_770 = tpu.memref_slice %arg11[%dma_wait3A_769] : memref<8256xi32, #tpu.memory_space<vmem>> -> memref<128xi32, #tpu.memory_space<vmem>>
    %dma_wait3A_771 = arith.constant 0 : i32
    %dma_wait3A_772 = tpu.memref_slice %arg7[%dma_wait3A_771] : memref<65536xf32, #tpu.memory_space<hbm>> -> memref<65536xf32, #tpu.memory_space<hbm>>
    tpu.wait_indirect_dma semaphore(%arg20 : memref<!tpu.dma_semaphore, #tpu.memory_space<semaphore_mem>>) src(%dma_wait3A_772 : memref<65536xf32, #tpu.memory_space<hbm>>) dst(%dma_wait3A_768 : memref<128xf32, #tpu.memory_space<vmem>>)
    %dma_wait3A_773 = arith.constant 5 : i32
    %dma_wait3A_774 = arith.constant 1 : i32
    %dma_wait3A_775 = arith.constant 0 : i32
    %dma_wait3A_776 = tpu.memref_slice %arg16[%dma_wait3A_773, %dma_wait3A_774, %dma_wait3A_775] : memref<32x4x128xf32, #tpu.memory_space<vmem>> -> memref<1x1x128xf32, #tpu.memory_space<vmem>>
    %dma_wait3A_777 = tpu.memref_squeeze %dma_wait3A_776 : memref<1x1x128xf32, #tpu.memory_space<vmem>> -> memref<128xf32, #tpu.memory_space<vmem>>
    %dma_wait3A_778 = arith.constant 2688 : i32
    %dma_wait3A_779 = tpu.memref_slice %arg11[%dma_wait3A_778] : memref<8256xi32, #tpu.memory_space<vmem>> -> memref<128xi32, #tpu.memory_space<vmem>>
    %dma_wait3A_780 = arith.constant 0 : i32
    %dma_wait3A_781 = tpu.memref_slice %arg7[%dma_wait3A_780] : memref<65536xf32, #tpu.memory_space<hbm>> -> memref<65536xf32, #tpu.memory_space<hbm>>
    tpu.wait_indirect_dma semaphore(%arg20 : memref<!tpu.dma_semaphore, #tpu.memory_space<semaphore_mem>>) src(%dma_wait3A_781 : memref<65536xf32, #tpu.memory_space<hbm>>) dst(%dma_wait3A_777 : memref<128xf32, #tpu.memory_space<vmem>>)
    %dma_wait3A_782 = arith.constant 5 : i32
    %dma_wait3A_783 = arith.constant 2 : i32
    %dma_wait3A_784 = arith.constant 0 : i32
    %dma_wait3A_785 = tpu.memref_slice %arg16[%dma_wait3A_782, %dma_wait3A_783, %dma_wait3A_784] : memref<32x4x128xf32, #tpu.memory_space<vmem>> -> memref<1x1x128xf32, #tpu.memory_space<vmem>>
    %dma_wait3A_786 = tpu.memref_squeeze %dma_wait3A_785 : memref<1x1x128xf32, #tpu.memory_space<vmem>> -> memref<128xf32, #tpu.memory_space<vmem>>
    %dma_wait3A_787 = arith.constant 2816 : i32
    %dma_wait3A_788 = tpu.memref_slice %arg11[%dma_wait3A_787] : memref<8256xi32, #tpu.memory_space<vmem>> -> memref<128xi32, #tpu.memory_space<vmem>>
    %dma_wait3A_789 = arith.constant 0 : i32
    %dma_wait3A_790 = tpu.memref_slice %arg7[%dma_wait3A_789] : memref<65536xf32, #tpu.memory_space<hbm>> -> memref<65536xf32, #tpu.memory_space<hbm>>
    tpu.wait_indirect_dma semaphore(%arg20 : memref<!tpu.dma_semaphore, #tpu.memory_space<semaphore_mem>>) src(%dma_wait3A_790 : memref<65536xf32, #tpu.memory_space<hbm>>) dst(%dma_wait3A_786 : memref<128xf32, #tpu.memory_space<vmem>>)
    %dma_wait3A_791 = arith.constant 5 : i32
    %dma_wait3A_792 = arith.constant 3 : i32
    %dma_wait3A_793 = arith.constant 0 : i32
    %dma_wait3A_794 = tpu.memref_slice %arg16[%dma_wait3A_791, %dma_wait3A_792, %dma_wait3A_793] : memref<32x4x128xf32, #tpu.memory_space<vmem>> -> memref<1x1x128xf32, #tpu.memory_space<vmem>>
    %dma_wait3A_795 = tpu.memref_squeeze %dma_wait3A_794 : memref<1x1x128xf32, #tpu.memory_space<vmem>> -> memref<128xf32, #tpu.memory_space<vmem>>
    %dma_wait3A_796 = arith.constant 2944 : i32
    %dma_wait3A_797 = tpu.memref_slice %arg11[%dma_wait3A_796] : memref<8256xi32, #tpu.memory_space<vmem>> -> memref<128xi32, #tpu.memory_space<vmem>>
    %dma_wait3A_798 = arith.constant 0 : i32
    %dma_wait3A_799 = tpu.memref_slice %arg7[%dma_wait3A_798] : memref<65536xf32, #tpu.memory_space<hbm>> -> memref<65536xf32, #tpu.memory_space<hbm>>
    tpu.wait_indirect_dma semaphore(%arg20 : memref<!tpu.dma_semaphore, #tpu.memory_space<semaphore_mem>>) src(%dma_wait3A_799 : memref<65536xf32, #tpu.memory_space<hbm>>) dst(%dma_wait3A_795 : memref<128xf32, #tpu.memory_space<vmem>>)
    %dma_wait3A_800 = arith.constant 6 : i32
    %dma_wait3A_801 = arith.constant 0 : i32
    %dma_wait3A_802 = arith.constant 0 : i32
    %dma_wait3A_803 = tpu.memref_slice %arg16[%dma_wait3A_800, %dma_wait3A_801, %dma_wait3A_802] : memref<32x4x128xf32, #tpu.memory_space<vmem>> -> memref<1x1x128xf32, #tpu.memory_space<vmem>>
    %dma_wait3A_804 = tpu.memref_squeeze %dma_wait3A_803 : memref<1x1x128xf32, #tpu.memory_space<vmem>> -> memref<128xf32, #tpu.memory_space<vmem>>
    %dma_wait3A_805 = arith.constant 3072 : i32
    %dma_wait3A_806 = tpu.memref_slice %arg11[%dma_wait3A_805] : memref<8256xi32, #tpu.memory_space<vmem>> -> memref<128xi32, #tpu.memory_space<vmem>>
    %dma_wait3A_807 = arith.constant 0 : i32
    %dma_wait3A_808 = tpu.memref_slice %arg7[%dma_wait3A_807] : memref<65536xf32, #tpu.memory_space<hbm>> -> memref<65536xf32, #tpu.memory_space<hbm>>
    tpu.wait_indirect_dma semaphore(%arg20 : memref<!tpu.dma_semaphore, #tpu.memory_space<semaphore_mem>>) src(%dma_wait3A_808 : memref<65536xf32, #tpu.memory_space<hbm>>) dst(%dma_wait3A_804 : memref<128xf32, #tpu.memory_space<vmem>>)
    %dma_wait3A_809 = arith.constant 6 : i32
    %dma_wait3A_810 = arith.constant 1 : i32
    %dma_wait3A_811 = arith.constant 0 : i32
    %dma_wait3A_812 = tpu.memref_slice %arg16[%dma_wait3A_809, %dma_wait3A_810, %dma_wait3A_811] : memref<32x4x128xf32, #tpu.memory_space<vmem>> -> memref<1x1x128xf32, #tpu.memory_space<vmem>>
    %dma_wait3A_813 = tpu.memref_squeeze %dma_wait3A_812 : memref<1x1x128xf32, #tpu.memory_space<vmem>> -> memref<128xf32, #tpu.memory_space<vmem>>
    %dma_wait3A_814 = arith.constant 3200 : i32
    %dma_wait3A_815 = tpu.memref_slice %arg11[%dma_wait3A_814] : memref<8256xi32, #tpu.memory_space<vmem>> -> memref<128xi32, #tpu.memory_space<vmem>>
    %dma_wait3A_816 = arith.constant 0 : i32
    %dma_wait3A_817 = tpu.memref_slice %arg7[%dma_wait3A_816] : memref<65536xf32, #tpu.memory_space<hbm>> -> memref<65536xf32, #tpu.memory_space<hbm>>
    tpu.wait_indirect_dma semaphore(%arg20 : memref<!tpu.dma_semaphore, #tpu.memory_space<semaphore_mem>>) src(%dma_wait3A_817 : memref<65536xf32, #tpu.memory_space<hbm>>) dst(%dma_wait3A_813 : memref<128xf32, #tpu.memory_space<vmem>>)
    %dma_wait3A_818 = arith.constant 6 : i32
    %dma_wait3A_819 = arith.constant 2 : i32
    %dma_wait3A_820 = arith.constant 0 : i32
    %dma_wait3A_821 = tpu.memref_slice %arg16[%dma_wait3A_818, %dma_wait3A_819, %dma_wait3A_820] : memref<32x4x128xf32, #tpu.memory_space<vmem>> -> memref<1x1x128xf32, #tpu.memory_space<vmem>>
    %dma_wait3A_822 = tpu.memref_squeeze %dma_wait3A_821 : memref<1x1x128xf32, #tpu.memory_space<vmem>> -> memref<128xf32, #tpu.memory_space<vmem>>
    %dma_wait3A_823 = arith.constant 3328 : i32
    %dma_wait3A_824 = tpu.memref_slice %arg11[%dma_wait3A_823] : memref<8256xi32, #tpu.memory_space<vmem>> -> memref<128xi32, #tpu.memory_space<vmem>>
    %dma_wait3A_825 = arith.constant 0 : i32
    %dma_wait3A_826 = tpu.memref_slice %arg7[%dma_wait3A_825] : memref<65536xf32, #tpu.memory_space<hbm>> -> memref<65536xf32, #tpu.memory_space<hbm>>
    tpu.wait_indirect_dma semaphore(%arg20 : memref<!tpu.dma_semaphore, #tpu.memory_space<semaphore_mem>>) src(%dma_wait3A_826 : memref<65536xf32, #tpu.memory_space<hbm>>) dst(%dma_wait3A_822 : memref<128xf32, #tpu.memory_space<vmem>>)
    %dma_wait3A_827 = arith.constant 6 : i32
    %dma_wait3A_828 = arith.constant 3 : i32
    %dma_wait3A_829 = arith.constant 0 : i32
    %dma_wait3A_830 = tpu.memref_slice %arg16[%dma_wait3A_827, %dma_wait3A_828, %dma_wait3A_829] : memref<32x4x128xf32, #tpu.memory_space<vmem>> -> memref<1x1x128xf32, #tpu.memory_space<vmem>>
    %dma_wait3A_831 = tpu.memref_squeeze %dma_wait3A_830 : memref<1x1x128xf32, #tpu.memory_space<vmem>> -> memref<128xf32, #tpu.memory_space<vmem>>
    %dma_wait3A_832 = arith.constant 3456 : i32
    %dma_wait3A_833 = tpu.memref_slice %arg11[%dma_wait3A_832] : memref<8256xi32, #tpu.memory_space<vmem>> -> memref<128xi32, #tpu.memory_space<vmem>>
    %dma_wait3A_834 = arith.constant 0 : i32
    %dma_wait3A_835 = tpu.memref_slice %arg7[%dma_wait3A_834] : memref<65536xf32, #tpu.memory_space<hbm>> -> memref<65536xf32, #tpu.memory_space<hbm>>
    tpu.wait_indirect_dma semaphore(%arg20 : memref<!tpu.dma_semaphore, #tpu.memory_space<semaphore_mem>>) src(%dma_wait3A_835 : memref<65536xf32, #tpu.memory_space<hbm>>) dst(%dma_wait3A_831 : memref<128xf32, #tpu.memory_space<vmem>>)
    %dma_wait3A_836 = arith.constant 7 : i32
    %dma_wait3A_837 = arith.constant 0 : i32
    %dma_wait3A_838 = arith.constant 0 : i32
    %dma_wait3A_839 = tpu.memref_slice %arg16[%dma_wait3A_836, %dma_wait3A_837, %dma_wait3A_838] : memref<32x4x128xf32, #tpu.memory_space<vmem>> -> memref<1x1x128xf32, #tpu.memory_space<vmem>>
    %dma_wait3A_840 = tpu.memref_squeeze %dma_wait3A_839 : memref<1x1x128xf32, #tpu.memory_space<vmem>> -> memref<128xf32, #tpu.memory_space<vmem>>
    %dma_wait3A_841 = arith.constant 3584 : i32
    %dma_wait3A_842 = tpu.memref_slice %arg11[%dma_wait3A_841] : memref<8256xi32, #tpu.memory_space<vmem>> -> memref<128xi32, #tpu.memory_space<vmem>>
    %dma_wait3A_843 = arith.constant 0 : i32
    %dma_wait3A_844 = tpu.memref_slice %arg7[%dma_wait3A_843] : memref<65536xf32, #tpu.memory_space<hbm>> -> memref<65536xf32, #tpu.memory_space<hbm>>
    tpu.wait_indirect_dma semaphore(%arg20 : memref<!tpu.dma_semaphore, #tpu.memory_space<semaphore_mem>>) src(%dma_wait3A_844 : memref<65536xf32, #tpu.memory_space<hbm>>) dst(%dma_wait3A_840 : memref<128xf32, #tpu.memory_space<vmem>>)
    %dma_wait3A_845 = arith.constant 7 : i32
    %dma_wait3A_846 = arith.constant 1 : i32
    %dma_wait3A_847 = arith.constant 0 : i32
    %dma_wait3A_848 = tpu.memref_slice %arg16[%dma_wait3A_845, %dma_wait3A_846, %dma_wait3A_847] : memref<32x4x128xf32, #tpu.memory_space<vmem>> -> memref<1x1x128xf32, #tpu.memory_space<vmem>>
    %dma_wait3A_849 = tpu.memref_squeeze %dma_wait3A_848 : memref<1x1x128xf32, #tpu.memory_space<vmem>> -> memref<128xf32, #tpu.memory_space<vmem>>
    %dma_wait3A_850 = arith.constant 3712 : i32
    %dma_wait3A_851 = tpu.memref_slice %arg11[%dma_wait3A_850] : memref<8256xi32, #tpu.memory_space<vmem>> -> memref<128xi32, #tpu.memory_space<vmem>>
    %dma_wait3A_852 = arith.constant 0 : i32
    %dma_wait3A_853 = tpu.memref_slice %arg7[%dma_wait3A_852] : memref<65536xf32, #tpu.memory_space<hbm>> -> memref<65536xf32, #tpu.memory_space<hbm>>
    tpu.wait_indirect_dma semaphore(%arg20 : memref<!tpu.dma_semaphore, #tpu.memory_space<semaphore_mem>>) src(%dma_wait3A_853 : memref<65536xf32, #tpu.memory_space<hbm>>) dst(%dma_wait3A_849 : memref<128xf32, #tpu.memory_space<vmem>>)
    %dma_wait3A_854 = arith.constant 7 : i32
    %dma_wait3A_855 = arith.constant 2 : i32
    %dma_wait3A_856 = arith.constant 0 : i32
    %dma_wait3A_857 = tpu.memref_slice %arg16[%dma_wait3A_854, %dma_wait3A_855, %dma_wait3A_856] : memref<32x4x128xf32, #tpu.memory_space<vmem>> -> memref<1x1x128xf32, #tpu.memory_space<vmem>>
    %dma_wait3A_858 = tpu.memref_squeeze %dma_wait3A_857 : memref<1x1x128xf32, #tpu.memory_space<vmem>> -> memref<128xf32, #tpu.memory_space<vmem>>
    %dma_wait3A_859 = arith.constant 3840 : i32
    %dma_wait3A_860 = tpu.memref_slice %arg11[%dma_wait3A_859] : memref<8256xi32, #tpu.memory_space<vmem>> -> memref<128xi32, #tpu.memory_space<vmem>>
    %dma_wait3A_861 = arith.constant 0 : i32
    %dma_wait3A_862 = tpu.memref_slice %arg7[%dma_wait3A_861] : memref<65536xf32, #tpu.memory_space<hbm>> -> memref<65536xf32, #tpu.memory_space<hbm>>
    tpu.wait_indirect_dma semaphore(%arg20 : memref<!tpu.dma_semaphore, #tpu.memory_space<semaphore_mem>>) src(%dma_wait3A_862 : memref<65536xf32, #tpu.memory_space<hbm>>) dst(%dma_wait3A_858 : memref<128xf32, #tpu.memory_space<vmem>>)
    %dma_wait3A_863 = arith.constant 7 : i32
    %dma_wait3A_864 = arith.constant 3 : i32
    %dma_wait3A_865 = arith.constant 0 : i32
    %dma_wait3A_866 = tpu.memref_slice %arg16[%dma_wait3A_863, %dma_wait3A_864, %dma_wait3A_865] : memref<32x4x128xf32, #tpu.memory_space<vmem>> -> memref<1x1x128xf32, #tpu.memory_space<vmem>>
    %dma_wait3A_867 = tpu.memref_squeeze %dma_wait3A_866 : memref<1x1x128xf32, #tpu.memory_space<vmem>> -> memref<128xf32, #tpu.memory_space<vmem>>
    %dma_wait3A_868 = arith.constant 3968 : i32
    %dma_wait3A_869 = tpu.memref_slice %arg11[%dma_wait3A_868] : memref<8256xi32, #tpu.memory_space<vmem>> -> memref<128xi32, #tpu.memory_space<vmem>>
    %dma_wait3A_870 = arith.constant 0 : i32
    %dma_wait3A_871 = tpu.memref_slice %arg7[%dma_wait3A_870] : memref<65536xf32, #tpu.memory_space<hbm>> -> memref<65536xf32, #tpu.memory_space<hbm>>
    tpu.wait_indirect_dma semaphore(%arg20 : memref<!tpu.dma_semaphore, #tpu.memory_space<semaphore_mem>>) src(%dma_wait3A_871 : memref<65536xf32, #tpu.memory_space<hbm>>) dst(%dma_wait3A_867 : memref<128xf32, #tpu.memory_space<vmem>>)
    %dma_wait3A_872 = arith.constant 8 : i32
    %dma_wait3A_873 = arith.constant 0 : i32
    %dma_wait3A_874 = arith.constant 0 : i32
    %dma_wait3A_875 = tpu.memref_slice %arg16[%dma_wait3A_872, %dma_wait3A_873, %dma_wait3A_874] : memref<32x4x128xf32, #tpu.memory_space<vmem>> -> memref<1x1x128xf32, #tpu.memory_space<vmem>>
    %dma_wait3A_876 = tpu.memref_squeeze %dma_wait3A_875 : memref<1x1x128xf32, #tpu.memory_space<vmem>> -> memref<128xf32, #tpu.memory_space<vmem>>
    %dma_wait3A_877 = arith.constant 4096 : i32
    %dma_wait3A_878 = tpu.memref_slice %arg11[%dma_wait3A_877] : memref<8256xi32, #tpu.memory_space<vmem>> -> memref<128xi32, #tpu.memory_space<vmem>>
    %dma_wait3A_879 = arith.constant 0 : i32
    %dma_wait3A_880 = tpu.memref_slice %arg7[%dma_wait3A_879] : memref<65536xf32, #tpu.memory_space<hbm>> -> memref<65536xf32, #tpu.memory_space<hbm>>
    tpu.wait_indirect_dma semaphore(%arg20 : memref<!tpu.dma_semaphore, #tpu.memory_space<semaphore_mem>>) src(%dma_wait3A_880 : memref<65536xf32, #tpu.memory_space<hbm>>) dst(%dma_wait3A_876 : memref<128xf32, #tpu.memory_space<vmem>>)
    %dma_wait3A_881 = arith.constant 8 : i32
    %dma_wait3A_882 = arith.constant 1 : i32
    %dma_wait3A_883 = arith.constant 0 : i32
    %dma_wait3A_884 = tpu.memref_slice %arg16[%dma_wait3A_881, %dma_wait3A_882, %dma_wait3A_883] : memref<32x4x128xf32, #tpu.memory_space<vmem>> -> memref<1x1x128xf32, #tpu.memory_space<vmem>>
    %dma_wait3A_885 = tpu.memref_squeeze %dma_wait3A_884 : memref<1x1x128xf32, #tpu.memory_space<vmem>> -> memref<128xf32, #tpu.memory_space<vmem>>
    %dma_wait3A_886 = arith.constant 4224 : i32
    %dma_wait3A_887 = tpu.memref_slice %arg11[%dma_wait3A_886] : memref<8256xi32, #tpu.memory_space<vmem>> -> memref<128xi32, #tpu.memory_space<vmem>>
    %dma_wait3A_888 = arith.constant 0 : i32
    %dma_wait3A_889 = tpu.memref_slice %arg7[%dma_wait3A_888] : memref<65536xf32, #tpu.memory_space<hbm>> -> memref<65536xf32, #tpu.memory_space<hbm>>
    tpu.wait_indirect_dma semaphore(%arg20 : memref<!tpu.dma_semaphore, #tpu.memory_space<semaphore_mem>>) src(%dma_wait3A_889 : memref<65536xf32, #tpu.memory_space<hbm>>) dst(%dma_wait3A_885 : memref<128xf32, #tpu.memory_space<vmem>>)
    %dma_wait3A_890 = arith.constant 8 : i32
    %dma_wait3A_891 = arith.constant 2 : i32
    %dma_wait3A_892 = arith.constant 0 : i32
    %dma_wait3A_893 = tpu.memref_slice %arg16[%dma_wait3A_890, %dma_wait3A_891, %dma_wait3A_892] : memref<32x4x128xf32, #tpu.memory_space<vmem>> -> memref<1x1x128xf32, #tpu.memory_space<vmem>>
    %dma_wait3A_894 = tpu.memref_squeeze %dma_wait3A_893 : memref<1x1x128xf32, #tpu.memory_space<vmem>> -> memref<128xf32, #tpu.memory_space<vmem>>
    %dma_wait3A_895 = arith.constant 4352 : i32
    %dma_wait3A_896 = tpu.memref_slice %arg11[%dma_wait3A_895] : memref<8256xi32, #tpu.memory_space<vmem>> -> memref<128xi32, #tpu.memory_space<vmem>>
    %dma_wait3A_897 = arith.constant 0 : i32
    %dma_wait3A_898 = tpu.memref_slice %arg7[%dma_wait3A_897] : memref<65536xf32, #tpu.memory_space<hbm>> -> memref<65536xf32, #tpu.memory_space<hbm>>
    tpu.wait_indirect_dma semaphore(%arg20 : memref<!tpu.dma_semaphore, #tpu.memory_space<semaphore_mem>>) src(%dma_wait3A_898 : memref<65536xf32, #tpu.memory_space<hbm>>) dst(%dma_wait3A_894 : memref<128xf32, #tpu.memory_space<vmem>>)
    %dma_wait3A_899 = arith.constant 8 : i32
    %dma_wait3A_900 = arith.constant 3 : i32
    %dma_wait3A_901 = arith.constant 0 : i32
    %dma_wait3A_902 = tpu.memref_slice %arg16[%dma_wait3A_899, %dma_wait3A_900, %dma_wait3A_901] : memref<32x4x128xf32, #tpu.memory_space<vmem>> -> memref<1x1x128xf32, #tpu.memory_space<vmem>>
    %dma_wait3A_903 = tpu.memref_squeeze %dma_wait3A_902 : memref<1x1x128xf32, #tpu.memory_space<vmem>> -> memref<128xf32, #tpu.memory_space<vmem>>
    %dma_wait3A_904 = arith.constant 4480 : i32
    %dma_wait3A_905 = tpu.memref_slice %arg11[%dma_wait3A_904] : memref<8256xi32, #tpu.memory_space<vmem>> -> memref<128xi32, #tpu.memory_space<vmem>>
    %dma_wait3A_906 = arith.constant 0 : i32
    %dma_wait3A_907 = tpu.memref_slice %arg7[%dma_wait3A_906] : memref<65536xf32, #tpu.memory_space<hbm>> -> memref<65536xf32, #tpu.memory_space<hbm>>
    tpu.wait_indirect_dma semaphore(%arg20 : memref<!tpu.dma_semaphore, #tpu.memory_space<semaphore_mem>>) src(%dma_wait3A_907 : memref<65536xf32, #tpu.memory_space<hbm>>) dst(%dma_wait3A_903 : memref<128xf32, #tpu.memory_space<vmem>>)
    %dma_wait3A_908 = arith.constant 9 : i32
    %dma_wait3A_909 = arith.constant 0 : i32
    %dma_wait3A_910 = arith.constant 0 : i32
    %dma_wait3A_911 = tpu.memref_slice %arg16[%dma_wait3A_908, %dma_wait3A_909, %dma_wait3A_910] : memref<32x4x128xf32, #tpu.memory_space<vmem>> -> memref<1x1x128xf32, #tpu.memory_space<vmem>>
    %dma_wait3A_912 = tpu.memref_squeeze %dma_wait3A_911 : memref<1x1x128xf32, #tpu.memory_space<vmem>> -> memref<128xf32, #tpu.memory_space<vmem>>
    %dma_wait3A_913 = arith.constant 4608 : i32
    %dma_wait3A_914 = tpu.memref_slice %arg11[%dma_wait3A_913] : memref<8256xi32, #tpu.memory_space<vmem>> -> memref<128xi32, #tpu.memory_space<vmem>>
    %dma_wait3A_915 = arith.constant 0 : i32
    %dma_wait3A_916 = tpu.memref_slice %arg7[%dma_wait3A_915] : memref<65536xf32, #tpu.memory_space<hbm>> -> memref<65536xf32, #tpu.memory_space<hbm>>
    tpu.wait_indirect_dma semaphore(%arg20 : memref<!tpu.dma_semaphore, #tpu.memory_space<semaphore_mem>>) src(%dma_wait3A_916 : memref<65536xf32, #tpu.memory_space<hbm>>) dst(%dma_wait3A_912 : memref<128xf32, #tpu.memory_space<vmem>>)
    %dma_wait3A_917 = arith.constant 9 : i32
    %dma_wait3A_918 = arith.constant 1 : i32
    %dma_wait3A_919 = arith.constant 0 : i32
    %dma_wait3A_920 = tpu.memref_slice %arg16[%dma_wait3A_917, %dma_wait3A_918, %dma_wait3A_919] : memref<32x4x128xf32, #tpu.memory_space<vmem>> -> memref<1x1x128xf32, #tpu.memory_space<vmem>>
    %dma_wait3A_921 = tpu.memref_squeeze %dma_wait3A_920 : memref<1x1x128xf32, #tpu.memory_space<vmem>> -> memref<128xf32, #tpu.memory_space<vmem>>
    %dma_wait3A_922 = arith.constant 4736 : i32
    %dma_wait3A_923 = tpu.memref_slice %arg11[%dma_wait3A_922] : memref<8256xi32, #tpu.memory_space<vmem>> -> memref<128xi32, #tpu.memory_space<vmem>>
    %dma_wait3A_924 = arith.constant 0 : i32
    %dma_wait3A_925 = tpu.memref_slice %arg7[%dma_wait3A_924] : memref<65536xf32, #tpu.memory_space<hbm>> -> memref<65536xf32, #tpu.memory_space<hbm>>
    tpu.wait_indirect_dma semaphore(%arg20 : memref<!tpu.dma_semaphore, #tpu.memory_space<semaphore_mem>>) src(%dma_wait3A_925 : memref<65536xf32, #tpu.memory_space<hbm>>) dst(%dma_wait3A_921 : memref<128xf32, #tpu.memory_space<vmem>>)
    %dma_wait3A_926 = arith.constant 9 : i32
    %dma_wait3A_927 = arith.constant 2 : i32
    %dma_wait3A_928 = arith.constant 0 : i32
    %dma_wait3A_929 = tpu.memref_slice %arg16[%dma_wait3A_926, %dma_wait3A_927, %dma_wait3A_928] : memref<32x4x128xf32, #tpu.memory_space<vmem>> -> memref<1x1x128xf32, #tpu.memory_space<vmem>>
    %dma_wait3A_930 = tpu.memref_squeeze %dma_wait3A_929 : memref<1x1x128xf32, #tpu.memory_space<vmem>> -> memref<128xf32, #tpu.memory_space<vmem>>
    %dma_wait3A_931 = arith.constant 4864 : i32
    %dma_wait3A_932 = tpu.memref_slice %arg11[%dma_wait3A_931] : memref<8256xi32, #tpu.memory_space<vmem>> -> memref<128xi32, #tpu.memory_space<vmem>>
    %dma_wait3A_933 = arith.constant 0 : i32
    %dma_wait3A_934 = tpu.memref_slice %arg7[%dma_wait3A_933] : memref<65536xf32, #tpu.memory_space<hbm>> -> memref<65536xf32, #tpu.memory_space<hbm>>
    tpu.wait_indirect_dma semaphore(%arg20 : memref<!tpu.dma_semaphore, #tpu.memory_space<semaphore_mem>>) src(%dma_wait3A_934 : memref<65536xf32, #tpu.memory_space<hbm>>) dst(%dma_wait3A_930 : memref<128xf32, #tpu.memory_space<vmem>>)
    %dma_wait3A_935 = arith.constant 9 : i32
    %dma_wait3A_936 = arith.constant 3 : i32
    %dma_wait3A_937 = arith.constant 0 : i32
    %dma_wait3A_938 = tpu.memref_slice %arg16[%dma_wait3A_935, %dma_wait3A_936, %dma_wait3A_937] : memref<32x4x128xf32, #tpu.memory_space<vmem>> -> memref<1x1x128xf32, #tpu.memory_space<vmem>>
    %dma_wait3A_939 = tpu.memref_squeeze %dma_wait3A_938 : memref<1x1x128xf32, #tpu.memory_space<vmem>> -> memref<128xf32, #tpu.memory_space<vmem>>
    %dma_wait3A_940 = arith.constant 4992 : i32
    %dma_wait3A_941 = tpu.memref_slice %arg11[%dma_wait3A_940] : memref<8256xi32, #tpu.memory_space<vmem>> -> memref<128xi32, #tpu.memory_space<vmem>>
    %dma_wait3A_942 = arith.constant 0 : i32
    %dma_wait3A_943 = tpu.memref_slice %arg7[%dma_wait3A_942] : memref<65536xf32, #tpu.memory_space<hbm>> -> memref<65536xf32, #tpu.memory_space<hbm>>
    tpu.wait_indirect_dma semaphore(%arg20 : memref<!tpu.dma_semaphore, #tpu.memory_space<semaphore_mem>>) src(%dma_wait3A_943 : memref<65536xf32, #tpu.memory_space<hbm>>) dst(%dma_wait3A_939 : memref<128xf32, #tpu.memory_space<vmem>>)
    %dma_wait3A_944 = arith.constant 10 : i32
    %dma_wait3A_945 = arith.constant 0 : i32
    %dma_wait3A_946 = arith.constant 0 : i32
    %dma_wait3A_947 = tpu.memref_slice %arg16[%dma_wait3A_944, %dma_wait3A_945, %dma_wait3A_946] : memref<32x4x128xf32, #tpu.memory_space<vmem>> -> memref<1x1x128xf32, #tpu.memory_space<vmem>>
    %dma_wait3A_948 = tpu.memref_squeeze %dma_wait3A_947 : memref<1x1x128xf32, #tpu.memory_space<vmem>> -> memref<128xf32, #tpu.memory_space<vmem>>
    %dma_wait3A_949 = arith.constant 5120 : i32
    %dma_wait3A_950 = tpu.memref_slice %arg11[%dma_wait3A_949] : memref<8256xi32, #tpu.memory_space<vmem>> -> memref<128xi32, #tpu.memory_space<vmem>>
    %dma_wait3A_951 = arith.constant 0 : i32
    %dma_wait3A_952 = tpu.memref_slice %arg7[%dma_wait3A_951] : memref<65536xf32, #tpu.memory_space<hbm>> -> memref<65536xf32, #tpu.memory_space<hbm>>
    tpu.wait_indirect_dma semaphore(%arg20 : memref<!tpu.dma_semaphore, #tpu.memory_space<semaphore_mem>>) src(%dma_wait3A_952 : memref<65536xf32, #tpu.memory_space<hbm>>) dst(%dma_wait3A_948 : memref<128xf32, #tpu.memory_space<vmem>>)
    %dma_wait3A_953 = arith.constant 10 : i32
    %dma_wait3A_954 = arith.constant 1 : i32
    %dma_wait3A_955 = arith.constant 0 : i32
    %dma_wait3A_956 = tpu.memref_slice %arg16[%dma_wait3A_953, %dma_wait3A_954, %dma_wait3A_955] : memref<32x4x128xf32, #tpu.memory_space<vmem>> -> memref<1x1x128xf32, #tpu.memory_space<vmem>>
    %dma_wait3A_957 = tpu.memref_squeeze %dma_wait3A_956 : memref<1x1x128xf32, #tpu.memory_space<vmem>> -> memref<128xf32, #tpu.memory_space<vmem>>
    %dma_wait3A_958 = arith.constant 5248 : i32
    %dma_wait3A_959 = tpu.memref_slice %arg11[%dma_wait3A_958] : memref<8256xi32, #tpu.memory_space<vmem>> -> memref<128xi32, #tpu.memory_space<vmem>>
    %dma_wait3A_960 = arith.constant 0 : i32
    %dma_wait3A_961 = tpu.memref_slice %arg7[%dma_wait3A_960] : memref<65536xf32, #tpu.memory_space<hbm>> -> memref<65536xf32, #tpu.memory_space<hbm>>
    tpu.wait_indirect_dma semaphore(%arg20 : memref<!tpu.dma_semaphore, #tpu.memory_space<semaphore_mem>>) src(%dma_wait3A_961 : memref<65536xf32, #tpu.memory_space<hbm>>) dst(%dma_wait3A_957 : memref<128xf32, #tpu.memory_space<vmem>>)
    %dma_wait3A_962 = arith.constant 10 : i32
    %dma_wait3A_963 = arith.constant 2 : i32
    %dma_wait3A_964 = arith.constant 0 : i32
    %dma_wait3A_965 = tpu.memref_slice %arg16[%dma_wait3A_962, %dma_wait3A_963, %dma_wait3A_964] : memref<32x4x128xf32, #tpu.memory_space<vmem>> -> memref<1x1x128xf32, #tpu.memory_space<vmem>>
    %dma_wait3A_966 = tpu.memref_squeeze %dma_wait3A_965 : memref<1x1x128xf32, #tpu.memory_space<vmem>> -> memref<128xf32, #tpu.memory_space<vmem>>
    %dma_wait3A_967 = arith.constant 5376 : i32
    %dma_wait3A_968 = tpu.memref_slice %arg11[%dma_wait3A_967] : memref<8256xi32, #tpu.memory_space<vmem>> -> memref<128xi32, #tpu.memory_space<vmem>>
    %dma_wait3A_969 = arith.constant 0 : i32
    %dma_wait3A_970 = tpu.memref_slice %arg7[%dma_wait3A_969] : memref<65536xf32, #tpu.memory_space<hbm>> -> memref<65536xf32, #tpu.memory_space<hbm>>
    tpu.wait_indirect_dma semaphore(%arg20 : memref<!tpu.dma_semaphore, #tpu.memory_space<semaphore_mem>>) src(%dma_wait3A_970 : memref<65536xf32, #tpu.memory_space<hbm>>) dst(%dma_wait3A_966 : memref<128xf32, #tpu.memory_space<vmem>>)
    %dma_wait3A_971 = arith.constant 10 : i32
    %dma_wait3A_972 = arith.constant 3 : i32
    %dma_wait3A_973 = arith.constant 0 : i32
    %dma_wait3A_974 = tpu.memref_slice %arg16[%dma_wait3A_971, %dma_wait3A_972, %dma_wait3A_973] : memref<32x4x128xf32, #tpu.memory_space<vmem>> -> memref<1x1x128xf32, #tpu.memory_space<vmem>>
    %dma_wait3A_975 = tpu.memref_squeeze %dma_wait3A_974 : memref<1x1x128xf32, #tpu.memory_space<vmem>> -> memref<128xf32, #tpu.memory_space<vmem>>
    %dma_wait3A_976 = arith.constant 5504 : i32
    %dma_wait3A_977 = tpu.memref_slice %arg11[%dma_wait3A_976] : memref<8256xi32, #tpu.memory_space<vmem>> -> memref<128xi32, #tpu.memory_space<vmem>>
    %dma_wait3A_978 = arith.constant 0 : i32
    %dma_wait3A_979 = tpu.memref_slice %arg7[%dma_wait3A_978] : memref<65536xf32, #tpu.memory_space<hbm>> -> memref<65536xf32, #tpu.memory_space<hbm>>
    tpu.wait_indirect_dma semaphore(%arg20 : memref<!tpu.dma_semaphore, #tpu.memory_space<semaphore_mem>>) src(%dma_wait3A_979 : memref<65536xf32, #tpu.memory_space<hbm>>) dst(%dma_wait3A_975 : memref<128xf32, #tpu.memory_space<vmem>>)
    %dma_wait3A_980 = arith.constant 11 : i32
    %dma_wait3A_981 = arith.constant 0 : i32
    %dma_wait3A_982 = arith.constant 0 : i32
    %dma_wait3A_983 = tpu.memref_slice %arg16[%dma_wait3A_980, %dma_wait3A_981, %dma_wait3A_982] : memref<32x4x128xf32, #tpu.memory_space<vmem>> -> memref<1x1x128xf32, #tpu.memory_space<vmem>>
    %dma_wait3A_984 = tpu.memref_squeeze %dma_wait3A_983 : memref<1x1x128xf32, #tpu.memory_space<vmem>> -> memref<128xf32, #tpu.memory_space<vmem>>
    %dma_wait3A_985 = arith.constant 5632 : i32
    %dma_wait3A_986 = tpu.memref_slice %arg11[%dma_wait3A_985] : memref<8256xi32, #tpu.memory_space<vmem>> -> memref<128xi32, #tpu.memory_space<vmem>>
    %dma_wait3A_987 = arith.constant 0 : i32
    %dma_wait3A_988 = tpu.memref_slice %arg7[%dma_wait3A_987] : memref<65536xf32, #tpu.memory_space<hbm>> -> memref<65536xf32, #tpu.memory_space<hbm>>
    tpu.wait_indirect_dma semaphore(%arg20 : memref<!tpu.dma_semaphore, #tpu.memory_space<semaphore_mem>>) src(%dma_wait3A_988 : memref<65536xf32, #tpu.memory_space<hbm>>) dst(%dma_wait3A_984 : memref<128xf32, #tpu.memory_space<vmem>>)
    %dma_wait3A_989 = arith.constant 11 : i32
    %dma_wait3A_990 = arith.constant 1 : i32
    %dma_wait3A_991 = arith.constant 0 : i32
    %dma_wait3A_992 = tpu.memref_slice %arg16[%dma_wait3A_989, %dma_wait3A_990, %dma_wait3A_991] : memref<32x4x128xf32, #tpu.memory_space<vmem>> -> memref<1x1x128xf32, #tpu.memory_space<vmem>>
    %dma_wait3A_993 = tpu.memref_squeeze %dma_wait3A_992 : memref<1x1x128xf32, #tpu.memory_space<vmem>> -> memref<128xf32, #tpu.memory_space<vmem>>
    %dma_wait3A_994 = arith.constant 5760 : i32
    %dma_wait3A_995 = tpu.memref_slice %arg11[%dma_wait3A_994] : memref<8256xi32, #tpu.memory_space<vmem>> -> memref<128xi32, #tpu.memory_space<vmem>>
    %dma_wait3A_996 = arith.constant 0 : i32
    %dma_wait3A_997 = tpu.memref_slice %arg7[%dma_wait3A_996] : memref<65536xf32, #tpu.memory_space<hbm>> -> memref<65536xf32, #tpu.memory_space<hbm>>
    tpu.wait_indirect_dma semaphore(%arg20 : memref<!tpu.dma_semaphore, #tpu.memory_space<semaphore_mem>>) src(%dma_wait3A_997 : memref<65536xf32, #tpu.memory_space<hbm>>) dst(%dma_wait3A_993 : memref<128xf32, #tpu.memory_space<vmem>>)
    %dma_wait3A_998 = arith.constant 11 : i32
    %dma_wait3A_999 = arith.constant 2 : i32
    %dma_wait3A_1000 = arith.constant 0 : i32
    %dma_wait3A_1001 = tpu.memref_slice %arg16[%dma_wait3A_998, %dma_wait3A_999, %dma_wait3A_1000] : memref<32x4x128xf32, #tpu.memory_space<vmem>> -> memref<1x1x128xf32, #tpu.memory_space<vmem>>
    %dma_wait3A_1002 = tpu.memref_squeeze %dma_wait3A_1001 : memref<1x1x128xf32, #tpu.memory_space<vmem>> -> memref<128xf32, #tpu.memory_space<vmem>>
    %dma_wait3A_1003 = arith.constant 5888 : i32
    %dma_wait3A_1004 = tpu.memref_slice %arg11[%dma_wait3A_1003] : memref<8256xi32, #tpu.memory_space<vmem>> -> memref<128xi32, #tpu.memory_space<vmem>>
    %dma_wait3A_1005 = arith.constant 0 : i32
    %dma_wait3A_1006 = tpu.memref_slice %arg7[%dma_wait3A_1005] : memref<65536xf32, #tpu.memory_space<hbm>> -> memref<65536xf32, #tpu.memory_space<hbm>>
    tpu.wait_indirect_dma semaphore(%arg20 : memref<!tpu.dma_semaphore, #tpu.memory_space<semaphore_mem>>) src(%dma_wait3A_1006 : memref<65536xf32, #tpu.memory_space<hbm>>) dst(%dma_wait3A_1002 : memref<128xf32, #tpu.memory_space<vmem>>)
    %dma_wait3A_1007 = arith.constant 11 : i32
    %dma_wait3A_1008 = arith.constant 3 : i32
    %dma_wait3A_1009 = arith.constant 0 : i32
    %dma_wait3A_1010 = tpu.memref_slice %arg16[%dma_wait3A_1007, %dma_wait3A_1008, %dma_wait3A_1009] : memref<32x4x128xf32, #tpu.memory_space<vmem>> -> memref<1x1x128xf32, #tpu.memory_space<vmem>>
    %dma_wait3A_1011 = tpu.memref_squeeze %dma_wait3A_1010 : memref<1x1x128xf32, #tpu.memory_space<vmem>> -> memref<128xf32, #tpu.memory_space<vmem>>
    %dma_wait3A_1012 = arith.constant 6016 : i32
    %dma_wait3A_1013 = tpu.memref_slice %arg11[%dma_wait3A_1012] : memref<8256xi32, #tpu.memory_space<vmem>> -> memref<128xi32, #tpu.memory_space<vmem>>
    %dma_wait3A_1014 = arith.constant 0 : i32
    %dma_wait3A_1015 = tpu.memref_slice %arg7[%dma_wait3A_1014] : memref<65536xf32, #tpu.memory_space<hbm>> -> memref<65536xf32, #tpu.memory_space<hbm>>
    tpu.wait_indirect_dma semaphore(%arg20 : memref<!tpu.dma_semaphore, #tpu.memory_space<semaphore_mem>>) src(%dma_wait3A_1015 : memref<65536xf32, #tpu.memory_space<hbm>>) dst(%dma_wait3A_1011 : memref<128xf32, #tpu.memory_space<vmem>>)
    %dma_wait3A_1016 = arith.constant 12 : i32
    %dma_wait3A_1017 = arith.constant 0 : i32
    %dma_wait3A_1018 = arith.constant 0 : i32
    %dma_wait3A_1019 = tpu.memref_slice %arg16[%dma_wait3A_1016, %dma_wait3A_1017, %dma_wait3A_1018] : memref<32x4x128xf32, #tpu.memory_space<vmem>> -> memref<1x1x128xf32, #tpu.memory_space<vmem>>
    %dma_wait3A_1020 = tpu.memref_squeeze %dma_wait3A_1019 : memref<1x1x128xf32, #tpu.memory_space<vmem>> -> memref<128xf32, #tpu.memory_space<vmem>>
    %dma_wait3A_1021 = arith.constant 6144 : i32
    %dma_wait3A_1022 = tpu.memref_slice %arg11[%dma_wait3A_1021] : memref<8256xi32, #tpu.memory_space<vmem>> -> memref<128xi32, #tpu.memory_space<vmem>>
    %dma_wait3A_1023 = arith.constant 0 : i32
    %dma_wait3A_1024 = tpu.memref_slice %arg7[%dma_wait3A_1023] : memref<65536xf32, #tpu.memory_space<hbm>> -> memref<65536xf32, #tpu.memory_space<hbm>>
    tpu.wait_indirect_dma semaphore(%arg20 : memref<!tpu.dma_semaphore, #tpu.memory_space<semaphore_mem>>) src(%dma_wait3A_1024 : memref<65536xf32, #tpu.memory_space<hbm>>) dst(%dma_wait3A_1020 : memref<128xf32, #tpu.memory_space<vmem>>)
    %dma_wait3A_1025 = arith.constant 12 : i32
    %dma_wait3A_1026 = arith.constant 1 : i32
    %dma_wait3A_1027 = arith.constant 0 : i32
    %dma_wait3A_1028 = tpu.memref_slice %arg16[%dma_wait3A_1025, %dma_wait3A_1026, %dma_wait3A_1027] : memref<32x4x128xf32, #tpu.memory_space<vmem>> -> memref<1x1x128xf32, #tpu.memory_space<vmem>>
    %dma_wait3A_1029 = tpu.memref_squeeze %dma_wait3A_1028 : memref<1x1x128xf32, #tpu.memory_space<vmem>> -> memref<128xf32, #tpu.memory_space<vmem>>
    %dma_wait3A_1030 = arith.constant 6272 : i32
    %dma_wait3A_1031 = tpu.memref_slice %arg11[%dma_wait3A_1030] : memref<8256xi32, #tpu.memory_space<vmem>> -> memref<128xi32, #tpu.memory_space<vmem>>
    %dma_wait3A_1032 = arith.constant 0 : i32
    %dma_wait3A_1033 = tpu.memref_slice %arg7[%dma_wait3A_1032] : memref<65536xf32, #tpu.memory_space<hbm>> -> memref<65536xf32, #tpu.memory_space<hbm>>
    tpu.wait_indirect_dma semaphore(%arg20 : memref<!tpu.dma_semaphore, #tpu.memory_space<semaphore_mem>>) src(%dma_wait3A_1033 : memref<65536xf32, #tpu.memory_space<hbm>>) dst(%dma_wait3A_1029 : memref<128xf32, #tpu.memory_space<vmem>>)
    %dma_wait3A_1034 = arith.constant 12 : i32
    %dma_wait3A_1035 = arith.constant 2 : i32
    %dma_wait3A_1036 = arith.constant 0 : i32
    %dma_wait3A_1037 = tpu.memref_slice %arg16[%dma_wait3A_1034, %dma_wait3A_1035, %dma_wait3A_1036] : memref<32x4x128xf32, #tpu.memory_space<vmem>> -> memref<1x1x128xf32, #tpu.memory_space<vmem>>
    %dma_wait3A_1038 = tpu.memref_squeeze %dma_wait3A_1037 : memref<1x1x128xf32, #tpu.memory_space<vmem>> -> memref<128xf32, #tpu.memory_space<vmem>>
    %dma_wait3A_1039 = arith.constant 6400 : i32
    %dma_wait3A_1040 = tpu.memref_slice %arg11[%dma_wait3A_1039] : memref<8256xi32, #tpu.memory_space<vmem>> -> memref<128xi32, #tpu.memory_space<vmem>>
    %dma_wait3A_1041 = arith.constant 0 : i32
    %dma_wait3A_1042 = tpu.memref_slice %arg7[%dma_wait3A_1041] : memref<65536xf32, #tpu.memory_space<hbm>> -> memref<65536xf32, #tpu.memory_space<hbm>>
    tpu.wait_indirect_dma semaphore(%arg20 : memref<!tpu.dma_semaphore, #tpu.memory_space<semaphore_mem>>) src(%dma_wait3A_1042 : memref<65536xf32, #tpu.memory_space<hbm>>) dst(%dma_wait3A_1038 : memref<128xf32, #tpu.memory_space<vmem>>)
    %dma_wait3A_1043 = arith.constant 12 : i32
    %dma_wait3A_1044 = arith.constant 3 : i32
    %dma_wait3A_1045 = arith.constant 0 : i32
    %dma_wait3A_1046 = tpu.memref_slice %arg16[%dma_wait3A_1043, %dma_wait3A_1044, %dma_wait3A_1045] : memref<32x4x128xf32, #tpu.memory_space<vmem>> -> memref<1x1x128xf32, #tpu.memory_space<vmem>>
    %dma_wait3A_1047 = tpu.memref_squeeze %dma_wait3A_1046 : memref<1x1x128xf32, #tpu.memory_space<vmem>> -> memref<128xf32, #tpu.memory_space<vmem>>
    %dma_wait3A_1048 = arith.constant 6528 : i32
    %dma_wait3A_1049 = tpu.memref_slice %arg11[%dma_wait3A_1048] : memref<8256xi32, #tpu.memory_space<vmem>> -> memref<128xi32, #tpu.memory_space<vmem>>
    %dma_wait3A_1050 = arith.constant 0 : i32
    %dma_wait3A_1051 = tpu.memref_slice %arg7[%dma_wait3A_1050] : memref<65536xf32, #tpu.memory_space<hbm>> -> memref<65536xf32, #tpu.memory_space<hbm>>
    tpu.wait_indirect_dma semaphore(%arg20 : memref<!tpu.dma_semaphore, #tpu.memory_space<semaphore_mem>>) src(%dma_wait3A_1051 : memref<65536xf32, #tpu.memory_space<hbm>>) dst(%dma_wait3A_1047 : memref<128xf32, #tpu.memory_space<vmem>>)
    %dma_wait3A_1052 = arith.constant 13 : i32
    %dma_wait3A_1053 = arith.constant 0 : i32
    %dma_wait3A_1054 = arith.constant 0 : i32
    %dma_wait3A_1055 = tpu.memref_slice %arg16[%dma_wait3A_1052, %dma_wait3A_1053, %dma_wait3A_1054] : memref<32x4x128xf32, #tpu.memory_space<vmem>> -> memref<1x1x128xf32, #tpu.memory_space<vmem>>
    %dma_wait3A_1056 = tpu.memref_squeeze %dma_wait3A_1055 : memref<1x1x128xf32, #tpu.memory_space<vmem>> -> memref<128xf32, #tpu.memory_space<vmem>>
    %dma_wait3A_1057 = arith.constant 6656 : i32
    %dma_wait3A_1058 = tpu.memref_slice %arg11[%dma_wait3A_1057] : memref<8256xi32, #tpu.memory_space<vmem>> -> memref<128xi32, #tpu.memory_space<vmem>>
    %dma_wait3A_1059 = arith.constant 0 : i32
    %dma_wait3A_1060 = tpu.memref_slice %arg7[%dma_wait3A_1059] : memref<65536xf32, #tpu.memory_space<hbm>> -> memref<65536xf32, #tpu.memory_space<hbm>>
    tpu.wait_indirect_dma semaphore(%arg20 : memref<!tpu.dma_semaphore, #tpu.memory_space<semaphore_mem>>) src(%dma_wait3A_1060 : memref<65536xf32, #tpu.memory_space<hbm>>) dst(%dma_wait3A_1056 : memref<128xf32, #tpu.memory_space<vmem>>)
    %dma_wait3A_1061 = arith.constant 13 : i32
    %dma_wait3A_1062 = arith.constant 1 : i32
    %dma_wait3A_1063 = arith.constant 0 : i32
    %dma_wait3A_1064 = tpu.memref_slice %arg16[%dma_wait3A_1061, %dma_wait3A_1062, %dma_wait3A_1063] : memref<32x4x128xf32, #tpu.memory_space<vmem>> -> memref<1x1x128xf32, #tpu.memory_space<vmem>>
    %dma_wait3A_1065 = tpu.memref_squeeze %dma_wait3A_1064 : memref<1x1x128xf32, #tpu.memory_space<vmem>> -> memref<128xf32, #tpu.memory_space<vmem>>
    %dma_wait3A_1066 = arith.constant 6784 : i32
    %dma_wait3A_1067 = tpu.memref_slice %arg11[%dma_wait3A_1066] : memref<8256xi32, #tpu.memory_space<vmem>> -> memref<128xi32, #tpu.memory_space<vmem>>
    %dma_wait3A_1068 = arith.constant 0 : i32
    %dma_wait3A_1069 = tpu.memref_slice %arg7[%dma_wait3A_1068] : memref<65536xf32, #tpu.memory_space<hbm>> -> memref<65536xf32, #tpu.memory_space<hbm>>
    tpu.wait_indirect_dma semaphore(%arg20 : memref<!tpu.dma_semaphore, #tpu.memory_space<semaphore_mem>>) src(%dma_wait3A_1069 : memref<65536xf32, #tpu.memory_space<hbm>>) dst(%dma_wait3A_1065 : memref<128xf32, #tpu.memory_space<vmem>>)
    %dma_wait3A_1070 = arith.constant 13 : i32
    %dma_wait3A_1071 = arith.constant 2 : i32
    %dma_wait3A_1072 = arith.constant 0 : i32
    %dma_wait3A_1073 = tpu.memref_slice %arg16[%dma_wait3A_1070, %dma_wait3A_1071, %dma_wait3A_1072] : memref<32x4x128xf32, #tpu.memory_space<vmem>> -> memref<1x1x128xf32, #tpu.memory_space<vmem>>
    %dma_wait3A_1074 = tpu.memref_squeeze %dma_wait3A_1073 : memref<1x1x128xf32, #tpu.memory_space<vmem>> -> memref<128xf32, #tpu.memory_space<vmem>>
    %dma_wait3A_1075 = arith.constant 6912 : i32
    %dma_wait3A_1076 = tpu.memref_slice %arg11[%dma_wait3A_1075] : memref<8256xi32, #tpu.memory_space<vmem>> -> memref<128xi32, #tpu.memory_space<vmem>>
    %dma_wait3A_1077 = arith.constant 0 : i32
    %dma_wait3A_1078 = tpu.memref_slice %arg7[%dma_wait3A_1077] : memref<65536xf32, #tpu.memory_space<hbm>> -> memref<65536xf32, #tpu.memory_space<hbm>>
    tpu.wait_indirect_dma semaphore(%arg20 : memref<!tpu.dma_semaphore, #tpu.memory_space<semaphore_mem>>) src(%dma_wait3A_1078 : memref<65536xf32, #tpu.memory_space<hbm>>) dst(%dma_wait3A_1074 : memref<128xf32, #tpu.memory_space<vmem>>)
    %dma_wait3A_1079 = arith.constant 13 : i32
    %dma_wait3A_1080 = arith.constant 3 : i32
    %dma_wait3A_1081 = arith.constant 0 : i32
    %dma_wait3A_1082 = tpu.memref_slice %arg16[%dma_wait3A_1079, %dma_wait3A_1080, %dma_wait3A_1081] : memref<32x4x128xf32, #tpu.memory_space<vmem>> -> memref<1x1x128xf32, #tpu.memory_space<vmem>>
    %dma_wait3A_1083 = tpu.memref_squeeze %dma_wait3A_1082 : memref<1x1x128xf32, #tpu.memory_space<vmem>> -> memref<128xf32, #tpu.memory_space<vmem>>
    %dma_wait3A_1084 = arith.constant 7040 : i32
    %dma_wait3A_1085 = tpu.memref_slice %arg11[%dma_wait3A_1084] : memref<8256xi32, #tpu.memory_space<vmem>> -> memref<128xi32, #tpu.memory_space<vmem>>
    %dma_wait3A_1086 = arith.constant 0 : i32
    %dma_wait3A_1087 = tpu.memref_slice %arg7[%dma_wait3A_1086] : memref<65536xf32, #tpu.memory_space<hbm>> -> memref<65536xf32, #tpu.memory_space<hbm>>
    tpu.wait_indirect_dma semaphore(%arg20 : memref<!tpu.dma_semaphore, #tpu.memory_space<semaphore_mem>>) src(%dma_wait3A_1087 : memref<65536xf32, #tpu.memory_space<hbm>>) dst(%dma_wait3A_1083 : memref<128xf32, #tpu.memory_space<vmem>>)
    %dma_wait3A_1088 = arith.constant 14 : i32
    %dma_wait3A_1089 = arith.constant 0 : i32
    %dma_wait3A_1090 = arith.constant 0 : i32
    %dma_wait3A_1091 = tpu.memref_slice %arg16[%dma_wait3A_1088, %dma_wait3A_1089, %dma_wait3A_1090] : memref<32x4x128xf32, #tpu.memory_space<vmem>> -> memref<1x1x128xf32, #tpu.memory_space<vmem>>
    %dma_wait3A_1092 = tpu.memref_squeeze %dma_wait3A_1091 : memref<1x1x128xf32, #tpu.memory_space<vmem>> -> memref<128xf32, #tpu.memory_space<vmem>>
    %dma_wait3A_1093 = arith.constant 7168 : i32
    %dma_wait3A_1094 = tpu.memref_slice %arg11[%dma_wait3A_1093] : memref<8256xi32, #tpu.memory_space<vmem>> -> memref<128xi32, #tpu.memory_space<vmem>>
    %dma_wait3A_1095 = arith.constant 0 : i32
    %dma_wait3A_1096 = tpu.memref_slice %arg7[%dma_wait3A_1095] : memref<65536xf32, #tpu.memory_space<hbm>> -> memref<65536xf32, #tpu.memory_space<hbm>>
    tpu.wait_indirect_dma semaphore(%arg20 : memref<!tpu.dma_semaphore, #tpu.memory_space<semaphore_mem>>) src(%dma_wait3A_1096 : memref<65536xf32, #tpu.memory_space<hbm>>) dst(%dma_wait3A_1092 : memref<128xf32, #tpu.memory_space<vmem>>)
    %dma_wait3A_1097 = arith.constant 14 : i32
    %dma_wait3A_1098 = arith.constant 1 : i32
    %dma_wait3A_1099 = arith.constant 0 : i32
    %dma_wait3A_1100 = tpu.memref_slice %arg16[%dma_wait3A_1097, %dma_wait3A_1098, %dma_wait3A_1099] : memref<32x4x128xf32, #tpu.memory_space<vmem>> -> memref<1x1x128xf32, #tpu.memory_space<vmem>>
    %dma_wait3A_1101 = tpu.memref_squeeze %dma_wait3A_1100 : memref<1x1x128xf32, #tpu.memory_space<vmem>> -> memref<128xf32, #tpu.memory_space<vmem>>
    %dma_wait3A_1102 = arith.constant 7296 : i32
    %dma_wait3A_1103 = tpu.memref_slice %arg11[%dma_wait3A_1102] : memref<8256xi32, #tpu.memory_space<vmem>> -> memref<128xi32, #tpu.memory_space<vmem>>
    %dma_wait3A_1104 = arith.constant 0 : i32
    %dma_wait3A_1105 = tpu.memref_slice %arg7[%dma_wait3A_1104] : memref<65536xf32, #tpu.memory_space<hbm>> -> memref<65536xf32, #tpu.memory_space<hbm>>
    tpu.wait_indirect_dma semaphore(%arg20 : memref<!tpu.dma_semaphore, #tpu.memory_space<semaphore_mem>>) src(%dma_wait3A_1105 : memref<65536xf32, #tpu.memory_space<hbm>>) dst(%dma_wait3A_1101 : memref<128xf32, #tpu.memory_space<vmem>>)
    %dma_wait3A_1106 = arith.constant 14 : i32
    %dma_wait3A_1107 = arith.constant 2 : i32
    %dma_wait3A_1108 = arith.constant 0 : i32
    %dma_wait3A_1109 = tpu.memref_slice %arg16[%dma_wait3A_1106, %dma_wait3A_1107, %dma_wait3A_1108] : memref<32x4x128xf32, #tpu.memory_space<vmem>> -> memref<1x1x128xf32, #tpu.memory_space<vmem>>
    %dma_wait3A_1110 = tpu.memref_squeeze %dma_wait3A_1109 : memref<1x1x128xf32, #tpu.memory_space<vmem>> -> memref<128xf32, #tpu.memory_space<vmem>>
    %dma_wait3A_1111 = arith.constant 7424 : i32
    %dma_wait3A_1112 = tpu.memref_slice %arg11[%dma_wait3A_1111] : memref<8256xi32, #tpu.memory_space<vmem>> -> memref<128xi32, #tpu.memory_space<vmem>>
    %dma_wait3A_1113 = arith.constant 0 : i32
    %dma_wait3A_1114 = tpu.memref_slice %arg7[%dma_wait3A_1113] : memref<65536xf32, #tpu.memory_space<hbm>> -> memref<65536xf32, #tpu.memory_space<hbm>>
    tpu.wait_indirect_dma semaphore(%arg20 : memref<!tpu.dma_semaphore, #tpu.memory_space<semaphore_mem>>) src(%dma_wait3A_1114 : memref<65536xf32, #tpu.memory_space<hbm>>) dst(%dma_wait3A_1110 : memref<128xf32, #tpu.memory_space<vmem>>)
    %dma_wait3A_1115 = arith.constant 14 : i32
    %dma_wait3A_1116 = arith.constant 3 : i32
    %dma_wait3A_1117 = arith.constant 0 : i32
    %dma_wait3A_1118 = tpu.memref_slice %arg16[%dma_wait3A_1115, %dma_wait3A_1116, %dma_wait3A_1117] : memref<32x4x128xf32, #tpu.memory_space<vmem>> -> memref<1x1x128xf32, #tpu.memory_space<vmem>>
    %dma_wait3A_1119 = tpu.memref_squeeze %dma_wait3A_1118 : memref<1x1x128xf32, #tpu.memory_space<vmem>> -> memref<128xf32, #tpu.memory_space<vmem>>
    %dma_wait3A_1120 = arith.constant 7552 : i32
    %dma_wait3A_1121 = tpu.memref_slice %arg11[%dma_wait3A_1120] : memref<8256xi32, #tpu.memory_space<vmem>> -> memref<128xi32, #tpu.memory_space<vmem>>
    %dma_wait3A_1122 = arith.constant 0 : i32
    %dma_wait3A_1123 = tpu.memref_slice %arg7[%dma_wait3A_1122] : memref<65536xf32, #tpu.memory_space<hbm>> -> memref<65536xf32, #tpu.memory_space<hbm>>
    tpu.wait_indirect_dma semaphore(%arg20 : memref<!tpu.dma_semaphore, #tpu.memory_space<semaphore_mem>>) src(%dma_wait3A_1123 : memref<65536xf32, #tpu.memory_space<hbm>>) dst(%dma_wait3A_1119 : memref<128xf32, #tpu.memory_space<vmem>>)
    %dma_wait3A_1124 = arith.constant 15 : i32
    %dma_wait3A_1125 = arith.constant 0 : i32
    %dma_wait3A_1126 = arith.constant 0 : i32
    %dma_wait3A_1127 = tpu.memref_slice %arg16[%dma_wait3A_1124, %dma_wait3A_1125, %dma_wait3A_1126] : memref<32x4x128xf32, #tpu.memory_space<vmem>> -> memref<1x1x128xf32, #tpu.memory_space<vmem>>
    %dma_wait3A_1128 = tpu.memref_squeeze %dma_wait3A_1127 : memref<1x1x128xf32, #tpu.memory_space<vmem>> -> memref<128xf32, #tpu.memory_space<vmem>>
    %dma_wait3A_1129 = arith.constant 7680 : i32
    %dma_wait3A_1130 = tpu.memref_slice %arg11[%dma_wait3A_1129] : memref<8256xi32, #tpu.memory_space<vmem>> -> memref<128xi32, #tpu.memory_space<vmem>>
    %dma_wait3A_1131 = arith.constant 0 : i32
    %dma_wait3A_1132 = tpu.memref_slice %arg7[%dma_wait3A_1131] : memref<65536xf32, #tpu.memory_space<hbm>> -> memref<65536xf32, #tpu.memory_space<hbm>>
    tpu.wait_indirect_dma semaphore(%arg20 : memref<!tpu.dma_semaphore, #tpu.memory_space<semaphore_mem>>) src(%dma_wait3A_1132 : memref<65536xf32, #tpu.memory_space<hbm>>) dst(%dma_wait3A_1128 : memref<128xf32, #tpu.memory_space<vmem>>)
    %dma_wait3A_1133 = arith.constant 15 : i32
    %dma_wait3A_1134 = arith.constant 1 : i32
    %dma_wait3A_1135 = arith.constant 0 : i32
    %dma_wait3A_1136 = tpu.memref_slice %arg16[%dma_wait3A_1133, %dma_wait3A_1134, %dma_wait3A_1135] : memref<32x4x128xf32, #tpu.memory_space<vmem>> -> memref<1x1x128xf32, #tpu.memory_space<vmem>>
    %dma_wait3A_1137 = tpu.memref_squeeze %dma_wait3A_1136 : memref<1x1x128xf32, #tpu.memory_space<vmem>> -> memref<128xf32, #tpu.memory_space<vmem>>
    %dma_wait3A_1138 = arith.constant 7808 : i32
    %dma_wait3A_1139 = tpu.memref_slice %arg11[%dma_wait3A_1138] : memref<8256xi32, #tpu.memory_space<vmem>> -> memref<128xi32, #tpu.memory_space<vmem>>
    %dma_wait3A_1140 = arith.constant 0 : i32
    %dma_wait3A_1141 = tpu.memref_slice %arg7[%dma_wait3A_1140] : memref<65536xf32, #tpu.memory_space<hbm>> -> memref<65536xf32, #tpu.memory_space<hbm>>
    tpu.wait_indirect_dma semaphore(%arg20 : memref<!tpu.dma_semaphore, #tpu.memory_space<semaphore_mem>>) src(%dma_wait3A_1141 : memref<65536xf32, #tpu.memory_space<hbm>>) dst(%dma_wait3A_1137 : memref<128xf32, #tpu.memory_space<vmem>>)
    %dma_wait3A_1142 = arith.constant 15 : i32
    %dma_wait3A_1143 = arith.constant 2 : i32
    %dma_wait3A_1144 = arith.constant 0 : i32
    %dma_wait3A_1145 = tpu.memref_slice %arg16[%dma_wait3A_1142, %dma_wait3A_1143, %dma_wait3A_1144] : memref<32x4x128xf32, #tpu.memory_space<vmem>> -> memref<1x1x128xf32, #tpu.memory_space<vmem>>
    %dma_wait3A_1146 = tpu.memref_squeeze %dma_wait3A_1145 : memref<1x1x128xf32, #tpu.memory_space<vmem>> -> memref<128xf32, #tpu.memory_space<vmem>>
    %dma_wait3A_1147 = arith.constant 7936 : i32
    %dma_wait3A_1148 = tpu.memref_slice %arg11[%dma_wait3A_1147] : memref<8256xi32, #tpu.memory_space<vmem>> -> memref<128xi32, #tpu.memory_space<vmem>>
    %dma_wait3A_1149 = arith.constant 0 : i32
    %dma_wait3A_1150 = tpu.memref_slice %arg7[%dma_wait3A_1149] : memref<65536xf32, #tpu.memory_space<hbm>> -> memref<65536xf32, #tpu.memory_space<hbm>>
    tpu.wait_indirect_dma semaphore(%arg20 : memref<!tpu.dma_semaphore, #tpu.memory_space<semaphore_mem>>) src(%dma_wait3A_1150 : memref<65536xf32, #tpu.memory_space<hbm>>) dst(%dma_wait3A_1146 : memref<128xf32, #tpu.memory_space<vmem>>)
    %dma_wait3A_1151 = arith.constant 15 : i32
    %dma_wait3A_1152 = arith.constant 3 : i32
    %dma_wait3A_1153 = arith.constant 0 : i32
    %dma_wait3A_1154 = tpu.memref_slice %arg16[%dma_wait3A_1151, %dma_wait3A_1152, %dma_wait3A_1153] : memref<32x4x128xf32, #tpu.memory_space<vmem>> -> memref<1x1x128xf32, #tpu.memory_space<vmem>>
    %dma_wait3A_1155 = tpu.memref_squeeze %dma_wait3A_1154 : memref<1x1x128xf32, #tpu.memory_space<vmem>> -> memref<128xf32, #tpu.memory_space<vmem>>
    %dma_wait3A_1156 = arith.constant 8064 : i32
    %dma_wait3A_1157 = tpu.memref_slice %arg11[%dma_wait3A_1156] : memref<8256xi32, #tpu.memory_space<vmem>> -> memref<128xi32, #tpu.memory_space<vmem>>
    %dma_wait3A_1158 = arith.constant 0 : i32
    %dma_wait3A_1159 = tpu.memref_slice %arg7[%dma_wait3A_1158] : memref<65536xf32, #tpu.memory_space<hbm>> -> memref<65536xf32, #tpu.memory_space<hbm>>
    tpu.wait_indirect_dma semaphore(%arg20 : memref<!tpu.dma_semaphore, #tpu.memory_space<semaphore_mem>>) src(%dma_wait3A_1159 : memref<65536xf32, #tpu.memory_space<hbm>>) dst(%dma_wait3A_1155 : memref<128xf32, #tpu.memory_space<vmem>>)
    %scan3A = arith.constant 0 : i32
    %scan3A_1160 = arith.constant 0 : i32
    %scan3A_1161 = arith.constant 16 : i32
    %scan3A_1162 = arith.addi %scan3A_1160, %scan3A_1161 : i32
    %scan3A_1163 = arith.constant 1 : i32
    %scan3A_1164 = scf.for %scan3A_1194 = %scan3A_1160 to %scan3A_1162 step %scan3A_1163 iter_args(%scan3A_1195 = %scan3A) -> (i32)  : i32 {
      %parallel_loop3A_1196 = arith.constant 0 : i32
      %parallel_loop3A_1197 = arith.constant 8 : i32
      %parallel_loop3A_1198 = arith.constant 1 : i32
      scf.for %parallel_loop3A_1209 = %parallel_loop3A_1196 to %parallel_loop3A_1197 step %parallel_loop3A_1198  : i32 {
        %parallel_loop3A_1210 = arith.constant 4 : i32
        %parallel_loop3A_1211 = arith.muli %scan3A_1194, %parallel_loop3A_1210 : i32
        %parallel_loop3A_1212 = arith.constant 0 : i32
        %parallel_loop3A_1213 = arith.addi %parallel_loop3A_1211, %parallel_loop3A_1212 : i32
        %parallel_loop3A_1214 = arith.constant 8 : i32
        %parallel_loop3A_1215 = arith.muli %parallel_loop3A_1213, %parallel_loop3A_1214 : i32
        %parallel_loop3A_1216 = arith.addi %parallel_loop3A_1215, %parallel_loop3A_1209 : i32
        %parallel_loop3A_1217 = arith.constant 16 : i32
        %parallel_loop3A_1218 = arith.muli %parallel_loop3A_1216, %parallel_loop3A_1217 : i32
        %parallel_loop3A_1219 = arith.index_cast %parallel_loop3A_1218 : i32 to index
        %parallel_loop3A_1220 = tpu.vector_load %arg10[%parallel_loop3A_1219] {strides = array<i32>} : memref<8192xf32, #tpu.memory_space<vmem>>, vector<16xf32>,
        %parallel_loop3A_1221 = arith.constant 16 : i32
        %parallel_loop3A_1222 = arith.muli %parallel_loop3A_1209, %parallel_loop3A_1221 : i32
        %parallel_loop3A_1223 = arith.constant 0 : i32
        %parallel_loop3A_1224 = arith.index_cast %scan3A_1194 : i32 to index
        %parallel_loop3A_1225 = arith.index_cast %parallel_loop3A_1223 : i32 to index
        %parallel_loop3A_1226 = arith.index_cast %parallel_loop3A_1222 : i32 to index
        %parallel_loop3A_1227 = tpu.vector_load %arg16[%parallel_loop3A_1224, %parallel_loop3A_1225, %parallel_loop3A_1226] {strides = array<i32>} : memref<32x4x128xf32, #tpu.memory_space<vmem>>, vector<16xf32>,
        %parallel_loop3A_1228 = arith.divf %parallel_loop3A_1220, %parallel_loop3A_1227 : vector<16xf32>
        %parallel_loop3A_1229 = arith.index_cast %parallel_loop3A_1218 : i32 to index
        %parallel_loop3A_1230 = tpu.vector_load %arg10[%parallel_loop3A_1229] {strides = array<i32>} : memref<8192xf32, #tpu.memory_space<vmem>>, vector<16xf32>,
        tpu.vector_store %arg10[%parallel_loop3A_1229], %parallel_loop3A_1228 {strides = array<i32>} : memref<8192xf32, #tpu.memory_space<vmem>>, vector<16xf32>,
      } {sc.loop_unroll_factor = 4 : i64, sc.parallel_access}
      %parallel_loop3A_1199 = arith.constant 0 : i32
      %parallel_loop3A_1200 = arith.constant 8 : i32
      %parallel_loop3A_1201 = arith.constant 1 : i32
      scf.for %parallel_loop3A_1209 = %parallel_loop3A_1199 to %parallel_loop3A_1200 step %parallel_loop3A_1201  : i32 {
        %parallel_loop3A_1210 = arith.constant 4 : i32
        %parallel_loop3A_1211 = arith.muli %scan3A_1194, %parallel_loop3A_1210 : i32
        %parallel_loop3A_1212 = arith.constant 1 : i32
        %parallel_loop3A_1213 = arith.addi %parallel_loop3A_1211, %parallel_loop3A_1212 : i32
        %parallel_loop3A_1214 = arith.constant 8 : i32
        %parallel_loop3A_1215 = arith.muli %parallel_loop3A_1213, %parallel_loop3A_1214 : i32
        %parallel_loop3A_1216 = arith.addi %parallel_loop3A_1215, %parallel_loop3A_1209 : i32
        %parallel_loop3A_1217 = arith.constant 16 : i32
        %parallel_loop3A_1218 = arith.muli %parallel_loop3A_1216, %parallel_loop3A_1217 : i32
        %parallel_loop3A_1219 = arith.index_cast %parallel_loop3A_1218 : i32 to index
        %parallel_loop3A_1220 = tpu.vector_load %arg10[%parallel_loop3A_1219] {strides = array<i32>} : memref<8192xf32, #tpu.memory_space<vmem>>, vector<16xf32>,
        %parallel_loop3A_1221 = arith.constant 16 : i32
        %parallel_loop3A_1222 = arith.muli %parallel_loop3A_1209, %parallel_loop3A_1221 : i32
        %parallel_loop3A_1223 = arith.constant 1 : i32
        %parallel_loop3A_1224 = arith.index_cast %scan3A_1194 : i32 to index
        %parallel_loop3A_1225 = arith.index_cast %parallel_loop3A_1223 : i32 to index
        %parallel_loop3A_1226 = arith.index_cast %parallel_loop3A_1222 : i32 to index
        %parallel_loop3A_1227 = tpu.vector_load %arg16[%parallel_loop3A_1224, %parallel_loop3A_1225, %parallel_loop3A_1226] {strides = array<i32>} : memref<32x4x128xf32, #tpu.memory_space<vmem>>, vector<16xf32>,
        %parallel_loop3A_1228 = arith.divf %parallel_loop3A_1220, %parallel_loop3A_1227 : vector<16xf32>
        %parallel_loop3A_1229 = arith.index_cast %parallel_loop3A_1218 : i32 to index
        %parallel_loop3A_1230 = tpu.vector_load %arg10[%parallel_loop3A_1229] {strides = array<i32>} : memref<8192xf32, #tpu.memory_space<vmem>>, vector<16xf32>,
        tpu.vector_store %arg10[%parallel_loop3A_1229], %parallel_loop3A_1228 {strides = array<i32>} : memref<8192xf32, #tpu.memory_space<vmem>>, vector<16xf32>,
      } {sc.loop_unroll_factor = 4 : i64, sc.parallel_access}
      %parallel_loop3A_1202 = arith.constant 0 : i32
      %parallel_loop3A_1203 = arith.constant 8 : i32
      %parallel_loop3A_1204 = arith.constant 1 : i32
      scf.for %parallel_loop3A_1209 = %parallel_loop3A_1202 to %parallel_loop3A_1203 step %parallel_loop3A_1204  : i32 {
        %parallel_loop3A_1210 = arith.constant 4 : i32
        %parallel_loop3A_1211 = arith.muli %scan3A_1194, %parallel_loop3A_1210 : i32
        %parallel_loop3A_1212 = arith.constant 2 : i32
        %parallel_loop3A_1213 = arith.addi %parallel_loop3A_1211, %parallel_loop3A_1212 : i32
        %parallel_loop3A_1214 = arith.constant 8 : i32
        %parallel_loop3A_1215 = arith.muli %parallel_loop3A_1213, %parallel_loop3A_1214 : i32
        %parallel_loop3A_1216 = arith.addi %parallel_loop3A_1215, %parallel_loop3A_1209 : i32
        %parallel_loop3A_1217 = arith.constant 16 : i32
        %parallel_loop3A_1218 = arith.muli %parallel_loop3A_1216, %parallel_loop3A_1217 : i32
        %parallel_loop3A_1219 = arith.index_cast %parallel_loop3A_1218 : i32 to index
        %parallel_loop3A_1220 = tpu.vector_load %arg10[%parallel_loop3A_1219] {strides = array<i32>} : memref<8192xf32, #tpu.memory_space<vmem>>, vector<16xf32>,
        %parallel_loop3A_1221 = arith.constant 16 : i32
        %parallel_loop3A_1222 = arith.muli %parallel_loop3A_1209, %parallel_loop3A_1221 : i32
        %parallel_loop3A_1223 = arith.constant 2 : i32
        %parallel_loop3A_1224 = arith.index_cast %scan3A_1194 : i32 to index
        %parallel_loop3A_1225 = arith.index_cast %parallel_loop3A_1223 : i32 to index
        %parallel_loop3A_1226 = arith.index_cast %parallel_loop3A_1222 : i32 to index
        %parallel_loop3A_1227 = tpu.vector_load %arg16[%parallel_loop3A_1224, %parallel_loop3A_1225, %parallel_loop3A_1226] {strides = array<i32>} : memref<32x4x128xf32, #tpu.memory_space<vmem>>, vector<16xf32>,
        %parallel_loop3A_1228 = arith.divf %parallel_loop3A_1220, %parallel_loop3A_1227 : vector<16xf32>
        %parallel_loop3A_1229 = arith.index_cast %parallel_loop3A_1218 : i32 to index
        %parallel_loop3A_1230 = tpu.vector_load %arg10[%parallel_loop3A_1229] {strides = array<i32>} : memref<8192xf32, #tpu.memory_space<vmem>>, vector<16xf32>,
        tpu.vector_store %arg10[%parallel_loop3A_1229], %parallel_loop3A_1228 {strides = array<i32>} : memref<8192xf32, #tpu.memory_space<vmem>>, vector<16xf32>,
      } {sc.loop_unroll_factor = 4 : i64, sc.parallel_access}
      %parallel_loop3A_1205 = arith.constant 0 : i32
      %parallel_loop3A_1206 = arith.constant 8 : i32
      %parallel_loop3A_1207 = arith.constant 1 : i32
      scf.for %parallel_loop3A_1209 = %parallel_loop3A_1205 to %parallel_loop3A_1206 step %parallel_loop3A_1207  : i32 {
        %parallel_loop3A_1210 = arith.constant 4 : i32
        %parallel_loop3A_1211 = arith.muli %scan3A_1194, %parallel_loop3A_1210 : i32
        %parallel_loop3A_1212 = arith.constant 3 : i32
        %parallel_loop3A_1213 = arith.addi %parallel_loop3A_1211, %parallel_loop3A_1212 : i32
        %parallel_loop3A_1214 = arith.constant 8 : i32
        %parallel_loop3A_1215 = arith.muli %parallel_loop3A_1213, %parallel_loop3A_1214 : i32
        %parallel_loop3A_1216 = arith.addi %parallel_loop3A_1215, %parallel_loop3A_1209 : i32
        %parallel_loop3A_1217 = arith.constant 16 : i32
        %parallel_loop3A_1218 = arith.muli %parallel_loop3A_1216, %parallel_loop3A_1217 : i32
        %parallel_loop3A_1219 = arith.index_cast %parallel_loop3A_1218 : i32 to index
        %parallel_loop3A_1220 = tpu.vector_load %arg10[%parallel_loop3A_1219] {strides = array<i32>} : memref<8192xf32, #tpu.memory_space<vmem>>, vector<16xf32>,
        %parallel_loop3A_1221 = arith.constant 16 : i32
        %parallel_loop3A_1222 = arith.muli %parallel_loop3A_1209, %parallel_loop3A_1221 : i32
        %parallel_loop3A_1223 = arith.constant 3 : i32
        %parallel_loop3A_1224 = arith.index_cast %scan3A_1194 : i32 to index
        %parallel_loop3A_1225 = arith.index_cast %parallel_loop3A_1223 : i32 to index
        %parallel_loop3A_1226 = arith.index_cast %parallel_loop3A_1222 : i32 to index
        %parallel_loop3A_1227 = tpu.vector_load %arg16[%parallel_loop3A_1224, %parallel_loop3A_1225, %parallel_loop3A_1226] {strides = array<i32>} : memref<32x4x128xf32, #tpu.memory_space<vmem>>, vector<16xf32>,
        %parallel_loop3A_1228 = arith.divf %parallel_loop3A_1220, %parallel_loop3A_1227 : vector<16xf32>
        %parallel_loop3A_1229 = arith.index_cast %parallel_loop3A_1218 : i32 to index
        %parallel_loop3A_1230 = tpu.vector_load %arg10[%parallel_loop3A_1229] {strides = array<i32>} : memref<8192xf32, #tpu.memory_space<vmem>>, vector<16xf32>,
        tpu.vector_store %arg10[%parallel_loop3A_1229], %parallel_loop3A_1228 {strides = array<i32>} : memref<8192xf32, #tpu.memory_space<vmem>>, vector<16xf32>,
      } {sc.loop_unroll_factor = 4 : i64, sc.parallel_access}
      %scan3A_1208 = arith.constant 0 : i32
      scf.yield %scan3A_1208 : i32
    }
    %scan3A_1165 = arith.constant 16 : i32
    %scan3A_1166 = arith.constant 0 : i32
    %scan3A_1167 = arith.constant 0 : i32
    %scan3A_1168 = arith.constant 8 : i32
    %scan3A_1169 = arith.addi %scan3A_1167, %scan3A_1168 : i32
    %scan3A_1170 = arith.constant 1 : i32
    %scan3A_1171 = scf.for %scan3A_1194 = %scan3A_1167 to %scan3A_1169 step %scan3A_1170 iter_args(%scan3A_1195 = %scan3A_1166) -> (i32)  : i32 {
      %scan3A_1196 = arith.constant 0 : i32
      %scan3A_1197 = arith.constant 0 : i32
      %scan3A_1198 = arith.constant 8 : i32
      %scan3A_1199 = arith.addi %scan3A_1197, %scan3A_1198 : i32
      %scan3A_1200 = arith.constant 1 : i32
      %scan3A_1201 = scf.for %scan3A_1225 = %scan3A_1197 to %scan3A_1199 step %scan3A_1200 iter_args(%scan3A_1226 = %scan3A_1196) -> (i32)  : i32 {
        %mul3A_1227 = arith.constant 16 : i32
        %mul3A_1228 = arith.muli %scan3A_1225, %mul3A_1227 : i32
        %swap3A = arith.constant 0 : i32
        %swap3A_1229 = arith.index_cast %scan3A_1194 : i32 to index
        %swap3A_1230 = arith.index_cast %swap3A : i32 to index
        %swap3A_1231 = arith.index_cast %mul3A_1228 : i32 to index
        %swap3A_1232 = tpu.vector_load %arg18[%swap3A_1229, %swap3A_1230, %swap3A_1231] {strides = array<i32>} : memref<8x4x128xf32, #tpu.memory_space<vmem>>, vector<16xf32>,
        tpu.vector_store %arg18[%swap3A_1229, %swap3A_1230, %swap3A_1231], %broadcast_in_dim3A_1 {strides = array<i32>} : memref<8x4x128xf32, #tpu.memory_space<vmem>>, vector<16xf32>,
        %scan3A_1233 = arith.constant 0 : i32
        scf.yield %scan3A_1233 : i32
      }
      %scan3A_1202 = arith.constant 8 : i32
      %scan3A_1203 = arith.constant 0 : i32
      %scan3A_1204 = arith.constant 0 : i32
      %scan3A_1205 = arith.constant 8 : i32
      %scan3A_1206 = arith.addi %scan3A_1204, %scan3A_1205 : i32
      %scan3A_1207 = arith.constant 1 : i32
      %scan3A_1208 = scf.for %scan3A_1225 = %scan3A_1204 to %scan3A_1206 step %scan3A_1207 iter_args(%scan3A_1226 = %scan3A_1203) -> (i32)  : i32 {
        %mul3A_1227 = arith.constant 16 : i32
        %mul3A_1228 = arith.muli %scan3A_1225, %mul3A_1227 : i32
        %swap3A = arith.constant 1 : i32
        %swap3A_1229 = arith.index_cast %scan3A_1194 : i32 to index
        %swap3A_1230 = arith.index_cast %swap3A : i32 to index
        %swap3A_1231 = arith.index_cast %mul3A_1228 : i32 to index
        %swap3A_1232 = tpu.vector_load %arg18[%swap3A_1229, %swap3A_1230, %swap3A_1231] {strides = array<i32>} : memref<8x4x128xf32, #tpu.memory_space<vmem>>, vector<16xf32>,
        tpu.vector_store %arg18[%swap3A_1229, %swap3A_1230, %swap3A_1231], %broadcast_in_dim3A_1 {strides = array<i32>} : memref<8x4x128xf32, #tpu.memory_space<vmem>>, vector<16xf32>,
        %scan3A_1233 = arith.constant 0 : i32
        scf.yield %scan3A_1233 : i32
      }
      %scan3A_1209 = arith.constant 8 : i32
      %scan3A_1210 = arith.constant 0 : i32
      %scan3A_1211 = arith.constant 0 : i32
      %scan3A_1212 = arith.constant 8 : i32
      %scan3A_1213 = arith.addi %scan3A_1211, %scan3A_1212 : i32
      %scan3A_1214 = arith.constant 1 : i32
      %scan3A_1215 = scf.for %scan3A_1225 = %scan3A_1211 to %scan3A_1213 step %scan3A_1214 iter_args(%scan3A_1226 = %scan3A_1210) -> (i32)  : i32 {
        %mul3A_1227 = arith.constant 16 : i32
        %mul3A_1228 = arith.muli %scan3A_1225, %mul3A_1227 : i32
        %swap3A = arith.constant 2 : i32
        %swap3A_1229 = arith.index_cast %scan3A_1194 : i32 to index
        %swap3A_1230 = arith.index_cast %swap3A : i32 to index
        %swap3A_1231 = arith.index_cast %mul3A_1228 : i32 to index
        %swap3A_1232 = tpu.vector_load %arg18[%swap3A_1229, %swap3A_1230, %swap3A_1231] {strides = array<i32>} : memref<8x4x128xf32, #tpu.memory_space<vmem>>, vector<16xf32>,
        tpu.vector_store %arg18[%swap3A_1229, %swap3A_1230, %swap3A_1231], %broadcast_in_dim3A_1 {strides = array<i32>} : memref<8x4x128xf32, #tpu.memory_space<vmem>>, vector<16xf32>,
        %scan3A_1233 = arith.constant 0 : i32
        scf.yield %scan3A_1233 : i32
      }
      %scan3A_1216 = arith.constant 8 : i32
      %scan3A_1217 = arith.constant 0 : i32
      %scan3A_1218 = arith.constant 0 : i32
      %scan3A_1219 = arith.constant 8 : i32
      %scan3A_1220 = arith.addi %scan3A_1218, %scan3A_1219 : i32
      %scan3A_1221 = arith.constant 1 : i32
      %scan3A_1222 = scf.for %scan3A_1225 = %scan3A_1218 to %scan3A_1220 step %scan3A_1221 iter_args(%scan3A_1226 = %scan3A_1217) -> (i32)  : i32 {
        %mul3A_1227 = arith.constant 16 : i32
        %mul3A_1228 = arith.muli %scan3A_1225, %mul3A_1227 : i32
        %swap3A = arith.constant 3 : i32
        %swap3A_1229 = arith.index_cast %scan3A_1194 : i32 to index
        %swap3A_1230 = arith.index_cast %swap3A : i32 to index
        %swap3A_1231 = arith.index_cast %mul3A_1228 : i32 to index
        %swap3A_1232 = tpu.vector_load %arg18[%swap3A_1229, %swap3A_1230, %swap3A_1231] {strides = array<i32>} : memref<8x4x128xf32, #tpu.memory_space<vmem>>, vector<16xf32>,
        tpu.vector_store %arg18[%swap3A_1229, %swap3A_1230, %swap3A_1231], %broadcast_in_dim3A_1 {strides = array<i32>} : memref<8x4x128xf32, #tpu.memory_space<vmem>>, vector<16xf32>,
        %scan3A_1233 = arith.constant 0 : i32
        scf.yield %scan3A_1233 : i32
      }
      %scan3A_1223 = arith.constant 8 : i32
      %scan3A_1224 = arith.constant 0 : i32
      scf.yield %scan3A_1224 : i32
    }
    %scan3A_1172 = arith.constant 8 : i32
    %scan3A_1173 = arith.constant 0 : i32
    %scan3A_1174 = arith.constant 0 : i32
    %scan3A_1175 = arith.constant 16 : i32
    %scan3A_1176 = arith.addi %scan3A_1174, %scan3A_1175 : i32
    %scan3A_1177 = arith.constant 1 : i32
    %scan3A_1178 = scf.for %scan3A_1194 = %scan3A_1174 to %scan3A_1176 step %scan3A_1177 iter_args(%scan3A_1195 = %scan3A_1173) -> (i32)  : i32 {
      %mul3A_1196 = arith.constant 2 : i32
      %mul3A_1197 = arith.muli %scan3A_1194, %mul3A_1196 : i32
      %add3A_1198 = arith.addi %mul3A_1197, %arg0 : i32
      %mul3A_1199 = arith.constant 2048 : i32
      %mul3A_1200 = arith.muli %add3A_1198, %mul3A_1199 : i32
      %mul3A_1201 = arith.constant 128 : i32
      %mul3A_1202 = arith.muli %arg1, %mul3A_1201 : i32
      %parallel_loop3A_1203 = arith.constant 0 : i32
      %parallel_loop3A_1204 = arith.constant 512 : i32
      %parallel_loop3A_1205 = arith.constant 1 : i32
      %parallel_loop3A_1206 = arith.constant 0 : i32
      %parallel_loop3A_1207 = scf.for %parallel_loop3A_1491 = %parallel_loop3A_1203 to %parallel_loop3A_1204 step %parallel_loop3A_1205 iter_args(%parallel_loop3A_1492 = %parallel_loop3A_1206) -> (i32)  : i32 {
        %parallel_loop3A_1493 = arith.constant 16 : i32
        %parallel_loop3A_1494 = arith.muli %parallel_loop3A_1491, %parallel_loop3A_1493 : i32
        %parallel_loop3A_1495 = arith.index_cast %parallel_loop3A_1494 : i32 to index
        %parallel_loop3A_1496 = tpu.vector_load %arg9[%parallel_loop3A_1495] {strides = array<i32>} : memref<8192xi32, #tpu.memory_space<vmem>>, vector<16xi32>,
        %parallel_loop3A_1497 = arith.constant 26 : i32
        %parallel_loop3A_1498 = vector.broadcast %parallel_loop3A_1497 : i32 to vector<16xi32>
        %parallel_loop3A_1499 = arith.shrui %parallel_loop3A_1496, %parallel_loop3A_1498 : vector<16xi32>
        %parallel_loop3A_1500 = vector.broadcast %add3A_1198 : i32 to vector<16xi32>
        %parallel_loop3A_1501 = arith.cmpi eq, %parallel_loop3A_1499, %parallel_loop3A_1500 : vector<16xi32>
        %parallel_loop3A_1502 = arith.constant 1 : i32
        %parallel_loop3A_1503 = arith.constant 0 : i32
        %parallel_loop3A_1504 = vector.broadcast %parallel_loop3A_1502 : i32 to vector<16xi32>
        %parallel_loop3A_1505 = vector.broadcast %parallel_loop3A_1503 : i32 to vector<16xi32>
        %parallel_loop3A_1506 = arith.select %parallel_loop3A_1501, %parallel_loop3A_1504, %parallel_loop3A_1505 : vector<16xi1>, vector<16xi32>
        %parallel_loop3A_1507 = arith.constant true
        %parallel_loop3A_1508 = vector.broadcast %parallel_loop3A_1507 : i1 to vector<16xi1>
        %parallel_loop3A_1509 = tpu.scan <sum>, %parallel_loop3A_1506 masked %parallel_loop3A_1508 : vector<16xi32>, vector<16xi1> -> vector<16xi32>
        %parallel_loop3A_1510 = vector.broadcast %parallel_loop3A_1492 : i32 to vector<16xi32>
        %parallel_loop3A_1511 = arith.addi %parallel_loop3A_1510, %parallel_loop3A_1509 : vector<16xi32>
        %parallel_loop3A_1512 = arith.constant 1 : i32
        %parallel_loop3A_1513 = vector.broadcast %parallel_loop3A_1512 : i32 to vector<16xi32>
        %parallel_loop3A_1514 = arith.subi %parallel_loop3A_1511, %parallel_loop3A_1513 : vector<16xi32>
        %parallel_loop3A_1515 = arith.constant 16 : i32
        %parallel_loop3A_1516 = arith.muli %parallel_loop3A_1491, %parallel_loop3A_1515 : i32
        %parallel_loop3A_1517 = vector.broadcast %parallel_loop3A_1516 : i32 to vector<16xi32>
        %parallel_loop3A_1518 = arith.addi %parallel_loop3A_1517, %iota3A : vector<16xi32>
        tpu.vector_store_idx %arg11[%parallel_loop3A_1514], %parallel_loop3A_1518 masked %parallel_loop3A_1501 : memref<8256xi32, #tpu.memory_space<vmem>>[vector<16xi32>], vector<16xi32>, vector<16xi1>
        %parallel_loop3A_1519 = vector.extract_strided_slice %parallel_loop3A_1509 {offsets = [15], sizes = [1], strides = [1]} : vector<16xi32> to vector<1xi32>
        %parallel_loop3A_1520 = vector.extract %parallel_loop3A_1519[0] : i32 from vector<1xi32>
        %parallel_loop3A_1521 = arith.addi %parallel_loop3A_1492, %parallel_loop3A_1520 : i32
        scf.yield %parallel_loop3A_1521 : i32
      } {sc.loop_unroll_factor = 4 : i64, sc.parallel_access}
      %gt3A = arith.constant 0 : i32
      %gt3A_1208 = arith.cmpi sgt, %scan3A_1194, %gt3A : i32
      %convert_element_type3A = arith.extui %gt3A_1208 : i1 to i32
      %cond3A = arith.constant 0 : i32
      %cond3A_1209 = arith.cmpi ne, %convert_element_type3A, %cond3A : i32
      scf.if %cond3A_1209 {
        %add3A_1491 = arith.addi %mul3A_1200, %mul3A_1202 : i32
        %dma_wait3A_1492 = arith.constant 0 : i32
        %dma_wait3A_1493 = arith.constant 0 : i32
        %dma_wait3A_1494 = tpu.memref_slice %arg8[%add3A_1491, %dma_wait3A_1492, %dma_wait3A_1493] : memref<65536x4x128xf32, #tpu.memory_space<hbm>> -> memref<128x4x128xf32, #tpu.memory_space<hbm>>
        %dma_wait3A_1495 = arith.constant 0 : i32
        %dma_wait3A_1496 = arith.constant 0 : i32
        %dma_wait3A_1497 = tpu.memref_slice %arg19[%mul3A_1202, %dma_wait3A_1495, %dma_wait3A_1496] : memref<2048x4x128xf32, #tpu.memory_space<vmem_shared>> -> memref<128x4x128xf32, #tpu.memory_space<vmem_shared>>
        tpu.wait_dma2 semaphore(%arg24 : memref<!tpu.dma_semaphore, #tpu.memory_space<semaphore_mem>>) src(%dma_wait3A_1497 : memref<128x4x128xf32, #tpu.memory_space<vmem_shared>>) dst(%dma_wait3A_1494 : memref<128x4x128xf32, #tpu.memory_space<hbm>>)
      } else {
      }
      %add3A_1210 = arith.constant 0 : i32
      %add3A_1211 = arith.addi %mul3A_1202, %add3A_1210 : i32
      %dma_start3A_1212 = arith.constant 0 : i32
      %dma_start3A_1213 = arith.constant 0 : i32
      %dma_start3A_1214 = tpu.memref_slice %arg19[%add3A_1211, %dma_start3A_1212, %dma_start3A_1213] : memref<2048x4x128xf32, #tpu.memory_space<vmem_shared>> -> memref<8x4x128xf32, #tpu.memory_space<vmem_shared>>
      %dma_start3A_1215 = arith.constant 0 : i32
      %dma_start3A_1216 = arith.constant 0 : i32
      %dma_start3A_1217 = tpu.memref_slice %arg19[%add3A_1211, %dma_start3A_1215, %dma_start3A_1216] : memref<2048x4x128xf32, #tpu.memory_space<vmem_shared>> -> memref<8x4x128xf32, #tpu.memory_space<vmem_shared>>
      tpu.enqueue_dma source(%arg18 : memref<8x4x128xf32, #tpu.memory_space<vmem>>) target(%dma_start3A_1217 : memref<8x4x128xf32, #tpu.memory_space<vmem_shared>>) target_semaphore(%arg20 : memref<!tpu.dma_semaphore, #tpu.memory_space<semaphore_mem>>)
      %add3A_1218 = arith.constant 8 : i32
      %add3A_1219 = arith.addi %mul3A_1202, %add3A_1218 : i32
      %dma_start3A_1220 = arith.constant 0 : i32
      %dma_start3A_1221 = arith.constant 0 : i32
      %dma_start3A_1222 = tpu.memref_slice %arg19[%add3A_1219, %dma_start3A_1220, %dma_start3A_1221] : memref<2048x4x128xf32, #tpu.memory_space<vmem_shared>> -> memref<8x4x128xf32, #tpu.memory_space<vmem_shared>>
      %dma_start3A_1223 = arith.constant 0 : i32
      %dma_start3A_1224 = arith.constant 0 : i32
      %dma_start3A_1225 = tpu.memref_slice %arg19[%add3A_1219, %dma_start3A_1223, %dma_start3A_1224] : memref<2048x4x128xf32, #tpu.memory_space<vmem_shared>> -> memref<8x4x128xf32, #tpu.memory_space<vmem_shared>>
      tpu.enqueue_dma source(%arg18 : memref<8x4x128xf32, #tpu.memory_space<vmem>>) target(%dma_start3A_1225 : memref<8x4x128xf32, #tpu.memory_space<vmem_shared>>) target_semaphore(%arg20 : memref<!tpu.dma_semaphore, #tpu.memory_space<semaphore_mem>>)
      %add3A_1226 = arith.constant 16 : i32
      %add3A_1227 = arith.addi %mul3A_1202, %add3A_1226 : i32
      %dma_start3A_1228 = arith.constant 0 : i32
      %dma_start3A_1229 = arith.constant 0 : i32
      %dma_start3A_1230 = tpu.memref_slice %arg19[%add3A_1227, %dma_start3A_1228, %dma_start3A_1229] : memref<2048x4x128xf32, #tpu.memory_space<vmem_shared>> -> memref<8x4x128xf32, #tpu.memory_space<vmem_shared>>
      %dma_start3A_1231 = arith.constant 0 : i32
      %dma_start3A_1232 = arith.constant 0 : i32
      %dma_start3A_1233 = tpu.memref_slice %arg19[%add3A_1227, %dma_start3A_1231, %dma_start3A_1232] : memref<2048x4x128xf32, #tpu.memory_space<vmem_shared>> -> memref<8x4x128xf32, #tpu.memory_space<vmem_shared>>
      tpu.enqueue_dma source(%arg18 : memref<8x4x128xf32, #tpu.memory_space<vmem>>) target(%dma_start3A_1233 : memref<8x4x128xf32, #tpu.memory_space<vmem_shared>>) target_semaphore(%arg20 : memref<!tpu.dma_semaphore, #tpu.memory_space<semaphore_mem>>)
      %add3A_1234 = arith.constant 24 : i32
      %add3A_1235 = arith.addi %mul3A_1202, %add3A_1234 : i32
      %dma_start3A_1236 = arith.constant 0 : i32
      %dma_start3A_1237 = arith.constant 0 : i32
      %dma_start3A_1238 = tpu.memref_slice %arg19[%add3A_1235, %dma_start3A_1236, %dma_start3A_1237] : memref<2048x4x128xf32, #tpu.memory_space<vmem_shared>> -> memref<8x4x128xf32, #tpu.memory_space<vmem_shared>>
      %dma_start3A_1239 = arith.constant 0 : i32
      %dma_start3A_1240 = arith.constant 0 : i32
      %dma_start3A_1241 = tpu.memref_slice %arg19[%add3A_1235, %dma_start3A_1239, %dma_start3A_1240] : memref<2048x4x128xf32, #tpu.memory_space<vmem_shared>> -> memref<8x4x128xf32, #tpu.memory_space<vmem_shared>>
      tpu.enqueue_dma source(%arg18 : memref<8x4x128xf32, #tpu.memory_space<vmem>>) target(%dma_start3A_1241 : memref<8x4x128xf32, #tpu.memory_space<vmem_shared>>) target_semaphore(%arg20 : memref<!tpu.dma_semaphore, #tpu.memory_space<semaphore_mem>>)
      %add3A_1242 = arith.constant 32 : i32
      %add3A_1243 = arith.addi %mul3A_1202, %add3A_1242 : i32
      %dma_start3A_1244 = arith.constant 0 : i32
      %dma_start3A_1245 = arith.constant 0 : i32
      %dma_start3A_1246 = tpu.memref_slice %arg19[%add3A_1243, %dma_start3A_1244, %dma_start3A_1245] : memref<2048x4x128xf32, #tpu.memory_space<vmem_shared>> -> memref<8x4x128xf32, #tpu.memory_space<vmem_shared>>
      %dma_start3A_1247 = arith.constant 0 : i32
      %dma_start3A_1248 = arith.constant 0 : i32
      %dma_start3A_1249 = tpu.memref_slice %arg19[%add3A_1243, %dma_start3A_1247, %dma_start3A_1248] : memref<2048x4x128xf32, #tpu.memory_space<vmem_shared>> -> memref<8x4x128xf32, #tpu.memory_space<vmem_shared>>
      tpu.enqueue_dma source(%arg18 : memref<8x4x128xf32, #tpu.memory_space<vmem>>) target(%dma_start3A_1249 : memref<8x4x128xf32, #tpu.memory_space<vmem_shared>>) target_semaphore(%arg20 : memref<!tpu.dma_semaphore, #tpu.memory_space<semaphore_mem>>)
      %add3A_1250 = arith.constant 40 : i32
      %add3A_1251 = arith.addi %mul3A_1202, %add3A_1250 : i32
      %dma_start3A_1252 = arith.constant 0 : i32
      %dma_start3A_1253 = arith.constant 0 : i32
      %dma_start3A_1254 = tpu.memref_slice %arg19[%add3A_1251, %dma_start3A_1252, %dma_start3A_1253] : memref<2048x4x128xf32, #tpu.memory_space<vmem_shared>> -> memref<8x4x128xf32, #tpu.memory_space<vmem_shared>>
      %dma_start3A_1255 = arith.constant 0 : i32
      %dma_start3A_1256 = arith.constant 0 : i32
      %dma_start3A_1257 = tpu.memref_slice %arg19[%add3A_1251, %dma_start3A_1255, %dma_start3A_1256] : memref<2048x4x128xf32, #tpu.memory_space<vmem_shared>> -> memref<8x4x128xf32, #tpu.memory_space<vmem_shared>>
      tpu.enqueue_dma source(%arg18 : memref<8x4x128xf32, #tpu.memory_space<vmem>>) target(%dma_start3A_1257 : memref<8x4x128xf32, #tpu.memory_space<vmem_shared>>) target_semaphore(%arg20 : memref<!tpu.dma_semaphore, #tpu.memory_space<semaphore_mem>>)
      %add3A_1258 = arith.constant 48 : i32
      %add3A_1259 = arith.addi %mul3A_1202, %add3A_1258 : i32
      %dma_start3A_1260 = arith.constant 0 : i32
      %dma_start3A_1261 = arith.constant 0 : i32
      %dma_start3A_1262 = tpu.memref_slice %arg19[%add3A_1259, %dma_start3A_1260, %dma_start3A_1261] : memref<2048x4x128xf32, #tpu.memory_space<vmem_shared>> -> memref<8x4x128xf32, #tpu.memory_space<vmem_shared>>
      %dma_start3A_1263 = arith.constant 0 : i32
      %dma_start3A_1264 = arith.constant 0 : i32
      %dma_start3A_1265 = tpu.memref_slice %arg19[%add3A_1259, %dma_start3A_1263, %dma_start3A_1264] : memref<2048x4x128xf32, #tpu.memory_space<vmem_shared>> -> memref<8x4x128xf32, #tpu.memory_space<vmem_shared>>
      tpu.enqueue_dma source(%arg18 : memref<8x4x128xf32, #tpu.memory_space<vmem>>) target(%dma_start3A_1265 : memref<8x4x128xf32, #tpu.memory_space<vmem_shared>>) target_semaphore(%arg20 : memref<!tpu.dma_semaphore, #tpu.memory_space<semaphore_mem>>)
      %add3A_1266 = arith.constant 56 : i32
      %add3A_1267 = arith.addi %mul3A_1202, %add3A_1266 : i32
      %dma_start3A_1268 = arith.constant 0 : i32
      %dma_start3A_1269 = arith.constant 0 : i32
      %dma_start3A_1270 = tpu.memref_slice %arg19[%add3A_1267, %dma_start3A_1268, %dma_start3A_1269] : memref<2048x4x128xf32, #tpu.memory_space<vmem_shared>> -> memref<8x4x128xf32, #tpu.memory_space<vmem_shared>>
      %dma_start3A_1271 = arith.constant 0 : i32
      %dma_start3A_1272 = arith.constant 0 : i32
      %dma_start3A_1273 = tpu.memref_slice %arg19[%add3A_1267, %dma_start3A_1271, %dma_start3A_1272] : memref<2048x4x128xf32, #tpu.memory_space<vmem_shared>> -> memref<8x4x128xf32, #tpu.memory_space<vmem_shared>>
      tpu.enqueue_dma source(%arg18 : memref<8x4x128xf32, #tpu.memory_space<vmem>>) target(%dma_start3A_1273 : memref<8x4x128xf32, #tpu.memory_space<vmem_shared>>) target_semaphore(%arg20 : memref<!tpu.dma_semaphore, #tpu.memory_space<semaphore_mem>>)
      %add3A_1274 = arith.constant 64 : i32
      %add3A_1275 = arith.addi %mul3A_1202, %add3A_1274 : i32
      %dma_start3A_1276 = arith.constant 0 : i32
      %dma_start3A_1277 = arith.constant 0 : i32
      %dma_start3A_1278 = tpu.memref_slice %arg19[%add3A_1275, %dma_start3A_1276, %dma_start3A_1277] : memref<2048x4x128xf32, #tpu.memory_space<vmem_shared>> -> memref<8x4x128xf32, #tpu.memory_space<vmem_shared>>
      %dma_start3A_1279 = arith.constant 0 : i32
      %dma_start3A_1280 = arith.constant 0 : i32
      %dma_start3A_1281 = tpu.memref_slice %arg19[%add3A_1275, %dma_start3A_1279, %dma_start3A_1280] : memref<2048x4x128xf32, #tpu.memory_space<vmem_shared>> -> memref<8x4x128xf32, #tpu.memory_space<vmem_shared>>
      tpu.enqueue_dma source(%arg18 : memref<8x4x128xf32, #tpu.memory_space<vmem>>) target(%dma_start3A_1281 : memref<8x4x128xf32, #tpu.memory_space<vmem_shared>>) target_semaphore(%arg20 : memref<!tpu.dma_semaphore, #tpu.memory_space<semaphore_mem>>)
      %add3A_1282 = arith.constant 72 : i32
      %add3A_1283 = arith.addi %mul3A_1202, %add3A_1282 : i32
      %dma_start3A_1284 = arith.constant 0 : i32
      %dma_start3A_1285 = arith.constant 0 : i32
      %dma_start3A_1286 = tpu.memref_slice %arg19[%add3A_1283, %dma_start3A_1284, %dma_start3A_1285] : memref<2048x4x128xf32, #tpu.memory_space<vmem_shared>> -> memref<8x4x128xf32, #tpu.memory_space<vmem_shared>>
      %dma_start3A_1287 = arith.constant 0 : i32
      %dma_start3A_1288 = arith.constant 0 : i32
      %dma_start3A_1289 = tpu.memref_slice %arg19[%add3A_1283, %dma_start3A_1287, %dma_start3A_1288] : memref<2048x4x128xf32, #tpu.memory_space<vmem_shared>> -> memref<8x4x128xf32, #tpu.memory_space<vmem_shared>>
      tpu.enqueue_dma source(%arg18 : memref<8x4x128xf32, #tpu.memory_space<vmem>>) target(%dma_start3A_1289 : memref<8x4x128xf32, #tpu.memory_space<vmem_shared>>) target_semaphore(%arg20 : memref<!tpu.dma_semaphore, #tpu.memory_space<semaphore_mem>>)
      %add3A_1290 = arith.constant 80 : i32
      %add3A_1291 = arith.addi %mul3A_1202, %add3A_1290 : i32
      %dma_start3A_1292 = arith.constant 0 : i32
      %dma_start3A_1293 = arith.constant 0 : i32
      %dma_start3A_1294 = tpu.memref_slice %arg19[%add3A_1291, %dma_start3A_1292, %dma_start3A_1293] : memref<2048x4x128xf32, #tpu.memory_space<vmem_shared>> -> memref<8x4x128xf32, #tpu.memory_space<vmem_shared>>
      %dma_start3A_1295 = arith.constant 0 : i32
      %dma_start3A_1296 = arith.constant 0 : i32
      %dma_start3A_1297 = tpu.memref_slice %arg19[%add3A_1291, %dma_start3A_1295, %dma_start3A_1296] : memref<2048x4x128xf32, #tpu.memory_space<vmem_shared>> -> memref<8x4x128xf32, #tpu.memory_space<vmem_shared>>
      tpu.enqueue_dma source(%arg18 : memref<8x4x128xf32, #tpu.memory_space<vmem>>) target(%dma_start3A_1297 : memref<8x4x128xf32, #tpu.memory_space<vmem_shared>>) target_semaphore(%arg20 : memref<!tpu.dma_semaphore, #tpu.memory_space<semaphore_mem>>)
      %add3A_1298 = arith.constant 88 : i32
      %add3A_1299 = arith.addi %mul3A_1202, %add3A_1298 : i32
      %dma_start3A_1300 = arith.constant 0 : i32
      %dma_start3A_1301 = arith.constant 0 : i32
      %dma_start3A_1302 = tpu.memref_slice %arg19[%add3A_1299, %dma_start3A_1300, %dma_start3A_1301] : memref<2048x4x128xf32, #tpu.memory_space<vmem_shared>> -> memref<8x4x128xf32, #tpu.memory_space<vmem_shared>>
      %dma_start3A_1303 = arith.constant 0 : i32
      %dma_start3A_1304 = arith.constant 0 : i32
      %dma_start3A_1305 = tpu.memref_slice %arg19[%add3A_1299, %dma_start3A_1303, %dma_start3A_1304] : memref<2048x4x128xf32, #tpu.memory_space<vmem_shared>> -> memref<8x4x128xf32, #tpu.memory_space<vmem_shared>>
      tpu.enqueue_dma source(%arg18 : memref<8x4x128xf32, #tpu.memory_space<vmem>>) target(%dma_start3A_1305 : memref<8x4x128xf32, #tpu.memory_space<vmem_shared>>) target_semaphore(%arg20 : memref<!tpu.dma_semaphore, #tpu.memory_space<semaphore_mem>>)
      %add3A_1306 = arith.constant 96 : i32
      %add3A_1307 = arith.addi %mul3A_1202, %add3A_1306 : i32
      %dma_start3A_1308 = arith.constant 0 : i32
      %dma_start3A_1309 = arith.constant 0 : i32
      %dma_start3A_1310 = tpu.memref_slice %arg19[%add3A_1307, %dma_start3A_1308, %dma_start3A_1309] : memref<2048x4x128xf32, #tpu.memory_space<vmem_shared>> -> memref<8x4x128xf32, #tpu.memory_space<vmem_shared>>
      %dma_start3A_1311 = arith.constant 0 : i32
      %dma_start3A_1312 = arith.constant 0 : i32
      %dma_start3A_1313 = tpu.memref_slice %arg19[%add3A_1307, %dma_start3A_1311, %dma_start3A_1312] : memref<2048x4x128xf32, #tpu.memory_space<vmem_shared>> -> memref<8x4x128xf32, #tpu.memory_space<vmem_shared>>
      tpu.enqueue_dma source(%arg18 : memref<8x4x128xf32, #tpu.memory_space<vmem>>) target(%dma_start3A_1313 : memref<8x4x128xf32, #tpu.memory_space<vmem_shared>>) target_semaphore(%arg20 : memref<!tpu.dma_semaphore, #tpu.memory_space<semaphore_mem>>)
      %add3A_1314 = arith.constant 104 : i32
      %add3A_1315 = arith.addi %mul3A_1202, %add3A_1314 : i32
      %dma_start3A_1316 = arith.constant 0 : i32
      %dma_start3A_1317 = arith.constant 0 : i32
      %dma_start3A_1318 = tpu.memref_slice %arg19[%add3A_1315, %dma_start3A_1316, %dma_start3A_1317] : memref<2048x4x128xf32, #tpu.memory_space<vmem_shared>> -> memref<8x4x128xf32, #tpu.memory_space<vmem_shared>>
      %dma_start3A_1319 = arith.constant 0 : i32
      %dma_start3A_1320 = arith.constant 0 : i32
      %dma_start3A_1321 = tpu.memref_slice %arg19[%add3A_1315, %dma_start3A_1319, %dma_start3A_1320] : memref<2048x4x128xf32, #tpu.memory_space<vmem_shared>> -> memref<8x4x128xf32, #tpu.memory_space<vmem_shared>>
      tpu.enqueue_dma source(%arg18 : memref<8x4x128xf32, #tpu.memory_space<vmem>>) target(%dma_start3A_1321 : memref<8x4x128xf32, #tpu.memory_space<vmem_shared>>) target_semaphore(%arg20 : memref<!tpu.dma_semaphore, #tpu.memory_space<semaphore_mem>>)
      %add3A_1322 = arith.constant 112 : i32
      %add3A_1323 = arith.addi %mul3A_1202, %add3A_1322 : i32
      %dma_start3A_1324 = arith.constant 0 : i32
      %dma_start3A_1325 = arith.constant 0 : i32
      %dma_start3A_1326 = tpu.memref_slice %arg19[%add3A_1323, %dma_start3A_1324, %dma_start3A_1325] : memref<2048x4x128xf32, #tpu.memory_space<vmem_shared>> -> memref<8x4x128xf32, #tpu.memory_space<vmem_shared>>
      %dma_start3A_1327 = arith.constant 0 : i32
      %dma_start3A_1328 = arith.constant 0 : i32
      %dma_start3A_1329 = tpu.memref_slice %arg19[%add3A_1323, %dma_start3A_1327, %dma_start3A_1328] : memref<2048x4x128xf32, #tpu.memory_space<vmem_shared>> -> memref<8x4x128xf32, #tpu.memory_space<vmem_shared>>
      tpu.enqueue_dma source(%arg18 : memref<8x4x128xf32, #tpu.memory_space<vmem>>) target(%dma_start3A_1329 : memref<8x4x128xf32, #tpu.memory_space<vmem_shared>>) target_semaphore(%arg20 : memref<!tpu.dma_semaphore, #tpu.memory_space<semaphore_mem>>)
      %add3A_1330 = arith.constant 120 : i32
      %add3A_1331 = arith.addi %mul3A_1202, %add3A_1330 : i32
      %dma_start3A_1332 = arith.constant 0 : i32
      %dma_start3A_1333 = arith.constant 0 : i32
      %dma_start3A_1334 = tpu.memref_slice %arg19[%add3A_1331, %dma_start3A_1332, %dma_start3A_1333] : memref<2048x4x128xf32, #tpu.memory_space<vmem_shared>> -> memref<8x4x128xf32, #tpu.memory_space<vmem_shared>>
      %dma_start3A_1335 = arith.constant 0 : i32
      %dma_start3A_1336 = arith.constant 0 : i32
      %dma_start3A_1337 = tpu.memref_slice %arg19[%add3A_1331, %dma_start3A_1335, %dma_start3A_1336] : memref<2048x4x128xf32, #tpu.memory_space<vmem_shared>> -> memref<8x4x128xf32, #tpu.memory_space<vmem_shared>>
      tpu.enqueue_dma source(%arg18 : memref<8x4x128xf32, #tpu.memory_space<vmem>>) target(%dma_start3A_1337 : memref<8x4x128xf32, #tpu.memory_space<vmem_shared>>) target_semaphore(%arg20 : memref<!tpu.dma_semaphore, #tpu.memory_space<semaphore_mem>>)
      %dma_wait3A_1338 = arith.constant 0 : i32
      %dma_wait3A_1339 = arith.constant 0 : i32
      %dma_wait3A_1340 = tpu.memref_slice %arg19[%add3A_1211, %dma_wait3A_1338, %dma_wait3A_1339] : memref<2048x4x128xf32, #tpu.memory_space<vmem_shared>> -> memref<8x4x128xf32, #tpu.memory_space<vmem_shared>>
      %dma_wait3A_1341 = arith.constant 0 : i32
      %dma_wait3A_1342 = arith.constant 0 : i32
      %dma_wait3A_1343 = tpu.memref_slice %arg19[%add3A_1211, %dma_wait3A_1341, %dma_wait3A_1342] : memref<2048x4x128xf32, #tpu.memory_space<vmem_shared>> -> memref<8x4x128xf32, #tpu.memory_space<vmem_shared>>
      tpu.wait_dma2 semaphore(%arg20 : memref<!tpu.dma_semaphore, #tpu.memory_space<semaphore_mem>>) src(%arg18 : memref<8x4x128xf32, #tpu.memory_space<vmem>>) dst(%dma_wait3A_1343 : memref<8x4x128xf32, #tpu.memory_space<vmem_shared>>)
      %dma_wait3A_1344 = arith.constant 0 : i32
      %dma_wait3A_1345 = arith.constant 0 : i32
      %dma_wait3A_1346 = tpu.memref_slice %arg19[%add3A_1219, %dma_wait3A_1344, %dma_wait3A_1345] : memref<2048x4x128xf32, #tpu.memory_space<vmem_shared>> -> memref<8x4x128xf32, #tpu.memory_space<vmem_shared>>
      %dma_wait3A_1347 = arith.constant 0 : i32
      %dma_wait3A_1348 = arith.constant 0 : i32
      %dma_wait3A_1349 = tpu.memref_slice %arg19[%add3A_1219, %dma_wait3A_1347, %dma_wait3A_1348] : memref<2048x4x128xf32, #tpu.memory_space<vmem_shared>> -> memref<8x4x128xf32, #tpu.memory_space<vmem_shared>>
      tpu.wait_dma2 semaphore(%arg20 : memref<!tpu.dma_semaphore, #tpu.memory_space<semaphore_mem>>) src(%arg18 : memref<8x4x128xf32, #tpu.memory_space<vmem>>) dst(%dma_wait3A_1349 : memref<8x4x128xf32, #tpu.memory_space<vmem_shared>>)
      %dma_wait3A_1350 = arith.constant 0 : i32
      %dma_wait3A_1351 = arith.constant 0 : i32
      %dma_wait3A_1352 = tpu.memref_slice %arg19[%add3A_1227, %dma_wait3A_1350, %dma_wait3A_1351] : memref<2048x4x128xf32, #tpu.memory_space<vmem_shared>> -> memref<8x4x128xf32, #tpu.memory_space<vmem_shared>>
      %dma_wait3A_1353 = arith.constant 0 : i32
      %dma_wait3A_1354 = arith.constant 0 : i32
      %dma_wait3A_1355 = tpu.memref_slice %arg19[%add3A_1227, %dma_wait3A_1353, %dma_wait3A_1354] : memref<2048x4x128xf32, #tpu.memory_space<vmem_shared>> -> memref<8x4x128xf32, #tpu.memory_space<vmem_shared>>
      tpu.wait_dma2 semaphore(%arg20 : memref<!tpu.dma_semaphore, #tpu.memory_space<semaphore_mem>>) src(%arg18 : memref<8x4x128xf32, #tpu.memory_space<vmem>>) dst(%dma_wait3A_1355 : memref<8x4x128xf32, #tpu.memory_space<vmem_shared>>)
      %dma_wait3A_1356 = arith.constant 0 : i32
      %dma_wait3A_1357 = arith.constant 0 : i32
      %dma_wait3A_1358 = tpu.memref_slice %arg19[%add3A_1235, %dma_wait3A_1356, %dma_wait3A_1357] : memref<2048x4x128xf32, #tpu.memory_space<vmem_shared>> -> memref<8x4x128xf32, #tpu.memory_space<vmem_shared>>
      %dma_wait3A_1359 = arith.constant 0 : i32
      %dma_wait3A_1360 = arith.constant 0 : i32
      %dma_wait3A_1361 = tpu.memref_slice %arg19[%add3A_1235, %dma_wait3A_1359, %dma_wait3A_1360] : memref<2048x4x128xf32, #tpu.memory_space<vmem_shared>> -> memref<8x4x128xf32, #tpu.memory_space<vmem_shared>>
      tpu.wait_dma2 semaphore(%arg20 : memref<!tpu.dma_semaphore, #tpu.memory_space<semaphore_mem>>) src(%arg18 : memref<8x4x128xf32, #tpu.memory_space<vmem>>) dst(%dma_wait3A_1361 : memref<8x4x128xf32, #tpu.memory_space<vmem_shared>>)
      %dma_wait3A_1362 = arith.constant 0 : i32
      %dma_wait3A_1363 = arith.constant 0 : i32
      %dma_wait3A_1364 = tpu.memref_slice %arg19[%add3A_1243, %dma_wait3A_1362, %dma_wait3A_1363] : memref<2048x4x128xf32, #tpu.memory_space<vmem_shared>> -> memref<8x4x128xf32, #tpu.memory_space<vmem_shared>>
      %dma_wait3A_1365 = arith.constant 0 : i32
      %dma_wait3A_1366 = arith.constant 0 : i32
      %dma_wait3A_1367 = tpu.memref_slice %arg19[%add3A_1243, %dma_wait3A_1365, %dma_wait3A_1366] : memref<2048x4x128xf32, #tpu.memory_space<vmem_shared>> -> memref<8x4x128xf32, #tpu.memory_space<vmem_shared>>
      tpu.wait_dma2 semaphore(%arg20 : memref<!tpu.dma_semaphore, #tpu.memory_space<semaphore_mem>>) src(%arg18 : memref<8x4x128xf32, #tpu.memory_space<vmem>>) dst(%dma_wait3A_1367 : memref<8x4x128xf32, #tpu.memory_space<vmem_shared>>)
      %dma_wait3A_1368 = arith.constant 0 : i32
      %dma_wait3A_1369 = arith.constant 0 : i32
      %dma_wait3A_1370 = tpu.memref_slice %arg19[%add3A_1251, %dma_wait3A_1368, %dma_wait3A_1369] : memref<2048x4x128xf32, #tpu.memory_space<vmem_shared>> -> memref<8x4x128xf32, #tpu.memory_space<vmem_shared>>
      %dma_wait3A_1371 = arith.constant 0 : i32
      %dma_wait3A_1372 = arith.constant 0 : i32
      %dma_wait3A_1373 = tpu.memref_slice %arg19[%add3A_1251, %dma_wait3A_1371, %dma_wait3A_1372] : memref<2048x4x128xf32, #tpu.memory_space<vmem_shared>> -> memref<8x4x128xf32, #tpu.memory_space<vmem_shared>>
      tpu.wait_dma2 semaphore(%arg20 : memref<!tpu.dma_semaphore, #tpu.memory_space<semaphore_mem>>) src(%arg18 : memref<8x4x128xf32, #tpu.memory_space<vmem>>) dst(%dma_wait3A_1373 : memref<8x4x128xf32, #tpu.memory_space<vmem_shared>>)
      %dma_wait3A_1374 = arith.constant 0 : i32
      %dma_wait3A_1375 = arith.constant 0 : i32
      %dma_wait3A_1376 = tpu.memref_slice %arg19[%add3A_1259, %dma_wait3A_1374, %dma_wait3A_1375] : memref<2048x4x128xf32, #tpu.memory_space<vmem_shared>> -> memref<8x4x128xf32, #tpu.memory_space<vmem_shared>>
      %dma_wait3A_1377 = arith.constant 0 : i32
      %dma_wait3A_1378 = arith.constant 0 : i32
      %dma_wait3A_1379 = tpu.memref_slice %arg19[%add3A_1259, %dma_wait3A_1377, %dma_wait3A_1378] : memref<2048x4x128xf32, #tpu.memory_space<vmem_shared>> -> memref<8x4x128xf32, #tpu.memory_space<vmem_shared>>
      tpu.wait_dma2 semaphore(%arg20 : memref<!tpu.dma_semaphore, #tpu.memory_space<semaphore_mem>>) src(%arg18 : memref<8x4x128xf32, #tpu.memory_space<vmem>>) dst(%dma_wait3A_1379 : memref<8x4x128xf32, #tpu.memory_space<vmem_shared>>)
      %dma_wait3A_1380 = arith.constant 0 : i32
      %dma_wait3A_1381 = arith.constant 0 : i32
      %dma_wait3A_1382 = tpu.memref_slice %arg19[%add3A_1267, %dma_wait3A_1380, %dma_wait3A_1381] : memref<2048x4x128xf32, #tpu.memory_space<vmem_shared>> -> memref<8x4x128xf32, #tpu.memory_space<vmem_shared>>
      %dma_wait3A_1383 = arith.constant 0 : i32
      %dma_wait3A_1384 = arith.constant 0 : i32
      %dma_wait3A_1385 = tpu.memref_slice %arg19[%add3A_1267, %dma_wait3A_1383, %dma_wait3A_1384] : memref<2048x4x128xf32, #tpu.memory_space<vmem_shared>> -> memref<8x4x128xf32, #tpu.memory_space<vmem_shared>>
      tpu.wait_dma2 semaphore(%arg20 : memref<!tpu.dma_semaphore, #tpu.memory_space<semaphore_mem>>) src(%arg18 : memref<8x4x128xf32, #tpu.memory_space<vmem>>) dst(%dma_wait3A_1385 : memref<8x4x128xf32, #tpu.memory_space<vmem_shared>>)
      %dma_wait3A_1386 = arith.constant 0 : i32
      %dma_wait3A_1387 = arith.constant 0 : i32
      %dma_wait3A_1388 = tpu.memref_slice %arg19[%add3A_1275, %dma_wait3A_1386, %dma_wait3A_1387] : memref<2048x4x128xf32, #tpu.memory_space<vmem_shared>> -> memref<8x4x128xf32, #tpu.memory_space<vmem_shared>>
      %dma_wait3A_1389 = arith.constant 0 : i32
      %dma_wait3A_1390 = arith.constant 0 : i32
      %dma_wait3A_1391 = tpu.memref_slice %arg19[%add3A_1275, %dma_wait3A_1389, %dma_wait3A_1390] : memref<2048x4x128xf32, #tpu.memory_space<vmem_shared>> -> memref<8x4x128xf32, #tpu.memory_space<vmem_shared>>
      tpu.wait_dma2 semaphore(%arg20 : memref<!tpu.dma_semaphore, #tpu.memory_space<semaphore_mem>>) src(%arg18 : memref<8x4x128xf32, #tpu.memory_space<vmem>>) dst(%dma_wait3A_1391 : memref<8x4x128xf32, #tpu.memory_space<vmem_shared>>)
      %dma_wait3A_1392 = arith.constant 0 : i32
      %dma_wait3A_1393 = arith.constant 0 : i32
      %dma_wait3A_1394 = tpu.memref_slice %arg19[%add3A_1283, %dma_wait3A_1392, %dma_wait3A_1393] : memref<2048x4x128xf32, #tpu.memory_space<vmem_shared>> -> memref<8x4x128xf32, #tpu.memory_space<vmem_shared>>
      %dma_wait3A_1395 = arith.constant 0 : i32
      %dma_wait3A_1396 = arith.constant 0 : i32
      %dma_wait3A_1397 = tpu.memref_slice %arg19[%add3A_1283, %dma_wait3A_1395, %dma_wait3A_1396] : memref<2048x4x128xf32, #tpu.memory_space<vmem_shared>> -> memref<8x4x128xf32, #tpu.memory_space<vmem_shared>>
      tpu.wait_dma2 semaphore(%arg20 : memref<!tpu.dma_semaphore, #tpu.memory_space<semaphore_mem>>) src(%arg18 : memref<8x4x128xf32, #tpu.memory_space<vmem>>) dst(%dma_wait3A_1397 : memref<8x4x128xf32, #tpu.memory_space<vmem_shared>>)
      %dma_wait3A_1398 = arith.constant 0 : i32
      %dma_wait3A_1399 = arith.constant 0 : i32
      %dma_wait3A_1400 = tpu.memref_slice %arg19[%add3A_1291, %dma_wait3A_1398, %dma_wait3A_1399] : memref<2048x4x128xf32, #tpu.memory_space<vmem_shared>> -> memref<8x4x128xf32, #tpu.memory_space<vmem_shared>>
      %dma_wait3A_1401 = arith.constant 0 : i32
      %dma_wait3A_1402 = arith.constant 0 : i32
      %dma_wait3A_1403 = tpu.memref_slice %arg19[%add3A_1291, %dma_wait3A_1401, %dma_wait3A_1402] : memref<2048x4x128xf32, #tpu.memory_space<vmem_shared>> -> memref<8x4x128xf32, #tpu.memory_space<vmem_shared>>
      tpu.wait_dma2 semaphore(%arg20 : memref<!tpu.dma_semaphore, #tpu.memory_space<semaphore_mem>>) src(%arg18 : memref<8x4x128xf32, #tpu.memory_space<vmem>>) dst(%dma_wait3A_1403 : memref<8x4x128xf32, #tpu.memory_space<vmem_shared>>)
      %dma_wait3A_1404 = arith.constant 0 : i32
      %dma_wait3A_1405 = arith.constant 0 : i32
      %dma_wait3A_1406 = tpu.memref_slice %arg19[%add3A_1299, %dma_wait3A_1404, %dma_wait3A_1405] : memref<2048x4x128xf32, #tpu.memory_space<vmem_shared>> -> memref<8x4x128xf32, #tpu.memory_space<vmem_shared>>
      %dma_wait3A_1407 = arith.constant 0 : i32
      %dma_wait3A_1408 = arith.constant 0 : i32
      %dma_wait3A_1409 = tpu.memref_slice %arg19[%add3A_1299, %dma_wait3A_1407, %dma_wait3A_1408] : memref<2048x4x128xf32, #tpu.memory_space<vmem_shared>> -> memref<8x4x128xf32, #tpu.memory_space<vmem_shared>>
      tpu.wait_dma2 semaphore(%arg20 : memref<!tpu.dma_semaphore, #tpu.memory_space<semaphore_mem>>) src(%arg18 : memref<8x4x128xf32, #tpu.memory_space<vmem>>) dst(%dma_wait3A_1409 : memref<8x4x128xf32, #tpu.memory_space<vmem_shared>>)
      %dma_wait3A_1410 = arith.constant 0 : i32
      %dma_wait3A_1411 = arith.constant 0 : i32
      %dma_wait3A_1412 = tpu.memref_slice %arg19[%add3A_1307, %dma_wait3A_1410, %dma_wait3A_1411] : memref<2048x4x128xf32, #tpu.memory_space<vmem_shared>> -> memref<8x4x128xf32, #tpu.memory_space<vmem_shared>>
      %dma_wait3A_1413 = arith.constant 0 : i32
      %dma_wait3A_1414 = arith.constant 0 : i32
      %dma_wait3A_1415 = tpu.memref_slice %arg19[%add3A_1307, %dma_wait3A_1413, %dma_wait3A_1414] : memref<2048x4x128xf32, #tpu.memory_space<vmem_shared>> -> memref<8x4x128xf32, #tpu.memory_space<vmem_shared>>
      tpu.wait_dma2 semaphore(%arg20 : memref<!tpu.dma_semaphore, #tpu.memory_space<semaphore_mem>>) src(%arg18 : memref<8x4x128xf32, #tpu.memory_space<vmem>>) dst(%dma_wait3A_1415 : memref<8x4x128xf32, #tpu.memory_space<vmem_shared>>)
      %dma_wait3A_1416 = arith.constant 0 : i32
      %dma_wait3A_1417 = arith.constant 0 : i32
      %dma_wait3A_1418 = tpu.memref_slice %arg19[%add3A_1315, %dma_wait3A_1416, %dma_wait3A_1417] : memref<2048x4x128xf32, #tpu.memory_space<vmem_shared>> -> memref<8x4x128xf32, #tpu.memory_space<vmem_shared>>
      %dma_wait3A_1419 = arith.constant 0 : i32
      %dma_wait3A_1420 = arith.constant 0 : i32
      %dma_wait3A_1421 = tpu.memref_slice %arg19[%add3A_1315, %dma_wait3A_1419, %dma_wait3A_1420] : memref<2048x4x128xf32, #tpu.memory_space<vmem_shared>> -> memref<8x4x128xf32, #tpu.memory_space<vmem_shared>>
      tpu.wait_dma2 semaphore(%arg20 : memref<!tpu.dma_semaphore, #tpu.memory_space<semaphore_mem>>) src(%arg18 : memref<8x4x128xf32, #tpu.memory_space<vmem>>) dst(%dma_wait3A_1421 : memref<8x4x128xf32, #tpu.memory_space<vmem_shared>>)
      %dma_wait3A_1422 = arith.constant 0 : i32
      %dma_wait3A_1423 = arith.constant 0 : i32
      %dma_wait3A_1424 = tpu.memref_slice %arg19[%add3A_1323, %dma_wait3A_1422, %dma_wait3A_1423] : memref<2048x4x128xf32, #tpu.memory_space<vmem_shared>> -> memref<8x4x128xf32, #tpu.memory_space<vmem_shared>>
      %dma_wait3A_1425 = arith.constant 0 : i32
      %dma_wait3A_1426 = arith.constant 0 : i32
      %dma_wait3A_1427 = tpu.memref_slice %arg19[%add3A_1323, %dma_wait3A_1425, %dma_wait3A_1426] : memref<2048x4x128xf32, #tpu.memory_space<vmem_shared>> -> memref<8x4x128xf32, #tpu.memory_space<vmem_shared>>
      tpu.wait_dma2 semaphore(%arg20 : memref<!tpu.dma_semaphore, #tpu.memory_space<semaphore_mem>>) src(%arg18 : memref<8x4x128xf32, #tpu.memory_space<vmem>>) dst(%dma_wait3A_1427 : memref<8x4x128xf32, #tpu.memory_space<vmem_shared>>)
      %dma_wait3A_1428 = arith.constant 0 : i32
      %dma_wait3A_1429 = arith.constant 0 : i32
      %dma_wait3A_1430 = tpu.memref_slice %arg19[%add3A_1331, %dma_wait3A_1428, %dma_wait3A_1429] : memref<2048x4x128xf32, #tpu.memory_space<vmem_shared>> -> memref<8x4x128xf32, #tpu.memory_space<vmem_shared>>
      %dma_wait3A_1431 = arith.constant 0 : i32
      %dma_wait3A_1432 = arith.constant 0 : i32
      %dma_wait3A_1433 = tpu.memref_slice %arg19[%add3A_1331, %dma_wait3A_1431, %dma_wait3A_1432] : memref<2048x4x128xf32, #tpu.memory_space<vmem_shared>> -> memref<8x4x128xf32, #tpu.memory_space<vmem_shared>>
      tpu.wait_dma2 semaphore(%arg20 : memref<!tpu.dma_semaphore, #tpu.memory_space<semaphore_mem>>) src(%arg18 : memref<8x4x128xf32, #tpu.memory_space<vmem>>) dst(%dma_wait3A_1433 : memref<8x4x128xf32, #tpu.memory_space<vmem_shared>>)
      %barrier3A = arith.constant 0 : index
      tpu.barrier barrier_id(%barrier3A)
      %broadcast_in_dim3A_1434 = arith.constant 8192 : i32
      %broadcast_in_dim3A_1435 = vector.broadcast %broadcast_in_dim3A_1434 : i32 to vector<16xi32>
      %add3A_1436 = arith.constant 0 : i32
      %add3A_1437 = arith.addi %parallel_loop3A_1207, %add3A_1436 : i32
      %swap3A = arith.index_cast %add3A_1437 : i32 to index
      %swap3A_1438 = tpu.vector_load %arg11[%swap3A] {strides = array<i32>} : memref<8256xi32, #tpu.memory_space<vmem>>, vector<16xi32>,
      tpu.vector_store %arg11[%swap3A], %broadcast_in_dim3A_1435 {strides = array<i32>} : memref<8256xi32, #tpu.memory_space<vmem>>, vector<16xi32>,
      %add3A_1439 = arith.constant 16 : i32
      %add3A_1440 = arith.addi %parallel_loop3A_1207, %add3A_1439 : i32
      %swap3A_1441 = arith.index_cast %add3A_1440 : i32 to index
      %swap3A_1442 = tpu.vector_load %arg11[%swap3A_1441] {strides = array<i32>} : memref<8256xi32, #tpu.memory_space<vmem>>, vector<16xi32>,
      tpu.vector_store %arg11[%swap3A_1441], %broadcast_in_dim3A_1435 {strides = array<i32>} : memref<8256xi32, #tpu.memory_space<vmem>>, vector<16xi32>,
      %add3A_1443 = arith.constant 32 : i32
      %add3A_1444 = arith.addi %parallel_loop3A_1207, %add3A_1443 : i32
      %swap3A_1445 = arith.index_cast %add3A_1444 : i32 to index
      %swap3A_1446 = tpu.vector_load %arg11[%swap3A_1445] {strides = array<i32>} : memref<8256xi32, #tpu.memory_space<vmem>>, vector<16xi32>,
      tpu.vector_store %arg11[%swap3A_1445], %broadcast_in_dim3A_1435 {strides = array<i32>} : memref<8256xi32, #tpu.memory_space<vmem>>, vector<16xi32>,
      %add3A_1447 = arith.constant 48 : i32
      %add3A_1448 = arith.addi %parallel_loop3A_1207, %add3A_1447 : i32
      %swap3A_1449 = arith.index_cast %add3A_1448 : i32 to index
      %swap3A_1450 = tpu.vector_load %arg11[%swap3A_1449] {strides = array<i32>} : memref<8256xi32, #tpu.memory_space<vmem>>, vector<16xi32>,
      tpu.vector_store %arg11[%swap3A_1449], %broadcast_in_dim3A_1435 {strides = array<i32>} : memref<8256xi32, #tpu.memory_space<vmem>>, vector<16xi32>,
      %add3A_1451 = arith.constant 64 : i32
      %add3A_1452 = arith.addi %parallel_loop3A_1207, %add3A_1451 : i32
      %sub3A = arith.constant 1 : i32
      %sub3A_1453 = arith.subi %add3A_1452, %sub3A : i32
      %jit3A = arith.constant 64 : i32
      %div3A = arith.divsi %sub3A_1453, %jit3A : i32
      %sign3A = arith.constant 0 : i32
      %sign3A_1454 = arith.cmpi sgt, %sub3A_1453, %sign3A : i32
      %sign3A_1455 = arith.extui %sign3A_1454 : i1 to i32
      %sign3A_1456 = arith.constant 0 : i32
      %sign3A_1457 = arith.cmpi slt, %sub3A_1453, %sign3A_1456 : i32
      %sign3A_1458 = arith.extui %sign3A_1457 : i1 to i32
      %sign3A_1459 = arith.subi %sign3A_1455, %sign3A_1458 : i32
      %sign3A_1460 = arith.constant 0 : i32
      %sign3A_1461 = arith.cmpi sgt, %jit3A, %sign3A_1460 : i32
      %sign3A_1462 = arith.extui %sign3A_1461 : i1 to i32
      %sign3A_1463 = arith.constant 0 : i32
      %sign3A_1464 = arith.cmpi slt, %jit3A, %sign3A_1463 : i32
      %sign3A_1465 = arith.extui %sign3A_1464 : i1 to i32
      %sign3A_1466 = arith.subi %sign3A_1462, %sign3A_1465 : i32
      %ne3A = arith.cmpi ne, %sign3A_1459, %sign3A_1466 : i32
      %rem3A = arith.remsi %sub3A_1453, %jit3A : i32
      %ne3A_1467 = arith.constant 0 : i32
      %ne3A_1468 = arith.cmpi ne, %rem3A, %ne3A_1467 : i32
      %and3A = arith.andi %ne3A, %ne3A_1468 : i1
      %sub3A_1469 = arith.constant 1 : i32
      %sub3A_1470 = arith.subi %div3A, %sub3A_1469 : i32
      %select_n3A = arith.select %and3A, %sub3A_1470, %div3A : i32
      %while3A = arith.constant 0 : i32
      %while3A_1471 = arith.constant 0 : i32
      %while3A_1472 = arith.subi %select_n3A, %while3A : i32
      %while3A_1473 = arith.addi %while3A, %while3A_1472 : i32
      %while3A_1474 = arith.constant 1 : i32
      %while3A_1475 = arith.divsi %while3A_1472, %while3A_1474 : i32
      %while3A_1476 = arith.muli %while3A_1475, %while3A_1474 : i32
      %while3A_1477 = arith.addi %while3A, %while3A_1476 : i32
      %while3A_1478 = arith.constant 1 : i32
      %while3A_1479 = scf.for %while3A_1491 = %while3A to %while3A_1477 step %while3A_1478 iter_args(%while3A_1492 = %while3A_1471) -> (i32)  : i32 {
        %mul3A_1493 = arith.constant 2 : i32
        %mul3A_1494 = arith.muli %mul3A_1493, %while3A_1491 : i32
        %mul3A_1495 = arith.constant 32 : i32
        %mul3A_1496 = arith.muli %mul3A_1494, %mul3A_1495 : i32
        %get3A = arith.index_cast %mul3A_1496 : i32 to index
        %get3A_1497 = tpu.vector_load %arg11[%get3A] {strides = array<i32>} : memref<8256xi32, #tpu.memory_space<vmem>>, vector<16xi32>,
        %mul3A_1498 = arith.constant 32 : i32
        %mul3A_1499 = arith.muli %mul3A_1494, %mul3A_1498 : i32
        %add3A_1500 = arith.constant 16 : i32
        %add3A_1501 = arith.addi %mul3A_1499, %add3A_1500 : i32
        %get3A_1502 = arith.index_cast %add3A_1501 : i32 to index
        %get3A_1503 = tpu.vector_load %arg11[%get3A_1502] {strides = array<i32>} : memref<8256xi32, #tpu.memory_space<vmem>>, vector<16xi32>,
        %ge3A = arith.constant 8192 : i32
        %ge3A_1504 = vector.broadcast %ge3A : i32 to vector<16xi32>
        %ge3A_1505 = arith.cmpi sge, %get3A_1497, %ge3A_1504 : vector<16xi32>
        %jit3A_1506 = arith.constant 0 : i32
        %broadcast_in_dim3A_1507 = vector.broadcast %jit3A_1506 : i32 to vector<16xi32>
        %select_n3A_1508 = arith.select %ge3A_1505, %broadcast_in_dim3A_1507, %get3A_1497 : vector<16xi1>, vector<16xi32>
        %gather3A = tpu.vector_load_idx %arg9[%select_n3A_1508] : memref<8192xi32, #tpu.memory_space<vmem>>[vector<16xi32>], vector<16xi32>,
        %gather3A_1509 = tpu.vector_load_idx %arg10[%select_n3A_1508] : memref<8192xf32, #tpu.memory_space<vmem>>[vector<16xi32>], vector<16xf32>,
        %jit3A_1510 = arith.constant 0.000000e+00 : f32
        %broadcast_in_dim3A_1511 = vector.broadcast %jit3A_1510 : f32 to vector<16xf32>
        %select_n3A_1512 = arith.select %ge3A_1505, %broadcast_in_dim3A_1511, %gather3A_1509 : vector<16xi1>, vector<16xf32>
        %shift_right_logical3A = arith.constant 15 : i32
        %shift_right_logical3A_1513 = vector.broadcast %shift_right_logical3A : i32 to vector<16xi32>
        %shift_right_logical3A_1514 = arith.shrui %gather3A, %shift_right_logical3A_1513 : vector<16xi32>
        %sub3A_1515 = vector.broadcast %mul3A_1200 : i32 to vector<16xi32>
        %sub3A_1516 = arith.subi %shift_right_logical3A_1514, %sub3A_1515 : vector<16xi32>
        %jit3A_1517 = arith.constant 0 : i32
        %jit3A_1518 = arith.constant 2047 : i32
        %max3A = vector.broadcast %jit3A_1517 : i32 to vector<16xi32>
        %max3A_1519 = arith.maxsi %max3A, %sub3A_1516 : vector<16xi32>
        %min3A = vector.broadcast %jit3A_1518 : i32 to vector<16xi32>
        %min3A_1520 = arith.minsi %min3A, %max3A_1519 : vector<16xi32>
        %and3A_1521 = arith.constant 32767 : i32
        %and3A_1522 = vector.broadcast %and3A_1521 : i32 to vector<16xi32>
        %and3A_1523 = arith.andi %gather3A, %and3A_1522 : vector<16xi32>
        %swap3A_1524 = arith.constant 0 : index
        %swap3A_1525 = tpu.vector_load %arg12[%swap3A_1524] {strides = array<i32>} : memref<32xi32, #tpu.memory_space<vmem>>, vector<16xi32>,
        tpu.vector_store %arg12[%swap3A_1524], %and3A_1523 {strides = array<i32>} : memref<32xi32, #tpu.memory_space<vmem>>, vector<16xi32>,
        %swap3A_1526 = arith.constant 0 : index
        %swap3A_1527 = tpu.vector_load %arg13[%swap3A_1526] {strides = array<i32>} : memref<32xi32, #tpu.memory_space<vmem>>, vector<16xi32>,
        tpu.vector_store %arg13[%swap3A_1526], %min3A_1520 {strides = array<i32>} : memref<32xi32, #tpu.memory_space<vmem>>, vector<16xi32>,
        %ge3A_1528 = arith.constant 8192 : i32
        %ge3A_1529 = vector.broadcast %ge3A_1528 : i32 to vector<16xi32>
        %ge3A_1530 = arith.cmpi sge, %get3A_1503, %ge3A_1529 : vector<16xi32>
        %jit3A_1531 = arith.constant 0 : i32
        %broadcast_in_dim3A_1532 = vector.broadcast %jit3A_1531 : i32 to vector<16xi32>
        %select_n3A_1533 = arith.select %ge3A_1530, %broadcast_in_dim3A_1532, %get3A_1503 : vector<16xi1>, vector<16xi32>
        %gather3A_1534 = tpu.vector_load_idx %arg9[%select_n3A_1533] : memref<8192xi32, #tpu.memory_space<vmem>>[vector<16xi32>], vector<16xi32>,
        %gather3A_1535 = tpu.vector_load_idx %arg10[%select_n3A_1533] : memref<8192xf32, #tpu.memory_space<vmem>>[vector<16xi32>], vector<16xf32>,
        %jit3A_1536 = arith.constant 0.000000e+00 : f32
        %broadcast_in_dim3A_1537 = vector.broadcast %jit3A_1536 : f32 to vector<16xf32>
        %select_n3A_1538 = arith.select %ge3A_1530, %broadcast_in_dim3A_1537, %gather3A_1535 : vector<16xi1>, vector<16xf32>
        %shift_right_logical3A_1539 = arith.constant 15 : i32
        %shift_right_logical3A_1540 = vector.broadcast %shift_right_logical3A_1539 : i32 to vector<16xi32>
        %shift_right_logical3A_1541 = arith.shrui %gather3A_1534, %shift_right_logical3A_1540 : vector<16xi32>
        %sub3A_1542 = vector.broadcast %mul3A_1200 : i32 to vector<16xi32>
        %sub3A_1543 = arith.subi %shift_right_logical3A_1541, %sub3A_1542 : vector<16xi32>
        %jit3A_1544 = arith.constant 0 : i32
        %jit3A_1545 = arith.constant 2047 : i32
        %max3A_1546 = vector.broadcast %jit3A_1544 : i32 to vector<16xi32>
        %max3A_1547 = arith.maxsi %max3A_1546, %sub3A_1543 : vector<16xi32>
        %min3A_1548 = vector.broadcast %jit3A_1545 : i32 to vector<16xi32>
        %min3A_1549 = arith.minsi %min3A_1548, %max3A_1547 : vector<16xi32>
        %and3A_1550 = arith.constant 32767 : i32
        %and3A_1551 = vector.broadcast %and3A_1550 : i32 to vector<16xi32>
        %and3A_1552 = arith.andi %gather3A_1534, %and3A_1551 : vector<16xi32>
        %swap3A_1553 = arith.constant 16 : index
        %swap3A_1554 = tpu.vector_load %arg12[%swap3A_1553] {strides = array<i32>} : memref<32xi32, #tpu.memory_space<vmem>>, vector<16xi32>,
        tpu.vector_store %arg12[%swap3A_1553], %and3A_1552 {strides = array<i32>} : memref<32xi32, #tpu.memory_space<vmem>>, vector<16xi32>,
        %swap3A_1555 = arith.constant 16 : index
        %swap3A_1556 = tpu.vector_load %arg13[%swap3A_1555] {strides = array<i32>} : memref<32xi32, #tpu.memory_space<vmem>>, vector<16xi32>,
        tpu.vector_store %arg13[%swap3A_1555], %min3A_1549 {strides = array<i32>} : memref<32xi32, #tpu.memory_space<vmem>>, vector<16xi32>,
        %dma_start3A_1557 = arith.constant 0 : i32
        %dma_start3A_1558 = arith.constant 0 : i32
        %dma_start3A_1559 = arith.constant 0 : i32
        %dma_start3A_1560 = tpu.memref_slice %arg2[%dma_start3A_1557, %dma_start3A_1558, %dma_start3A_1559] : memref<32768x4x128xf32, #tpu.memory_space<hbm>> -> memref<32768x4x128xf32, #tpu.memory_space<hbm>>
        tpu.enqueue_indirect_dma source(%dma_start3A_1560 : memref<32768x4x128xf32, #tpu.memory_space<hbm>>) target(%arg16 : memref<32x4x128xf32, #tpu.memory_space<vmem>>) offsets(%arg12 : memref<32xi32, #tpu.memory_space<vmem>>) semaphore(%arg20 : memref<!tpu.dma_semaphore, #tpu.memory_space<semaphore_mem>>)
        %mul3A_1561 = arith.constant 2 : i32
        %mul3A_1562 = arith.muli %mul3A_1561, %while3A_1491 : i32
        %add3A_1563 = arith.constant 1 : i32
        %add3A_1564 = arith.addi %mul3A_1562, %add3A_1563 : i32
        %mul3A_1565 = arith.constant 32 : i32
        %mul3A_1566 = arith.muli %add3A_1564, %mul3A_1565 : i32
        %get3A_1567 = arith.index_cast %mul3A_1566 : i32 to index
        %get3A_1568 = tpu.vector_load %arg11[%get3A_1567] {strides = array<i32>} : memref<8256xi32, #tpu.memory_space<vmem>>, vector<16xi32>,
        %mul3A_1569 = arith.constant 32 : i32
        %mul3A_1570 = arith.muli %add3A_1564, %mul3A_1569 : i32
        %add3A_1571 = arith.constant 16 : i32
        %add3A_1572 = arith.addi %mul3A_1570, %add3A_1571 : i32
        %get3A_1573 = arith.index_cast %add3A_1572 : i32 to index
        %get3A_1574 = tpu.vector_load %arg11[%get3A_1573] {strides = array<i32>} : memref<8256xi32, #tpu.memory_space<vmem>>, vector<16xi32>,
        %ge3A_1575 = arith.constant 8192 : i32
        %ge3A_1576 = vector.broadcast %ge3A_1575 : i32 to vector<16xi32>
        %ge3A_1577 = arith.cmpi sge, %get3A_1568, %ge3A_1576 : vector<16xi32>
        %jit3A_1578 = arith.constant 0 : i32
        %broadcast_in_dim3A_1579 = vector.broadcast %jit3A_1578 : i32 to vector<16xi32>
        %select_n3A_1580 = arith.select %ge3A_1577, %broadcast_in_dim3A_1579, %get3A_1568 : vector<16xi1>, vector<16xi32>
        %gather3A_1581 = tpu.vector_load_idx %arg9[%select_n3A_1580] : memref<8192xi32, #tpu.memory_space<vmem>>[vector<16xi32>], vector<16xi32>,
        %gather3A_1582 = tpu.vector_load_idx %arg10[%select_n3A_1580] : memref<8192xf32, #tpu.memory_space<vmem>>[vector<16xi32>], vector<16xf32>,
        %jit3A_1583 = arith.constant 0.000000e+00 : f32
        %broadcast_in_dim3A_1584 = vector.broadcast %jit3A_1583 : f32 to vector<16xf32>
        %select_n3A_1585 = arith.select %ge3A_1577, %broadcast_in_dim3A_1584, %gather3A_1582 : vector<16xi1>, vector<16xf32>
        %shift_right_logical3A_1586 = arith.constant 15 : i32
        %shift_right_logical3A_1587 = vector.broadcast %shift_right_logical3A_1586 : i32 to vector<16xi32>
        %shift_right_logical3A_1588 = arith.shrui %gather3A_1581, %shift_right_logical3A_1587 : vector<16xi32>
        %sub3A_1589 = vector.broadcast %mul3A_1200 : i32 to vector<16xi32>
        %sub3A_1590 = arith.subi %shift_right_logical3A_1588, %sub3A_1589 : vector<16xi32>
        %jit3A_1591 = arith.constant 0 : i32
        %jit3A_1592 = arith.constant 2047 : i32
        %max3A_1593 = vector.broadcast %jit3A_1591 : i32 to vector<16xi32>
        %max3A_1594 = arith.maxsi %max3A_1593, %sub3A_1590 : vector<16xi32>
        %min3A_1595 = vector.broadcast %jit3A_1592 : i32 to vector<16xi32>
        %min3A_1596 = arith.minsi %min3A_1595, %max3A_1594 : vector<16xi32>
        %and3A_1597 = arith.constant 32767 : i32
        %and3A_1598 = vector.broadcast %and3A_1597 : i32 to vector<16xi32>
        %and3A_1599 = arith.andi %gather3A_1581, %and3A_1598 : vector<16xi32>
        %swap3A_1600 = arith.constant 0 : index
        %swap3A_1601 = tpu.vector_load %arg14[%swap3A_1600] {strides = array<i32>} : memref<32xi32, #tpu.memory_space<vmem>>, vector<16xi32>,
        tpu.vector_store %arg14[%swap3A_1600], %and3A_1599 {strides = array<i32>} : memref<32xi32, #tpu.memory_space<vmem>>, vector<16xi32>,
        %swap3A_1602 = arith.constant 0 : index
        %swap3A_1603 = tpu.vector_load %arg15[%swap3A_1602] {strides = array<i32>} : memref<32xi32, #tpu.memory_space<vmem>>, vector<16xi32>,
        tpu.vector_store %arg15[%swap3A_1602], %min3A_1596 {strides = array<i32>} : memref<32xi32, #tpu.memory_space<vmem>>, vector<16xi32>,
        %ge3A_1604 = arith.constant 8192 : i32
        %ge3A_1605 = vector.broadcast %ge3A_1604 : i32 to vector<16xi32>
        %ge3A_1606 = arith.cmpi sge, %get3A_1574, %ge3A_1605 : vector<16xi32>
        %jit3A_1607 = arith.constant 0 : i32
        %broadcast_in_dim3A_1608 = vector.broadcast %jit3A_1607 : i32 to vector<16xi32>
        %select_n3A_1609 = arith.select %ge3A_1606, %broadcast_in_dim3A_1608, %get3A_1574 : vector<16xi1>, vector<16xi32>
        %gather3A_1610 = tpu.vector_load_idx %arg9[%select_n3A_1609] : memref<8192xi32, #tpu.memory_space<vmem>>[vector<16xi32>], vector<16xi32>,
        %gather3A_1611 = tpu.vector_load_idx %arg10[%select_n3A_1609] : memref<8192xf32, #tpu.memory_space<vmem>>[vector<16xi32>], vector<16xf32>,
        %jit3A_1612 = arith.constant 0.000000e+00 : f32
        %broadcast_in_dim3A_1613 = vector.broadcast %jit3A_1612 : f32 to vector<16xf32>
        %select_n3A_1614 = arith.select %ge3A_1606, %broadcast_in_dim3A_1613, %gather3A_1611 : vector<16xi1>, vector<16xf32>
        %shift_right_logical3A_1615 = arith.constant 15 : i32
        %shift_right_logical3A_1616 = vector.broadcast %shift_right_logical3A_1615 : i32 to vector<16xi32>
        %shift_right_logical3A_1617 = arith.shrui %gather3A_1610, %shift_right_logical3A_1616 : vector<16xi32>
        %sub3A_1618 = vector.broadcast %mul3A_1200 : i32 to vector<16xi32>
        %sub3A_1619 = arith.subi %shift_right_logical3A_1617, %sub3A_1618 : vector<16xi32>
        %jit3A_1620 = arith.constant 0 : i32
        %jit3A_1621 = arith.constant 2047 : i32
        %max3A_1622 = vector.broadcast %jit3A_1620 : i32 to vector<16xi32>
        %max3A_1623 = arith.maxsi %max3A_1622, %sub3A_1619 : vector<16xi32>
        %min3A_1624 = vector.broadcast %jit3A_1621 : i32 to vector<16xi32>
        %min3A_1625 = arith.minsi %min3A_1624, %max3A_1623 : vector<16xi32>
        %and3A_1626 = arith.constant 32767 : i32
        %and3A_1627 = vector.broadcast %and3A_1626 : i32 to vector<16xi32>
        %and3A_1628 = arith.andi %gather3A_1610, %and3A_1627 : vector<16xi32>
        %swap3A_1629 = arith.constant 16 : index
        %swap3A_1630 = tpu.vector_load %arg14[%swap3A_1629] {strides = array<i32>} : memref<32xi32, #tpu.memory_space<vmem>>, vector<16xi32>,
        tpu.vector_store %arg14[%swap3A_1629], %and3A_1628 {strides = array<i32>} : memref<32xi32, #tpu.memory_space<vmem>>, vector<16xi32>,
        %swap3A_1631 = arith.constant 16 : index
        %swap3A_1632 = tpu.vector_load %arg15[%swap3A_1631] {strides = array<i32>} : memref<32xi32, #tpu.memory_space<vmem>>, vector<16xi32>,
        tpu.vector_store %arg15[%swap3A_1631], %min3A_1625 {strides = array<i32>} : memref<32xi32, #tpu.memory_space<vmem>>, vector<16xi32>,
        %dma_start3A_1633 = arith.constant 0 : i32
        %dma_start3A_1634 = arith.constant 0 : i32
        %dma_start3A_1635 = arith.constant 0 : i32
        %dma_start3A_1636 = tpu.memref_slice %arg2[%dma_start3A_1633, %dma_start3A_1634, %dma_start3A_1635] : memref<32768x4x128xf32, #tpu.memory_space<hbm>> -> memref<32768x4x128xf32, #tpu.memory_space<hbm>>
        tpu.enqueue_indirect_dma source(%dma_start3A_1636 : memref<32768x4x128xf32, #tpu.memory_space<hbm>>) target(%arg17 : memref<32x4x128xf32, #tpu.memory_space<vmem>>) offsets(%arg14 : memref<32xi32, #tpu.memory_space<vmem>>) semaphore(%arg21 : memref<!tpu.dma_semaphore, #tpu.memory_space<semaphore_mem>>)
        %dma_wait3A_1637 = arith.constant 0 : i32
        %dma_wait3A_1638 = arith.constant 0 : i32
        %dma_wait3A_1639 = arith.constant 0 : i32
        %dma_wait3A_1640 = tpu.memref_slice %arg2[%dma_wait3A_1637, %dma_wait3A_1638, %dma_wait3A_1639] : memref<32768x4x128xf32, #tpu.memory_space<hbm>> -> memref<32768x4x128xf32, #tpu.memory_space<hbm>>
        tpu.wait_indirect_dma semaphore(%arg20 : memref<!tpu.dma_semaphore, #tpu.memory_space<semaphore_mem>>) src(%dma_wait3A_1640 : memref<32768x4x128xf32, #tpu.memory_space<hbm>>) dst(%arg16 : memref<32x4x128xf32, #tpu.memory_space<vmem>>)
        %add3A_1641 = arith.constant 0 : i32
        %add3A_1642 = vector.broadcast %add3A_1641 : i32 to vector<16xi32>
        %add3A_1643 = arith.addi %iota3A, %add3A_1642 : vector<16xi32>
        %parallel_loop3A_1644 = arith.constant 0 : i32
        %parallel_loop3A_1645 = arith.constant 512 : i32
        %parallel_loop3A_1646 = arith.constant 1 : i32
        scf.for %parallel_loop3A_1686 = %parallel_loop3A_1644 to %parallel_loop3A_1645 step %parallel_loop3A_1646  : i32 {
          %parallel_loop3A_1687 = vector.broadcast %parallel_loop3A_1686 : i32 to vector<16xi32>
          %parallel_loop3A_1688 = arith.addi %parallel_loop3A_1687, %iota3A : vector<16xi32>
          %parallel_loop3A_1689 = arith.constant 511 : i32
          %parallel_loop3A_1690 = vector.broadcast %parallel_loop3A_1689 : i32 to vector<16xi32>
          %parallel_loop3A_1691 = arith.andi %parallel_loop3A_1688, %parallel_loop3A_1690 : vector<16xi32>
          %parallel_loop3A_1692 = arith.constant 7 : i32
          %parallel_loop3A_1693 = vector.broadcast %parallel_loop3A_1692 : i32 to vector<16xi32>
          %parallel_loop3A_1694 = arith.shrui %parallel_loop3A_1691, %parallel_loop3A_1693 : vector<16xi32>
          %parallel_loop3A_1695 = arith.constant 127 : i32
          %parallel_loop3A_1696 = vector.broadcast %parallel_loop3A_1695 : i32 to vector<16xi32>
          %parallel_loop3A_1697 = arith.andi %parallel_loop3A_1691, %parallel_loop3A_1696 : vector<16xi32>
          %parallel_loop3A_1698 = tpu.vector_load_idx %arg16[%add3A_1643, %parallel_loop3A_1694, %parallel_loop3A_1697] : memref<32x4x128xf32, #tpu.memory_space<vmem>>[vector<16xi32>, vector<16xi32>, vector<16xi32>], vector<16xf32>,
          %parallel_loop3A_1699 = arith.mulf %parallel_loop3A_1698, %select_n3A_1512 : vector<16xf32>
          tpu.vector_store_idx %arg16[%add3A_1643, %parallel_loop3A_1694, %parallel_loop3A_1697], %parallel_loop3A_1699 : memref<32x4x128xf32, #tpu.memory_space<vmem>>[vector<16xi32>, vector<16xi32>, vector<16xi32>], vector<16xf32>,
        } {sc.loop_unroll_factor = 8 : i64, sc.parallel_access}
        %add3A_1647 = arith.constant 16 : i32
        %add3A_1648 = vector.broadcast %add3A_1647 : i32 to vector<16xi32>
        %add3A_1649 = arith.addi %iota3A, %add3A_1648 : vector<16xi32>
        %parallel_loop3A_1650 = arith.constant 0 : i32
        %parallel_loop3A_1651 = arith.constant 512 : i32
        %parallel_loop3A_1652 = arith.constant 1 : i32
        scf.for %parallel_loop3A_1686 = %parallel_loop3A_1650 to %parallel_loop3A_1651 step %parallel_loop3A_1652  : i32 {
          %parallel_loop3A_1687 = vector.broadcast %parallel_loop3A_1686 : i32 to vector<16xi32>
          %parallel_loop3A_1688 = arith.addi %parallel_loop3A_1687, %iota3A : vector<16xi32>
          %parallel_loop3A_1689 = arith.constant 511 : i32
          %parallel_loop3A_1690 = vector.broadcast %parallel_loop3A_1689 : i32 to vector<16xi32>
          %parallel_loop3A_1691 = arith.andi %parallel_loop3A_1688, %parallel_loop3A_1690 : vector<16xi32>
          %parallel_loop3A_1692 = arith.constant 7 : i32
          %parallel_loop3A_1693 = vector.broadcast %parallel_loop3A_1692 : i32 to vector<16xi32>
          %parallel_loop3A_1694 = arith.shrui %parallel_loop3A_1691, %parallel_loop3A_1693 : vector<16xi32>
          %parallel_loop3A_1695 = arith.constant 127 : i32
          %parallel_loop3A_1696 = vector.broadcast %parallel_loop3A_1695 : i32 to vector<16xi32>
          %parallel_loop3A_1697 = arith.andi %parallel_loop3A_1691, %parallel_loop3A_1696 : vector<16xi32>
          %parallel_loop3A_1698 = tpu.vector_load_idx %arg16[%add3A_1649, %parallel_loop3A_1694, %parallel_loop3A_1697] : memref<32x4x128xf32, #tpu.memory_space<vmem>>[vector<16xi32>, vector<16xi32>, vector<16xi32>], vector<16xf32>,
          %parallel_loop3A_1699 = arith.mulf %parallel_loop3A_1698, %select_n3A_1538 : vector<16xf32>
          tpu.vector_store_idx %arg16[%add3A_1649, %parallel_loop3A_1694, %parallel_loop3A_1697], %parallel_loop3A_1699 : memref<32x4x128xf32, #tpu.memory_space<vmem>>[vector<16xi32>, vector<16xi32>, vector<16xi32>], vector<16xf32>,
        } {sc.loop_unroll_factor = 8 : i64, sc.parallel_access}
        %dma_start3A_1653 = arith.constant 0 : i32
        %dma_start3A_1654 = arith.constant 0 : i32
        %dma_start3A_1655 = arith.constant 0 : i32
        %dma_start3A_1656 = tpu.memref_slice %arg19[%dma_start3A_1653, %dma_start3A_1654, %dma_start3A_1655] : memref<2048x4x128xf32, #tpu.memory_space<vmem_shared>> -> memref<2048x4x128xf32, #tpu.memory_space<vmem_shared>>
        tpu.enqueue_indirect_dma source(%arg16 : memref<32x4x128xf32, #tpu.memory_space<vmem>>) target(%dma_start3A_1656 : memref<2048x4x128xf32, #tpu.memory_space<vmem_shared>>) offsets(%arg13 : memref<32xi32, #tpu.memory_space<vmem>>) semaphore(%arg22 : memref<!tpu.dma_semaphore, #tpu.memory_space<semaphore_mem>>) {add = true}
        %dma_wait3A_1657 = arith.constant 0 : i32
        %dma_wait3A_1658 = arith.constant 0 : i32
        %dma_wait3A_1659 = arith.constant 0 : i32
        %dma_wait3A_1660 = tpu.memref_slice %arg2[%dma_wait3A_1657, %dma_wait3A_1658, %dma_wait3A_1659] : memref<32768x4x128xf32, #tpu.memory_space<hbm>> -> memref<32768x4x128xf32, #tpu.memory_space<hbm>>
        tpu.wait_indirect_dma semaphore(%arg21 : memref<!tpu.dma_semaphore, #tpu.memory_space<semaphore_mem>>) src(%dma_wait3A_1660 : memref<32768x4x128xf32, #tpu.memory_space<hbm>>) dst(%arg17 : memref<32x4x128xf32, #tpu.memory_space<vmem>>)
        %add3A_1661 = arith.constant 0 : i32
        %add3A_1662 = vector.broadcast %add3A_1661 : i32 to vector<16xi32>
        %add3A_1663 = arith.addi %iota3A, %add3A_1662 : vector<16xi32>
        %parallel_loop3A_1664 = arith.constant 0 : i32
        %parallel_loop3A_1665 = arith.constant 512 : i32
        %parallel_loop3A_1666 = arith.constant 1 : i32
        scf.for %parallel_loop3A_1686 = %parallel_loop3A_1664 to %parallel_loop3A_1665 step %parallel_loop3A_1666  : i32 {
          %parallel_loop3A_1687 = vector.broadcast %parallel_loop3A_1686 : i32 to vector<16xi32>
          %parallel_loop3A_1688 = arith.addi %parallel_loop3A_1687, %iota3A : vector<16xi32>
          %parallel_loop3A_1689 = arith.constant 511 : i32
          %parallel_loop3A_1690 = vector.broadcast %parallel_loop3A_1689 : i32 to vector<16xi32>
          %parallel_loop3A_1691 = arith.andi %parallel_loop3A_1688, %parallel_loop3A_1690 : vector<16xi32>
          %parallel_loop3A_1692 = arith.constant 7 : i32
          %parallel_loop3A_1693 = vector.broadcast %parallel_loop3A_1692 : i32 to vector<16xi32>
          %parallel_loop3A_1694 = arith.shrui %parallel_loop3A_1691, %parallel_loop3A_1693 : vector<16xi32>
          %parallel_loop3A_1695 = arith.constant 127 : i32
          %parallel_loop3A_1696 = vector.broadcast %parallel_loop3A_1695 : i32 to vector<16xi32>
          %parallel_loop3A_1697 = arith.andi %parallel_loop3A_1691, %parallel_loop3A_1696 : vector<16xi32>
          %parallel_loop3A_1698 = tpu.vector_load_idx %arg17[%add3A_1663, %parallel_loop3A_1694, %parallel_loop3A_1697] : memref<32x4x128xf32, #tpu.memory_space<vmem>>[vector<16xi32>, vector<16xi32>, vector<16xi32>], vector<16xf32>,
          %parallel_loop3A_1699 = arith.mulf %parallel_loop3A_1698, %select_n3A_1585 : vector<16xf32>
          tpu.vector_store_idx %arg17[%add3A_1663, %parallel_loop3A_1694, %parallel_loop3A_1697], %parallel_loop3A_1699 : memref<32x4x128xf32, #tpu.memory_space<vmem>>[vector<16xi32>, vector<16xi32>, vector<16xi32>], vector<16xf32>,
        } {sc.loop_unroll_factor = 8 : i64, sc.parallel_access}
        %add3A_1667 = arith.constant 16 : i32
        %add3A_1668 = vector.broadcast %add3A_1667 : i32 to vector<16xi32>
        %add3A_1669 = arith.addi %iota3A, %add3A_1668 : vector<16xi32>
        %parallel_loop3A_1670 = arith.constant 0 : i32
        %parallel_loop3A_1671 = arith.constant 512 : i32
        %parallel_loop3A_1672 = arith.constant 1 : i32
        scf.for %parallel_loop3A_1686 = %parallel_loop3A_1670 to %parallel_loop3A_1671 step %parallel_loop3A_1672  : i32 {
          %parallel_loop3A_1687 = vector.broadcast %parallel_loop3A_1686 : i32 to vector<16xi32>
          %parallel_loop3A_1688 = arith.addi %parallel_loop3A_1687, %iota3A : vector<16xi32>
          %parallel_loop3A_1689 = arith.constant 511 : i32
          %parallel_loop3A_1690 = vector.broadcast %parallel_loop3A_1689 : i32 to vector<16xi32>
          %parallel_loop3A_1691 = arith.andi %parallel_loop3A_1688, %parallel_loop3A_1690 : vector<16xi32>
          %parallel_loop3A_1692 = arith.constant 7 : i32
          %parallel_loop3A_1693 = vector.broadcast %parallel_loop3A_1692 : i32 to vector<16xi32>
          %parallel_loop3A_1694 = arith.shrui %parallel_loop3A_1691, %parallel_loop3A_1693 : vector<16xi32>
          %parallel_loop3A_1695 = arith.constant 127 : i32
          %parallel_loop3A_1696 = vector.broadcast %parallel_loop3A_1695 : i32 to vector<16xi32>
          %parallel_loop3A_1697 = arith.andi %parallel_loop3A_1691, %parallel_loop3A_1696 : vector<16xi32>
          %parallel_loop3A_1698 = tpu.vector_load_idx %arg17[%add3A_1669, %parallel_loop3A_1694, %parallel_loop3A_1697] : memref<32x4x128xf32, #tpu.memory_space<vmem>>[vector<16xi32>, vector<16xi32>, vector<16xi32>], vector<16xf32>,
          %parallel_loop3A_1699 = arith.mulf %parallel_loop3A_1698, %select_n3A_1614 : vector<16xf32>
          tpu.vector_store_idx %arg17[%add3A_1669, %parallel_loop3A_1694, %parallel_loop3A_1697], %parallel_loop3A_1699 : memref<32x4x128xf32, #tpu.memory_space<vmem>>[vector<16xi32>, vector<16xi32>, vector<16xi32>], vector<16xf32>,
        } {sc.loop_unroll_factor = 8 : i64, sc.parallel_access}
        %dma_start3A_1673 = arith.constant 0 : i32
        %dma_start3A_1674 = arith.constant 0 : i32
        %dma_start3A_1675 = arith.constant 0 : i32
        %dma_start3A_1676 = tpu.memref_slice %arg19[%dma_start3A_1673, %dma_start3A_1674, %dma_start3A_1675] : memref<2048x4x128xf32, #tpu.memory_space<vmem_shared>> -> memref<2048x4x128xf32, #tpu.memory_space<vmem_shared>>
        tpu.enqueue_indirect_dma source(%arg17 : memref<32x4x128xf32, #tpu.memory_space<vmem>>) target(%dma_start3A_1676 : memref<2048x4x128xf32, #tpu.memory_space<vmem_shared>>) offsets(%arg15 : memref<32xi32, #tpu.memory_space<vmem>>) semaphore(%arg23 : memref<!tpu.dma_semaphore, #tpu.memory_space<semaphore_mem>>) {add = true}
        %dma_wait3A_1677 = arith.constant 0 : i32
        %dma_wait3A_1678 = arith.constant 0 : i32
        %dma_wait3A_1679 = arith.constant 0 : i32
        %dma_wait3A_1680 = tpu.memref_slice %arg19[%dma_wait3A_1677, %dma_wait3A_1678, %dma_wait3A_1679] : memref<2048x4x128xf32, #tpu.memory_space<vmem_shared>> -> memref<2048x4x128xf32, #tpu.memory_space<vmem_shared>>
        tpu.wait_indirect_dma semaphore(%arg22 : memref<!tpu.dma_semaphore, #tpu.memory_space<semaphore_mem>>) src(%arg16 : memref<32x4x128xf32, #tpu.memory_space<vmem>>) dst(%dma_wait3A_1680 : memref<2048x4x128xf32, #tpu.memory_space<vmem_shared>>)
        %dma_wait3A_1681 = arith.constant 0 : i32
        %dma_wait3A_1682 = arith.constant 0 : i32
        %dma_wait3A_1683 = arith.constant 0 : i32
        %dma_wait3A_1684 = tpu.memref_slice %arg19[%dma_wait3A_1681, %dma_wait3A_1682, %dma_wait3A_1683] : memref<2048x4x128xf32, #tpu.memory_space<vmem_shared>> -> memref<2048x4x128xf32, #tpu.memory_space<vmem_shared>>
        tpu.wait_indirect_dma semaphore(%arg23 : memref<!tpu.dma_semaphore, #tpu.memory_space<semaphore_mem>>) src(%arg17 : memref<32x4x128xf32, #tpu.memory_space<vmem>>) dst(%dma_wait3A_1684 : memref<2048x4x128xf32, #tpu.memory_space<vmem_shared>>)
        %while3A_1685 = arith.constant 0 : i32
        scf.yield %while3A_1685 : i32
      }
      %while3A_1480 = arith.constant 1 : i32
      %while3A_1481 = scf.for %while3A_1491 = %while3A_1477 to %while3A_1473 step %while3A_1480 iter_args(%while3A_1492 = %while3A_1479) -> (i32)  : i32 {
        %mul3A_1493 = arith.constant 2 : i32
        %mul3A_1494 = arith.muli %mul3A_1493, %while3A_1491 : i32
        %mul3A_1495 = arith.constant 32 : i32
        %mul3A_1496 = arith.muli %mul3A_1494, %mul3A_1495 : i32
        %get3A = arith.index_cast %mul3A_1496 : i32 to index
        %get3A_1497 = tpu.vector_load %arg11[%get3A] {strides = array<i32>} : memref<8256xi32, #tpu.memory_space<vmem>>, vector<16xi32>,
        %mul3A_1498 = arith.constant 32 : i32
        %mul3A_1499 = arith.muli %mul3A_1494, %mul3A_1498 : i32
        %add3A_1500 = arith.constant 16 : i32
        %add3A_1501 = arith.addi %mul3A_1499, %add3A_1500 : i32
        %get3A_1502 = arith.index_cast %add3A_1501 : i32 to index
        %get3A_1503 = tpu.vector_load %arg11[%get3A_1502] {strides = array<i32>} : memref<8256xi32, #tpu.memory_space<vmem>>, vector<16xi32>,
        %ge3A = arith.constant 8192 : i32
        %ge3A_1504 = vector.broadcast %ge3A : i32 to vector<16xi32>
        %ge3A_1505 = arith.cmpi sge, %get3A_1497, %ge3A_1504 : vector<16xi32>
        %jit3A_1506 = arith.constant 0 : i32
        %broadcast_in_dim3A_1507 = vector.broadcast %jit3A_1506 : i32 to vector<16xi32>
        %select_n3A_1508 = arith.select %ge3A_1505, %broadcast_in_dim3A_1507, %get3A_1497 : vector<16xi1>, vector<16xi32>
        %gather3A = tpu.vector_load_idx %arg9[%select_n3A_1508] : memref<8192xi32, #tpu.memory_space<vmem>>[vector<16xi32>], vector<16xi32>,
        %gather3A_1509 = tpu.vector_load_idx %arg10[%select_n3A_1508] : memref<8192xf32, #tpu.memory_space<vmem>>[vector<16xi32>], vector<16xf32>,
        %jit3A_1510 = arith.constant 0.000000e+00 : f32
        %broadcast_in_dim3A_1511 = vector.broadcast %jit3A_1510 : f32 to vector<16xf32>
        %select_n3A_1512 = arith.select %ge3A_1505, %broadcast_in_dim3A_1511, %gather3A_1509 : vector<16xi1>, vector<16xf32>
        %shift_right_logical3A = arith.constant 15 : i32
        %shift_right_logical3A_1513 = vector.broadcast %shift_right_logical3A : i32 to vector<16xi32>
        %shift_right_logical3A_1514 = arith.shrui %gather3A, %shift_right_logical3A_1513 : vector<16xi32>
        %sub3A_1515 = vector.broadcast %mul3A_1200 : i32 to vector<16xi32>
        %sub3A_1516 = arith.subi %shift_right_logical3A_1514, %sub3A_1515 : vector<16xi32>
        %jit3A_1517 = arith.constant 0 : i32
        %jit3A_1518 = arith.constant 2047 : i32
        %max3A = vector.broadcast %jit3A_1517 : i32 to vector<16xi32>
        %max3A_1519 = arith.maxsi %max3A, %sub3A_1516 : vector<16xi32>
        %min3A = vector.broadcast %jit3A_1518 : i32 to vector<16xi32>
        %min3A_1520 = arith.minsi %min3A, %max3A_1519 : vector<16xi32>
        %and3A_1521 = arith.constant 32767 : i32
        %and3A_1522 = vector.broadcast %and3A_1521 : i32 to vector<16xi32>
        %and3A_1523 = arith.andi %gather3A, %and3A_1522 : vector<16xi32>
        %swap3A_1524 = arith.constant 0 : index
        %swap3A_1525 = tpu.vector_load %arg12[%swap3A_1524] {strides = array<i32>} : memref<32xi32, #tpu.memory_space<vmem>>, vector<16xi32>,
        tpu.vector_store %arg12[%swap3A_1524], %and3A_1523 {strides = array<i32>} : memref<32xi32, #tpu.memory_space<vmem>>, vector<16xi32>,
        %swap3A_1526 = arith.constant 0 : index
        %swap3A_1527 = tpu.vector_load %arg13[%swap3A_1526] {strides = array<i32>} : memref<32xi32, #tpu.memory_space<vmem>>, vector<16xi32>,
        tpu.vector_store %arg13[%swap3A_1526], %min3A_1520 {strides = array<i32>} : memref<32xi32, #tpu.memory_space<vmem>>, vector<16xi32>,
        %ge3A_1528 = arith.constant 8192 : i32
        %ge3A_1529 = vector.broadcast %ge3A_1528 : i32 to vector<16xi32>
        %ge3A_1530 = arith.cmpi sge, %get3A_1503, %ge3A_1529 : vector<16xi32>
        %jit3A_1531 = arith.constant 0 : i32
        %broadcast_in_dim3A_1532 = vector.broadcast %jit3A_1531 : i32 to vector<16xi32>
        %select_n3A_1533 = arith.select %ge3A_1530, %broadcast_in_dim3A_1532, %get3A_1503 : vector<16xi1>, vector<16xi32>
        %gather3A_1534 = tpu.vector_load_idx %arg9[%select_n3A_1533] : memref<8192xi32, #tpu.memory_space<vmem>>[vector<16xi32>], vector<16xi32>,
        %gather3A_1535 = tpu.vector_load_idx %arg10[%select_n3A_1533] : memref<8192xf32, #tpu.memory_space<vmem>>[vector<16xi32>], vector<16xf32>,
        %jit3A_1536 = arith.constant 0.000000e+00 : f32
        %broadcast_in_dim3A_1537 = vector.broadcast %jit3A_1536 : f32 to vector<16xf32>
        %select_n3A_1538 = arith.select %ge3A_1530, %broadcast_in_dim3A_1537, %gather3A_1535 : vector<16xi1>, vector<16xf32>
        %shift_right_logical3A_1539 = arith.constant 15 : i32
        %shift_right_logical3A_1540 = vector.broadcast %shift_right_logical3A_1539 : i32 to vector<16xi32>
        %shift_right_logical3A_1541 = arith.shrui %gather3A_1534, %shift_right_logical3A_1540 : vector<16xi32>
        %sub3A_1542 = vector.broadcast %mul3A_1200 : i32 to vector<16xi32>
        %sub3A_1543 = arith.subi %shift_right_logical3A_1541, %sub3A_1542 : vector<16xi32>
        %jit3A_1544 = arith.constant 0 : i32
        %jit3A_1545 = arith.constant 2047 : i32
        %max3A_1546 = vector.broadcast %jit3A_1544 : i32 to vector<16xi32>
        %max3A_1547 = arith.maxsi %max3A_1546, %sub3A_1543 : vector<16xi32>
        %min3A_1548 = vector.broadcast %jit3A_1545 : i32 to vector<16xi32>
        %min3A_1549 = arith.minsi %min3A_1548, %max3A_1547 : vector<16xi32>
        %and3A_1550 = arith.constant 32767 : i32
        %and3A_1551 = vector.broadcast %and3A_1550 : i32 to vector<16xi32>
        %and3A_1552 = arith.andi %gather3A_1534, %and3A_1551 : vector<16xi32>
        %swap3A_1553 = arith.constant 16 : index
        %swap3A_1554 = tpu.vector_load %arg12[%swap3A_1553] {strides = array<i32>} : memref<32xi32, #tpu.memory_space<vmem>>, vector<16xi32>,
        tpu.vector_store %arg12[%swap3A_1553], %and3A_1552 {strides = array<i32>} : memref<32xi32, #tpu.memory_space<vmem>>, vector<16xi32>,
        %swap3A_1555 = arith.constant 16 : index
        %swap3A_1556 = tpu.vector_load %arg13[%swap3A_1555] {strides = array<i32>} : memref<32xi32, #tpu.memory_space<vmem>>, vector<16xi32>,
        tpu.vector_store %arg13[%swap3A_1555], %min3A_1549 {strides = array<i32>} : memref<32xi32, #tpu.memory_space<vmem>>, vector<16xi32>,
        %dma_start3A_1557 = arith.constant 0 : i32
        %dma_start3A_1558 = arith.constant 0 : i32
        %dma_start3A_1559 = arith.constant 0 : i32
        %dma_start3A_1560 = tpu.memref_slice %arg2[%dma_start3A_1557, %dma_start3A_1558, %dma_start3A_1559] : memref<32768x4x128xf32, #tpu.memory_space<hbm>> -> memref<32768x4x128xf32, #tpu.memory_space<hbm>>
        tpu.enqueue_indirect_dma source(%dma_start3A_1560 : memref<32768x4x128xf32, #tpu.memory_space<hbm>>) target(%arg16 : memref<32x4x128xf32, #tpu.memory_space<vmem>>) offsets(%arg12 : memref<32xi32, #tpu.memory_space<vmem>>) semaphore(%arg20 : memref<!tpu.dma_semaphore, #tpu.memory_space<semaphore_mem>>)
        %mul3A_1561 = arith.constant 2 : i32
        %mul3A_1562 = arith.muli %mul3A_1561, %while3A_1491 : i32
        %add3A_1563 = arith.constant 1 : i32
        %add3A_1564 = arith.addi %mul3A_1562, %add3A_1563 : i32
        %mul3A_1565 = arith.constant 32 : i32
        %mul3A_1566 = arith.muli %add3A_1564, %mul3A_1565 : i32
        %get3A_1567 = arith.index_cast %mul3A_1566 : i32 to index
        %get3A_1568 = tpu.vector_load %arg11[%get3A_1567] {strides = array<i32>} : memref<8256xi32, #tpu.memory_space<vmem>>, vector<16xi32>,
        %mul3A_1569 = arith.constant 32 : i32
        %mul3A_1570 = arith.muli %add3A_1564, %mul3A_1569 : i32
        %add3A_1571 = arith.constant 16 : i32
        %add3A_1572 = arith.addi %mul3A_1570, %add3A_1571 : i32
        %get3A_1573 = arith.index_cast %add3A_1572 : i32 to index
        %get3A_1574 = tpu.vector_load %arg11[%get3A_1573] {strides = array<i32>} : memref<8256xi32, #tpu.memory_space<vmem>>, vector<16xi32>,
        %ge3A_1575 = arith.constant 8192 : i32
        %ge3A_1576 = vector.broadcast %ge3A_1575 : i32 to vector<16xi32>
        %ge3A_1577 = arith.cmpi sge, %get3A_1568, %ge3A_1576 : vector<16xi32>
        %jit3A_1578 = arith.constant 0 : i32
        %broadcast_in_dim3A_1579 = vector.broadcast %jit3A_1578 : i32 to vector<16xi32>
        %select_n3A_1580 = arith.select %ge3A_1577, %broadcast_in_dim3A_1579, %get3A_1568 : vector<16xi1>, vector<16xi32>
        %gather3A_1581 = tpu.vector_load_idx %arg9[%select_n3A_1580] : memref<8192xi32, #tpu.memory_space<vmem>>[vector<16xi32>], vector<16xi32>,
        %gather3A_1582 = tpu.vector_load_idx %arg10[%select_n3A_1580] : memref<8192xf32, #tpu.memory_space<vmem>>[vector<16xi32>], vector<16xf32>,
        %jit3A_1583 = arith.constant 0.000000e+00 : f32
        %broadcast_in_dim3A_1584 = vector.broadcast %jit3A_1583 : f32 to vector<16xf32>
        %select_n3A_1585 = arith.select %ge3A_1577, %broadcast_in_dim3A_1584, %gather3A_1582 : vector<16xi1>, vector<16xf32>
        %shift_right_logical3A_1586 = arith.constant 15 : i32
        %shift_right_logical3A_1587 = vector.broadcast %shift_right_logical3A_1586 : i32 to vector<16xi32>
        %shift_right_logical3A_1588 = arith.shrui %gather3A_1581, %shift_right_logical3A_1587 : vector<16xi32>
        %sub3A_1589 = vector.broadcast %mul3A_1200 : i32 to vector<16xi32>
        %sub3A_1590 = arith.subi %shift_right_logical3A_1588, %sub3A_1589 : vector<16xi32>
        %jit3A_1591 = arith.constant 0 : i32
        %jit3A_1592 = arith.constant 2047 : i32
        %max3A_1593 = vector.broadcast %jit3A_1591 : i32 to vector<16xi32>
        %max3A_1594 = arith.maxsi %max3A_1593, %sub3A_1590 : vector<16xi32>
        %min3A_1595 = vector.broadcast %jit3A_1592 : i32 to vector<16xi32>
        %min3A_1596 = arith.minsi %min3A_1595, %max3A_1594 : vector<16xi32>
        %and3A_1597 = arith.constant 32767 : i32
        %and3A_1598 = vector.broadcast %and3A_1597 : i32 to vector<16xi32>
        %and3A_1599 = arith.andi %gather3A_1581, %and3A_1598 : vector<16xi32>
        %swap3A_1600 = arith.constant 0 : index
        %swap3A_1601 = tpu.vector_load %arg14[%swap3A_1600] {strides = array<i32>} : memref<32xi32, #tpu.memory_space<vmem>>, vector<16xi32>,
        tpu.vector_store %arg14[%swap3A_1600], %and3A_1599 {strides = array<i32>} : memref<32xi32, #tpu.memory_space<vmem>>, vector<16xi32>,
        %swap3A_1602 = arith.constant 0 : index
        %swap3A_1603 = tpu.vector_load %arg15[%swap3A_1602] {strides = array<i32>} : memref<32xi32, #tpu.memory_space<vmem>>, vector<16xi32>,
        tpu.vector_store %arg15[%swap3A_1602], %min3A_1596 {strides = array<i32>} : memref<32xi32, #tpu.memory_space<vmem>>, vector<16xi32>,
        %ge3A_1604 = arith.constant 8192 : i32
        %ge3A_1605 = vector.broadcast %ge3A_1604 : i32 to vector<16xi32>
        %ge3A_1606 = arith.cmpi sge, %get3A_1574, %ge3A_1605 : vector<16xi32>
        %jit3A_1607 = arith.constant 0 : i32
        %broadcast_in_dim3A_1608 = vector.broadcast %jit3A_1607 : i32 to vector<16xi32>
        %select_n3A_1609 = arith.select %ge3A_1606, %broadcast_in_dim3A_1608, %get3A_1574 : vector<16xi1>, vector<16xi32>
        %gather3A_1610 = tpu.vector_load_idx %arg9[%select_n3A_1609] : memref<8192xi32, #tpu.memory_space<vmem>>[vector<16xi32>], vector<16xi32>,
        %gather3A_1611 = tpu.vector_load_idx %arg10[%select_n3A_1609] : memref<8192xf32, #tpu.memory_space<vmem>>[vector<16xi32>], vector<16xf32>,
        %jit3A_1612 = arith.constant 0.000000e+00 : f32
        %broadcast_in_dim3A_1613 = vector.broadcast %jit3A_1612 : f32 to vector<16xf32>
        %select_n3A_1614 = arith.select %ge3A_1606, %broadcast_in_dim3A_1613, %gather3A_1611 : vector<16xi1>, vector<16xf32>
        %shift_right_logical3A_1615 = arith.constant 15 : i32
        %shift_right_logical3A_1616 = vector.broadcast %shift_right_logical3A_1615 : i32 to vector<16xi32>
        %shift_right_logical3A_1617 = arith.shrui %gather3A_1610, %shift_right_logical3A_1616 : vector<16xi32>
        %sub3A_1618 = vector.broadcast %mul3A_1200 : i32 to vector<16xi32>
        %sub3A_1619 = arith.subi %shift_right_logical3A_1617, %sub3A_1618 : vector<16xi32>
        %jit3A_1620 = arith.constant 0 : i32
        %jit3A_1621 = arith.constant 2047 : i32
        %max3A_1622 = vector.broadcast %jit3A_1620 : i32 to vector<16xi32>
        %max3A_1623 = arith.maxsi %max3A_1622, %sub3A_1619 : vector<16xi32>
        %min3A_1624 = vector.broadcast %jit3A_1621 : i32 to vector<16xi32>
        %min3A_1625 = arith.minsi %min3A_1624, %max3A_1623 : vector<16xi32>
        %and3A_1626 = arith.constant 32767 : i32
        %and3A_1627 = vector.broadcast %and3A_1626 : i32 to vector<16xi32>
        %and3A_1628 = arith.andi %gather3A_1610, %and3A_1627 : vector<16xi32>
        %swap3A_1629 = arith.constant 16 : index
        %swap3A_1630 = tpu.vector_load %arg14[%swap3A_1629] {strides = array<i32>} : memref<32xi32, #tpu.memory_space<vmem>>, vector<16xi32>,
        tpu.vector_store %arg14[%swap3A_1629], %and3A_1628 {strides = array<i32>} : memref<32xi32, #tpu.memory_space<vmem>>, vector<16xi32>,
        %swap3A_1631 = arith.constant 16 : index
        %swap3A_1632 = tpu.vector_load %arg15[%swap3A_1631] {strides = array<i32>} : memref<32xi32, #tpu.memory_space<vmem>>, vector<16xi32>,
        tpu.vector_store %arg15[%swap3A_1631], %min3A_1625 {strides = array<i32>} : memref<32xi32, #tpu.memory_space<vmem>>, vector<16xi32>,
        %dma_start3A_1633 = arith.constant 0 : i32
        %dma_start3A_1634 = arith.constant 0 : i32
        %dma_start3A_1635 = arith.constant 0 : i32
        %dma_start3A_1636 = tpu.memref_slice %arg2[%dma_start3A_1633, %dma_start3A_1634, %dma_start3A_1635] : memref<32768x4x128xf32, #tpu.memory_space<hbm>> -> memref<32768x4x128xf32, #tpu.memory_space<hbm>>
        tpu.enqueue_indirect_dma source(%dma_start3A_1636 : memref<32768x4x128xf32, #tpu.memory_space<hbm>>) target(%arg17 : memref<32x4x128xf32, #tpu.memory_space<vmem>>) offsets(%arg14 : memref<32xi32, #tpu.memory_space<vmem>>) semaphore(%arg21 : memref<!tpu.dma_semaphore, #tpu.memory_space<semaphore_mem>>)
        %dma_wait3A_1637 = arith.constant 0 : i32
        %dma_wait3A_1638 = arith.constant 0 : i32
        %dma_wait3A_1639 = arith.constant 0 : i32
        %dma_wait3A_1640 = tpu.memref_slice %arg2[%dma_wait3A_1637, %dma_wait3A_1638, %dma_wait3A_1639] : memref<32768x4x128xf32, #tpu.memory_space<hbm>> -> memref<32768x4x128xf32, #tpu.memory_space<hbm>>
        tpu.wait_indirect_dma semaphore(%arg20 : memref<!tpu.dma_semaphore, #tpu.memory_space<semaphore_mem>>) src(%dma_wait3A_1640 : memref<32768x4x128xf32, #tpu.memory_space<hbm>>) dst(%arg16 : memref<32x4x128xf32, #tpu.memory_space<vmem>>)
        %add3A_1641 = arith.constant 0 : i32
        %add3A_1642 = vector.broadcast %add3A_1641 : i32 to vector<16xi32>
        %add3A_1643 = arith.addi %iota3A, %add3A_1642 : vector<16xi32>
        %parallel_loop3A_1644 = arith.constant 0 : i32
        %parallel_loop3A_1645 = arith.constant 512 : i32
        %parallel_loop3A_1646 = arith.constant 1 : i32
        scf.for %parallel_loop3A_1686 = %parallel_loop3A_1644 to %parallel_loop3A_1645 step %parallel_loop3A_1646  : i32 {
          %parallel_loop3A_1687 = vector.broadcast %parallel_loop3A_1686 : i32 to vector<16xi32>
          %parallel_loop3A_1688 = arith.addi %parallel_loop3A_1687, %iota3A : vector<16xi32>
          %parallel_loop3A_1689 = arith.constant 511 : i32
          %parallel_loop3A_1690 = vector.broadcast %parallel_loop3A_1689 : i32 to vector<16xi32>
          %parallel_loop3A_1691 = arith.andi %parallel_loop3A_1688, %parallel_loop3A_1690 : vector<16xi32>
          %parallel_loop3A_1692 = arith.constant 7 : i32
          %parallel_loop3A_1693 = vector.broadcast %parallel_loop3A_1692 : i32 to vector<16xi32>
          %parallel_loop3A_1694 = arith.shrui %parallel_loop3A_1691, %parallel_loop3A_1693 : vector<16xi32>
          %parallel_loop3A_1695 = arith.constant 127 : i32
          %parallel_loop3A_1696 = vector.broadcast %parallel_loop3A_1695 : i32 to vector<16xi32>
          %parallel_loop3A_1697 = arith.andi %parallel_loop3A_1691, %parallel_loop3A_1696 : vector<16xi32>
          %parallel_loop3A_1698 = tpu.vector_load_idx %arg16[%add3A_1643, %parallel_loop3A_1694, %parallel_loop3A_1697] : memref<32x4x128xf32, #tpu.memory_space<vmem>>[vector<16xi32>, vector<16xi32>, vector<16xi32>], vector<16xf32>,
          %parallel_loop3A_1699 = arith.mulf %parallel_loop3A_1698, %select_n3A_1512 : vector<16xf32>
          tpu.vector_store_idx %arg16[%add3A_1643, %parallel_loop3A_1694, %parallel_loop3A_1697], %parallel_loop3A_1699 : memref<32x4x128xf32, #tpu.memory_space<vmem>>[vector<16xi32>, vector<16xi32>, vector<16xi32>], vector<16xf32>,
        } {sc.loop_unroll_factor = 8 : i64, sc.parallel_access}
        %add3A_1647 = arith.constant 16 : i32
        %add3A_1648 = vector.broadcast %add3A_1647 : i32 to vector<16xi32>
        %add3A_1649 = arith.addi %iota3A, %add3A_1648 : vector<16xi32>
        %parallel_loop3A_1650 = arith.constant 0 : i32
        %parallel_loop3A_1651 = arith.constant 512 : i32
        %parallel_loop3A_1652 = arith.constant 1 : i32
        scf.for %parallel_loop3A_1686 = %parallel_loop3A_1650 to %parallel_loop3A_1651 step %parallel_loop3A_1652  : i32 {
          %parallel_loop3A_1687 = vector.broadcast %parallel_loop3A_1686 : i32 to vector<16xi32>
          %parallel_loop3A_1688 = arith.addi %parallel_loop3A_1687, %iota3A : vector<16xi32>
          %parallel_loop3A_1689 = arith.constant 511 : i32
          %parallel_loop3A_1690 = vector.broadcast %parallel_loop3A_1689 : i32 to vector<16xi32>
          %parallel_loop3A_1691 = arith.andi %parallel_loop3A_1688, %parallel_loop3A_1690 : vector<16xi32>
          %parallel_loop3A_1692 = arith.constant 7 : i32
          %parallel_loop3A_1693 = vector.broadcast %parallel_loop3A_1692 : i32 to vector<16xi32>
          %parallel_loop3A_1694 = arith.shrui %parallel_loop3A_1691, %parallel_loop3A_1693 : vector<16xi32>
          %parallel_loop3A_1695 = arith.constant 127 : i32
          %parallel_loop3A_1696 = vector.broadcast %parallel_loop3A_1695 : i32 to vector<16xi32>
          %parallel_loop3A_1697 = arith.andi %parallel_loop3A_1691, %parallel_loop3A_1696 : vector<16xi32>
          %parallel_loop3A_1698 = tpu.vector_load_idx %arg16[%add3A_1649, %parallel_loop3A_1694, %parallel_loop3A_1697] : memref<32x4x128xf32, #tpu.memory_space<vmem>>[vector<16xi32>, vector<16xi32>, vector<16xi32>], vector<16xf32>,
          %parallel_loop3A_1699 = arith.mulf %parallel_loop3A_1698, %select_n3A_1538 : vector<16xf32>
          tpu.vector_store_idx %arg16[%add3A_1649, %parallel_loop3A_1694, %parallel_loop3A_1697], %parallel_loop3A_1699 : memref<32x4x128xf32, #tpu.memory_space<vmem>>[vector<16xi32>, vector<16xi32>, vector<16xi32>], vector<16xf32>,
        } {sc.loop_unroll_factor = 8 : i64, sc.parallel_access}
        %dma_start3A_1653 = arith.constant 0 : i32
        %dma_start3A_1654 = arith.constant 0 : i32
        %dma_start3A_1655 = arith.constant 0 : i32
        %dma_start3A_1656 = tpu.memref_slice %arg19[%dma_start3A_1653, %dma_start3A_1654, %dma_start3A_1655] : memref<2048x4x128xf32, #tpu.memory_space<vmem_shared>> -> memref<2048x4x128xf32, #tpu.memory_space<vmem_shared>>
        tpu.enqueue_indirect_dma source(%arg16 : memref<32x4x128xf32, #tpu.memory_space<vmem>>) target(%dma_start3A_1656 : memref<2048x4x128xf32, #tpu.memory_space<vmem_shared>>) offsets(%arg13 : memref<32xi32, #tpu.memory_space<vmem>>) semaphore(%arg22 : memref<!tpu.dma_semaphore, #tpu.memory_space<semaphore_mem>>) {add = true}
        %dma_wait3A_1657 = arith.constant 0 : i32
        %dma_wait3A_1658 = arith.constant 0 : i32
        %dma_wait3A_1659 = arith.constant 0 : i32
        %dma_wait3A_1660 = tpu.memref_slice %arg2[%dma_wait3A_1657, %dma_wait3A_1658, %dma_wait3A_1659] : memref<32768x4x128xf32, #tpu.memory_space<hbm>> -> memref<32768x4x128xf32, #tpu.memory_space<hbm>>
        tpu.wait_indirect_dma semaphore(%arg21 : memref<!tpu.dma_semaphore, #tpu.memory_space<semaphore_mem>>) src(%dma_wait3A_1660 : memref<32768x4x128xf32, #tpu.memory_space<hbm>>) dst(%arg17 : memref<32x4x128xf32, #tpu.memory_space<vmem>>)
        %add3A_1661 = arith.constant 0 : i32
        %add3A_1662 = vector.broadcast %add3A_1661 : i32 to vector<16xi32>
        %add3A_1663 = arith.addi %iota3A, %add3A_1662 : vector<16xi32>
        %parallel_loop3A_1664 = arith.constant 0 : i32
        %parallel_loop3A_1665 = arith.constant 512 : i32
        %parallel_loop3A_1666 = arith.constant 1 : i32
        scf.for %parallel_loop3A_1686 = %parallel_loop3A_1664 to %parallel_loop3A_1665 step %parallel_loop3A_1666  : i32 {
          %parallel_loop3A_1687 = vector.broadcast %parallel_loop3A_1686 : i32 to vector<16xi32>
          %parallel_loop3A_1688 = arith.addi %parallel_loop3A_1687, %iota3A : vector<16xi32>
          %parallel_loop3A_1689 = arith.constant 511 : i32
          %parallel_loop3A_1690 = vector.broadcast %parallel_loop3A_1689 : i32 to vector<16xi32>
          %parallel_loop3A_1691 = arith.andi %parallel_loop3A_1688, %parallel_loop3A_1690 : vector<16xi32>
          %parallel_loop3A_1692 = arith.constant 7 : i32
          %parallel_loop3A_1693 = vector.broadcast %parallel_loop3A_1692 : i32 to vector<16xi32>
          %parallel_loop3A_1694 = arith.shrui %parallel_loop3A_1691, %parallel_loop3A_1693 : vector<16xi32>
          %parallel_loop3A_1695 = arith.constant 127 : i32
          %parallel_loop3A_1696 = vector.broadcast %parallel_loop3A_1695 : i32 to vector<16xi32>
          %parallel_loop3A_1697 = arith.andi %parallel_loop3A_1691, %parallel_loop3A_1696 : vector<16xi32>
          %parallel_loop3A_1698 = tpu.vector_load_idx %arg17[%add3A_1663, %parallel_loop3A_1694, %parallel_loop3A_1697] : memref<32x4x128xf32, #tpu.memory_space<vmem>>[vector<16xi32>, vector<16xi32>, vector<16xi32>], vector<16xf32>,
          %parallel_loop3A_1699 = arith.mulf %parallel_loop3A_1698, %select_n3A_1585 : vector<16xf32>
          tpu.vector_store_idx %arg17[%add3A_1663, %parallel_loop3A_1694, %parallel_loop3A_1697], %parallel_loop3A_1699 : memref<32x4x128xf32, #tpu.memory_space<vmem>>[vector<16xi32>, vector<16xi32>, vector<16xi32>], vector<16xf32>,
        } {sc.loop_unroll_factor = 8 : i64, sc.parallel_access}
        %add3A_1667 = arith.constant 16 : i32
        %add3A_1668 = vector.broadcast %add3A_1667 : i32 to vector<16xi32>
        %add3A_1669 = arith.addi %iota3A, %add3A_1668 : vector<16xi32>
        %parallel_loop3A_1670 = arith.constant 0 : i32
        %parallel_loop3A_1671 = arith.constant 512 : i32
        %parallel_loop3A_1672 = arith.constant 1 : i32
        scf.for %parallel_loop3A_1686 = %parallel_loop3A_1670 to %parallel_loop3A_1671 step %parallel_loop3A_1672  : i32 {
          %parallel_loop3A_1687 = vector.broadcast %parallel_loop3A_1686 : i32 to vector<16xi32>
          %parallel_loop3A_1688 = arith.addi %parallel_loop3A_1687, %iota3A : vector<16xi32>
          %parallel_loop3A_1689 = arith.constant 511 : i32
          %parallel_loop3A_1690 = vector.broadcast %parallel_loop3A_1689 : i32 to vector<16xi32>
          %parallel_loop3A_1691 = arith.andi %parallel_loop3A_1688, %parallel_loop3A_1690 : vector<16xi32>
          %parallel_loop3A_1692 = arith.constant 7 : i32
          %parallel_loop3A_1693 = vector.broadcast %parallel_loop3A_1692 : i32 to vector<16xi32>
          %parallel_loop3A_1694 = arith.shrui %parallel_loop3A_1691, %parallel_loop3A_1693 : vector<16xi32>
          %parallel_loop3A_1695 = arith.constant 127 : i32
          %parallel_loop3A_1696 = vector.broadcast %parallel_loop3A_1695 : i32 to vector<16xi32>
          %parallel_loop3A_1697 = arith.andi %parallel_loop3A_1691, %parallel_loop3A_1696 : vector<16xi32>
          %parallel_loop3A_1698 = tpu.vector_load_idx %arg17[%add3A_1669, %parallel_loop3A_1694, %parallel_loop3A_1697] : memref<32x4x128xf32, #tpu.memory_space<vmem>>[vector<16xi32>, vector<16xi32>, vector<16xi32>], vector<16xf32>,
          %parallel_loop3A_1699 = arith.mulf %parallel_loop3A_1698, %select_n3A_1614 : vector<16xf32>
          tpu.vector_store_idx %arg17[%add3A_1669, %parallel_loop3A_1694, %parallel_loop3A_1697], %parallel_loop3A_1699 : memref<32x4x128xf32, #tpu.memory_space<vmem>>[vector<16xi32>, vector<16xi32>, vector<16xi32>], vector<16xf32>,
        } {sc.loop_unroll_factor = 8 : i64, sc.parallel_access}
        %dma_start3A_1673 = arith.constant 0 : i32
        %dma_start3A_1674 = arith.constant 0 : i32
        %dma_start3A_1675 = arith.constant 0 : i32
        %dma_start3A_1676 = tpu.memref_slice %arg19[%dma_start3A_1673, %dma_start3A_1674, %dma_start3A_1675] : memref<2048x4x128xf32, #tpu.memory_space<vmem_shared>> -> memref<2048x4x128xf32, #tpu.memory_space<vmem_shared>>
        tpu.enqueue_indirect_dma source(%arg17 : memref<32x4x128xf32, #tpu.memory_space<vmem>>) target(%dma_start3A_1676 : memref<2048x4x128xf32, #tpu.memory_space<vmem_shared>>) offsets(%arg15 : memref<32xi32, #tpu.memory_space<vmem>>) semaphore(%arg23 : memref<!tpu.dma_semaphore, #tpu.memory_space<semaphore_mem>>) {add = true}
        %dma_wait3A_1677 = arith.constant 0 : i32
        %dma_wait3A_1678 = arith.constant 0 : i32
        %dma_wait3A_1679 = arith.constant 0 : i32
        %dma_wait3A_1680 = tpu.memref_slice %arg19[%dma_wait3A_1677, %dma_wait3A_1678, %dma_wait3A_1679] : memref<2048x4x128xf32, #tpu.memory_space<vmem_shared>> -> memref<2048x4x128xf32, #tpu.memory_space<vmem_shared>>
        tpu.wait_indirect_dma semaphore(%arg22 : memref<!tpu.dma_semaphore, #tpu.memory_space<semaphore_mem>>) src(%arg16 : memref<32x4x128xf32, #tpu.memory_space<vmem>>) dst(%dma_wait3A_1680 : memref<2048x4x128xf32, #tpu.memory_space<vmem_shared>>)
        %dma_wait3A_1681 = arith.constant 0 : i32
        %dma_wait3A_1682 = arith.constant 0 : i32
        %dma_wait3A_1683 = arith.constant 0 : i32
        %dma_wait3A_1684 = tpu.memref_slice %arg19[%dma_wait3A_1681, %dma_wait3A_1682, %dma_wait3A_1683] : memref<2048x4x128xf32, #tpu.memory_space<vmem_shared>> -> memref<2048x4x128xf32, #tpu.memory_space<vmem_shared>>
        tpu.wait_indirect_dma semaphore(%arg23 : memref<!tpu.dma_semaphore, #tpu.memory_space<semaphore_mem>>) src(%arg17 : memref<32x4x128xf32, #tpu.memory_space<vmem>>) dst(%dma_wait3A_1684 : memref<2048x4x128xf32, #tpu.memory_space<vmem_shared>>)
        %while3A_1685 = arith.constant 0 : i32
        scf.yield %while3A_1685 : i32
      }
      %barrier3A_1482 = arith.constant 0 : index
      tpu.barrier barrier_id(%barrier3A_1482)
      %add3A_1483 = arith.addi %mul3A_1200, %mul3A_1202 : i32
      %dma_start3A_1484 = arith.constant 0 : i32
      %dma_start3A_1485 = arith.constant 0 : i32
      %dma_start3A_1486 = tpu.memref_slice %arg8[%add3A_1483, %dma_start3A_1484, %dma_start3A_1485] : memref<65536x4x128xf32, #tpu.memory_space<hbm>> -> memref<128x4x128xf32, #tpu.memory_space<hbm>>
      %dma_start3A_1487 = arith.constant 0 : i32
      %dma_start3A_1488 = arith.constant 0 : i32
      %dma_start3A_1489 = tpu.memref_slice %arg19[%mul3A_1202, %dma_start3A_1487, %dma_start3A_1488] : memref<2048x4x128xf32, #tpu.memory_space<vmem_shared>> -> memref<128x4x128xf32, #tpu.memory_space<vmem_shared>>
      tpu.enqueue_dma source(%dma_start3A_1489 : memref<128x4x128xf32, #tpu.memory_space<vmem_shared>>) target(%dma_start3A_1486 : memref<128x4x128xf32, #tpu.memory_space<hbm>>) target_semaphore(%arg24 : memref<!tpu.dma_semaphore, #tpu.memory_space<semaphore_mem>>)
      %scan3A_1490 = arith.constant 0 : i32
      scf.yield %scan3A_1490 : i32
    }
    %scan3A_1179 = arith.constant 16 : i32
    %add3A = arith.constant 30 : i32
    %add3A_1180 = arith.addi %add3A, %arg0 : i32
    %mul3A_1181 = arith.constant 2048 : i32
    %mul3A_1182 = arith.muli %add3A_1180, %mul3A_1181 : i32
    %mul3A_1183 = arith.constant 128 : i32
    %mul3A_1184 = arith.muli %arg1, %mul3A_1183 : i32
    %mul3A_1185 = arith.constant 128 : i32
    %mul3A_1186 = arith.muli %arg1, %mul3A_1185 : i32
    %add3A_1187 = arith.addi %mul3A_1182, %mul3A_1186 : i32
    %dma_wait3A_1188 = arith.constant 0 : i32
    %dma_wait3A_1189 = arith.constant 0 : i32
    %dma_wait3A_1190 = tpu.memref_slice %arg8[%add3A_1187, %dma_wait3A_1188, %dma_wait3A_1189] : memref<65536x4x128xf32, #tpu.memory_space<hbm>> -> memref<128x4x128xf32, #tpu.memory_space<hbm>>
    %dma_wait3A_1191 = arith.constant 0 : i32
    %dma_wait3A_1192 = arith.constant 0 : i32
    %dma_wait3A_1193 = tpu.memref_slice %arg19[%mul3A_1184, %dma_wait3A_1191, %dma_wait3A_1192] : memref<2048x4x128xf32, #tpu.memory_space<vmem_shared>> -> memref<128x4x128xf32, #tpu.memory_space<vmem_shared>>
    tpu.wait_dma2 semaphore(%arg24 : memref<!tpu.dma_semaphore, #tpu.memory_space<semaphore_mem>>) src(%dma_wait3A_1193 : memref<128x4x128xf32, #tpu.memory_space<vmem_shared>>) dst(%dma_wait3A_1190 : memref<128x4x128xf32, #tpu.memory_space<hbm>>)
    return
  }
}

</mosaic_0001>

<sc_bundles>
// kernel: kernel.3.cloned.1.call-start
scs
__scs_entry_jumppad:
0x0: {  	(pc) =	sbr.rel $0x88, $3  }
0x1: {  	(tag) =	ssettag $0x0;
	lr =	simm.s32 $0x1  }
0x2: {  	[smem:$0x3F9B] =	sst lr;
	_ =	strace $0xD0000000  }
0x3: {  	_ = 	snop  }
0x4: {  	_ = 	snop  }
0x5: {  	_ = 	snop  }
0x6: {  	_ = 	snop  }
0x7: {  	_ = 	snop  }
__scs_overlays_trampoline_lowered:
0x8: {  	[smem:$0x3FAA] =	sst s0  }
0x9: {  	[smem:$0x3FAB] =	sst s1  }
0xa: {  	[smem:$0x3FAC] =	sst s2  }
0xb: {  	[smem:$0x3FAD] =	sst s3  }
0xc: {  	[smem:$0x3FAE] =	sst s4  }
0xd: {  	[smem:$0x3FAF] =	sst s5  }
0xe: {  	[smem:$0x3FB0] =	sst s6  }
0xf: {  	[smem:$0x3FB1] =	sst s7  }
0x10: {  	[smem:$0x3FB2] =	sst s8  }
0x11: {  	[smem:$0x3FB3] =	sst s9;
	s0 =	simm.s32 @!p0 $0x0  }
0x12: {  	s1 =	sld [smem:$0x3F99];
	s0 =	simm.s32 @p0 $0x1  }
0x13: {  	[smem:$0x3FB4] =	sst s0;
	s0 =	simm.s32 @!p1 $0x0  }
0x14: {  	s2 =	sld [smem:$0x3F98];
	s0 =	simm.s32 @p1 $0x1  }
0x15: {  	[smem:$0x3FB5] =	sst s0;
	s0 =	simm.s32 @!p2 $0x0  }
0x16: {  	s3 =	sld [smem:$0x3FDB];
	s0 =	simm.s32 @p2 $0x1  }
0x17: {  	s4 =	simm.s32 $0x1BF5;
	[smem:$0x3FB7] =	sst s0  }
0x18: {  	s0 =	sld [smem:$0x3F9A];
	_ =	swait.ge [sflag:s4], $0x0  }
0x19: {  	s7 =	sld [smem:$0x3F9B]  }
0x1a: {  	s8 =	sadd.s32 $0xFFFFE003, lr  }
0x1b: {  	s9 =	sadd.s32 $0xFFFFFEF7, lr;
	s5 =	simm.s32 $0xFFFFFFFF;
	p2 =	slt.u32 s8, $0xFFFFF086  }
0x1c: {  	p1 =	slt.u32 s9, $0xF7A;
	s5 =	simm.s32 @!p2 $0x0  }
0x1d: {  	s5 =	simm.s32 @p1 $0x1;
	p0 =	seq.s32 s7, s2  }
0x1e: {  	s7 =	smul.u32 @!p0 $0xF7A, s2;
	p2 =	seq.s32 @!p0 s5, $0x0  }
0x1f: {  	s9 =	smul.u32 $0xF7A, s1;
	s8 =	simm.s32 @!p0 $0x1BF5;
	p2 =	por !p2, p0  }
0x20: {  	[sflag:s8] =	ssyncset.s32 @!p0 $0xFFFFF086;
	s6 =	sadd.s32 @!p0 s3, s7;
	s7 =	simm.s32 @!p0 $0x108  }
0x21: {  	s3 =	sadd.s32 s3, s9;
	s6 =	sadd.s32 @!p0 $0x88, s6;
	s7 =	simm.s32 @p2 $0x1082  }
0x22: {  	[simem:s7], [sflag:s8] =	dma.local @!p0 [hbm:s6], $0xF7A  }
0x23: {  	s9 =	sor.u32 $0xD0000000, s2;
	s6 =	simm.s32 $0x108;
	_ =	swait.ge @!p0 [sflag:s8], $0x0  }
0x24: {  	s3 =	sadd.s32 $0x88, s3;
	s6 =	simm.s32 @!p1 $0x1082;
	[sflag:s4] =	ssyncset.s32 $0xFFFFF086  }
0x25: {  	[simem:s6], [sflag:s4] =	dma.local [hbm:s3], $0xF7A  }
0x26: {  	[smem:$0x3F9B] =	sst s1;
	(tag) =	ssettag s2;
	_ =	strace s9  }
0x27: {  	s1 =	sld [smem:$0x3FAB]  }
0x28: {  	s2 =	sld [smem:$0x3FAC]  }
0x29: {  	s4 =	sld [smem:$0x3FAE]  }
0x2a: {  	p0 =	seq.s32 s5, $0x0;
	s5 =	sld [smem:$0x3FAF]  }
0x2b: {  	s6 =	sld [smem:$0x3FB0]  }
0x2c: {  	s7 =	sld [smem:$0x3FB1]  }
0x2d: {  	s3 =	simm.s32 $0x108;
	s8 =	sld [smem:$0x3FB2]  }
0x2e: {  	s3 =	simm.s32 @!p0 $0x1082;
	s9 =	sld [smem:$0x3FB3]  }
0x2f: {  	lr =	sadd.s32 s0, s3;
	s0 =	sld [smem:$0x3FAA]  }
0x30: {  	s3 =	sld [smem:$0x3FAD]  }
0x31: {  	[smem:$0x3FB6] =	sst s10  }
0x32: {  	s10 =	sld [smem:$0x3FB4];
	_ =	sdelay $0x3  }
0x33: {  	p0 =	seq.s32 s10, $0x1;
	s10 =	sld [smem:$0x3FB6];
	_ =	sdelay $0x3  }
0x34: {  	[smem:$0x3FB6] =	sst s10  }
0x35: {  	s10 =	sld [smem:$0x3FB5];
	_ =	sdelay $0x3  }
0x36: {  	p1 =	seq.s32 s10, $0x1;
	s10 =	sld [smem:$0x3FB6];
	_ =	sdelay $0x3  }
0x37: {  	[smem:$0x3FB6] =	sst s10  }
0x38: {  	s10 =	sld [smem:$0x3FB7]  }
0x39: {  	_ = 	snop;
	(pc) =	sbr.ind lr, $3  }
0x3a: {  	_ = 	snop  }
0x3b: {  	_ = 	snop  }
0x3c: {  	p2 =	seq.s32 s10, $0x1;
	s10 =	sld [smem:$0x3FB6]  }
0x3d: {  	_ =	shalt  }
0x3e: {  	_ =	shalt  }
0x3f: {  	_ =	shalt  }
0x40: {  	_ =	shalt  }
0x41: {  	_ =	shalt  }
0x42: {  	_ =	shalt  }
0x43: {  	_ =	shalt  }
0x44: {  	_ =	shalt  }
0x45: {  	_ =	shalt  }
0x46: {  	_ =	shalt  }
0x47: {  	_ =	shalt  }
0x48: {  	_ =	shalt  }
0x49: {  	_ =	shalt  }
0x4a: {  	_ =	shalt  }
0x4b: {  	_ =	shalt  }
0x4c: {  	_ =	shalt  }
0x4d: {  	_ =	shalt  }
0x4e: {  	_ =	shalt  }
0x4f: {  	_ =	shalt  }
0x50: {  	_ =	shalt  }
0x51: {  	_ =	shalt  }
0x52: {  	_ =	shalt  }
0x53: {  	_ =	shalt  }
0x54: {  	_ =	shalt  }
0x55: {  	_ =	shalt  }
0x56: {  	_ =	shalt  }
0x57: {  	_ =	shalt  }
0x58: {  	_ =	shalt  }
0x59: {  	_ =	shalt  }
0x5a: {  	_ =	shalt  }
0x5b: {  	_ =	shalt  }
0x5c: {  	_ =	shalt  }
0x5d: {  	_ =	shalt  }
0x5e: {  	_ =	shalt  }
0x5f: {  	_ =	shalt  }
0x60: {  	_ =	shalt  }
0x61: {  	_ =	shalt  }
0x62: {  	_ =	shalt  }
0x63: {  	_ =	shalt  }
0x64: {  	_ =	shalt  }
0x65: {  	_ =	shalt  }
0x66: {  	_ =	shalt  }
0x67: {  	_ =	shalt  }
0x68: {  	_ =	shalt  }
0x69: {  	_ =	shalt  }
0x6a: {  	_ =	shalt  }
0x6b: {  	_ =	shalt  }
0x6c: {  	_ =	shalt  }
0x6d: {  	_ =	shalt  }
0x6e: {  	_ =	shalt  }
0x6f: {  	_ =	shalt  }
0x70: {  	_ =	shalt  }
0x71: {  	_ =	shalt  }
0x72: {  	_ =	shalt  }
0x73: {  	_ =	shalt  }
0x74: {  	_ =	shalt  }
0x75: {  	_ =	shalt  }
0x76: {  	_ =	shalt  }
0x77: {  	_ =	shalt  }
0x78: {  	_ =	shalt  }
0x79: {  	_ =	shalt  }
0x7a: {  	_ =	shalt  }
0x7b: {  	_ =	shalt  }
0x7c: {  	_ =	shalt  }
0x7d: {  	_ =	shalt  }
0x7e: {  	_ =	shalt  }
0x7f: {  	_ =	shalt  }
0x80: {  	_ =	shalt  }
0x81: {  	_ =	shalt  }
0x82: {  	_ =	shalt  }
0x83: {  	_ =	shalt  }
0x84: {  	_ =	shalt  }
0x85: {  	_ =	shalt  }
0x86: {  	_ =	shalt  }
0x87: {  	_ =	shalt  }
.Lfunc_end0:
.L_simem_size_0:
called_computation.2_lowered:
.L_overlay_start_0:
0x88: {  	s2 =	sld [smem:$0x3FD9]  }
0x89: {  	s3 =	sld [smem:$0x3FFE];
	_ =	sdelay $0x1  }
0x8a: {  	s1 =	srdreg.scid  }
0x8b: {  	s0 =	sand.u32 $0x1, s1  }
0x8c: {  	s17 =	sshll.u32 s0, $0xA;
	s2 =	sadd.s32 s3, s2  }
0x8d: {  	s2 =	sadd.s32 s2, s17  }
0x8e: {  	[smem:$0x3FC2] =	sst s2  }
0x8f: {  	_ = 	snop  }
0x90: {  	s2 =	sld [smem:$0x3FC8]  }
0x91: {  	s18 =	sld [smem:$0x3FC7]  }
0x92: {  	s4 =	sld [smem:$0x3FC6]  }
0x93: {  	s5 =	sld [smem:$0x3FC5]  }
0x94: {  	s6 =	sld [smem:$0x3FD0];
	(tm) =	ssettm $0x1  }
0x95: {  	s7 =	sld [smem:$0x3FFB];
	_ =	sdelay $0x3  }
0x96: {  	_ =	strace s7  }
0x97: {  	s7 =	sld [smem:$0x3FFC];
	_ =	sdelay $0x3  }
0x98: {  	_ =	strace s7  }
0x99: {  	s7 =	sld [smem:$0x3FFD];
	_ =	sdelay $0x3  }
0x9a: {  	_ =	strace s7  }
0x9b: {  	_ =	strace $0x8FFFFFFF  }
0x9c: {  	s19 =	sld [smem:$0x3FDB];
	_ =	sdelay $0x1  }
0x9d: {  	s8 =	simm.s32 $_scs_section_size  }
0x9e: {  	s9 =	simm.s32 $_size__tile_overlayer_lowered;
	s10 =	simm.s32 $_tile_overlayer_lowered  }
0x9f: {  	s22 =	simm.s32 $0x1BFF;
	s21 =	sshll.u32 s10, $0x1;
	s7 =	sadd.s32 s8, s19  }
0xa0: {  	s11 =	simm.s32 $0x0;
	s20 =	sshll.u32 s9, $0x1;
	s9 =	sadd.s32 s21, s7  }
0xa1: {  	[timem:s11], [sflag:s22] =	dma.local [hbm:s9], s20  }
0xa2: {  	_ =	swait.ge [sflag:s22], s20  }
0xa3: {  	s8 =	ssub.s32 $0x0, s20;
	[sflag:s22] =	ssyncset.done $0x0  }
0xa4: {  	[sflag:s22] =	ssyncadd.s32 s8;
	_ =	sdelay $0x1  }
0xa5: {  	s23 =	simm.s32 $0x1B8B  }
0xa6: {  	_ =	swait.ge [sflag:s23], $0x1  }
0xa7: {  	[sflag:s23] =	ssyncset.done $0x0  }
0xa8: {  	s25 =	simm.s32 $0x1B8E;
	s24 =	sld [smem:$0x3FFE];
	[sflag:s23] =	ssyncadd.s32 $0xFFFFFFFF  }
0xa9: {  	s26 =	simm.s32 $execute0_lowered;
	[smem:$0x3FD2] =	sst s25  }
0xaa: {  	s9 =	sshll.u32 s26, $0x1;
	_ =	strace $0x80000049;
	[dreg:$0x1] =	wrdreg $0xFFFFFFFF  }
0xab: {  	s28 =	simm.s32 $_size_execute0_lowered;
	s7 =	sadd.s32 s7, s9;
	[dreg:$0x0] =	wrdreg $0x0  }
0xac: {  	s9 =	sshll.u32 s28, $0x1;
	[dreg:$0x2] =	wrdreg s7  }
0xad: {  	[dreg:$0x3] =	wrdreg s9  }
0xae: {  	[dreg:$0x4] =	wrdreg $0xC0  }
0xaf: {  	_ =	task [dreg:s11], $0x5FFFF  }
0xb0: {  	[dreg:$0x1] =	wrdreg $0xFFFFFFFF  }
0xb1: {  	[dreg:$0x0] =	wrdreg $0x60  }
0xb2: {  	[dreg:$0x2] =	wrdreg s24  }
0xb3: {  	[dreg:$0x3] =	wrdreg s2  }
0xb4: {  	[dreg:$0x4] =	wrdreg s18  }
0xb5: {  	[dreg:$0x5] =	wrdreg s4  }
0xb6: {  	[dreg:$0x6] =	wrdreg s5  }
0xb7: {  	[dreg:$0x7] =	wrdreg s6  }
0xb8: {  	[dreg:$0x8] =	wrdreg $0xF2800  }
0xb9: {  	[dreg:$0x9] =	wrdreg $0x9  }
0xba: {  	_ =	task.clear_ibuf [dreg:s11], $0xAFFFF;
	_ =	strace $0x90000049  }
0xbb: {  	s29 =	simm.s32 $0x9;
	_ =	strace $0x8000004B  }
0xbc: {  	_ =	swait.ge [sflag:s29], $0x1  }
0xbd: {  	[sflag:s29] =	ssyncadd.s32 $0xFFFFFFFF  }
0xbe: {  	_ =	strace $0x9000004B  }
0xbf: {  	_ =	sfence  }
0xc0: {  	s30 =	sld [smem:$0x0];
	_ =	sdelay $0x2  }
0xc1: {  	s31 =	sshll.u32 s1, $0xD;
	s1 =	sshrl.u32 s1, $0x2  }
0xc2: {  	s3 =	sand.u32 $0x4000, s31;
	s1 =	sadd.s32 s1, s30  }
0xc3: {  	s0 =	sor.u32 s3, s0;
	s1 =	sshll.u32 s1, $0x11  }
0xc4: {  	s0 =	sor.u32 s1, s0  }
0xc5: {  	s0 =	sadd.s32 $0x8F2B, s0  }
0xc6: {  	[sflag:s0] =	ssyncadd.remote.s32 $0x1  }
0xc7: {  	_ =	sfence.sel $0xFFFF  }
0xc8: {  	[dreg:$0x0] =	wrdreg $0xFFFFFFFF;
	(pc) =	sbr.abs _section_cstart, $3  }
0xc9: {  	[dreg:$0x1] =	wrdreg $0xFFFFFFFF  }
0xca: {  	_ =	task.clear_ibuf [dreg:s11], $0x2FFFF;
	_ =	strace $0x9FFFFFFF  }
0xcb: {  	(tm) =	ssettm $0x7FFFFFFF  }
tec
execute0_lowered:
.L_overlay_start_1:
0x0: {  	(tag) =	ssettag $0x1  }
0x1: {  	s0 =	rddreg [dreg:$0x0]  }
0x2: {  	s2 =	rddreg [dreg:$0x1]  }
0x3: {  	s3 =	rddreg [dreg:$0x2]  }
0x4: {  	s4 =	rddreg [dreg:$0x3]  }
0x5: {  	s7 =	rddreg [dreg:$0x4]  }
0x6: {  	s8 =	rddreg [dreg:$0x5]  }
0x7: {  	s1 =	rddreg [dreg:$0x6]  }
0x8: {  	s20 =	simm.s32 $0x0;
	s5 =	srdreg.scid;
	s12 =	stileid.u32  }
0x9: {  	[smem:$0x7FF] =	sst s20;
	s5 =	sand.u32 $0x1, s5;
	s6 =	sadd.s32 $0xE00, s0  }
0xa: {  	s26 =	sshll.u32 s12, $0xA;
	_ =	strace $0x8000004A;
	[dreg:$0x8] =	wrdreg s5  }
0xb: {  	s9 =	ssub.s32 $0x2, s5;
	s5 =	sadd.s32 $0x2E00, s0;
	s2 =	sadd.s32 s2, s26  }
0xc: {  	s4 =	sadd.s32 s4, s26;
	s3 =	sadd.s32 s3, s26;
	[dreg:$0x9] =	wrdreg s2  }
0xd: {  	s11 =	sadd.s32 s7, s26;
	s10 =	sshrl.u32 s9, $0x1;
	[dreg:$0xa] =	wrdreg s4  }
0xe: {  	[dreg:$0xb] =	wrdreg s3;
	s0 =	ssub.s32 s9, s10;
	s10 =	sshll.u32 s12, $0x10  }
0xf: {  	[dreg:$0xc] =	wrdreg s11;
	s11 =	sadd.s32 s10, s1;
	s0 =	smax.u32 s0, $0x1  }
0x10: {  	s2 =	sadd.s32 $0x1000, s11;
	[dreg:$0x1a] =	wrdreg s0  }
0x11: {  	s31 =	simm.s32 $0x4000;
	s13 =	sadd.s32 $0x2000, s11;
	[dreg:$0xd] =	wrdreg s2  }
0x12: {  	s30 =	simm.s32 $0x6180;
	s14 =	sadd.s32 $0x3000, s11;
	[dreg:$0xe] =	wrdreg s13  }
0x13: {  	s24 =	sshll.u32 s12, $0xD;
	s15 =	sadd.s32 $0x4000, s11;
	[dreg:$0xf] =	wrdreg s14  }
0x14: {  	s7 =	simm.s32 $0x80;
	s16 =	sadd.s32 $0x5000, s11;
	[dreg:$0x10] =	wrdreg s15  }
0x15: {  	s3 =	simm.s32 $0xA280;
	s17 =	sadd.s32 $0x6000, s11;
	[dreg:$0x11] =	wrdreg s16  }
0x16: {  	s4 =	simm.s32 $0x6100;
	s18 =	sadd.s32 $0x7000, s11;
	[dreg:$0x12] =	wrdreg s17  }
0x17: {  	s9 =	simm.s32 $0x1;
	s19 =	sadd.s32 $0x8000, s11;
	[dreg:$0x13] =	wrdreg s18  }
0x18: {  	s12 =	simm.s32 $0x2;
	s21 =	sadd.s32 $0x9000, s11;
	[dreg:$0x14] =	wrdreg s19  }
0x19: {  	s10 =	simm.s32 $0xE280;
	s22 =	sadd.s32 $0xA000, s11;
	[dreg:$0x15] =	wrdreg s21  }
0x1a: {  	s23 =	sadd.s32 $0xB000, s11;
	s25 =	sadd.s32 $0xC000, s11;
	[dreg:$0x16] =	wrdreg s22  }
0x1b: {  	s26 =	sadd.s32 $0xD000, s11;
	s28 =	sadd.s32 $0xE000, s11;
	[dreg:$0x17] =	wrdreg s23  }
.Ltmp0:
0x1c: {  	s29 =	sadd.s32 $0xF000, s11;
	[dreg:$0x19] =	wrdreg s25;
	(pc) =	sbr.rel .LBB2_1-.Ltmp0, $4  }
0x1d: {  	v0 =	vlaneseq.u32;
	s0 =	simm.s32 $0x2000;
	s2 =	sadd.s32 s8, s24;
	[dreg:$0x1b] =	wrdreg s26  }
0x1e: {  	v1 =	vmul.u32 $0x200, v0;
	s21 =	simm.s32 $0x6;
	s8 =	simm.s32 $0x6280;
	s25 =	simm.s32 $0x20  }
0x1f: {  	v2 =	vimm.f32 $0.0e+00;
	s13 =	simm.s32 $0x6200;
	s14 =	simm.s32 $0x3;
	s15 =	simm.s32 $0x4  }
0x20: {  	v3 =	vimm.s32 $0x0;
	v4 =	vimm.s32 $0x2000;
	v5 =	vor.u32 $0x2000, v1;
	s18 =	simm.s32 $0x0;
	[dreg:$0x18] =	wrdreg s2;
	s2 =	simm.s32 $0x6080  }
.LBB2_34:
0x21: {  	s17 =	simm.s32 $0x5  }
0x22: {  	_ =	swait.ge [sflag:s17], $0x2000  }
0x23: {  	s18 =	rddreg [dreg:$0x1c]  }
0x24: {  	s16 =	rddreg [dreg:$0x1a];
	s18 =	sadd.s32 $0x1, s18  }
0x25: {  	p0 =	sne.s32 s18, s16  }
.Ltmp1:
0x26: {  	_ = 	snop;
	(pc) =	sbr.rel @!p0 .LBB2_35-.Ltmp1, $3  }
0x27: {  	_ =	sdelay $0x1  }
0x28: {  	[sflag:s17] =	ssyncset.done $0x0  }
0x29: {  	s20 =	simm.s32 $0x0;
	s21 =	simm.s32 $0x6;
	[sflag:s17] =	ssyncadd.s32 $0xFFFFE000  }
.LBB2_1:
0x2a: {  	[dreg:$0x1c] =	wrdreg s18  }
0x2b: {  	s16 =	rddreg [dreg:$0x9]  }
0x2c: {  	[tilespmem:s20], [sflag:$0x6] =	stream.linear.gather [hbm4b:s16+s20], $0x2000, $0x38;
	[tilespmem:$0x1F280] =	vst v63  }
0x2d: {  	_ =	swait.ge [sflag:s21], $0x2000  }
0x2e: {  	[sflag:s21] =	ssyncset.done $0x0  }
0x2f: {  	s26 =	rddreg [dreg:$0xa];
	[sflag:s21] =	ssyncadd.s32 $0xFFFFE000  }
0x30: {  	[tilespmem:s31], [sflag:$0x6] =	stream.linear.gather [hbm4b:s26+s20], $0x2000, $0x38;
	[tilespmem:$0x1F280] =	vst v63  }
0x31: {  	_ =	swait.ge [sflag:s21], $0x2000  }
0x32: {  	[sflag:s21] =	ssyncset.done $0x0  }
0x33: {  	[sflag:s21] =	ssyncadd.s32 $0xFFFFE000  }
0x34: {  	s16 =	simm.s32 $0x4020;
	v8 =	vld [tilespmem:s25+$0x10]  }
0x35: {  	v11 =	vld [tilespmem:s16+$0x10]  }
0x36: {  	v12 =	vld [tilespmem:s16+$0xFFFFFFE0]  }
0x37: {  	v10 =	vld [tilespmem:s25+$0xFFFFFFF0]  }
0x38: {  	v9 =	vld [tilespmem:s16+$0xFFFFFFF0]  }
0x39: {  	v6 =	vld [tilespmem:s25+$0x0]  }
0x3a: {  	v7 =	vld [tilespmem:s16+$0x0];
	v13 =	vshll.u32 v8, $0x1D;
	v14 =	vshll.u32 v11, $0xF  }
0x3b: {  	s18 =	simm.s32 $0x0;
	s19 =	simm.s32 $0x60;
	s17 =	simm.s32 $0x20;
	v11 =	vld [tilespmem:s25+$0xFFFFFFE0];
	v8 =	vshll.u32 v12, $0xF;
	v12 =	vadd.s32 v13, v14  }
.LBB2_2:
0x3c: {  	v13 =	vld [tilespmem:s19+$0x10];
	v10 =	vshll.u32 v10, $0x1D;
	[tilespmem:s17+$0x10] =	vst v12;
	s16 =	sadd.s32 $0x40, s16  }
0x3d: {  	s18 =	sadd.s32 $0x4, s18;
	v12 =	vld [tilespmem:s16+$0x10];
	v9 =	vshll.u32 v9, $0xF  }
0x3e: {  	p0 =	slt.u32 s18, $0x1FC;
	v14 =	vld [tilespmem:s16+$0xFFFFFFE0];
	v9 =	vadd.s32 v10, v9;
	v6 =	vshll.u32 v6, $0x1D  }
.Ltmp2:
0x3f: {  	v10 =	vld [tilespmem:s19+$0xFFFFFFF0];
	[tilespmem:s17+$0xFFFFFFF0] =	vst v9;
	v7 =	vshll.u32 v7, $0xF;
	(pc) =	sbr.rel @p0 .LBB2_2-.Ltmp2, $4  }
0x40: {  	v9 =	vld [tilespmem:s16+$0xFFFFFFF0];
	v11 =	vshll.u32 v11, $0x1D;
	v7 =	vadd.s32 v6, v7  }
0x41: {  	v6 =	vld [tilespmem:s19+$0x0];
	v8 =	vadd.s32 v11, v8;
	[tilespmem:s17+$0x0] =	vst v7  }
0x42: {  	v13 =	vshll.u32 v13, $0x1D;
	v7 =	vld [tilespmem:s16+$0x0];
	v12 =	vshll.u32 v12, $0xF;
	[tilespmem:s17+$0xFFFFFFE0] =	vst v8;
	s17 =	smov.u32 s19  }
0x43: {  	s19 =	sadd.s32 $0x40, s19;
	v11 =	vld [tilespmem:s17+$0xFFFFFFE0];
	v8 =	vshll.u32 v14, $0xF;
	v12 =	vadd.s32 v13, v12  }
0x44: {  	_ =	sdelay $0x1  }
0x45: {  	v10 =	vshll.u32 v10, $0x1D;
	v9 =	vshll.u32 v9, $0xF  }
0x46: {  	[tilespmem:s17+$0x10] =	vst v12;
	v9 =	vadd.s32 v10, v9;
	v6 =	vshll.u32 v6, $0x1D;
	v7 =	vshll.u32 v7, $0xF  }
0x47: {  	[tilespmem:s17+$0xFFFFFFF0] =	vst v9;
	v9 =	vshll.u32 v11, $0x1D;
	v6 =	vadd.s32 v6, v7  }
0x48: {  	v7 =	vadd.s32 v9, v8;
	[tilespmem:s17+$0x0] =	vst v6  }
0x49: {  	[tilespmem:s17+$0xFFFFFFE0] =	vst v7  }
0x4a: {  	s16 =	rddreg [dreg:$0xb]  }
0x4b: {  	[tilespmem:s31], [sflag:$0x6] =	stream.linear.gather [hbm4b:s16+s20], $0x2000, $0x38;
	[tilespmem:$0x1F280] =	vst v63  }
0x4c: {  	_ =	swait.ge [sflag:s21], $0x2000  }
0x4d: {  	[sflag:s21] =	ssyncset.done $0x0  }
0x4e: {  	s16 =	simm.s32 $0x20;
	[sflag:s21] =	ssyncadd.s32 $0xFFFFE000  }
0x4f: {  	s17 =	simm.s32 $0x4020;
	v10 =	vld [tilespmem:s16+$0x10]  }
0x50: {  	v12 =	vld [tilespmem:s17+$0x10]  }
0x51: {  	v11 =	vld [tilespmem:s16+$0xFFFFFFF0]  }
0x52: {  	v6 =	vld [tilespmem:s16+$0x0]  }
0x53: {  	v7 =	vld [tilespmem:s16+$0xFFFFFFE0]  }
0x54: {  	v9 =	vld [tilespmem:s17+$0xFFFFFFE0];
	v13 =	vshrl.u32 v10, $0x10  }
0x55: {  	v8 =	vld [tilespmem:s17+$0xFFFFFFF0];
	v12 =	vadd.s32 v10, v12;
	v14 =	vand.u32 $0xE000, v13  }
0x56: {  	s18 =	simm.s32 $0x0;
	s19 =	simm.s32 $0x60;
	v10 =	vld [tilespmem:s17+$0x0];
	v13 =	vshrl.u32 v11, $0x10;
	v12 =	vadd.s32 v14, v12  }
.LBB2_4:
0x57: {  	v14 =	vld [tilespmem:s19+$0x10];
	s18 =	sadd.s32 $0x4, s18;
	v13 =	vand.u32 $0xE000, v13;
	v15 =	vshrl.u32 v6, $0x10;
	[tilespmem:s16+$0x10] =	vst v12;
	s17 =	sadd.s32 $0x40, s17;
	v12 =	vmov v6  }
0x58: {  	v16 =	vld [tilespmem:s17+$0x10];
	p0 =	slt.u32 s18, $0x1FC;
	v6 =	vshrl.u32 v7, $0x10;
	v15 =	vand.u32 $0xE000, v15  }
0x59: {  	v17 =	vld [tilespmem:s19+$0xFFFFFFF0];
	v18 =	vand.u32 $0xE000, v6;
	v7 =	vadd.s32 v7, v9  }
.Ltmp3:
0x5a: {  	v6 =	vld [tilespmem:s19+$0x0];
	v9 =	vadd.s32 v18, v7;
	v8 =	vadd.s32 v11, v8;
	(pc) =	sbr.rel @p0 .LBB2_4-.Ltmp3, $4  }
0x5b: {  	v7 =	vld [tilespmem:s19+$0xFFFFFFE0];
	[tilespmem:s16+$0xFFFFFFE0] =	vst v9;
	v8 =	vadd.s32 v13, v8;
	v10 =	vadd.s32 v12, v10  }
0x5c: {  	v9 =	vld [tilespmem:s17+$0xFFFFFFE0];
	v18 =	vshrl.u32 v14, $0x10;
	[tilespmem:s16+$0xFFFFFFF0] =	vst v8;
	v10 =	vadd.s32 v15, v10  }
0x5d: {  	v8 =	vld [tilespmem:s17+$0xFFFFFFF0];
	v15 =	vand.u32 $0xE000, v18;
	v12 =	vadd.s32 v14, v16;
	[tilespmem:s16+$0x0] =	vst v10;
	s16 =	smov.u32 s19  }
0x5e: {  	s19 =	sadd.s32 $0x40, s19;
	v13 =	vshrl.u32 v17, $0x10;
	v10 =	vld [tilespmem:s17+$0x0];
	v12 =	vadd.s32 v15, v12;
	v11 =	vmov v17  }
0x5f: {  	_ = 	snop  }
0x60: {  	v14 =	vshrl.u32 v7, $0x10  }
0x61: {  	v13 =	vand.u32 $0xE000, v13;
	v14 =	vand.u32 $0xE000, v14;
	v7 =	vadd.s32 v7, v9  }
0x62: {  	[tilespmem:s16+$0x10] =	vst v12;
	v9 =	vshrl.u32 v6, $0x10;
	v7 =	vadd.s32 v14, v7;
	v8 =	vadd.s32 v11, v8  }
0x63: {  	v9 =	vand.u32 $0xE000, v9;
	[tilespmem:s16+$0xFFFFFFE0] =	vst v7;
	v7 =	vadd.s32 v13, v8;
	v6 =	vadd.s32 v6, v10  }
0x64: {  	[tilespmem:s16+$0xFFFFFFF0] =	vst v7;
	v6 =	vadd.s32 v9, v6  }
0x65: {  	[tilespmem:s16+$0x0] =	vst v6  }
0x66: {  	s16 =	rddreg [dreg:$0xc]  }
0x67: {  	[tilespmem:s0], [sflag:$0x6] =	stream.linear.gather [hbm4b:s16+s20], $0x2000, $0x38;
	[tilespmem:$0x1F280] =	vst v63  }
0x68: {  	_ =	swait.ge [sflag:s21], $0x2000  }
0x69: {  	[sflag:s21] =	ssyncset.done $0x0  }
0x6a: {  	s26 =	simm.s32 $0x20;
	[sflag:s21] =	ssyncadd.s32 $0xFFFFE000  }
0x6b: {  	v6 =	vld [tilespmem:s26+$0xFFFFFFE0]  }
0x6c: {  	v8 =	vld [tilespmem:s26+$0x0]  }
0x6d: {  	v7 =	vld [tilespmem:s26+$0x10]  }
0x6e: {  	v9 =	vld [tilespmem:s26+$0xFFFFFFF0];
	_ =	sdelay $0x1  }
0x6f: {  	s17 =	simm.s32 $0x60;
	s16 =	simm.s32 $0x4020;
	v10 =	vshrl.u32 v6, $0xF  }
0x70: {  	v6 =	vld [tilespmem:s17+$0xFFFFFFE0];
	v11 =	vshrl.u32 v8, $0xF;
	[tilespmem:s16+$0xFFFFFFE0] =	vst v10  }
0x71: {  	v8 =	vld [tilespmem:s17+$0x0];
	v10 =	vshrl.u32 v7, $0xF;
	[tilespmem:s16+$0x0] =	vst v11  }
0x72: {  	s18 =	simm.s32 $0x4;
	v9 =	vshrl.u32 v9, $0xF;
	v7 =	vld [tilespmem:s17+$0x10];
	[tilespmem:s16+$0x10] =	vst v10  }
.LBB2_6:
0x73: {  	s18 =	sadd.s32 $0x4, s18  }
0x74: {  	v10 =	vld [tilespmem:s17+$0xFFFFFFF0];
	[tilespmem:s16+$0xFFFFFFF0] =	vst v9;
	s16 =	sadd.s32 $0x40, s16;
	p0 =	slt.u32 s18, $0x1FC  }
.Ltmp4:
0x75: {  	(pc) =	sbr.rel @p0 .LBB2_6-.Ltmp4, $4  }
0x76: {  	s17 =	sadd.s32 $0x40, s17;
	v9 =	vshrl.u32 v6, $0xF  }
0x77: {  	v6 =	vld [tilespmem:s17+$0xFFFFFFE0];
	[tilespmem:s16+$0xFFFFFFE0] =	vst v9;
	v9 =	vshrl.u32 v7, $0xF  }
0x78: {  	v7 =	vld [tilespmem:s17+$0x10];
	v11 =	vshrl.u32 v8, $0xF;
	[tilespmem:s16+$0x10] =	vst v9  }
0x79: {  	v8 =	vld [tilespmem:s17+$0x0];
	v9 =	vshrl.u32 v10, $0xF;
	[tilespmem:s16+$0x0] =	vst v11  }
0x7a: {  	v10 =	vld [tilespmem:s17+$0xFFFFFFF0];
	_ =	sdelay $0x1  }
0x7b: {  	[tilespmem:s16+$0xFFFFFFF0] =	vst v9;
	s19 =	sadd.s32 $0x40, s16;
	v6 =	vshrl.u32 v6, $0xF  }
0x7c: {  	[tilespmem:s19+$0xFFFFFFE0] =	vst v6;
	v6 =	vshrl.u32 v7, $0xF  }
0x7d: {  	v7 =	vshrl.u32 v8, $0xF;
	[tilespmem:s19+$0x10] =	vst v6  }
0x7e: {  	v6 =	vshrl.u32 v10, $0xF;
	[tilespmem:s19+$0x0] =	vst v7  }
0x7f: {  	[tilespmem:s19+$0xFFFFFFF0] =	vst v6  }
0x80: {  	[tilespmem:s8], [sflag:$0x1] =	stream.indirect.gather [hbm4b:s6+s7], $0x1, s31, s7, $0xb8;
	[tilespmem:$0x1F280] =	vst v63  }
0x81: {  	s20 =	simm.s32 $0x4080;
	s21 =	simm.s32 $0x6300  }
0x82: {  	[tilespmem:s21], [sflag:$0x1] =	stream.indirect.gather [hbm4b:s6+s7], $0x1, s20, s7, $0xb8;
	[tilespmem:$0x1F280] =	vst v63  }
0x83: {  	s22 =	simm.s32 $0x4100;
	s23 =	simm.s32 $0x6380  }
0x84: {  	[tilespmem:s23], [sflag:$0x1] =	stream.indirect.gather [hbm4b:s6+s7], $0x1, s22, s7, $0xb8;
	[tilespmem:$0x1F280] =	vst v63  }
0x85: {  	s24 =	simm.s32 $0x4180;
	s26 =	simm.s32 $0x6400  }
0x86: {  	[tilespmem:s26], [sflag:$0x1] =	stream.indirect.gather [hbm4b:s6+s7], $0x1, s24, s7, $0xb8;
	[tilespmem:$0x1F280] =	vst v63  }
0x87: {  	s18 =	simm.s32 $0x4200;
	s19 =	simm.s32 $0x6480  }
0x88: {  	[tilespmem:s19], [sflag:$0x1] =	stream.indirect.gather [hbm4b:s6+s7], $0x1, s18, s7, $0xb8;
	[tilespmem:$0x1F280] =	vst v63  }
0x89: {  	s20 =	simm.s32 $0x4280;
	s21 =	simm.s32 $0x6500  }
0x8a: {  	[tilespmem:s21], [sflag:$0x1] =	stream.indirect.gather [hbm4b:s6+s7], $0x1, s20, s7, $0xb8;
	[tilespmem:$0x1F280] =	vst v63  }
0x8b: {  	s22 =	simm.s32 $0x4300;
	s23 =	simm.s32 $0x6580  }
0x8c: {  	[tilespmem:s23], [sflag:$0x1] =	stream.indirect.gather [hbm4b:s6+s7], $0x1, s22, s7, $0xb8;
	[tilespmem:$0x1F280] =	vst v63  }
0x8d: {  	s24 =	simm.s32 $0x4380;
	s26 =	simm.s32 $0x6600  }
0x8e: {  	[tilespmem:s26], [sflag:$0x1] =	stream.indirect.gather [hbm4b:s6+s7], $0x1, s24, s7, $0xb8;
	[tilespmem:$0x1F280] =	vst v63  }
0x8f: {  	s18 =	simm.s32 $0x4400;
	s19 =	simm.s32 $0x6680  }
0x90: {  	[tilespmem:s19], [sflag:$0x1] =	stream.indirect.gather [hbm4b:s6+s7], $0x1, s18, s7, $0xb8;
	[tilespmem:$0x1F280] =	vst v63  }
0x91: {  	s20 =	simm.s32 $0x4480;
	s21 =	simm.s32 $0x6700  }
0x92: {  	[tilespmem:s21], [sflag:$0x1] =	stream.indirect.gather [hbm4b:s6+s7], $0x1, s20, s7, $0xb8;
	[tilespmem:$0x1F280] =	vst v63  }
0x93: {  	s22 =	simm.s32 $0x4500;
	s23 =	simm.s32 $0x6780  }
0x94: {  	[tilespmem:s23], [sflag:$0x1] =	stream.indirect.gather [hbm4b:s6+s7], $0x1, s22, s7, $0xb8;
	[tilespmem:$0x1F280] =	vst v63  }
0x95: {  	s24 =	simm.s32 $0x4580;
	s26 =	simm.s32 $0x6800  }
0x96: {  	[tilespmem:s26], [sflag:$0x1] =	stream.indirect.gather [hbm4b:s6+s7], $0x1, s24, s7, $0xb8;
	[tilespmem:$0x1F280] =	vst v63  }
0x97: {  	s18 =	simm.s32 $0x4600;
	s19 =	simm.s32 $0x6880  }
0x98: {  	[tilespmem:s19], [sflag:$0x1] =	stream.indirect.gather [hbm4b:s6+s7], $0x1, s18, s7, $0xb8;
	[tilespmem:$0x1F280] =	vst v63  }
0x99: {  	s20 =	simm.s32 $0x4680;
	s21 =	simm.s32 $0x6900  }
0x9a: {  	[tilespmem:s21], [sflag:$0x1] =	stream.indirect.gather [hbm4b:s6+s7], $0x1, s20, s7, $0xb8;
	[tilespmem:$0x1F280] =	vst v63  }
0x9b: {  	s22 =	simm.s32 $0x4700;
	s23 =	simm.s32 $0x6980  }
0x9c: {  	[tilespmem:s23], [sflag:$0x1] =	stream.indirect.gather [hbm4b:s6+s7], $0x1, s22, s7, $0xb8;
	[tilespmem:$0x1F280] =	vst v63  }
0x9d: {  	s24 =	simm.s32 $0x4780;
	s26 =	simm.s32 $0x6A00  }
0x9e: {  	[tilespmem:s26], [sflag:$0x1] =	stream.indirect.gather [hbm4b:s6+s7], $0x1, s24, s7, $0xb8;
	[tilespmem:$0x1F280] =	vst v63  }
0x9f: {  	s18 =	simm.s32 $0x4800;
	s19 =	simm.s32 $0x6A80  }
0xa0: {  	[tilespmem:s19], [sflag:$0x1] =	stream.indirect.gather [hbm4b:s6+s7], $0x1, s18, s7, $0xb8;
	[tilespmem:$0x1F280] =	vst v63  }
0xa1: {  	s20 =	simm.s32 $0x4880;
	s21 =	simm.s32 $0x6B00  }
0xa2: {  	[tilespmem:s21], [sflag:$0x1] =	stream.indirect.gather [hbm4b:s6+s7], $0x1, s20, s7, $0xb8;
	[tilespmem:$0x1F280] =	vst v63  }
0xa3: {  	s22 =	simm.s32 $0x4900;
	s23 =	simm.s32 $0x6B80  }
0xa4: {  	[tilespmem:s23], [sflag:$0x1] =	stream.indirect.gather [hbm4b:s6+s7], $0x1, s22, s7, $0xb8;
	[tilespmem:$0x1F280] =	vst v63  }
0xa5: {  	s24 =	simm.s32 $0x4980;
	s26 =	simm.s32 $0x6C00  }
0xa6: {  	[tilespmem:s26], [sflag:$0x1] =	stream.indirect.gather [hbm4b:s6+s7], $0x1, s24, s7, $0xb8;
	[tilespmem:$0x1F280] =	vst v63  }
0xa7: {  	s18 =	simm.s32 $0x4A00;
	s19 =	simm.s32 $0x6C80  }
0xa8: {  	[tilespmem:s19], [sflag:$0x1] =	stream.indirect.gather [hbm4b:s6+s7], $0x1, s18, s7, $0xb8;
	[tilespmem:$0x1F280] =	vst v63  }
0xa9: {  	s20 =	simm.s32 $0x4A80;
	s21 =	simm.s32 $0x6D00  }
0xaa: {  	[tilespmem:s21], [sflag:$0x1] =	stream.indirect.gather [hbm4b:s6+s7], $0x1, s20, s7, $0xb8;
	[tilespmem:$0x1F280] =	vst v63  }
0xab: {  	s22 =	simm.s32 $0x4B00;
	s23 =	simm.s32 $0x6D80  }
0xac: {  	[tilespmem:s23], [sflag:$0x1] =	stream.indirect.gather [hbm4b:s6+s7], $0x1, s22, s7, $0xb8;
	[tilespmem:$0x1F280] =	vst v63  }
0xad: {  	s24 =	simm.s32 $0x4B80;
	s26 =	simm.s32 $0x6E00  }
0xae: {  	[tilespmem:s26], [sflag:$0x1] =	stream.indirect.gather [hbm4b:s6+s7], $0x1, s24, s7, $0xb8;
	[tilespmem:$0x1F280] =	vst v63  }
0xaf: {  	s18 =	simm.s32 $0x4C00;
	s19 =	simm.s32 $0x6E80  }
0xb0: {  	[tilespmem:s19], [sflag:$0x1] =	stream.indirect.gather [hbm4b:s6+s7], $0x1, s18, s7, $0xb8;
	[tilespmem:$0x1F280] =	vst v63  }
0xb1: {  	s20 =	simm.s32 $0x4C80;
	s21 =	simm.s32 $0x6F00  }
0xb2: {  	[tilespmem:s21], [sflag:$0x1] =	stream.indirect.gather [hbm4b:s6+s7], $0x1, s20, s7, $0xb8;
	[tilespmem:$0x1F280] =	vst v63  }
0xb3: {  	s22 =	simm.s32 $0x4D00;
	s23 =	simm.s32 $0x6F80  }
0xb4: {  	[tilespmem:s23], [sflag:$0x1] =	stream.indirect.gather [hbm4b:s6+s7], $0x1, s22, s7, $0xb8;
	[tilespmem:$0x1F280] =	vst v63  }
0xb5: {  	s24 =	simm.s32 $0x4D80;
	s26 =	simm.s32 $0x7000  }
0xb6: {  	[tilespmem:s26], [sflag:$0x1] =	stream.indirect.gather [hbm4b:s6+s7], $0x1, s24, s7, $0xb8;
	[tilespmem:$0x1F280] =	vst v63  }
0xb7: {  	s18 =	simm.s32 $0x4E00;
	s19 =	simm.s32 $0x7080  }
0xb8: {  	[tilespmem:s19], [sflag:$0x1] =	stream.indirect.gather [hbm4b:s6+s7], $0x1, s18, s7, $0xb8;
	[tilespmem:$0x1F280] =	vst v63  }
0xb9: {  	s20 =	simm.s32 $0x4E80;
	s21 =	simm.s32 $0x7100  }
0xba: {  	[tilespmem:s21], [sflag:$0x1] =	stream.indirect.gather [hbm4b:s6+s7], $0x1, s20, s7, $0xb8;
	[tilespmem:$0x1F280] =	vst v63  }
0xbb: {  	s22 =	simm.s32 $0x4F00;
	s23 =	simm.s32 $0x7180  }
0xbc: {  	[tilespmem:s23], [sflag:$0x1] =	stream.indirect.gather [hbm4b:s6+s7], $0x1, s22, s7, $0xb8;
	[tilespmem:$0x1F280] =	vst v63  }
0xbd: {  	s24 =	simm.s32 $0x4F80;
	s26 =	simm.s32 $0x7200  }
0xbe: {  	[tilespmem:s26], [sflag:$0x1] =	stream.indirect.gather [hbm4b:s6+s7], $0x1, s24, s7, $0xb8;
	[tilespmem:$0x1F280] =	vst v63  }
0xbf: {  	s18 =	simm.s32 $0x5000;
	s19 =	simm.s32 $0x7280  }
0xc0: {  	[tilespmem:s19], [sflag:$0x1] =	stream.indirect.gather [hbm4b:s6+s7], $0x1, s18, s7, $0xb8;
	[tilespmem:$0x1F280] =	vst v63  }
0xc1: {  	s20 =	simm.s32 $0x5080;
	s21 =	simm.s32 $0x7300  }
0xc2: {  	[tilespmem:s21], [sflag:$0x1] =	stream.indirect.gather [hbm4b:s6+s7], $0x1, s20, s7, $0xb8;
	[tilespmem:$0x1F280] =	vst v63  }
0xc3: {  	s22 =	simm.s32 $0x5100;
	s23 =	simm.s32 $0x7380  }
0xc4: {  	[tilespmem:s23], [sflag:$0x1] =	stream.indirect.gather [hbm4b:s6+s7], $0x1, s22, s7, $0xb8;
	[tilespmem:$0x1F280] =	vst v63  }
0xc5: {  	s24 =	simm.s32 $0x5180;
	s26 =	simm.s32 $0x7400  }
0xc6: {  	[tilespmem:s26], [sflag:$0x1] =	stream.indirect.gather [hbm4b:s6+s7], $0x1, s24, s7, $0xb8;
	[tilespmem:$0x1F280] =	vst v63  }
0xc7: {  	s18 =	simm.s32 $0x5200;
	s19 =	simm.s32 $0x7480  }
0xc8: {  	[tilespmem:s19], [sflag:$0x1] =	stream.indirect.gather [hbm4b:s6+s7], $0x1, s18, s7, $0xb8;
	[tilespmem:$0x1F280] =	vst v63  }
0xc9: {  	s20 =	simm.s32 $0x5280;
	s21 =	simm.s32 $0x7500  }
0xca: {  	[tilespmem:s21], [sflag:$0x1] =	stream.indirect.gather [hbm4b:s6+s7], $0x1, s20, s7, $0xb8;
	[tilespmem:$0x1F280] =	vst v63  }
0xcb: {  	s22 =	simm.s32 $0x5300;
	s23 =	simm.s32 $0x7580  }
0xcc: {  	[tilespmem:s23], [sflag:$0x1] =	stream.indirect.gather [hbm4b:s6+s7], $0x1, s22, s7, $0xb8;
	[tilespmem:$0x1F280] =	vst v63  }
0xcd: {  	s24 =	simm.s32 $0x5380;
	s26 =	simm.s32 $0x7600  }
0xce: {  	[tilespmem:s26], [sflag:$0x1] =	stream.indirect.gather [hbm4b:s6+s7], $0x1, s24, s7, $0xb8;
	[tilespmem:$0x1F280] =	vst v63  }
0xcf: {  	s18 =	simm.s32 $0x5400;
	s19 =	simm.s32 $0x7680  }
0xd0: {  	[tilespmem:s19], [sflag:$0x1] =	stream.indirect.gather [hbm4b:s6+s7], $0x1, s18, s7, $0xb8;
	[tilespmem:$0x1F280] =	vst v63  }
0xd1: {  	s20 =	simm.s32 $0x5480;
	s21 =	simm.s32 $0x7700  }
0xd2: {  	[tilespmem:s21], [sflag:$0x1] =	stream.indirect.gather [hbm4b:s6+s7], $0x1, s20, s7, $0xb8;
	[tilespmem:$0x1F280] =	vst v63  }
0xd3: {  	s22 =	simm.s32 $0x5500;
	s23 =	simm.s32 $0x7780  }
0xd4: {  	[tilespmem:s23], [sflag:$0x1] =	stream.indirect.gather [hbm4b:s6+s7], $0x1, s22, s7, $0xb8;
	[tilespmem:$0x1F280] =	vst v63  }
0xd5: {  	s24 =	simm.s32 $0x5580;
	s26 =	simm.s32 $0x7800  }
0xd6: {  	[tilespmem:s26], [sflag:$0x1] =	stream.indirect.gather [hbm4b:s6+s7], $0x1, s24, s7, $0xb8;
	[tilespmem:$0x1F280] =	vst v63  }
0xd7: {  	s18 =	simm.s32 $0x5600;
	s19 =	simm.s32 $0x7880  }
0xd8: {  	[tilespmem:s19], [sflag:$0x1] =	stream.indirect.gather [hbm4b:s6+s7], $0x1, s18, s7, $0xb8;
	[tilespmem:$0x1F280] =	vst v63  }
0xd9: {  	s20 =	simm.s32 $0x5680;
	s21 =	simm.s32 $0x7900  }
0xda: {  	[tilespmem:s21], [sflag:$0x1] =	stream.indirect.gather [hbm4b:s6+s7], $0x1, s20, s7, $0xb8;
	[tilespmem:$0x1F280] =	vst v63  }
0xdb: {  	s22 =	simm.s32 $0x5700;
	s23 =	simm.s32 $0x7980  }
0xdc: {  	[tilespmem:s23], [sflag:$0x1] =	stream.indirect.gather [hbm4b:s6+s7], $0x1, s22, s7, $0xb8;
	[tilespmem:$0x1F280] =	vst v63  }
0xdd: {  	s24 =	simm.s32 $0x5780;
	s26 =	simm.s32 $0x7A00  }
0xde: {  	[tilespmem:s26], [sflag:$0x1] =	stream.indirect.gather [hbm4b:s6+s7], $0x1, s24, s7, $0xb8;
	[tilespmem:$0x1F280] =	vst v63  }
0xdf: {  	s18 =	simm.s32 $0x5800;
	s19 =	simm.s32 $0x7A80  }
0xe0: {  	[tilespmem:s19], [sflag:$0x1] =	stream.indirect.gather [hbm4b:s6+s7], $0x1, s18, s7, $0xb8;
	[tilespmem:$0x1F280] =	vst v63  }
0xe1: {  	s20 =	simm.s32 $0x5880;
	s21 =	simm.s32 $0x7B00  }
0xe2: {  	[tilespmem:s21], [sflag:$0x1] =	stream.indirect.gather [hbm4b:s6+s7], $0x1, s20, s7, $0xb8;
	[tilespmem:$0x1F280] =	vst v63  }
0xe3: {  	s22 =	simm.s32 $0x5900;
	s23 =	simm.s32 $0x7B80  }
0xe4: {  	[tilespmem:s23], [sflag:$0x1] =	stream.indirect.gather [hbm4b:s6+s7], $0x1, s22, s7, $0xb8;
	[tilespmem:$0x1F280] =	vst v63  }
0xe5: {  	s24 =	simm.s32 $0x5980;
	s26 =	simm.s32 $0x7C00  }
0xe6: {  	[tilespmem:s26], [sflag:$0x1] =	stream.indirect.gather [hbm4b:s6+s7], $0x1, s24, s7, $0xb8;
	[tilespmem:$0x1F280] =	vst v63  }
0xe7: {  	s18 =	simm.s32 $0x5A00;
	s19 =	simm.s32 $0x7C80  }
0xe8: {  	[tilespmem:s19], [sflag:$0x1] =	stream.indirect.gather [hbm4b:s6+s7], $0x1, s18, s7, $0xb8;
	[tilespmem:$0x1F280] =	vst v63  }
0xe9: {  	s20 =	simm.s32 $0x5A80;
	s21 =	simm.s32 $0x7D00  }
0xea: {  	[tilespmem:s21], [sflag:$0x1] =	stream.indirect.gather [hbm4b:s6+s7], $0x1, s20, s7, $0xb8;
	[tilespmem:$0x1F280] =	vst v63  }
0xeb: {  	s22 =	simm.s32 $0x5B00;
	s23 =	simm.s32 $0x7D80  }
0xec: {  	[tilespmem:s23], [sflag:$0x1] =	stream.indirect.gather [hbm4b:s6+s7], $0x1, s22, s7, $0xb8;
	[tilespmem:$0x1F280] =	vst v63  }
0xed: {  	s24 =	simm.s32 $0x5B80;
	s26 =	simm.s32 $0x7E00  }
0xee: {  	[tilespmem:s26], [sflag:$0x1] =	stream.indirect.gather [hbm4b:s6+s7], $0x1, s24, s7, $0xb8;
	[tilespmem:$0x1F280] =	vst v63  }
0xef: {  	s18 =	simm.s32 $0x5C00;
	s19 =	simm.s32 $0x7E80  }
0xf0: {  	[tilespmem:s19], [sflag:$0x1] =	stream.indirect.gather [hbm4b:s6+s7], $0x1, s18, s7, $0xb8;
	[tilespmem:$0x1F280] =	vst v63  }
0xf1: {  	s20 =	simm.s32 $0x5C80;
	s21 =	simm.s32 $0x7F00  }
0xf2: {  	[tilespmem:s21], [sflag:$0x1] =	stream.indirect.gather [hbm4b:s6+s7], $0x1, s20, s7, $0xb8;
	[tilespmem:$0x1F280] =	vst v63  }
0xf3: {  	s22 =	simm.s32 $0x5D00;
	s23 =	simm.s32 $0x7F80  }
0xf4: {  	[tilespmem:s23], [sflag:$0x1] =	stream.indirect.gather [hbm4b:s6+s7], $0x1, s22, s7, $0xb8;
	[tilespmem:$0x1F280] =	vst v63  }
0xf5: {  	s24 =	simm.s32 $0x5D80;
	s26 =	simm.s32 $0x8000  }
0xf6: {  	[tilespmem:s26], [sflag:$0x1] =	stream.indirect.gather [hbm4b:s6+s7], $0x1, s24, s7, $0xb8;
	[tilespmem:$0x1F280] =	vst v63  }
0xf7: {  	s18 =	simm.s32 $0x5E00;
	s19 =	simm.s32 $0x8080  }
0xf8: {  	[tilespmem:s19], [sflag:$0x1] =	stream.indirect.gather [hbm4b:s6+s7], $0x1, s18, s7, $0xb8;
	[tilespmem:$0x1F280] =	vst v63  }
0xf9: {  	s20 =	simm.s32 $0x5E80;
	s21 =	simm.s32 $0x8100  }
0xfa: {  	[tilespmem:s21], [sflag:$0x1] =	stream.indirect.gather [hbm4b:s6+s7], $0x1, s20, s7, $0xb8;
	[tilespmem:$0x1F280] =	vst v63  }
0xfb: {  	s22 =	simm.s32 $0x5F00;
	s23 =	simm.s32 $0x8180  }
0xfc: {  	[tilespmem:s23], [sflag:$0x1] =	stream.indirect.gather [hbm4b:s6+s7], $0x1, s22, s7, $0xb8;
	[tilespmem:$0x1F280] =	vst v63  }
0xfd: {  	s24 =	simm.s32 $0x5F80;
	s26 =	simm.s32 $0x8200  }
0xfe: {  	[tilespmem:s26], [sflag:$0x1] =	stream.indirect.gather [hbm4b:s6+s7], $0x1, s24, s7, $0xb8;
	[tilespmem:$0x1F280] =	vst v63  }
0xff: {  	_ =	swait.ge [sflag:s9], $0x80  }
0x100: {  	[sflag:s9] =	ssyncset.done $0x0  }
0x101: {  	[sflag:s9] =	ssyncadd.s32 $0xFFFFFF80  }
0x102: {  	_ =	swait.ge [sflag:s9], $0x80  }
0x103: {  	[sflag:s9] =	ssyncset.done $0x0  }
0x104: {  	[sflag:s9] =	ssyncadd.s32 $0xFFFFFF80  }
0x105: {  	_ =	swait.ge [sflag:s9], $0x80  }
0x106: {  	[sflag:s9] =	ssyncset.done $0x0  }
0x107: {  	[sflag:s9] =	ssyncadd.s32 $0xFFFFFF80  }
0x108: {  	_ =	swait.ge [sflag:s9], $0x80  }
0x109: {  	[sflag:s9] =	ssyncset.done $0x0  }
0x10a: {  	[sflag:s9] =	ssyncadd.s32 $0xFFFFFF80  }
0x10b: {  	_ =	swait.ge [sflag:s9], $0x80  }
0x10c: {  	[sflag:s9] =	ssyncset.done $0x0  }
0x10d: {  	[sflag:s9] =	ssyncadd.s32 $0xFFFFFF80  }
0x10e: {  	_ =	swait.ge [sflag:s9], $0x80  }
0x10f: {  	[sflag:s9] =	ssyncset.done $0x0  }
0x110: {  	[sflag:s9] =	ssyncadd.s32 $0xFFFFFF80  }
0x111: {  	_ =	swait.ge [sflag:s9], $0x80  }
0x112: {  	[sflag:s9] =	ssyncset.done $0x0  }
0x113: {  	[sflag:s9] =	ssyncadd.s32 $0xFFFFFF80  }
0x114: {  	_ =	swait.ge [sflag:s9], $0x80  }
0x115: {  	[sflag:s9] =	ssyncset.done $0x0  }
0x116: {  	[sflag:s9] =	ssyncadd.s32 $0xFFFFFF80  }
0x117: {  	_ =	swait.ge [sflag:s9], $0x80  }
0x118: {  	[sflag:s9] =	ssyncset.done $0x0  }
0x119: {  	[sflag:s9] =	ssyncadd.s32 $0xFFFFFF80  }
0x11a: {  	_ =	swait.ge [sflag:s9], $0x80  }
0x11b: {  	[sflag:s9] =	ssyncset.done $0x0  }
0x11c: {  	[sflag:s9] =	ssyncadd.s32 $0xFFFFFF80  }
0x11d: {  	_ =	swait.ge [sflag:s9], $0x80  }
0x11e: {  	[sflag:s9] =	ssyncset.done $0x0  }
0x11f: {  	[sflag:s9] =	ssyncadd.s32 $0xFFFFFF80  }
0x120: {  	_ =	swait.ge [sflag:s9], $0x80  }
0x121: {  	[sflag:s9] =	ssyncset.done $0x0  }
0x122: {  	[sflag:s9] =	ssyncadd.s32 $0xFFFFFF80  }
0x123: {  	_ =	swait.ge [sflag:s9], $0x80  }
0x124: {  	[sflag:s9] =	ssyncset.done $0x0  }
0x125: {  	[sflag:s9] =	ssyncadd.s32 $0xFFFFFF80  }
0x126: {  	_ =	swait.ge [sflag:s9], $0x80  }
0x127: {  	[sflag:s9] =	ssyncset.done $0x0  }
0x128: {  	[sflag:s9] =	ssyncadd.s32 $0xFFFFFF80  }
0x129: {  	_ =	swait.ge [sflag:s9], $0x80  }
0x12a: {  	[sflag:s9] =	ssyncset.done $0x0  }
0x12b: {  	[sflag:s9] =	ssyncadd.s32 $0xFFFFFF80  }
0x12c: {  	_ =	swait.ge [sflag:s9], $0x80  }
0x12d: {  	[sflag:s9] =	ssyncset.done $0x0  }
0x12e: {  	[sflag:s9] =	ssyncadd.s32 $0xFFFFFF80  }
0x12f: {  	_ =	swait.ge [sflag:s9], $0x80  }
0x130: {  	[sflag:s9] =	ssyncset.done $0x0  }
0x131: {  	[sflag:s9] =	ssyncadd.s32 $0xFFFFFF80  }
0x132: {  	_ =	swait.ge [sflag:s9], $0x80  }
0x133: {  	[sflag:s9] =	ssyncset.done $0x0  }
0x134: {  	[sflag:s9] =	ssyncadd.s32 $0xFFFFFF80  }
0x135: {  	_ =	swait.ge [sflag:s9], $0x80  }
0x136: {  	[sflag:s9] =	ssyncset.done $0x0  }
0x137: {  	[sflag:s9] =	ssyncadd.s32 $0xFFFFFF80  }
0x138: {  	_ =	swait.ge [sflag:s9], $0x80  }
0x139: {  	[sflag:s9] =	ssyncset.done $0x0  }
0x13a: {  	[sflag:s9] =	ssyncadd.s32 $0xFFFFFF80  }
0x13b: {  	_ =	swait.ge [sflag:s9], $0x80  }
0x13c: {  	[sflag:s9] =	ssyncset.done $0x0  }
0x13d: {  	[sflag:s9] =	ssyncadd.s32 $0xFFFFFF80  }
0x13e: {  	_ =	swait.ge [sflag:s9], $0x80  }
0x13f: {  	[sflag:s9] =	ssyncset.done $0x0  }
0x140: {  	[sflag:s9] =	ssyncadd.s32 $0xFFFFFF80  }
0x141: {  	_ =	swait.ge [sflag:s9], $0x80  }
0x142: {  	[sflag:s9] =	ssyncset.done $0x0  }
0x143: {  	[sflag:s9] =	ssyncadd.s32 $0xFFFFFF80  }
0x144: {  	_ =	swait.ge [sflag:s9], $0x80  }
0x145: {  	[sflag:s9] =	ssyncset.done $0x0  }
0x146: {  	[sflag:s9] =	ssyncadd.s32 $0xFFFFFF80  }
0x147: {  	_ =	swait.ge [sflag:s9], $0x80  }
0x148: {  	[sflag:s9] =	ssyncset.done $0x0  }
0x149: {  	[sflag:s9] =	ssyncadd.s32 $0xFFFFFF80  }
0x14a: {  	_ =	swait.ge [sflag:s9], $0x80  }
0x14b: {  	[sflag:s9] =	ssyncset.done $0x0  }
0x14c: {  	[sflag:s9] =	ssyncadd.s32 $0xFFFFFF80  }
0x14d: {  	_ =	swait.ge [sflag:s9], $0x80  }
0x14e: {  	[sflag:s9] =	ssyncset.done $0x0  }
0x14f: {  	[sflag:s9] =	ssyncadd.s32 $0xFFFFFF80  }
0x150: {  	_ =	swait.ge [sflag:s9], $0x80  }
0x151: {  	[sflag:s9] =	ssyncset.done $0x0  }
0x152: {  	[sflag:s9] =	ssyncadd.s32 $0xFFFFFF80  }
0x153: {  	_ =	swait.ge [sflag:s9], $0x80  }
0x154: {  	[sflag:s9] =	ssyncset.done $0x0  }
0x155: {  	[sflag:s9] =	ssyncadd.s32 $0xFFFFFF80  }
0x156: {  	_ =	swait.ge [sflag:s9], $0x80  }
0x157: {  	[sflag:s9] =	ssyncset.done $0x0  }
0x158: {  	[sflag:s9] =	ssyncadd.s32 $0xFFFFFF80  }
0x159: {  	_ =	swait.ge [sflag:s9], $0x80  }
0x15a: {  	[sflag:s9] =	ssyncset.done $0x0  }
0x15b: {  	[sflag:s9] =	ssyncadd.s32 $0xFFFFFF80  }
0x15c: {  	_ =	swait.ge [sflag:s9], $0x80  }
0x15d: {  	[sflag:s9] =	ssyncset.done $0x0  }
0x15e: {  	[sflag:s9] =	ssyncadd.s32 $0xFFFFFF80  }
0x15f: {  	_ =	swait.ge [sflag:s9], $0x80  }
0x160: {  	[sflag:s9] =	ssyncset.done $0x0  }
0x161: {  	[sflag:s9] =	ssyncadd.s32 $0xFFFFFF80  }
0x162: {  	_ =	swait.ge [sflag:s9], $0x80  }
0x163: {  	[sflag:s9] =	ssyncset.done $0x0  }
0x164: {  	[sflag:s9] =	ssyncadd.s32 $0xFFFFFF80  }
0x165: {  	_ =	swait.ge [sflag:s9], $0x80  }
0x166: {  	[sflag:s9] =	ssyncset.done $0x0  }
0x167: {  	[sflag:s9] =	ssyncadd.s32 $0xFFFFFF80  }
0x168: {  	_ =	swait.ge [sflag:s9], $0x80  }
0x169: {  	[sflag:s9] =	ssyncset.done $0x0  }
0x16a: {  	[sflag:s9] =	ssyncadd.s32 $0xFFFFFF80  }
0x16b: {  	_ =	swait.ge [sflag:s9], $0x80  }
0x16c: {  	[sflag:s9] =	ssyncset.done $0x0  }
0x16d: {  	[sflag:s9] =	ssyncadd.s32 $0xFFFFFF80  }
0x16e: {  	_ =	swait.ge [sflag:s9], $0x80  }
0x16f: {  	[sflag:s9] =	ssyncset.done $0x0  }
0x170: {  	[sflag:s9] =	ssyncadd.s32 $0xFFFFFF80  }
0x171: {  	_ =	swait.ge [sflag:s9], $0x80  }
0x172: {  	[sflag:s9] =	ssyncset.done $0x0  }
0x173: {  	[sflag:s9] =	ssyncadd.s32 $0xFFFFFF80  }
0x174: {  	_ =	swait.ge [sflag:s9], $0x80  }
0x175: {  	[sflag:s9] =	ssyncset.done $0x0  }
0x176: {  	[sflag:s9] =	ssyncadd.s32 $0xFFFFFF80  }
0x177: {  	_ =	swait.ge [sflag:s9], $0x80  }
0x178: {  	[sflag:s9] =	ssyncset.done $0x0  }
0x179: {  	[sflag:s9] =	ssyncadd.s32 $0xFFFFFF80  }
0x17a: {  	_ =	swait.ge [sflag:s9], $0x80  }
0x17b: {  	[sflag:s9] =	ssyncset.done $0x0  }
0x17c: {  	[sflag:s9] =	ssyncadd.s32 $0xFFFFFF80  }
0x17d: {  	_ =	swait.ge [sflag:s9], $0x80  }
0x17e: {  	[sflag:s9] =	ssyncset.done $0x0  }
0x17f: {  	[sflag:s9] =	ssyncadd.s32 $0xFFFFFF80  }
0x180: {  	_ =	swait.ge [sflag:s9], $0x80  }
0x181: {  	[sflag:s9] =	ssyncset.done $0x0  }
0x182: {  	[sflag:s9] =	ssyncadd.s32 $0xFFFFFF80  }
0x183: {  	_ =	swait.ge [sflag:s9], $0x80  }
0x184: {  	[sflag:s9] =	ssyncset.done $0x0  }
0x185: {  	[sflag:s9] =	ssyncadd.s32 $0xFFFFFF80  }
0x186: {  	_ =	swait.ge [sflag:s9], $0x80  }
0x187: {  	[sflag:s9] =	ssyncset.done $0x0  }
0x188: {  	[sflag:s9] =	ssyncadd.s32 $0xFFFFFF80  }
0x189: {  	_ =	swait.ge [sflag:s9], $0x80  }
0x18a: {  	[sflag:s9] =	ssyncset.done $0x0  }
0x18b: {  	[sflag:s9] =	ssyncadd.s32 $0xFFFFFF80  }
0x18c: {  	_ =	swait.ge [sflag:s9], $0x80  }
0x18d: {  	[sflag:s9] =	ssyncset.done $0x0  }
0x18e: {  	[sflag:s9] =	ssyncadd.s32 $0xFFFFFF80  }
0x18f: {  	_ =	swait.ge [sflag:s9], $0x80  }
0x190: {  	[sflag:s9] =	ssyncset.done $0x0  }
0x191: {  	[sflag:s9] =	ssyncadd.s32 $0xFFFFFF80  }
0x192: {  	_ =	swait.ge [sflag:s9], $0x80  }
0x193: {  	[sflag:s9] =	ssyncset.done $0x0  }
0x194: {  	[sflag:s9] =	ssyncadd.s32 $0xFFFFFF80  }
0x195: {  	_ =	swait.ge [sflag:s9], $0x80  }
0x196: {  	[sflag:s9] =	ssyncset.done $0x0  }
0x197: {  	[sflag:s9] =	ssyncadd.s32 $0xFFFFFF80  }
0x198: {  	_ =	swait.ge [sflag:s9], $0x80  }
0x199: {  	[sflag:s9] =	ssyncset.done $0x0  }
0x19a: {  	[sflag:s9] =	ssyncadd.s32 $0xFFFFFF80  }
0x19b: {  	_ =	swait.ge [sflag:s9], $0x80  }
0x19c: {  	[sflag:s9] =	ssyncset.done $0x0  }
0x19d: {  	[sflag:s9] =	ssyncadd.s32 $0xFFFFFF80  }
0x19e: {  	_ =	swait.ge [sflag:s9], $0x80  }
0x19f: {  	[sflag:s9] =	ssyncset.done $0x0  }
0x1a0: {  	[sflag:s9] =	ssyncadd.s32 $0xFFFFFF80  }
0x1a1: {  	_ =	swait.ge [sflag:s9], $0x80  }
0x1a2: {  	[sflag:s9] =	ssyncset.done $0x0  }
0x1a3: {  	[sflag:s9] =	ssyncadd.s32 $0xFFFFFF80  }
0x1a4: {  	_ =	swait.ge [sflag:s9], $0x80  }
0x1a5: {  	[sflag:s9] =	ssyncset.done $0x0  }
0x1a6: {  	[sflag:s9] =	ssyncadd.s32 $0xFFFFFF80  }
0x1a7: {  	_ =	swait.ge [sflag:s9], $0x80  }
0x1a8: {  	[sflag:s9] =	ssyncset.done $0x0  }
0x1a9: {  	[sflag:s9] =	ssyncadd.s32 $0xFFFFFF80  }
0x1aa: {  	_ =	swait.ge [sflag:s9], $0x80  }
0x1ab: {  	[sflag:s9] =	ssyncset.done $0x0  }
0x1ac: {  	[sflag:s9] =	ssyncadd.s32 $0xFFFFFF80  }
0x1ad: {  	_ =	swait.ge [sflag:s9], $0x80  }
0x1ae: {  	[sflag:s9] =	ssyncset.done $0x0  }
0x1af: {  	[sflag:s9] =	ssyncadd.s32 $0xFFFFFF80  }
0x1b0: {  	_ =	swait.ge [sflag:s9], $0x80  }
0x1b1: {  	[sflag:s9] =	ssyncset.done $0x0  }
0x1b2: {  	[sflag:s9] =	ssyncadd.s32 $0xFFFFFF80  }
0x1b3: {  	_ =	swait.ge [sflag:s9], $0x80  }
0x1b4: {  	[sflag:s9] =	ssyncset.done $0x0  }
0x1b5: {  	[sflag:s9] =	ssyncadd.s32 $0xFFFFFF80  }
0x1b6: {  	_ =	swait.ge [sflag:s9], $0x80  }
0x1b7: {  	[sflag:s9] =	ssyncset.done $0x0  }
0x1b8: {  	[sflag:s9] =	ssyncadd.s32 $0xFFFFFF80  }
0x1b9: {  	_ =	swait.ge [sflag:s9], $0x80  }
0x1ba: {  	[sflag:s9] =	ssyncset.done $0x0  }
0x1bb: {  	[sflag:s9] =	ssyncadd.s32 $0xFFFFFF80  }
0x1bc: {  	_ =	swait.ge [sflag:s9], $0x80  }
0x1bd: {  	[sflag:s9] =	ssyncset.done $0x0  }
0x1be: {  	s17 =	simm.s32 $0x0;
	[sflag:s9] =	ssyncadd.s32 $0xFFFFFF80  }
.LBB2_8:
0x1bf: {  	s16 =	sshll.u32 s17, $0x9  }
0x1c0: {  	s16 =	sand.u32 $0x3FFFFE00, s16  }
0x1c1: {  	s19 =	sadd.s32 $0x6280, s16  }
0x1c2: {  	v6 =	vmov s19;
	_ =	sdelay $0x1  }
0x1c3: {  	s18 =	sshll.u32 s17, $0x5;
	p0 =	por $0x1, $0x1;
	s19 =	simm.s32 $0x0  }
.LBB2_9:
0x1c4: {  	s20 =	sshll.u32 s19, $0x4;
	s21 =	sor.u32 $0x1, s19  }
0x1c5: {  	s23 =	sor.u32 $0x2, s19;
	s20 =	sand.u32 $0x3FFFFFF0, s20;
	s22 =	sshll.u32 s21, $0x4  }
0x1c6: {  	s24 =	sor.u32 $0x3, s19;
	s26 =	sshll.u32 s23, $0x4;
	v7 =	vld.idx.msk [tilespmem:v6+s20+$0x0 ss:$0x1], $0xffff;
	s22 =	sand.u32 $0x3FFFFFF0, s22  }
0x1c7: {  	v8 =	vld.idx.msk [tilespmem:v6+s22+$0x0 ss:$0x1], $0xffff;
	s22 =	sand.u32 $0x3FFFFFF0, s26;
	s26 =	sshll.u32 s24, $0x4  }
0x1c8: {  	v9 =	vld.idx.msk [tilespmem:v6+s22+$0x0 ss:$0x1], $0xffff;
	s26 =	sand.u32 $0x3FFFFFF0, s26  }
0x1c9: {  	v10 =	vld.idx.msk [tilespmem:v6+s26+$0x0 ss:$0x1], $0xffff;
	_ =	sdelay $0x1  }
0x1ca: {  	(erf) = vrcp.f32 v7  }
0x1cb: {  	(erf) = vrcp.f32 v8  }
0x1cc: {  	s20 =	sor.u32 s18, s19;
	(erf) = vrcp.f32 v9  }
0x1cd: {  	s19 =	sshll.u32 s20, $0x4;
	s22 =	sor.u32 s18, s21;
	(erf) = vrcp.f32 v10  }
0x1ce: {  	s23 =	sor.u32 s18, s23;
	s19 =	sand.u32 $0x3FFFFFF0, s19;
	s20 =	sshll.u32 s22, $0x4  }
0x1cf: {  	s21 =	sshll.u32 s23, $0x4;
	s26 =	sor.u32 s18, s24;
	s20 =	sand.u32 $0x3FFFFFF0, s20;
	v7 =	vld [tilespmem:s19+$0x2000]  }
0x1d0: {  	s21 =	sand.u32 $0x3FFFFFF0, s21;
	s22 =	sshll.u32 s26, $0x4;
	v8 =	vld [tilespmem:s20+$0x2000]  }
0x1d1: {  	v60 =	vld [tilespmem:s21+$0x2000];
	s22 =	sand.u32 $0x3FFFFFF0, s22  }
0x1d2: {  	v61 =	vld [tilespmem:s22+$0x2000]  }
0x1d3: {  	v11 =	vpop (erf)  }
0x1d4: {  	p1 =	por p0, p0;
	v12 =	vpop (erf);
	v7 =	vmul.f32 v11, v7  }
.Ltmp5:
0x1d5: {  	v62 =	vpop (erf);
	v8 =	vmul.f32 v12, v8;
	(pc) =	sbr.rel @p1 .LBB2_9-.Ltmp5, $4  }
0x1d6: {  	[tilespmem:s19+$0x2000] =	vst v7;
	v7 =	vmul.f32 v62, v60;
	v63 =	vpop (erf)  }
0x1d7: {  	[tilespmem:s20+$0x2000] =	vst v8;
	v8 =	vmul.f32 v63, v61  }
0x1d8: {  	[tilespmem:s21+$0x2000] =	vst v7  }
0x1d9: {  	p0 =	por $0x0, $0x0;
	s19 =	simm.s32 $0x4;
	[tilespmem:s22+$0x2000] =	vst v8  }
0x1da: {  	s21 =	sadd.s32 $0x6300, s16  }
0x1db: {  	v6 =	vmov s21;
	_ =	sdelay $0x1  }
0x1dc: {  	s19 =	sor.u32 $0x8, s18;
	s20 =	simm.s32 $0x0;
	p0 =	por $0x1, $0x1  }
.LBB2_11:
0x1dd: {  	s21 =	sshll.u32 s20, $0x4;
	s22 =	sor.u32 $0x1, s20  }
0x1de: {  	s24 =	sor.u32 $0x2, s20;
	s21 =	sand.u32 $0x3FFFFFF0, s21;
	s23 =	sshll.u32 s22, $0x4  }
0x1df: {  	s26 =	sor.u32 $0x3, s20;
	v7 =	vld.idx.msk [tilespmem:v6+s21+$0x0 ss:$0x1], $0xffff;
	s21 =	sand.u32 $0x3FFFFFF0, s23;
	s23 =	sshll.u32 s24, $0x4  }
0x1e0: {  	v8 =	vld.idx.msk [tilespmem:v6+s21+$0x0 ss:$0x1], $0xffff;
	s21 =	sand.u32 $0x3FFFFFF0, s23;
	s23 =	sshll.u32 s26, $0x4  }
0x1e1: {  	v9 =	vld.idx.msk [tilespmem:v6+s21+$0x0 ss:$0x1], $0xffff;
	s23 =	sand.u32 $0x3FFFFFF0, s23  }
0x1e2: {  	v10 =	vld.idx.msk [tilespmem:v6+s23+$0x0 ss:$0x1], $0xffff;
	_ =	sdelay $0x1  }
0x1e3: {  	(erf) = vrcp.f32 v7  }
0x1e4: {  	(erf) = vrcp.f32 v8  }
0x1e5: {  	s21 =	sor.u32 s19, s20;
	(erf) = vrcp.f32 v9  }
0x1e6: {  	s20 =	sshll.u32 s21, $0x4;
	s23 =	sor.u32 s19, s22;
	(erf) = vrcp.f32 v10  }
0x1e7: {  	s24 =	sor.u32 s19, s24;
	s20 =	sand.u32 $0x3FFFFFF0, s20;
	s21 =	sshll.u32 s23, $0x4  }
0x1e8: {  	s26 =	sor.u32 s19, s26;
	s22 =	sshll.u32 s24, $0x4;
	v7 =	vld [tilespmem:s20+$0x2000];
	s21 =	sand.u32 $0x3FFFFFF0, s21  }
0x1e9: {  	s22 =	sand.u32 $0x3FFFFFF0, s22;
	s23 =	sshll.u32 s26, $0x4;
	v8 =	vld [tilespmem:s21+$0x2000]  }
0x1ea: {  	v60 =	vld [tilespmem:s22+$0x2000];
	s23 =	sand.u32 $0x3FFFFFF0, s23  }
0x1eb: {  	v61 =	vld [tilespmem:s23+$0x2000]  }
0x1ec: {  	v11 =	vpop (erf)  }
0x1ed: {  	p1 =	por p0, p0;
	v12 =	vpop (erf);
	v7 =	vmul.f32 v11, v7  }
.Ltmp6:
0x1ee: {  	v62 =	vpop (erf);
	v8 =	vmul.f32 v12, v8;
	(pc) =	sbr.rel @p1 .LBB2_11-.Ltmp6, $4  }
0x1ef: {  	[tilespmem:s20+$0x2000] =	vst v7;
	v7 =	vmul.f32 v62, v60;
	v63 =	vpop (erf)  }
0x1f0: {  	[tilespmem:s21+$0x2000] =	vst v8;
	v8 =	vmul.f32 v63, v61  }
0x1f1: {  	[tilespmem:s22+$0x2000] =	vst v7  }
0x1f2: {  	p0 =	por $0x0, $0x0;
	s20 =	simm.s32 $0x4;
	[tilespmem:s23+$0x2000] =	vst v8  }
0x1f3: {  	s21 =	sadd.s32 $0x6380, s16  }
0x1f4: {  	v6 =	vmov s21;
	_ =	sdelay $0x1  }
0x1f5: {  	s19 =	sor.u32 $0x10, s18;
	s20 =	simm.s32 $0x0;
	p0 =	por $0x1, $0x1  }
.LBB2_13:
0x1f6: {  	s21 =	sshll.u32 s20, $0x4;
	s22 =	sor.u32 $0x1, s20  }
0x1f7: {  	s24 =	sor.u32 $0x2, s20;
	s21 =	sand.u32 $0x3FFFFFF0, s21;
	s23 =	sshll.u32 s22, $0x4  }
0x1f8: {  	s26 =	sor.u32 $0x3, s20;
	v7 =	vld.idx.msk [tilespmem:v6+s21+$0x0 ss:$0x1], $0xffff;
	s21 =	sand.u32 $0x3FFFFFF0, s23;
	s23 =	sshll.u32 s24, $0x4  }
0x1f9: {  	v8 =	vld.idx.msk [tilespmem:v6+s21+$0x0 ss:$0x1], $0xffff;
	s21 =	sand.u32 $0x3FFFFFF0, s23;
	s23 =	sshll.u32 s26, $0x4  }
0x1fa: {  	v9 =	vld.idx.msk [tilespmem:v6+s21+$0x0 ss:$0x1], $0xffff;
	s23 =	sand.u32 $0x3FFFFFF0, s23  }
0x1fb: {  	v10 =	vld.idx.msk [tilespmem:v6+s23+$0x0 ss:$0x1], $0xffff;
	_ =	sdelay $0x1  }
0x1fc: {  	(erf) = vrcp.f32 v7  }
0x1fd: {  	(erf) = vrcp.f32 v8  }
0x1fe: {  	s21 =	sor.u32 s19, s20;
	(erf) = vrcp.f32 v9  }
0x1ff: {  	s20 =	sshll.u32 s21, $0x4;
	s23 =	sor.u32 s19, s22;
	(erf) = vrcp.f32 v10  }
0x200: {  	s24 =	sor.u32 s19, s24;
	s20 =	sand.u32 $0x3FFFFFF0, s20;
	s21 =	sshll.u32 s23, $0x4  }
0x201: {  	s26 =	sor.u32 s19, s26;
	s22 =	sshll.u32 s24, $0x4;
	v7 =	vld [tilespmem:s20+$0x2000];
	s21 =	sand.u32 $0x3FFFFFF0, s21  }
0x202: {  	s22 =	sand.u32 $0x3FFFFFF0, s22;
	s23 =	sshll.u32 s26, $0x4;
	v8 =	vld [tilespmem:s21+$0x2000]  }
0x203: {  	v60 =	vld [tilespmem:s22+$0x2000];
	s23 =	sand.u32 $0x3FFFFFF0, s23  }
0x204: {  	v61 =	vld [tilespmem:s23+$0x2000]  }
0x205: {  	v11 =	vpop (erf)  }
0x206: {  	p1 =	por p0, p0;
	v12 =	vpop (erf);
	v7 =	vmul.f32 v11, v7  }
.Ltmp7:
0x207: {  	v62 =	vpop (erf);
	v8 =	vmul.f32 v12, v8;
	(pc) =	sbr.rel @p1 .LBB2_13-.Ltmp7, $4  }
0x208: {  	[tilespmem:s20+$0x2000] =	vst v7;
	v7 =	vmul.f32 v62, v60;
	v63 =	vpop (erf)  }
0x209: {  	[tilespmem:s21+$0x2000] =	vst v8;
	v8 =	vmul.f32 v63, v61  }
0x20a: {  	[tilespmem:s22+$0x2000] =	vst v7  }
0x20b: {  	p0 =	por $0x0, $0x0;
	s20 =	simm.s32 $0x4;
	[tilespmem:s23+$0x2000] =	vst v8  }
0x20c: {  	s19 =	sadd.s32 $0x6400, s16  }
0x20d: {  	v6 =	vmov s19;
	_ =	sdelay $0x1  }
0x20e: {  	s16 =	sor.u32 $0x18, s18;
	s18 =	simm.s32 $0x0;
	p0 =	por $0x1, $0x1  }
.LBB2_15:
0x20f: {  	s19 =	sshll.u32 s18, $0x4;
	s20 =	sor.u32 $0x1, s18  }
0x210: {  	s22 =	sor.u32 $0x2, s18;
	s19 =	sand.u32 $0x3FFFFFF0, s19;
	s21 =	sshll.u32 s20, $0x4  }
0x211: {  	s23 =	sor.u32 $0x3, s18;
	s26 =	sshll.u32 s22, $0x4;
	v7 =	vld.idx.msk [tilespmem:v6+s19+$0x0 ss:$0x1], $0xffff;
	s24 =	sand.u32 $0x3FFFFFF0, s21  }
0x212: {  	s21 =	sand.u32 $0x3FFFFFF0, s26;
	v8 =	vld.idx.msk [tilespmem:v6+s24+$0x0 ss:$0x1], $0xffff;
	s24 =	sshll.u32 s23, $0x4  }
0x213: {  	v9 =	vld.idx.msk [tilespmem:v6+s21+$0x0 ss:$0x1], $0xffff;
	s26 =	sand.u32 $0x3FFFFFF0, s24  }
0x214: {  	v10 =	vld.idx.msk [tilespmem:v6+s26+$0x0 ss:$0x1], $0xffff;
	_ =	sdelay $0x1  }
0x215: {  	(erf) = vrcp.f32 v7  }
0x216: {  	(erf) = vrcp.f32 v8  }
0x217: {  	s19 =	sor.u32 s16, s18;
	(erf) = vrcp.f32 v9  }
0x218: {  	s18 =	sshll.u32 s19, $0x4;
	s21 =	sor.u32 s16, s20;
	(erf) = vrcp.f32 v10  }
0x219: {  	s18 =	sand.u32 $0x3FFFFFF0, s18;
	s19 =	sshll.u32 s21, $0x4;
	s24 =	sor.u32 s16, s22  }
0x21a: {  	s19 =	sand.u32 $0x3FFFFFF0, s19;
	s20 =	sshll.u32 s24, $0x4;
	s26 =	sor.u32 s16, s23;
	v7 =	vld [tilespmem:s18+$0x2000]  }
0x21b: {  	s20 =	sand.u32 $0x3FFFFFF0, s20;
	s21 =	sshll.u32 s26, $0x4;
	v8 =	vld [tilespmem:s19+$0x2000]  }
0x21c: {  	v60 =	vld [tilespmem:s20+$0x2000];
	s21 =	sand.u32 $0x3FFFFFF0, s21  }
0x21d: {  	v61 =	vld [tilespmem:s21+$0x2000]  }
0x21e: {  	v11 =	vpop (erf)  }
0x21f: {  	p1 =	por p0, p0;
	v12 =	vpop (erf);
	v7 =	vmul.f32 v11, v7  }
.Ltmp8:
0x220: {  	v62 =	vpop (erf);
	v8 =	vmul.f32 v12, v8;
	(pc) =	sbr.rel @p1 .LBB2_15-.Ltmp8, $4  }
0x221: {  	[tilespmem:s18+$0x2000] =	vst v7;
	v7 =	vmul.f32 v62, v60;
	v63 =	vpop (erf)  }
0x222: {  	[tilespmem:s19+$0x2000] =	vst v8;
	v8 =	vmul.f32 v63, v61  }
0x223: {  	[tilespmem:s20+$0x2000] =	vst v7  }
0x224: {  	p0 =	por $0x0, $0x0;
	s18 =	simm.s32 $0x4;
	[tilespmem:s21+$0x2000] =	vst v8  }
0x225: {  	s17 =	sadd.s32 $0x1, s17  }
0x226: {  	p0 =	sne.s32 s17, $0x10  }
.Ltmp9:
0x227: {  	_ = 	snop;
	(pc) =	sbr.rel @p0 .LBB2_8-.Ltmp9, $2  }
0x228: {  	_ =	sdelay $0x2  }
0x229: {  	s16 =	simm.s32 $0x0  }
0x22a: {  	s17 =	sshra.s32 s16, $0x2;
	s18 =	sadd.s32 $0x800, s16  }
.LBB2_18:
0x22b: {  	p0 =	sne.s32 s18, $0x3800;
	[tilespmem:s17+$0xE470] =	vst v2  }
0x22c: {  	[tilespmem:s17+$0xE280] =	vst v2  }
0x22d: {  	[tilespmem:s17+$0xE290] =	vst v2  }
0x22e: {  	[tilespmem:s17+$0xE2A0] =	vst v2  }
0x22f: {  	[tilespmem:s17+$0xE2B0] =	vst v2  }
0x230: {  	[tilespmem:s17+$0xE2C0] =	vst v2  }
0x231: {  	[tilespmem:s17+$0xE2D0] =	vst v2  }
0x232: {  	[tilespmem:s17+$0xE2E0] =	vst v2  }
0x233: {  	[tilespmem:s17+$0xE2F0] =	vst v2  }
0x234: {  	[tilespmem:s17+$0xE300] =	vst v2  }
0x235: {  	[tilespmem:s17+$0xE310] =	vst v2  }
0x236: {  	[tilespmem:s17+$0xE320] =	vst v2  }
0x237: {  	[tilespmem:s17+$0xE330] =	vst v2  }
0x238: {  	[tilespmem:s17+$0xE340] =	vst v2  }
0x239: {  	[tilespmem:s17+$0xE350] =	vst v2  }
0x23a: {  	[tilespmem:s17+$0xE360] =	vst v2  }
0x23b: {  	[tilespmem:s17+$0xE370] =	vst v2  }
0x23c: {  	[tilespmem:s17+$0xE380] =	vst v2  }
0x23d: {  	[tilespmem:s17+$0xE390] =	vst v2  }
0x23e: {  	[tilespmem:s17+$0xE3A0] =	vst v2  }
0x23f: {  	[tilespmem:s17+$0xE3B0] =	vst v2  }
0x240: {  	[tilespmem:s17+$0xE3C0] =	vst v2  }
0x241: {  	[tilespmem:s17+$0xE3D0] =	vst v2  }
0x242: {  	[tilespmem:s17+$0xE3E0] =	vst v2  }
0x243: {  	[tilespmem:s17+$0xE3F0] =	vst v2  }
0x244: {  	[tilespmem:s17+$0xE400] =	vst v2  }
0x245: {  	[tilespmem:s17+$0xE410] =	vst v2  }
.Ltmp10:
0x246: {  	[tilespmem:s17+$0xE420] =	vst v2;
	(pc) =	sbr.rel @p0 .LBB2_18-.Ltmp10, $4  }
0x247: {  	[tilespmem:s17+$0xE430] =	vst v2  }
0x248: {  	[tilespmem:s17+$0xE440] =	vst v2  }
0x249: {  	[tilespmem:s17+$0xE450] =	vst v2  }
0x24a: {  	[tilespmem:s17+$0xE460] =	vst v2;
	s17 =	sshra.s32 s18, $0x2;
	s18 =	sadd.s32 $0x800, s18  }
0x24b: {  	[tilespmem:s17+$0xE470] =	vst v2  }
0x24c: {  	[tilespmem:s17+$0xE280] =	vst v2  }
0x24d: {  	[tilespmem:s17+$0xE290] =	vst v2  }
0x24e: {  	[tilespmem:s17+$0xE2A0] =	vst v2  }
0x24f: {  	[tilespmem:s17+$0xE2B0] =	vst v2  }
0x250: {  	[tilespmem:s17+$0xE2C0] =	vst v2  }
0x251: {  	[tilespmem:s17+$0xE2D0] =	vst v2  }
0x252: {  	[tilespmem:s17+$0xE2E0] =	vst v2  }
0x253: {  	[tilespmem:s17+$0xE2F0] =	vst v2  }
0x254: {  	[tilespmem:s17+$0xE300] =	vst v2  }
0x255: {  	[tilespmem:s17+$0xE310] =	vst v2  }
0x256: {  	[tilespmem:s17+$0xE320] =	vst v2  }
0x257: {  	[tilespmem:s17+$0xE330] =	vst v2  }
0x258: {  	[tilespmem:s17+$0xE340] =	vst v2  }
0x259: {  	[tilespmem:s17+$0xE350] =	vst v2  }
0x25a: {  	[tilespmem:s17+$0xE360] =	vst v2  }
0x25b: {  	[tilespmem:s17+$0xE370] =	vst v2  }
0x25c: {  	[tilespmem:s17+$0xE380] =	vst v2  }
0x25d: {  	[tilespmem:s17+$0xE390] =	vst v2  }
0x25e: {  	[tilespmem:s17+$0xE3A0] =	vst v2  }
0x25f: {  	[tilespmem:s17+$0xE3B0] =	vst v2  }
0x260: {  	[tilespmem:s17+$0xE3C0] =	vst v2  }
0x261: {  	[tilespmem:s17+$0xE3D0] =	vst v2  }
0x262: {  	[tilespmem:s17+$0xE3E0] =	vst v2  }
0x263: {  	[tilespmem:s17+$0xE3F0] =	vst v2  }
0x264: {  	[tilespmem:s17+$0xE400] =	vst v2  }
0x265: {  	[tilespmem:s17+$0xE410] =	vst v2  }
.Ltmp11:
0x266: {  	[tilespmem:s17+$0xE420] =	vst v2;
	(pc) =	sbr.rel .LBB2_20-.Ltmp11, $4  }
0x267: {  	[tilespmem:s17+$0xE430] =	vst v2  }
0x268: {  	[tilespmem:s17+$0xE440] =	vst v2  }
0x269: {  	[tilespmem:s17+$0xE450] =	vst v2  }
0x26a: {  	[tilespmem:s17+$0xE460] =	vst v2  }
.LBB2_33:
0x26b: {  	s16 =	sadd.s32 $0x1, s16  }
0x26c: {  	p0 =	sne.s32 s16, $0x10  }
.Ltmp12:
0x26d: {  	_ = 	snop;
	(pc) =	sbr.rel @!p0 .LBB2_34-.Ltmp12, $4  }
0x26e: {  	[bflag:$0x0] =	sbarrier.arrive $0xFFFF;
	s18 =	stileid.u32  }
0x26f: {  	s17 =	sshll.u32 s17, $0x11;
	s18 =	sshll.u32 s18, $0x6;
	s19 =	rddreg [dreg:$0x18]  }
0x270: {  	s26 =	sshrl.u32 s11, $0x3;
	s17 =	sadd.s32 s17, s19;
	s18 =	sor.u32 $0x1C05, s18  }
0x271: {  	[hbm:s17], [sflag:s18] =	dma.local [spmem:s26], $0x2000  }
.LBB2_20:
0x272: {  	s17 =	simm.s32 $0x20  }
0x273: {  	v7 =	vld [tilespmem:s17+$0xFFFFFFE0]  }
0x274: {  	v8 =	vld [tilespmem:s17+$0xFFFFFFF0]  }
0x275: {  	v9 =	vld [tilespmem:s17+$0x0]  }
0x276: {  	s18 =	sshll.u32 s16, $0x1;
	s22 =	rddreg [dreg:$0x8];
	v10 =	vld [tilespmem:s17+$0x10]  }
0x277: {  	s17 =	sor.u32 s22, s18  }
0x278: {  	v6 =	vmov s17;
	v7 =	vshrl.u32 v7, $0x1A  }
0x279: {  	vm0 =	veq.s32 v7, v6;
	v7 =	vshrl.u32 v8, $0x1A  }
0x27a: {  	v8 =	vsel vm0, $0x1, v3;
	vm1 =	veq.s32 v7, v6;
	v7 =	vshrl.u32 v9, $0x1A  }
0x27b: {  	v9 =	vsel vm1, $0x1, v3;
	vm4 =	veq.s32 v7, v6;
	v7 =	vshrl.u32 v10, $0x1A;
	(xrf0) =	vadd.scan.msk.s32 $0xffff, v8  }
0x27c: {  	v8 =	vsel vm4, $0x1, v3;
	vm5 =	veq.s32 v7, v6;
	(xrf0) =	vadd.scan.msk.s32 $0xffff, v9  }
0x27d: {  	v7 =	vsel vm5, $0x1, v3;
	(xrf0) =	vadd.scan.msk.s32 $0xffff, v8  }
0x27e: {  	(xrf0) =	vadd.scan.msk.s32 $0xffff, v7;
	_ =	sdelay $0x2  }
0x27f: {  	v10, _, _ =	vpop (xrf0)  }
0x280: {  	s23 =	simm.s32 $0x60;
	(v2sf) =	vpush v10, $0xF;
	v8, _, _ =	vpop (xrf0)  }
0x281: {  	v11 =	vld [tilespmem:s23+$0xFFFFFFE0];
	(v2sf) =	vpush v8, $0xF;
	v7, _, _ =	vpop (xrf0)  }
0x282: {  	v12 =	vld [tilespmem:s23+$0xFFFFFFF0];
	(v2sf) =	vpush v7, $0xF;
	v9, _, _ =	vpop (xrf0)  }
0x283: {  	v13 =	vld [tilespmem:s23+$0x0];
	(v2sf) =	vpush v9, $0xF  }
0x284: {  	v14 =	vld [tilespmem:s23+$0x10];
	_ =	sdelay $0x1  }
0x285: {  	v11 =	vshrl.u32 v11, $0x1A  }
0x286: {  	s20 =	simm.s32 $0xA0;
	vm3 =	veq.s32 v11, v6;
	v11 =	vshrl.u32 v12, $0x1A  }
0x287: {  	v19 =	vld [tilespmem:s20+$0xFFFFFFE0];
	v12 =	vsel vm3, $0x1, v3;
	vm2 =	veq.s32 v11, v6;
	v11 =	vshrl.u32 v13, $0x1A  }
0x288: {  	s18 =	simm.s32 $0x0;
	v13 =	vsel vm2, $0x1, v3;
	vm8 =	veq.s32 v11, v6;
	v11 =	vshrl.u32 v14, $0x1A;
	(xrf0) =	vadd.scan.msk.s32 $0xffff, v12  }
0x289: {  	vm9 =	veq.s32 v11, v6;
	v11 =	vmov s18;
	v12 =	vsel vm8, $0x1, v3;
	(xrf0) =	vadd.scan.msk.s32 $0xffff, v13  }
0x28a: {  	v11 =	vadd.s32 $0xFFFFFFFF, v11;
	v13 =	vsel vm9, $0x1, v3;
	(xrf0) =	vadd.scan.msk.s32 $0xffff, v12  }
0x28b: {  	v20 =	vor.u32 s18, v0;
	v11 =	vbroadcast v11, $0x0;
	(xrf0) =	vadd.scan.msk.s32 $0xffff, v13  }
0x28c: {  	v21 =	vshrl.u32 v19, $0x1A;
	vm7 =	vmmov vm0;
	vm6 =	vmmov vm1  }
0x28d: {  	vm4 =	vmmov vm4;
	vm10 =	vmmov vm5;
	v16 =	vadd.s32 v10, v11  }
0x28e: {  	vm1 =	vmmov vm4;
	vm5 =	vmmov vm8;
	vm4 =	vmmov vm9;
	v12, _, _ =	vpop (xrf0);
	s19 =	spop (v2sf)  }
0x28f: {  	v17 =	vld [tilespmem:s20+$0xFFFFFFF0];
	vm0 =	vmmov vm10;
	vm1 =	vmmov vm1;
	(v2sf) =	vpush v12, $0xF;
	v11, _, _ =	vpop (xrf0);
	s19 =	sadd.s32 $0x0, s19;
	s21 =	spop (v2sf)  }
0x290: {  	vm0 =	vmmov vm0;
	v10, _, _ =	vpop (xrf0);
	(v2sf) =	vpush v11, $0xF;
	v14 =	vmov s19;
	s19 =	sadd.s32 s19, s21;
	s24 =	spop (v2sf)  }
0x291: {  	v18 =	vld [tilespmem:s20+$0x0];
	v13, _, _ =	vpop (xrf0);
	(v2sf) =	vpush v10, $0xF;
	v14 =	vadd.s32 $0xFFFFFFFF, v14;
	v15 =	vmov s19;
	s19 =	sadd.s32 s19, s24;
	s26 =	spop (v2sf)  }
0x292: {  	[tilespmem:v16+s31+$0x0] =	vst.idx.msk vm7, v20;
	v16 =	vld [tilespmem:s20+$0x10];
	(v2sf) =	vpush v13, $0xF;
	v14 =	vbroadcast v14, $0x0;
	v22 =	vmov s19;
	s21 =	sadd.s32 s19, s26  }
0x293: {  	s22 =	simm.s32 $0x8;
	v15 =	vadd.s32 $0xFFFFFFFF, v15;
	s19 =	simm.s32 $0x0;
	v20 =	vmov s21;
	v19 =	vadd.s32 $0xFFFFFFFF, v22  }
.LBB2_21:
0x294: {  	v17 =	vshrl.u32 v17, $0x1A;
	v20 =	vadd.s32 $0xFFFFFFFF, v20;
	vm7 =	vmmov vm3  }
0x295: {  	s22 =	sadd.s32 $0x4, s22;
	vm3 =	veq.s32 v21, v6;
	vm8 =	vmmov vm6;
	vm6 =	vmmov vm2  }
0x296: {  	p0 =	slt.u32 s22, $0x1FC;
	v21 =	vsel vm3, $0x1, v3;
	vm2 =	veq.s32 v17, v6;
	v17 =	vshrl.u32 v18, $0x1A  }
0x297: {  	v18 =	vsel vm2, $0x1, v3;
	vm10 =	veq.s32 v17, v6;
	v16 =	vshrl.u32 v16, $0x1A;
	(xrf0) =	vadd.scan.msk.s32 $0xffff, v21  }
0x298: {  	v17 =	vsel vm10, $0x1, v3;
	vm11 =	veq.s32 v16, v6;
	(xrf0) =	vadd.scan.msk.s32 $0xffff, v18;
	v16 =	vbroadcast v19, $0x0  }
0x299: {  	v15 =	vbroadcast v15, $0x0;
	v18 =	vsel vm11, $0x1, v3;
	(xrf0) =	vadd.scan.msk.s32 $0xffff, v17;
	v17 =	vbroadcast v20, $0x0  }
0x29a: {  	v14 =	vadd.s32 v8, v14;
	v8 =	vmovc v11;
	(xrf0) =	vadd.scan.msk.s32 $0xffff, v18;
	v16 =	vadd.s32 v9, v16;
	v9 =	vmov v13  }
0x29b: {  	vm9 =	vmmov vm5;
	v15 =	vadd.s32 v7, v15;
	v7 =	vmovc v10;
	v19 =	vadd.s32 v12, v17  }
0x29c: {  	s18 =	sadd.s32 $0x40, s18;
	vm5 =	vmmov vm10;
	vm10 =	vmmov vm4;
	vm4 =	vmmov vm11  }
0x29d: {  	s20 =	sadd.s32 $0x40, s20;
	s23 =	sadd.s32 $0x10, s19;
	s24 =	sadd.s32 $0x30, s19;
	v20 =	vor.u32 s18, v0;
	v12, _, _ =	vpop (xrf0)  }
0x29e: {  	v22 =	vor.u32 s23, v0;
	s23 =	sadd.s32 $0x20, s19;
	v24 =	vor.u32 s24, v0;
	s19 =	smov.u32 s18;
	v21 =	vld [tilespmem:s20+$0xFFFFFFE0];
	(v2sf) =	vpush v12, $0xF;
	v11, _, _ =	vpop (xrf0);
	s26 =	spop (v2sf)  }
.Ltmp13:
0x29f: {  	v23 =	vor.u32 s23, v0;
	v17 =	vld [tilespmem:s20+$0xFFFFFFF0];
	(v2sf) =	vpush v11, $0xF;
	v10, _, _ =	vpop (xrf0);
	s21 =	sadd.s32 s21, s26;
	s24 =	spop (v2sf);
	[tilespmem:v16+s31+$0x0] =	vst.idx.msk vm0, v24;
	vm0 =	vmmov vm10;
	(pc) =	sbr.rel @p0 .LBB2_21-.Ltmp13, $4  }
0x2a0: {  	v18 =	vld [tilespmem:s20+$0x0];
	(v2sf) =	vpush v10, $0xF;
	v13, _, _ =	vpop (xrf0);
	v24 =	vmov s21;
	s21 =	sadd.s32 s21, s24;
	s23 =	spop (v2sf);
	[tilespmem:v15+s31+$0x0] =	vst.idx.msk vm1, v23;
	vm1 =	vmmov vm9  }
0x2a1: {  	v16 =	vld [tilespmem:s20+$0x10];
	(v2sf) =	vpush v13, $0xF;
	v15 =	vadd.s32 $0xFFFFFFFF, v24;
	v23 =	vmov s21;
	s21 =	sadd.s32 s21, s23;
	s23 =	spop (v2sf);
	[tilespmem:v14+s31+$0x0] =	vst.idx.msk vm8, v22  }
0x2a2: {  	[tilespmem:v19+s31+$0x0] =	vst.idx.msk vm7, v20;
	v14 =	vbroadcast v15, $0x0;
	v15 =	vadd.s32 $0xFFFFFFFF, v23;
	v19 =	vmov s21;
	s21 =	sadd.s32 s21, s23  }
0x2a3: {  	v21 =	vshrl.u32 v21, $0x1A;
	v20 =	vmov s21;
	v19 =	vadd.s32 $0xFFFFFFFF, v19  }
0x2a4: {  	vm8 =	veq.s32 v21, v6;
	v17 =	vshrl.u32 v17, $0x1A  }
0x2a5: {  	v21 =	vsel vm8, $0x1, v3;
	vm7 =	veq.s32 v17, v6;
	v41 =	vshrl.u32 v18, $0x1A  }
0x2a6: {  	v42 =	vsel vm7, $0x1, v3;
	vm10 =	veq.s32 v41, v6;
	(xrf0) =	vadd.scan.msk.s32 $0xffff, v21  }
0x2a7: {  	v17 =	vsel vm10, $0x1, v3;
	(xrf0) =	vadd.scan.msk.s32 $0xffff, v42  }
0x2a8: {  	(xrf0) =	vadd.scan.msk.s32 $0xffff, v17;
	_ =	sdelay $0x3  }
0x2a9: {  	v43, _, _ =	vpop (xrf0)  }
0x2aa: {  	(v2sf) =	vpush v43, $0xF;
	v18, _, _ =	vpop (xrf0)  }
0x2ab: {  	(v2sf) =	vpush v18, $0xF;
	v44, _, _ =	vpop (xrf0)  }
0x2ac: {  	(v2sf) =	vpush v44, $0xF;
	_ =	sdelay $0x1  }
0x2ad: {  	v20 =	vadd.s32 $0xFFFFFFFF, v20;
	v16 =	vshrl.u32 v16, $0x1A  }
0x2ae: {  	vm3 =	vmmov vm3;
	vm6 =	vmmov vm6;
	vm11 =	veq.s32 v16, v6  }
0x2af: {  	v19 =	vbroadcast v19, $0x0;
	v15 =	vbroadcast v15, $0x0;
	v16 =	vsel vm11, $0x1, v3  }
0x2b0: {  	vm2 =	vmmov vm2;
	vm9 =	vmmov vm5;
	vm4 =	vmmov vm4;
	(xrf0) =	vadd.scan.msk.s32 $0xffff, v16  }
0x2b1: {  	v8 =	vadd.s32 v8, v14;
	vm15 =	vmmov vm4;
	vm9 =	vmmov vm9  }
0x2b2: {  	vm4 =	vmmov vm8;
	vm2 =	vmmov vm2;
	v9 =	vadd.s32 v9, v19;
	s20 =	spop (v2sf)  }
0x2b3: {  	v7 =	vadd.s32 v7, v15;
	v6 =	vbroadcast v20, $0x0;
	vm13 =	vmmov vm10;
	s22 =	spop (v2sf);
	s20 =	sadd.s32 s21, s20  }
0x2b4: {  	vm14 =	vmmov vm11;
	vm5 =	vmmov vm13;
	s21 =	sadd.s32 s20, s22;
	s23 =	spop (v2sf);
	v45 =	vmov s20;
	s22 =	sadd.s32 $0x10, s19  }
0x2b5: {  	v6 =	vadd.s32 v12, v6;
	s24 =	sadd.s32 s21, s23;
	v12 =	vadd.s32 $0xFFFFFFFF, v45;
	v49 =	vor.u32 s22, v0  }
0x2b6: {  	s26 =	spop (v2sf);
	s23 =	sadd.s32 $0x40, s18;
	v51 =	vmov s21;
	v46 =	vmov s24;
	v12 =	vbroadcast v12, $0x0;
	v50, _, _ =	vpop (xrf0)  }
0x2b7: {  	s18 =	sadd.s32 s24, s26;
	v47 =	vor.u32 s23, v0;
	s24 =	sadd.s32 $0x30, s19;
	v20 =	vadd.s32 $0xFFFFFFFF, v51;
	(v2sf) =	vpush v50, $0xF  }
0x2b8: {  	v14 =	vadd.s32 $0xFFFFFFFF, v46;
	v48 =	vmov s18;
	v52 =	vor.u32 s24, v0;
	s21 =	spop (v2sf)  }
0x2b9: {  	s26 =	sadd.s32 $0x20, s19;
	v20 =	vbroadcast v20, $0x0;
	v14 =	vbroadcast v14, $0x0;
	v16 =	vadd.s32 $0xFFFFFFFF, v48;
	s19 =	sadd.s32 s18, s21;
	s22 =	spop (v2sf)  }
0x2ba: {  	v53 =	vor.u32 s26, v0;
	v11 =	vadd.s32 v11, v12;
	v16 =	vbroadcast v16, $0x0;
	s20 =	sadd.s32 s19, s22;
	s24 =	spop (v2sf)  }
0x2bb: {  	v10 =	vadd.s32 v10, v20;
	v13 =	vadd.s32 v13, v14;
	s18 =	sadd.s32 s20, s24;
	v56 =	vmov s20  }
0x2bc: {  	[tilespmem:v8+s31+$0x0] =	vst.idx.msk vm6, v49;
	v16 =	vadd.s32 v43, v16;
	v54 =	vmov s18;
	v14 =	vadd.s32 $0xFFFFFFFF, v56  }
0x2bd: {  	[tilespmem:v7+s31+$0x0] =	vst.idx.msk vm1, v53;
	v7 =	vmov s19;
	v20 =	vadd.s32 $0xFFFFFFFF, v54;
	v58 =	vbroadcast v14, $0x0  }
0x2be: {  	vm12 =	vmmov vm14;
	s26 =	sadd.s32 $0x30, s23;
	[tilespmem:v6+s31+$0x0] =	vst.idx.msk vm3, v47;
	v7 =	vadd.s32 $0xFFFFFFFF, v7;
	v57 =	vbroadcast v20, $0x0  }
0x2bf: {  	[tilespmem:v9+s31+$0x0] =	vst.idx.msk vm0, v52;
	v55 =	vor.u32 s26, v0;
	s21 =	sadd.s32 $0x10, s23;
	v6 =	vbroadcast v7, $0x0;
	v8 =	vadd.s32 v44, v58  }
0x2c0: {  	vm7 =	vmmov vm7;
	[tilespmem:v13+s31+$0x0] =	vst.idx.msk vm15, v55;
	s22 =	sadd.s32 $0x40, s23;
	v60 =	vor.u32 s21, v0;
	v7 =	vadd.s32 v50, v57  }
0x2c1: {  	s20 =	sadd.s32 $0x20, s23;
	v61 =	vor.u32 s22, v0;
	[tilespmem:v11+s31+$0x0] =	vst.idx.msk vm2, v60;
	v6 =	vadd.s32 v18, v6  }
0x2c2: {  	s24 =	sadd.s32 $0x20, s22;
	v59 =	vor.u32 s20, v0;
	[tilespmem:v16+s31+$0x0] =	vst.idx.msk vm4, v61  }
0x2c3: {  	s23 =	sadd.s32 $0x30, s22;
	v63 =	vor.u32 s24, v0;
	[tilespmem:v10+s31+$0x0] =	vst.idx.msk vm9, v59  }
0x2c4: {  	s19 =	sadd.s32 $0x10, s22;
	v62 =	vor.u32 s23, v0;
	[tilespmem:v8+s31+$0x0] =	vst.idx.msk vm5, v63  }
0x2c5: {  	p0 =	seq.s32 s16, $0x0;
	[tilespmem:v7+s31+$0x0] =	vst.idx.msk vm12, v62;
	v7 =	vor.u32 s19, v0  }
0x2c6: {  	s20 =	simm.s32 @!p0 $0x5;
	s19 =	spop (v2sf);
	[tilespmem:v6+s31+$0x0] =	vst.idx.msk vm7, v7  }
0x2c7: {  	_ =	swait.ge @!p0 [sflag:s20], $0x2000  }
0x2c8: {  	[sflag:s20] =	ssyncset.done @!p0 $0x0  }
0x2c9: {  	[sflag:s20] =	ssyncadd.s32 @!p0 $0xFFFFE000  }
0x2ca: {  	[spmem:s11] =	stream.linear.scatter [tilespmem:s10], [sflag:$0x1], $0x1000, $0x38;
	[tilespmem:$0x1F280] =	vst v63  }
0x2cb: {  	s26 =	rddreg [dreg:$0xd]  }
0x2cc: {  	[spmem:s26] =	stream.linear.scatter [tilespmem:s10], [sflag:$0x1], $0x1000, $0x38;
	[tilespmem:$0x1F280] =	vst v63  }
0x2cd: {  	s21 =	rddreg [dreg:$0xe]  }
0x2ce: {  	[spmem:s21] =	stream.linear.scatter [tilespmem:s10], [sflag:$0x1], $0x1000, $0x38;
	[tilespmem:$0x1F280] =	vst v63  }
0x2cf: {  	s22 =	rddreg [dreg:$0xf]  }
0x2d0: {  	[spmem:s22] =	stream.linear.scatter [tilespmem:s10], [sflag:$0x1], $0x1000, $0x38;
	[tilespmem:$0x1F280] =	vst v63  }
0x2d1: {  	s23 =	rddreg [dreg:$0x10]  }
0x2d2: {  	[spmem:s23] =	stream.linear.scatter [tilespmem:s10], [sflag:$0x1], $0x1000, $0x38;
	[tilespmem:$0x1F280] =	vst v63  }
0x2d3: {  	s24 =	rddreg [dreg:$0x11]  }
0x2d4: {  	[spmem:s24] =	stream.linear.scatter [tilespmem:s10], [sflag:$0x1], $0x1000, $0x38;
	[tilespmem:$0x1F280] =	vst v63  }
0x2d5: {  	s26 =	rddreg [dreg:$0x12]  }
0x2d6: {  	[spmem:s26] =	stream.linear.scatter [tilespmem:s10], [sflag:$0x1], $0x1000, $0x38;
	[tilespmem:$0x1F280] =	vst v63  }
0x2d7: {  	s21 =	rddreg [dreg:$0x13]  }
0x2d8: {  	[spmem:s21] =	stream.linear.scatter [tilespmem:s10], [sflag:$0x1], $0x1000, $0x38;
	[tilespmem:$0x1F280] =	vst v63  }
0x2d9: {  	s22 =	rddreg [dreg:$0x14]  }
0x2da: {  	[spmem:s22] =	stream.linear.scatter [tilespmem:s10], [sflag:$0x1], $0x1000, $0x38;
	[tilespmem:$0x1F280] =	vst v63  }
0x2db: {  	s23 =	rddreg [dreg:$0x15]  }
0x2dc: {  	[spmem:s23] =	stream.linear.scatter [tilespmem:s10], [sflag:$0x1], $0x1000, $0x38;
	[tilespmem:$0x1F280] =	vst v63  }
0x2dd: {  	s24 =	rddreg [dreg:$0x16]  }
0x2de: {  	[spmem:s24] =	stream.linear.scatter [tilespmem:s10], [sflag:$0x1], $0x1000, $0x38;
	[tilespmem:$0x1F280] =	vst v63  }
0x2df: {  	s26 =	rddreg [dreg:$0x17]  }
0x2e0: {  	[spmem:s26] =	stream.linear.scatter [tilespmem:s10], [sflag:$0x1], $0x1000, $0x38;
	[tilespmem:$0x1F280] =	vst v63  }
0x2e1: {  	s21 =	rddreg [dreg:$0x19]  }
0x2e2: {  	[spmem:s21] =	stream.linear.scatter [tilespmem:s10], [sflag:$0x1], $0x1000, $0x38;
	[tilespmem:$0x1F280] =	vst v63  }
0x2e3: {  	s22 =	rddreg [dreg:$0x1b]  }
0x2e4: {  	[spmem:s22] =	stream.linear.scatter [tilespmem:s10], [sflag:$0x1], $0x1000, $0x38;
	[tilespmem:$0x1F280] =	vst v63  }
0x2e5: {  	_ = 	snop  }
0x2e6: {  	[spmem:s28] =	stream.linear.scatter [tilespmem:s10], [sflag:$0x1], $0x1000, $0x38;
	[tilespmem:$0x1F280] =	vst v63  }
0x2e7: {  	_ = 	snop  }
0x2e8: {  	[spmem:s29] =	stream.linear.scatter [tilespmem:s10], [sflag:$0x1], $0x1000, $0x38;
	[tilespmem:$0x1F280] =	vst v63  }
0x2e9: {  	_ =	swait.ge [sflag:s9], $0x1000  }
0x2ea: {  	[sflag:s9] =	ssyncset.done $0x0  }
0x2eb: {  	[sflag:s9] =	ssyncadd.s32 $0xFFFFF000  }
0x2ec: {  	_ =	swait.ge [sflag:s9], $0x1000  }
0x2ed: {  	[sflag:s9] =	ssyncset.done $0x0  }
0x2ee: {  	[sflag:s9] =	ssyncadd.s32 $0xFFFFF000  }
0x2ef: {  	_ =	swait.ge [sflag:s9], $0x1000  }
0x2f0: {  	[sflag:s9] =	ssyncset.done $0x0  }
0x2f1: {  	[sflag:s9] =	ssyncadd.s32 $0xFFFFF000  }
0x2f2: {  	_ =	swait.ge [sflag:s9], $0x1000  }
0x2f3: {  	[sflag:s9] =	ssyncset.done $0x0  }
0x2f4: {  	[sflag:s9] =	ssyncadd.s32 $0xFFFFF000  }
0x2f5: {  	_ =	swait.ge [sflag:s9], $0x1000  }
0x2f6: {  	[sflag:s9] =	ssyncset.done $0x0  }
0x2f7: {  	[sflag:s9] =	ssyncadd.s32 $0xFFFFF000  }
0x2f8: {  	_ =	swait.ge [sflag:s9], $0x1000  }
0x2f9: {  	[sflag:s9] =	ssyncset.done $0x0  }
0x2fa: {  	[sflag:s9] =	ssyncadd.s32 $0xFFFFF000  }
0x2fb: {  	_ =	swait.ge [sflag:s9], $0x1000  }
0x2fc: {  	[sflag:s9] =	ssyncset.done $0x0  }
0x2fd: {  	[sflag:s9] =	ssyncadd.s32 $0xFFFFF000  }
0x2fe: {  	_ =	swait.ge [sflag:s9], $0x1000  }
0x2ff: {  	[sflag:s9] =	ssyncset.done $0x0  }
0x300: {  	[sflag:s9] =	ssyncadd.s32 $0xFFFFF000  }
0x301: {  	_ =	swait.ge [sflag:s9], $0x1000  }
0x302: {  	[sflag:s9] =	ssyncset.done $0x0  }
0x303: {  	[sflag:s9] =	ssyncadd.s32 $0xFFFFF000  }
0x304: {  	_ =	swait.ge [sflag:s9], $0x1000  }
0x305: {  	[sflag:s9] =	ssyncset.done $0x0  }
0x306: {  	[sflag:s9] =	ssyncadd.s32 $0xFFFFF000  }
0x307: {  	_ =	swait.ge [sflag:s9], $0x1000  }
0x308: {  	[sflag:s9] =	ssyncset.done $0x0  }
0x309: {  	[sflag:s9] =	ssyncadd.s32 $0xFFFFF000  }
0x30a: {  	_ =	swait.ge [sflag:s9], $0x1000  }
0x30b: {  	[sflag:s9] =	ssyncset.done $0x0  }
0x30c: {  	[sflag:s9] =	ssyncadd.s32 $0xFFFFF000  }
0x30d: {  	_ =	swait.ge [sflag:s9], $0x1000  }
0x30e: {  	[sflag:s9] =	ssyncset.done $0x0  }
0x30f: {  	s19 =	sadd.s32 s18, s19;
	[sflag:s9] =	ssyncadd.s32 $0xFFFFF000  }
0x310: {  	s18 =	sadd.s32 $0x3F, s19;
	_ =	swait.ge [sflag:s9], $0x1000  }
0x311: {  	p6 =	slt.s32 s18, $0x1;
	[sflag:s9] =	ssyncset.done $0x0  }
0x312: {  	s20 =	simm.s32 $0x1;
	s23 =	sand.u32 $0x3F, s18;
	[sflag:s9] =	ssyncadd.s32 $0xFFFFF000  }
0x313: {  	p1 =	sne.s32 s23, $0x0;
	s24 =	sshra.s32 s18, $0x1F;
	_ =	swait.ge [sflag:s9], $0x1000  }
0x314: {  	p0 =	por !p6, !p1;
	s26 =	sshrl.u32 s24, $0x1A;
	[sflag:s9] =	ssyncset.done $0x0  }
0x315: {  	p0 =	por !p0, !p0;
	s18 =	sadd.s32 s26, s18;
	[sflag:s9] =	ssyncadd.s32 $0xFFFFF000  }
0x316: {  	s20 =	simm.s32 @!p0 $0x0;
	s18 =	sshra.s32 s18, $0x6;
	_ =	swait.ge [sflag:s9], $0x1000  }
0x317: {  	s18 =	ssub.s32 s18, s20;
	[sflag:s9] =	ssyncset.done $0x0  }
0x318: {  	p0 =	slt.s32 s18, $0x1;
	[sflag:s9] =	ssyncadd.s32 $0xFFFFF000  }
.Ltmp14:
0x319: {  	[bflag:$0x0] =	sbarrier.arrive $0xFFFF;
	(pc) =	sbr.rel @p0 .LBB2_33-.Ltmp14, $4  }
0x31a: {  	[tilespmem:s19+$0x4000] =	vst v4  }
0x31b: {  	[tilespmem:s19+$0x4010] =	vst v4  }
0x31c: {  	[tilespmem:s19+$0x4020] =	vst v4  }
0x31d: {  	vm14 =	vmmov vm5;
	vm13 =	vmmov vm12;
	vm15 =	vmmov vm7;
	[tilespmem:s19+$0x4030] =	vst v4  }
0x31e: {  	s19 =	sshll.u32 s17, $0xB  }
0x31f: {  	s20 =	simm.s32 $0x0;
	v6 =	vmov s19;
	s19 =	simm.s32 $0x0  }
.LBB2_24:
0x320: {  	s21 =	sshll.u32 s20, $0x8  }
0x321: {  	s21 =	sshra.s32 s21, $0x2  }
0x322: {  	v7 =	vld [tilespmem:s21+$0x4000];
	_ =	sdelay $0x4  }
0x323: {  	vm3 =	vgt.s32 v7, $0x1FFF  }
0x324: {  	v7 =	vsel vm3, $0x0, v7;
	_ =	sdelay $0x3  }
0x325: {  	v8 =	vld [tilespmem:s21+$0x4010]  }
0x326: {  	v9 =	vld.idx.msk [tilespmem:v7+s19+$0x0], $0xffff;
	_ =	sdelay $0x4  }
0x327: {  	vm2 =	vgt.s32 v8, $0x1FFF;
	v10 =	vshrl.u32 v9, $0xF  }
0x328: {  	v8 =	vsel vm2, $0x0, v8;
	v10 =	vsub.s32 v10, v6  }
0x329: {  	vm0 =	vgt.s32 v10, $0x0  }
0x32a: {  	v13 =	vld.idx.msk [tilespmem:v7+s0+$0x0], $0xffff;
	v9 =	vand.u32 $0x7FFF, v9;
	v7 =	vnsel vm0, $0x0, v10  }
0x32b: {  	[tilespmem:$0x6080] =	vst v9;
	v7 =	vmin.u32 v7, $0x7FF  }
0x32c: {  	[tilespmem:$0x6100] =	vst v7  }
0x32d: {  	v7 =	vld.idx.msk [tilespmem:v8+s19+$0x0], $0xffff;
	_ =	sdelay $0x4  }
0x32e: {  	v9 =	vshrl.u32 v7, $0xF  }
0x32f: {  	v10 =	vsub.s32 v9, v6  }
0x330: {  	vm0 =	vgt.s32 v10, $0x0  }
0x331: {  	v7 =	vand.u32 $0x7FFF, v7;
	v9 =	vld.idx.msk [tilespmem:v8+s0+$0x0], $0xffff;
	v8 =	vnsel vm0, $0x0, v10  }
0x332: {  	[tilespmem:$0x6090] =	vst v7;
	v8 =	vmin.u32 v8, $0x7FF  }
0x333: {  	[tilespmem:$0x6110] =	vst v8  }
0x334: {  	[tilespmem:s8], [sflag:$0x1] =	stream.indirect.gather [hbm4b:s5+s25], $0x200, s2, s25, $0xb8;
	[tilespmem:$0x1F280] =	vst v63  }
0x335: {  	v7 =	vld [tilespmem:s21+$0x4020];
	_ =	sdelay $0x4  }
0x336: {  	vm1 =	vgt.s32 v7, $0x1FFF  }
0x337: {  	v7 =	vsel vm1, $0x0, v7;
	_ =	sdelay $0x3  }
0x338: {  	v8 =	vld [tilespmem:s21+$0x4030]  }
0x339: {  	v10 =	vld.idx.msk [tilespmem:v7+s19+$0x0], $0xffff;
	_ =	sdelay $0x4  }
0x33a: {  	vm0 =	vgt.s32 v8, $0x1FFF;
	v11 =	vshrl.u32 v10, $0xF  }
0x33b: {  	v12 =	vsel vm0, $0x0, v8;
	v11 =	vsub.s32 v11, v6  }
0x33c: {  	vm4 =	vgt.s32 v11, $0x0  }
0x33d: {  	v8 =	vld.idx.msk [tilespmem:v7+s0+$0x0], $0xffff;
	v10 =	vand.u32 $0x7FFF, v10;
	v7 =	vnsel vm4, $0x0, v11  }
0x33e: {  	[tilespmem:$0x6180] =	vst v10;
	v7 =	vmin.u32 v7, $0x7FF  }
0x33f: {  	[tilespmem:$0x6200] =	vst v7  }
0x340: {  	v10 =	vld.idx.msk [tilespmem:v12+s19+$0x0], $0xffff;
	_ =	sdelay $0x4  }
0x341: {  	v7 =	vshrl.u32 v10, $0xF  }
0x342: {  	v7 =	vsub.s32 v7, v6  }
0x343: {  	v10 =	vand.u32 $0x7FFF, v10;
	vm15 =	vgt.s32 v7, $0x0  }
0x344: {  	v11 =	vnsel vm15, $0x0, v7;
	v7 =	vld.idx.msk [tilespmem:v12+s0+$0x0], $0xffff;
	[tilespmem:$0x6190] =	vst v10;
	v10 =	vadd.s32 s19, v0  }
0x345: {  	s24 =	simm.s32 $0x7;
	s22 =	simm.s32 $0x6;
	v11 =	vmin.u32 v11, $0x7FF;
	v10 =	vand.u32 $0x1FF, v10  }
0x346: {  	s26 =	simm.s32 $0x5;
	[tilespmem:$0x6210] =	vst v11;
	v11 =	vadd.s32 s24, v0;
	v19 =	vor.u32 v1, v10;
	v10 =	vadd.s32 s22, v0  }
0x347: {  	s23 =	simm.s32 $0x3;
	v12 =	vadd.s32 s26, v0;
	s22 =	simm.s32 $0x4;
	v11 =	vand.u32 $0x1FF, v11;
	v10 =	vand.u32 $0x1FF, v10  }
0x348: {  	[tilespmem:s3], [sflag:$0x2] =	stream.indirect.gather [hbm4b:s5+s25], $0x200, s30, s25, $0xb8;
	v20 =	vor.u32 v1, v11;
	v11 =	vand.u32 $0x1FF, v12;
	v25 =	vor.u32 v1, v10;
	[tilespmem:$0x1F280] =	vst v63  }
0x349: {  	_ =	swait.ge [sflag:s9], $0x4000;
	v10 =	vadd.s32 s22, v0;
	v27 =	vor.u32 v1, v11;
	v11 =	vadd.s32 s23, v0  }
0x34a: {  	s24 =	simm.s32 $0x2;
	[sflag:s9] =	ssyncset.done $0x0;
	v10 =	vand.u32 $0x1FF, v10;
	v11 =	vand.u32 $0x1FF, v11  }
0x34b: {  	s26 =	simm.s32 $0x1;
	[sflag:s9] =	ssyncadd.s32 $0xFFFFC000;
	v14 =	vor.u32 v1, v10;
	v10 =	vadd.s32 s24, v0;
	s24 =	simm.s32 $0xE;
	v15 =	vor.u32 v1, v11  }
0x34c: {  	s22 =	simm.s32 $0x8;
	v16 =	vld.idx.msk [tilespmem:v19+s8+$0x0], $0xffff;
	v11 =	vadd.s32 s26, v0;
	v10 =	vand.u32 $0x1FF, v10;
	v22 =	vadd.s32 s24, v0  }
0x34d: {  	v12 =	vand.u32 $0x1FF, v11;
	v11 =	vor.u32 v1, v10;
	v10 =	vadd.s32 s22, v0;
	v18 =	vld.idx.msk [tilespmem:v20+s8+$0x0], $0xffff  }
0x34e: {  	s23 =	simm.s32 $0xF;
	v23 =	vand.u32 $0x1FF, v22;
	v12 =	vor.u32 v1, v12;
	v21 =	vld.idx.msk [tilespmem:v25+s8+$0x0], $0xffff;
	v17 =	vand.u32 $0x1FF, v10  }
0x34f: {  	s24 =	simm.s32 $0xB;
	v10 =	vsel vm3, $0x0, v13;
	v24 =	vld.idx.msk [tilespmem:v27+s8+$0x0], $0xffff;
	v13 =	vor.u32 v1, v17;
	v17 =	vadd.s32 s23, v0;
	s23 =	simm.s32 $0xC  }
0x350: {  	s26 =	simm.s32 $0xD;
	v61 =	vadd.s32 s24, v0;
	v26 =	vld.idx.msk [tilespmem:v14+s8+$0x0], $0xffff;
	v17 =	vand.u32 $0x1FF, v17;
	v32 =	vadd.s32 s23, v0  }
0x351: {  	v28 =	vmul.f32 v16, v10;
	v29 =	vld.idx.msk [tilespmem:v15+s8+$0x0], $0xffff;
	v16 =	vadd.s32 s26, v0;
	v17 =	vor.u32 v1, v17  }
0x352: {  	v62 =	vand.u32 $0x1FF, v32;
	v22 =	vld.idx.msk [tilespmem:v11+s8+$0x0], $0xffff;
	v30 =	vand.u32 $0x1FF, v16;
	v31 =	vmul.f32 v18, v10  }
0x353: {  	v16 =	vor.u32 v1, v23;
	v23 =	vld.idx.msk [tilespmem:v12+s8+$0x0], $0xffff;
	[tilespmem:v19+s8+$0x0] =	vst.idx.msk $0xffff, v28;
	v19 =	vmul.f32 v21, v10  }
0x354: {  	v18 =	vor.u32 v1, v30;
	v28 =	vand.u32 $0x1FF, v61;
	v63 =	vmul.f32 v24, v10;
	[tilespmem:v20+s8+$0x0] =	vst.idx.msk $0xffff, v31  }
0x355: {  	s26 =	simm.s32 $0xA;
	v21 =	vld.idx.msk [tilespmem:v13+s8+$0x0], $0xffff;
	v20 =	vor.u32 v1, v62;
	v24 =	vmul.f32 v26, v10;
	[tilespmem:v25+s8+$0x0] =	vst.idx.msk $0xffff, v19  }
0x356: {  	s21 =	simm.s32 $0x10;
	s22 =	simm.s32 $0x9;
	v26 =	vadd.s32 s26, v0;
	v19 =	vor.u32 v1, v28;
	v25 =	vmul.f32 v29, v10;
	[tilespmem:v27+s8+$0x0] =	vst.idx.msk $0xffff, v63  }
.LBB2_25:
0x357: {  	p0 =	slt.u32 s21, $0x1F8;
	v27 =	vadd.s32 s22, v0;
	v26 =	vand.u32 $0x1FF, v26;
	v28 =	vld.idx.msk [tilespmem:v17+s8+$0x0], $0xffff;
	v22 =	vmul.f32 v22, v10;
	[tilespmem:v14+s8+$0x0] =	vst.idx.msk $0xffff, v24  }
0x358: {  	v23 =	vmul.f32 v23, v10;
	v14 =	vand.u32 $0x1FF, v27;
	v24 =	vor.u32 v1, v26;
	[tilespmem:v15+s8+$0x0] =	vst.idx.msk $0xffff, v25  }
0x359: {  	v15 =	vadd.s32 s21, v0;
	v25 =	vor.u32 v1, v14;
	v26 =	vld.idx.msk [tilespmem:v16+s8+$0x0], $0xffff;
	[tilespmem:v11+s8+$0x0] =	vst.idx.msk $0xffff, v22;
	v11 =	vmov v24  }
0x35a: {  	s22 =	sadd.s32 $0x7, s21;
	v29 =	vmovc v13;
	v30 =	vmov v17;
	v22 =	vand.u32 $0x1FF, v15;
	v27 =	vld.idx.msk [tilespmem:v18+s8+$0x0], $0xffff;
	[tilespmem:v12+s8+$0x0] =	vst.idx.msk $0xffff, v23;
	v12 =	vmov v25  }
0x35b: {  	s23 =	sadd.s32 $0x6, s21;
	v32 =	vmovc v16;
	v33 =	vmovc v18;
	v13 =	vor.u32 v1, v22;
	v22 =	vadd.s32 s22, v0;
	v31 =	vld.idx.msk [tilespmem:v20+s8+$0x0], $0xffff;
	v14 =	vmov v20  }
0x35c: {  	v16 =	vadd.s32 s23, v0;
	s22 =	sadd.s32 $0x5, s21;
	v17 =	vand.u32 $0x1FF, v22;
	v20 =	vmul.f32 v21, v10;
	v15 =	vmovc v19;
	v34 =	vld.idx.msk [tilespmem:v19+s8+$0x0], $0xffff  }
0x35d: {  	v16 =	vand.u32 $0x1FF, v16;
	v18 =	vadd.s32 s22, v0;
	v17 =	vor.u32 v1, v17;
	v22 =	vld.idx.msk [tilespmem:v24+s8+$0x0], $0xffff  }
.Ltmp15:
0x35e: {  	s22 =	sadd.s32 $0x4, s21;
	v16 =	vor.u32 v1, v16;
	v18 =	vand.u32 $0x1FF, v18;
	v19 =	vmul.f32 v28, v10;
	v23 =	vld.idx.msk [tilespmem:v25+s8+$0x0], $0xffff;
	(pc) =	sbr.rel @p0 .LBB2_25-.Ltmp15, $4  }
0x35f: {  	s23 =	sadd.s32 $0x3, s21;
	v24 =	vadd.s32 s22, v0;
	v18 =	vor.u32 v1, v18;
	v25 =	vmul.f32 v26, v10;
	[tilespmem:v29+s8+$0x0] =	vst.idx.msk $0xffff, v20  }
0x360: {  	v24 =	vand.u32 $0x1FF, v24;
	v20 =	vadd.s32 s23, v0;
	v27 =	vmul.f32 v27, v10;
	v21 =	vld.idx.msk [tilespmem:v13+s8+$0x0], $0xffff;
	[tilespmem:v30+s8+$0x0] =	vst.idx.msk $0xffff, v19  }
0x361: {  	s23 =	sadd.s32 $0x2, s21;
	v19 =	vand.u32 $0x1FF, v20;
	v20 =	vor.u32 v1, v24;
	v24 =	vmul.f32 v31, v10;
	[tilespmem:v32+s8+$0x0] =	vst.idx.msk $0xffff, v25  }
0x362: {  	s22 =	sadd.s32 $0x1, s21;
	s21 =	sadd.s32 $0x8, s21;
	v26 =	vadd.s32 s23, v0;
	v19 =	vor.u32 v1, v19;
	v25 =	vmul.f32 v34, v10;
	[tilespmem:v33+s8+$0x0] =	vst.idx.msk $0xffff, v27  }
0x363: {  	_ =	sdelay $0x3  }
0x364: {  	v28 =	vld.idx.msk [tilespmem:v17+s8+$0x0], $0xffff  }
0x365: {  	v29 =	vld.idx.msk [tilespmem:v16+s8+$0x0], $0xffff  }
0x366: {  	v27 =	vadd.s32 s22, v0;
	v26 =	vand.u32 $0x1FF, v26;
	v30 =	vld.idx.msk [tilespmem:v18+s8+$0x0], $0xffff  }
0x367: {  	[tilespmem:v14+s8+$0x0] =	vst.idx.msk $0xffff, v24;
	v14 =	vmul.f32 v22, v10;
	v27 =	vand.u32 $0x1FF, v27;
	v26 =	vor.u32 v1, v26  }
0x368: {  	v31 =	vld.idx.msk [tilespmem:v20+s8+$0x0], $0xffff;
	[tilespmem:v15+s8+$0x0] =	vst.idx.msk $0xffff, v25;
	v15 =	vmul.f32 v23, v10;
	v27 =	vor.u32 v1, v27  }
0x369: {  	v32 =	vld.idx.msk [tilespmem:v19+s8+$0x0], $0xffff;
	[tilespmem:v11+s8+$0x0] =	vst.idx.msk $0xffff, v14;
	v11 =	vmul.f32 v21, v10  }
0x36a: {  	[tilespmem:v12+s8+$0x0] =	vst.idx.msk $0xffff, v15;
	v12 =	vmul.f32 v28, v10  }
0x36b: {  	[tilespmem:v13+s8+$0x0] =	vst.idx.msk $0xffff, v11;
	v14 =	vmul.f32 v29, v10  }
0x36c: {  	v11 =	vmul.f32 v30, v10;
	v22 =	vld.idx.msk [tilespmem:v26+s8+$0x0], $0xffff;
	[tilespmem:v17+s8+$0x0] =	vst.idx.msk $0xffff, v12  }
0x36d: {  	s21 =	simm.s32 $0x0;
	s23 =	simm.s32 $0x7;
	v13 =	vmul.f32 v31, v10;
	v23 =	vld.idx.msk [tilespmem:v27+s8+$0x0], $0xffff;
	[tilespmem:v16+s8+$0x0] =	vst.idx.msk $0xffff, v14  }
0x36e: {  	s24 =	simm.s32 $0x6;
	s26 =	simm.s32 $0x5;
	v12 =	vmul.f32 v32, v10;
	v17 =	vadd.s32 s21, v0;
	v16 =	vadd.s32 s23, v0;
	[tilespmem:v18+s8+$0x0] =	vst.idx.msk $0xffff, v11  }
0x36f: {  	v11 =	vadd.s32 s24, v0;
	[tilespmem:v20+s8+$0x0] =	vst.idx.msk $0xffff, v13;
	v13 =	vadd.s32 s26, v0;
	v14 =	vand.u32 $0x1FF, v17  }
0x370: {  	v11 =	vand.u32 $0x1FF, v11;
	v18 =	vor.u32 v5, v14;
	v14 =	vand.u32 $0x1FF, v16  }
0x371: {  	s22 =	simm.s32 $0x4;
	[tilespmem:v19+s8+$0x0] =	vst.idx.msk $0xffff, v12;
	v12 =	vand.u32 $0x1FF, v13;
	v20 =	vor.u32 v5, v14;
	v15 =	vmul.f32 v22, v10  }
0x372: {  	s23 =	simm.s32 $0x3;
	v24 =	vor.u32 v5, v11;
	v11 =	vadd.s32 s22, v0;
	v10 =	vmul.f32 v23, v10  }
0x373: {  	s24 =	simm.s32 $0x2;
	v11 =	vand.u32 $0x1FF, v11;
	[tilespmem:v26+s8+$0x0] =	vst.idx.msk $0xffff, v15;
	v26 =	vor.u32 v5, v12;
	v12 =	vadd.s32 s23, v0  }
0x374: {  	s26 =	simm.s32 $0x1;
	v13 =	vor.u32 v5, v11;
	v11 =	vadd.s32 s24, v0;
	[tilespmem:v27+s8+$0x0] =	vst.idx.msk $0xffff, v10;
	v10 =	vand.u32 $0x1FF, v12  }
0x375: {  	s22 =	simm.s32 $0x8;
	v11 =	vand.u32 $0x1FF, v11;
	v15 =	vld.idx.msk [tilespmem:v18+s8+$0x0], $0xffff;
	v14 =	vor.u32 v5, v10;
	v10 =	vadd.s32 s26, v0  }
0x376: {  	v11 =	vor.u32 v5, v11;
	v12 =	vadd.s32 s22, v0;
	v17 =	vld.idx.msk [tilespmem:v20+s8+$0x0], $0xffff;
	v10 =	vand.u32 $0x1FF, v10  }
0x377: {  	v9 =	vsel vm2, $0x0, v9;
	s24 =	simm.s32 $0xE;
	s23 =	simm.s32 $0xF;
	v19 =	vld.idx.msk [tilespmem:v24+s8+$0x0], $0xffff;
	v12 =	vand.u32 $0x1FF, v12;
	v10 =	vor.u32 v5, v10  }
0x378: {  	v21 =	vadd.s32 s24, v0;
	v16 =	vadd.s32 s23, v0;
	s26 =	simm.s32 $0xD;
	v12 =	vor.u32 v5, v12;
	v23 =	vld.idx.msk [tilespmem:v26+s8+$0x0], $0xffff  }
0x379: {  	v58 =	vand.u32 $0x1FF, v21;
	s23 =	simm.s32 $0xC;
	v16 =	vand.u32 $0x1FF, v16;
	v25 =	vld.idx.msk [tilespmem:v13+s8+$0x0], $0xffff;
	v22 =	vadd.s32 s26, v0  }
0x37a: {  	v61 =	vadd.s32 s23, v0;
	v59 =	vand.u32 $0x1FF, v22;
	v27 =	vmul.f32 v15, v9;
	v57 =	vld.idx.msk [tilespmem:v14+s8+$0x0], $0xffff  }
0x37b: {  	v21 =	vld.idx.msk [tilespmem:v11+s8+$0x0], $0xffff;
	v15 =	vor.u32 v5, v16;
	v16 =	vor.u32 v5, v58;
	v60 =	vmul.f32 v17, v9  }
0x37c: {  	s24 =	simm.s32 $0xB;
	v17 =	vor.u32 v5, v59;
	v22 =	vld.idx.msk [tilespmem:v10+s8+$0x0], $0xffff;
	[tilespmem:v18+s8+$0x0] =	vst.idx.msk $0xffff, v27;
	v27 =	vmul.f32 v19, v9  }
0x37d: {  	v62 =	vand.u32 $0x1FF, v61;
	v18 =	vld.idx.msk [tilespmem:v12+s8+$0x0], $0xffff;
	v19 =	vadd.s32 s24, v0;
	[tilespmem:v20+s8+$0x0] =	vst.idx.msk $0xffff, v60;
	v63 =	vmul.f32 v23, v9  }
0x37e: {  	s26 =	simm.s32 $0xA;
	v20 =	vand.u32 $0x1FF, v19;
	v19 =	vor.u32 v5, v62;
	v23 =	vmul.f32 v25, v9;
	[tilespmem:v24+s8+$0x0] =	vst.idx.msk $0xffff, v27  }
0x37f: {  	s21 =	simm.s32 $0x10;
	s22 =	simm.s32 $0x9;
	v25 =	vadd.s32 s26, v0;
	v20 =	vor.u32 v5, v20;
	v24 =	vmul.f32 v57, v9;
	[tilespmem:v26+s8+$0x0] =	vst.idx.msk $0xffff, v63  }
.LBB2_27:
0x380: {  	p0 =	slt.u32 s21, $0x1F8;
	v26 =	vadd.s32 s22, v0;
	v25 =	vand.u32 $0x1FF, v25;
	v27 =	vld.idx.msk [tilespmem:v15+s8+$0x0], $0xffff;
	v21 =	vmul.f32 v21, v9;
	[tilespmem:v13+s8+$0x0] =	vst.idx.msk $0xffff, v23  }
0x381: {  	v22 =	vmul.f32 v22, v9;
	v13 =	vand.u32 $0x1FF, v26;
	v23 =	vor.u32 v5, v25;
	[tilespmem:v14+s8+$0x0] =	vst.idx.msk $0xffff, v24  }
0x382: {  	v14 =	vadd.s32 s21, v0;
	v24 =	vor.u32 v5, v13;
	v25 =	vld.idx.msk [tilespmem:v16+s8+$0x0], $0xffff;
	[tilespmem:v11+s8+$0x0] =	vst.idx.msk $0xffff, v21;
	v11 =	vmov v23  }
0x383: {  	s22 =	sadd.s32 $0x7, s21;
	v28 =	vmovc v12;
	v29 =	vmov v15;
	v21 =	vand.u32 $0x1FF, v14;
	v26 =	vld.idx.msk [tilespmem:v17+s8+$0x0], $0xffff;
	[tilespmem:v10+s8+$0x0] =	vst.idx.msk $0xffff, v22;
	v10 =	vmov v24  }
0x384: {  	s23 =	sadd.s32 $0x6, s21;
	v31 =	vmovc v16;
	v32 =	vmovc v17;
	v12 =	vor.u32 v5, v21;
	v21 =	vadd.s32 s22, v0;
	v30 =	vld.idx.msk [tilespmem:v19+s8+$0x0], $0xffff;
	v13 =	vmov v19  }
0x385: {  	v15 =	vadd.s32 s23, v0;
	v18 =	vmul.f32 v18, v9;
	s22 =	sadd.s32 $0x5, s21;
	v16 =	vand.u32 $0x1FF, v21;
	v14 =	vmovc v20;
	v33 =	vld.idx.msk [tilespmem:v20+s8+$0x0], $0xffff  }
0x386: {  	v17 =	vadd.s32 s22, v0;
	v19 =	vand.u32 $0x1FF, v15;
	v15 =	vor.u32 v5, v16;
	v21 =	vld.idx.msk [tilespmem:v23+s8+$0x0], $0xffff  }
.Ltmp16:
0x387: {  	s22 =	sadd.s32 $0x4, s21;
	v17 =	vand.u32 $0x1FF, v17;
	v16 =	vor.u32 v5, v19;
	v19 =	vmul.f32 v27, v9;
	v22 =	vld.idx.msk [tilespmem:v24+s8+$0x0], $0xffff;
	(pc) =	sbr.rel @p0 .LBB2_27-.Ltmp16, $4  }
0x388: {  	s23 =	sadd.s32 $0x3, s21;
	v20 =	vadd.s32 s22, v0;
	v17 =	vor.u32 v5, v17;
	v24 =	vmul.f32 v25, v9;
	[tilespmem:v28+s8+$0x0] =	vst.idx.msk $0xffff, v18  }
0x389: {  	v23 =	vadd.s32 s23, v0;
	v20 =	vand.u32 $0x1FF, v20;
	v26 =	vmul.f32 v26, v9;
	v18 =	vld.idx.msk [tilespmem:v12+s8+$0x0], $0xffff;
	[tilespmem:v29+s8+$0x0] =	vst.idx.msk $0xffff, v19  }
0x38a: {  	s23 =	sadd.s32 $0x2, s21;
	v27 =	vand.u32 $0x1FF, v23;
	v19 =	vor.u32 v5, v20;
	v23 =	vmul.f32 v30, v9;
	[tilespmem:v31+s8+$0x0] =	vst.idx.msk $0xffff, v24  }
0x38b: {  	s22 =	sadd.s32 $0x1, s21;
	s21 =	sadd.s32 $0x8, s21;
	v25 =	vadd.s32 s23, v0;
	v20 =	vor.u32 v5, v27;
	v24 =	vmul.f32 v33, v9;
	[tilespmem:v32+s8+$0x0] =	vst.idx.msk $0xffff, v26  }
0x38c: {  	_ =	sdelay $0x2  }
0x38d: {  	v26 =	vadd.s32 s22, v0;
	v25 =	vand.u32 $0x1FF, v25  }
0x38e: {  	v27 =	vld.idx.msk [tilespmem:v15+s8+$0x0], $0xffff;
	v26 =	vand.u32 $0x1FF, v26;
	v25 =	vor.u32 v5, v25  }
0x38f: {  	v28 =	vld.idx.msk [tilespmem:v16+s8+$0x0], $0xffff;
	v26 =	vor.u32 v5, v26  }
0x390: {  	v21 =	vmul.f32 v21, v9;
	[tilespmem:v13+s8+$0x0] =	vst.idx.msk $0xffff, v23;
	v13 =	vld.idx.msk [tilespmem:v17+s8+$0x0], $0xffff  }
0x391: {  	v22 =	vmul.f32 v22, v9;
	[tilespmem:v14+s8+$0x0] =	vst.idx.msk $0xffff, v24;
	v14 =	vld.idx.msk [tilespmem:v19+s8+$0x0], $0xffff  }
0x392: {  	[tilespmem:v11+s8+$0x0] =	vst.idx.msk $0xffff, v21;
	v11 =	vmul.f32 v18, v9;
	v18 =	vld.idx.msk [tilespmem:v20+s8+$0x0], $0xffff  }
0x393: {  	[tilespmem:v10+s8+$0x0] =	vst.idx.msk $0xffff, v22;
	v10 =	vld.idx.msk [tilespmem:v25+s8+$0x0], $0xffff  }
0x394: {  	v21 =	vmul.f32 v27, v9;
	v22 =	vld.idx.msk [tilespmem:v26+s8+$0x0], $0xffff  }
0x395: {  	[tilespmem:v12+s8+$0x0] =	vst.idx.msk $0xffff, v11;
	v11 =	vmul.f32 v28, v9  }
0x396: {  	v12 =	vmul.f32 v13, v9;
	[tilespmem:v15+s8+$0x0] =	vst.idx.msk $0xffff, v21  }
0x397: {  	v13 =	vmul.f32 v14, v9;
	[tilespmem:v16+s8+$0x0] =	vst.idx.msk $0xffff, v11  }
0x398: {  	[tilespmem:v17+s8+$0x0] =	vst.idx.msk $0xffff, v12;
	v10 =	vmul.f32 v10, v9  }
0x399: {  	s23 =	simm.s32 $0x7;
	v11 =	vmul.f32 v18, v9;
	[tilespmem:v19+s8+$0x0] =	vst.idx.msk $0xffff, v13;
	v9 =	vmul.f32 v22, v9  }
0x39a: {  	s21 =	simm.s32 $0x0;
	[tilespmem:v25+s8+$0x0] =	vst.idx.msk $0xffff, v10;
	v10 =	vadd.s32 s23, v0  }
0x39b: {  	s26 =	simm.s32 $0x5;
	[tilespmem:v26+s8+$0x0] =	vst.idx.msk $0xffff, v9;
	v9 =	vadd.s32 s21, v0;
	v10 =	vand.u32 $0x1FF, v10  }
0x39c: {  	s24 =	simm.s32 $0x6;
	[tilespmem:v20+s8+$0x0] =	vst.idx.msk $0xffff, v11;
	v11 =	vadd.s32 s26, v0;
	v9 =	vand.u32 $0x1FF, v9;
	v18 =	vor.u32 v1, v10  }
0x39d: {  	[spmem:s1] =	stream.indirect.scatter.add.f32 [tilespmem:s8], [sflag:$0x3], $0x200, s4, s25, $0xb8;
	v10 =	vand.u32 $0x1FF, v11;
	v17 =	vor.u32 v1, v9;
	v9 =	vadd.s32 s24, v0;
	[tilespmem:$0x1F280] =	vst v63  }
0x39e: {  	s22 =	simm.s32 $0x4;
	_ =	swait.ge [sflag:s12], $0x4000;
	v25 =	vor.u32 v1, v10;
	v9 =	vand.u32 $0x1FF, v9  }
0x39f: {  	s23 =	simm.s32 $0x3;
	[sflag:s12] =	ssyncset.done $0x0;
	v23 =	vor.u32 v1, v9;
	v9 =	vadd.s32 s22, v0  }
0x3a0: {  	v8 =	vsel vm1, $0x0, v8;
	v10 =	vadd.s32 s23, v0;
	s24 =	simm.s32 $0x2;
	[sflag:s12] =	ssyncadd.s32 $0xFFFFC000;
	v9 =	vand.u32 $0x1FF, v9  }
0x3a1: {  	s26 =	simm.s32 $0x1;
	v10 =	vand.u32 $0x1FF, v10;
	v12 =	vor.u32 v1, v9;
	v9 =	vadd.s32 s24, v0;
	v16 =	vld.idx.msk [tilespmem:v18+s3+$0x0], $0xffff  }
0x3a2: {  	s23 =	simm.s32 $0xF;
	v13 =	vor.u32 v1, v10;
	v10 =	vadd.s32 s26, v0;
	v14 =	vld.idx.msk [tilespmem:v17+s3+$0x0], $0xffff;
	v9 =	vand.u32 $0x1FF, v9  }
0x3a3: {  	v15 =	vadd.s32 s23, v0;
	s22 =	simm.s32 $0x8;
	v10 =	vand.u32 $0x1FF, v10;
	v22 =	vld.idx.msk [tilespmem:v25+s3+$0x0], $0xffff;
	v9 =	vor.u32 v1, v9  }
0x3a4: {  	s23 =	simm.s32 $0xC;
	v15 =	vand.u32 $0x1FF, v15;
	v11 =	vadd.s32 s22, v0;
	v10 =	vor.u32 v1, v10  }
0x3a5: {  	v30 =	vadd.s32 s23, v0;
	v15 =	vor.u32 v1, v15;
	v11 =	vand.u32 $0x1FF, v11;
	s24 =	simm.s32 $0xE;
	v19 =	vld.idx.msk [tilespmem:v23+s3+$0x0], $0xffff  }
0x3a6: {  	s26 =	simm.s32 $0xD;
	v62 =	vand.u32 $0x1FF, v30;
	v11 =	vor.u32 v1, v11;
	v20 =	vadd.s32 s24, v0;
	v24 =	vld.idx.msk [tilespmem:v12+s3+$0x0], $0xffff  }
0x3a7: {  	v27 =	vld.idx.msk [tilespmem:v13+s3+$0x0], $0xffff;
	v29 =	vmul.f32 v16, v8;
	v26 =	vmul.f32 v14, v8;
	v14 =	vadd.s32 s26, v0  }
0x3a8: {  	v21 =	vand.u32 $0x1FF, v20;
	v63 =	vmul.f32 v22, v8;
	v20 =	vld.idx.msk [tilespmem:v9+s3+$0x0], $0xffff;
	v61 =	vand.u32 $0x1FF, v14  }
0x3a9: {  	s24 =	simm.s32 $0xB;
	v14 =	vor.u32 v1, v21;
	v21 =	vld.idx.msk [tilespmem:v10+s3+$0x0], $0xffff;
	[tilespmem:v18+s3+$0x0] =	vst.idx.msk $0xffff, v29;
	v18 =	vor.u32 v1, v62  }
0x3aa: {  	v16 =	vor.u32 v1, v61;
	[tilespmem:v17+s3+$0x0] =	vst.idx.msk $0xffff, v26;
	v17 =	vmul.f32 v19, v8;
	v26 =	vadd.s32 s24, v0  }
0x3ab: {  	s26 =	simm.s32 $0xA;
	v19 =	vld.idx.msk [tilespmem:v11+s3+$0x0], $0xffff;
	[tilespmem:v25+s3+$0x0] =	vst.idx.msk $0xffff, v63;
	v26 =	vand.u32 $0x1FF, v26;
	v22 =	vmul.f32 v24, v8  }
0x3ac: {  	s21 =	simm.s32 $0x10;
	s22 =	simm.s32 $0x9;
	[tilespmem:v23+s3+$0x0] =	vst.idx.msk $0xffff, v17;
	v24 =	vadd.s32 s26, v0;
	v17 =	vor.u32 v1, v26;
	v23 =	vmul.f32 v27, v8  }
.LBB2_29:
0x3ad: {  	p0 =	slt.u32 s21, $0x1F8;
	v25 =	vadd.s32 s22, v0;
	v24 =	vand.u32 $0x1FF, v24;
	v26 =	vld.idx.msk [tilespmem:v15+s3+$0x0], $0xffff;
	v20 =	vmul.f32 v20, v8;
	[tilespmem:v12+s3+$0x0] =	vst.idx.msk $0xffff, v22  }
0x3ae: {  	v21 =	vmul.f32 v21, v8;
	v12 =	vand.u32 $0x1FF, v25;
	v22 =	vor.u32 v1, v24;
	[tilespmem:v13+s3+$0x0] =	vst.idx.msk $0xffff, v23  }
0x3af: {  	v13 =	vadd.s32 s21, v0;
	v23 =	vor.u32 v1, v12;
	v24 =	vld.idx.msk [tilespmem:v14+s3+$0x0], $0xffff;
	[tilespmem:v9+s3+$0x0] =	vst.idx.msk $0xffff, v20;
	v9 =	vmov v22  }
0x3b0: {  	s22 =	sadd.s32 $0x7, s21;
	v27 =	vmovc v11;
	v28 =	vmov v15;
	v20 =	vand.u32 $0x1FF, v13;
	v25 =	vld.idx.msk [tilespmem:v16+s3+$0x0], $0xffff;
	[tilespmem:v10+s3+$0x0] =	vst.idx.msk $0xffff, v21;
	v10 =	vmov v23  }
0x3b1: {  	s23 =	sadd.s32 $0x6, s21;
	v30 =	vmovc v14;
	v31 =	vmovc v16;
	v11 =	vor.u32 v1, v20;
	v20 =	vadd.s32 s22, v0;
	v29 =	vld.idx.msk [tilespmem:v18+s3+$0x0], $0xffff;
	v12 =	vmov v18  }
0x3b2: {  	v14 =	vadd.s32 s23, v0;
	s22 =	sadd.s32 $0x5, s21;
	v15 =	vand.u32 $0x1FF, v20;
	v18 =	vmul.f32 v19, v8;
	v13 =	vmovc v17;
	v32 =	vld.idx.msk [tilespmem:v17+s3+$0x0], $0xffff  }
0x3b3: {  	v14 =	vand.u32 $0x1FF, v14;
	v16 =	vadd.s32 s22, v0;
	v15 =	vor.u32 v1, v15;
	v20 =	vld.idx.msk [tilespmem:v22+s3+$0x0], $0xffff  }
.Ltmp17:
0x3b4: {  	s22 =	sadd.s32 $0x4, s21;
	v14 =	vor.u32 v1, v14;
	v16 =	vand.u32 $0x1FF, v16;
	v17 =	vmul.f32 v26, v8;
	v21 =	vld.idx.msk [tilespmem:v23+s3+$0x0], $0xffff;
	(pc) =	sbr.rel @p0 .LBB2_29-.Ltmp17, $4  }
0x3b5: {  	s23 =	sadd.s32 $0x3, s21;
	v22 =	vadd.s32 s22, v0;
	v16 =	vor.u32 v1, v16;
	v23 =	vmul.f32 v24, v8;
	[tilespmem:v27+s3+$0x0] =	vst.idx.msk $0xffff, v18  }
0x3b6: {  	v22 =	vand.u32 $0x1FF, v22;
	v18 =	vadd.s32 s23, v0;
	v25 =	vmul.f32 v25, v8;
	v19 =	vld.idx.msk [tilespmem:v11+s3+$0x0], $0xffff;
	[tilespmem:v28+s3+$0x0] =	vst.idx.msk $0xffff, v17  }
0x3b7: {  	s23 =	sadd.s32 $0x2, s21;
	v17 =	vand.u32 $0x1FF, v18;
	v18 =	vor.u32 v1, v22;
	v22 =	vmul.f32 v29, v8;
	[tilespmem:v30+s3+$0x0] =	vst.idx.msk $0xffff, v23  }
0x3b8: {  	s22 =	sadd.s32 $0x1, s21;
	s21 =	sadd.s32 $0x8, s21;
	v24 =	vadd.s32 s23, v0;
	v17 =	vor.u32 v1, v17;
	v23 =	vmul.f32 v32, v8;
	[tilespmem:v31+s3+$0x0] =	vst.idx.msk $0xffff, v25  }
0x3b9: {  	_ =	sdelay $0x3  }
0x3ba: {  	v26 =	vld.idx.msk [tilespmem:v15+s3+$0x0], $0xffff  }
0x3bb: {  	v27 =	vld.idx.msk [tilespmem:v14+s3+$0x0], $0xffff  }
0x3bc: {  	v25 =	vadd.s32 s22, v0;
	v24 =	vand.u32 $0x1FF, v24;
	v28 =	vld.idx.msk [tilespmem:v16+s3+$0x0], $0xffff  }
0x3bd: {  	[tilespmem:v12+s3+$0x0] =	vst.idx.msk $0xffff, v22;
	v12 =	vmul.f32 v20, v8;
	v25 =	vand.u32 $0x1FF, v25;
	v24 =	vor.u32 v1, v24  }
0x3be: {  	v29 =	vld.idx.msk [tilespmem:v18+s3+$0x0], $0xffff;
	[tilespmem:v13+s3+$0x0] =	vst.idx.msk $0xffff, v23;
	v13 =	vmul.f32 v21, v8;
	v25 =	vor.u32 v1, v25  }
0x3bf: {  	v30 =	vld.idx.msk [tilespmem:v17+s3+$0x0], $0xffff;
	[tilespmem:v9+s3+$0x0] =	vst.idx.msk $0xffff, v12;
	v9 =	vmul.f32 v19, v8  }
0x3c0: {  	[tilespmem:v10+s3+$0x0] =	vst.idx.msk $0xffff, v13;
	v10 =	vmul.f32 v26, v8  }
0x3c1: {  	[tilespmem:v11+s3+$0x0] =	vst.idx.msk $0xffff, v9;
	v12 =	vmul.f32 v27, v8  }
0x3c2: {  	v9 =	vmul.f32 v28, v8;
	v20 =	vld.idx.msk [tilespmem:v24+s3+$0x0], $0xffff;
	[tilespmem:v15+s3+$0x0] =	vst.idx.msk $0xffff, v10  }
0x3c3: {  	s21 =	simm.s32 $0x0;
	s23 =	simm.s32 $0x7;
	v11 =	vmul.f32 v29, v8;
	v21 =	vld.idx.msk [tilespmem:v25+s3+$0x0], $0xffff;
	[tilespmem:v14+s3+$0x0] =	vst.idx.msk $0xffff, v12  }
0x3c4: {  	s24 =	simm.s32 $0x6;
	s26 =	simm.s32 $0x5;
	v10 =	vmul.f32 v30, v8;
	v15 =	vadd.s32 s21, v0;
	v14 =	vadd.s32 s23, v0;
	[tilespmem:v16+s3+$0x0] =	vst.idx.msk $0xffff, v9  }
0x3c5: {  	v9 =	vadd.s32 s24, v0;
	[tilespmem:v18+s3+$0x0] =	vst.idx.msk $0xffff, v11;
	v11 =	vadd.s32 s26, v0;
	v12 =	vand.u32 $0x1FF, v15  }
0x3c6: {  	v9 =	vand.u32 $0x1FF, v9;
	v16 =	vor.u32 v5, v12;
	v12 =	vand.u32 $0x1FF, v14  }
0x3c7: {  	s22 =	simm.s32 $0x4;
	[tilespmem:v17+s3+$0x0] =	vst.idx.msk $0xffff, v10;
	v10 =	vand.u32 $0x1FF, v11;
	v18 =	vor.u32 v5, v12;
	v13 =	vmul.f32 v20, v8  }
0x3c8: {  	v22 =	vor.u32 v5, v9;
	v9 =	vadd.s32 s22, v0;
	v8 =	vmul.f32 v21, v8  }
0x3c9: {  	s23 =	simm.s32 $0x3;
	v54 =	vor.u32 v5, v10;
	v9 =	vand.u32 $0x1FF, v9;
	[tilespmem:v24+s3+$0x0] =	vst.idx.msk $0xffff, v13  }
0x3ca: {  	s24 =	simm.s32 $0x2;
	v10 =	vadd.s32 s23, v0;
	v11 =	vor.u32 v5, v9;
	[tilespmem:v25+s3+$0x0] =	vst.idx.msk $0xffff, v8  }
0x3cb: {  	v7 =	vsel vm0, $0x0, v7;
	s26 =	simm.s32 $0x1;
	v9 =	vadd.s32 s24, v0;
	v8 =	vand.u32 $0x1FF, v10;
	v13 =	vld.idx.msk [tilespmem:v16+s3+$0x0], $0xffff  }
0x3cc: {  	s23 =	simm.s32 $0xF;
	v9 =	vand.u32 $0x1FF, v9;
	v12 =	vor.u32 v5, v8;
	v8 =	vadd.s32 s26, v0;
	v15 =	vld.idx.msk [tilespmem:v18+s3+$0x0], $0xffff  }
0x3cd: {  	s24 =	simm.s32 $0xE;
	v14 =	vadd.s32 s23, v0;
	v9 =	vor.u32 v5, v9;
	v17 =	vld.idx.msk [tilespmem:v22+s3+$0x0], $0xffff;
	v8 =	vand.u32 $0x1FF, v8  }
0x3ce: {  	s22 =	simm.s32 $0x8;
	s23 =	simm.s32 $0xC;
	v19 =	vadd.s32 s24, v0;
	v14 =	vand.u32 $0x1FF, v14;
	v21 =	vld.idx.msk [tilespmem:v54+s3+$0x0], $0xffff;
	v8 =	vor.u32 v5, v8  }
0x3cf: {  	v60 =	vadd.s32 s23, v0;
	v57 =	vand.u32 $0x1FF, v19;
	v10 =	vadd.s32 s22, v0;
	s26 =	simm.s32 $0xD;
	v23 =	vld.idx.msk [tilespmem:v11+s3+$0x0], $0xffff  }
0x3d0: {  	v62 =	vand.u32 $0x1FF, v60;
	v10 =	vand.u32 $0x1FF, v10;
	v20 =	vadd.s32 s26, v0  }
0x3d1: {  	v10 =	vor.u32 v5, v10;
	v58 =	vand.u32 $0x1FF, v20;
	v55 =	vmul.f32 v13, v7;
	v56 =	vld.idx.msk [tilespmem:v12+s3+$0x0], $0xffff  }
0x3d2: {  	v19 =	vld.idx.msk [tilespmem:v9+s3+$0x0], $0xffff;
	v13 =	vor.u32 v5, v14;
	v14 =	vor.u32 v5, v57;
	v59 =	vmul.f32 v15, v7  }
0x3d3: {  	s24 =	simm.s32 $0xB;
	v15 =	vor.u32 v5, v58;
	v61 =	vmul.f32 v17, v7;
	v20 =	vld.idx.msk [tilespmem:v8+s3+$0x0], $0xffff;
	[tilespmem:v16+s3+$0x0] =	vst.idx.msk $0xffff, v55  }
0x3d4: {  	s26 =	simm.s32 $0xA;
	v17 =	vadd.s32 s24, v0;
	v63 =	vmul.f32 v21, v7;
	v21 =	vmul.f32 v23, v7;
	[tilespmem:v18+s3+$0x0] =	vst.idx.msk $0xffff, v59  }
0x3d5: {  	v23 =	vadd.s32 s26, v0;
	v18 =	vand.u32 $0x1FF, v17;
	v17 =	vor.u32 v5, v62;
	[tilespmem:v22+s3+$0x0] =	vst.idx.msk $0xffff, v61  }
0x3d6: {  	s21 =	simm.s32 $0x10;
	s22 =	simm.s32 $0x9;
	v16 =	vld.idx.msk [tilespmem:v10+s3+$0x0], $0xffff;
	[tilespmem:v54+s3+$0x0] =	vst.idx.msk $0xffff, v63;
	v18 =	vor.u32 v5, v18;
	v22 =	vmul.f32 v56, v7  }
.LBB2_31:
0x3d7: {  	p0 =	slt.u32 s21, $0x1F8;
	v24 =	vadd.s32 s22, v0;
	v23 =	vand.u32 $0x1FF, v23;
	v25 =	vld.idx.msk [tilespmem:v13+s3+$0x0], $0xffff;
	v19 =	vmul.f32 v19, v7;
	[tilespmem:v11+s3+$0x0] =	vst.idx.msk $0xffff, v21  }
0x3d8: {  	v20 =	vmul.f32 v20, v7;
	v11 =	vand.u32 $0x1FF, v24;
	v21 =	vor.u32 v5, v23;
	[tilespmem:v12+s3+$0x0] =	vst.idx.msk $0xffff, v22  }
0x3d9: {  	v12 =	vadd.s32 s21, v0;
	v22 =	vor.u32 v5, v11;
	v23 =	vld.idx.msk [tilespmem:v14+s3+$0x0], $0xffff;
	[tilespmem:v9+s3+$0x0] =	vst.idx.msk $0xffff, v19;
	v9 =	vmov v21  }
0x3da: {  	s22 =	sadd.s32 $0x7, s21;
	v26 =	vmovc v10;
	v27 =	vmov v13;
	v19 =	vand.u32 $0x1FF, v12;
	v24 =	vld.idx.msk [tilespmem:v15+s3+$0x0], $0xffff;
	[tilespmem:v8+s3+$0x0] =	vst.idx.msk $0xffff, v20;
	v8 =	vmov v22  }
0x3db: {  	s23 =	sadd.s32 $0x6, s21;
	v29 =	vmovc v14;
	v30 =	vmovc v15;
	v10 =	vor.u32 v5, v19;
	v19 =	vadd.s32 s22, v0;
	v28 =	vld.idx.msk [tilespmem:v17+s3+$0x0], $0xffff;
	v11 =	vmov v17  }
0x3dc: {  	v13 =	vadd.s32 s23, v0;
	v16 =	vmul.f32 v16, v7;
	s22 =	sadd.s32 $0x5, s21;
	v14 =	vand.u32 $0x1FF, v19;
	v12 =	vmovc v18;
	v31 =	vld.idx.msk [tilespmem:v18+s3+$0x0], $0xffff  }
0x3dd: {  	v15 =	vadd.s32 s22, v0;
	v17 =	vand.u32 $0x1FF, v13;
	v13 =	vor.u32 v5, v14;
	v19 =	vld.idx.msk [tilespmem:v21+s3+$0x0], $0xffff  }
.Ltmp18:
0x3de: {  	s22 =	sadd.s32 $0x4, s21;
	v15 =	vand.u32 $0x1FF, v15;
	v14 =	vor.u32 v5, v17;
	v17 =	vmul.f32 v25, v7;
	v20 =	vld.idx.msk [tilespmem:v22+s3+$0x0], $0xffff;
	(pc) =	sbr.rel @p0 .LBB2_31-.Ltmp18, $4  }
0x3df: {  	s23 =	sadd.s32 $0x3, s21;
	v18 =	vadd.s32 s22, v0;
	v15 =	vor.u32 v5, v15;
	v22 =	vmul.f32 v23, v7;
	[tilespmem:v26+s3+$0x0] =	vst.idx.msk $0xffff, v16  }
0x3e0: {  	v21 =	vadd.s32 s23, v0;
	v18 =	vand.u32 $0x1FF, v18;
	v24 =	vmul.f32 v24, v7;
	v16 =	vld.idx.msk [tilespmem:v10+s3+$0x0], $0xffff;
	[tilespmem:v27+s3+$0x0] =	vst.idx.msk $0xffff, v17  }
0x3e1: {  	s23 =	sadd.s32 $0x2, s21;
	v25 =	vand.u32 $0x1FF, v21;
	v17 =	vor.u32 v5, v18;
	v21 =	vmul.f32 v28, v7;
	[tilespmem:v29+s3+$0x0] =	vst.idx.msk $0xffff, v22  }
0x3e2: {  	s22 =	sadd.s32 $0x1, s21;
	s21 =	sadd.s32 $0x8, s21;
	v23 =	vadd.s32 s23, v0;
	v18 =	vor.u32 v5, v25;
	v22 =	vmul.f32 v31, v7;
	[tilespmem:v30+s3+$0x0] =	vst.idx.msk $0xffff, v24  }
0x3e3: {  	_ =	sdelay $0x2  }
0x3e4: {  	v24 =	vadd.s32 s22, v0;
	v23 =	vand.u32 $0x1FF, v23  }
0x3e5: {  	v25 =	vld.idx.msk [tilespmem:v13+s3+$0x0], $0xffff;
	v24 =	vand.u32 $0x1FF, v24;
	v23 =	vor.u32 v5, v23  }
0x3e6: {  	v26 =	vld.idx.msk [tilespmem:v14+s3+$0x0], $0xffff;
	v24 =	vor.u32 v5, v24  }
0x3e7: {  	[tilespmem:v11+s3+$0x0] =	vst.idx.msk $0xffff, v21;
	v54 =	vmul.f32 v19, v7;
	v55 =	vld.idx.msk [tilespmem:v15+s3+$0x0], $0xffff  }
0x3e8: {  	v20 =	vmul.f32 v20, v7;
	v56 =	vld.idx.msk [tilespmem:v17+s3+$0x0], $0xffff;
	[tilespmem:v12+s3+$0x0] =	vst.idx.msk $0xffff, v22  }
0x3e9: {  	v58 =	vld.idx.msk [tilespmem:v18+s3+$0x0], $0xffff;
	[tilespmem:v9+s3+$0x0] =	vst.idx.msk $0xffff, v54;
	v57 =	vmul.f32 v16, v7  }
0x3ea: {  	[tilespmem:v8+s3+$0x0] =	vst.idx.msk $0xffff, v20;
	v59 =	vmul.f32 v25, v7;
	v8 =	vld.idx.msk [tilespmem:v23+s3+$0x0], $0xffff  }
0x3eb: {  	[tilespmem:v10+s3+$0x0] =	vst.idx.msk $0xffff, v57;
	v61 =	vmul.f32 v26, v7;
	v60 =	vld.idx.msk [tilespmem:v24+s3+$0x0], $0xffff  }
0x3ec: {  	v62 =	vmul.f32 v55, v7;
	[tilespmem:v13+s3+$0x0] =	vst.idx.msk $0xffff, v59  }
0x3ed: {  	v12 =	vmul.f32 v56, v7;
	[tilespmem:v14+s3+$0x0] =	vst.idx.msk $0xffff, v61  }
0x3ee: {  	v63 =	vmul.f32 v58, v7;
	[tilespmem:v15+s3+$0x0] =	vst.idx.msk $0xffff, v62  }
0x3ef: {  	[tilespmem:v17+s3+$0x0] =	vst.idx.msk $0xffff, v12;
	v8 =	vmul.f32 v8, v7  }
0x3f0: {  	[tilespmem:v18+s3+$0x0] =	vst.idx.msk $0xffff, v63;
	v7 =	vmul.f32 v60, v7  }
0x3f1: {  	[tilespmem:v23+s3+$0x0] =	vst.idx.msk $0xffff, v8  }
0x3f2: {  	s20 =	sadd.s32 $0x1, s20;
	[tilespmem:v24+s3+$0x0] =	vst.idx.msk $0xffff, v7  }
0x3f3: {  	[spmem:s1] =	stream.indirect.scatter.add.f32 [tilespmem:s3], [sflag:$0x4], $0x200, s13, s25, $0xb8;
	[tilespmem:$0x1F280] =	vst v63  }
0x3f4: {  	p0 =	sne.s32 s20, s18;
	_ =	swait.ge [sflag:s14], $0x4000  }
.Ltmp19:
0x3f5: {  	[sflag:s14] =	ssyncset.done $0x0;
	(pc) =	sbr.rel @p0 .LBB2_24-.Ltmp19, $4  }
.Ltmp20:
0x3f6: {  	[sflag:s14] =	ssyncadd.s32 $0xFFFFC000;
	(pc) =	sbr.rel @!p0 .LBB2_33-.Ltmp20, $4  }
0x3f7: {  	_ =	swait.ge [sflag:s15], $0x4000  }
0x3f8: {  	[sflag:s15] =	ssyncset.done $0x0  }
0x3f9: {  	[sflag:s15] =	ssyncadd.s32 $0xFFFFC000  }
0x3fa: {  	_ = 	snop  }
.LBB2_35:
0x3fb: {  	_ =	sfence.sel $0x180000  }
0x3fc: {  	[bflag:$0x0] =	sbarrier.arrive $0xFFFF  }
0x3fd: {  	_ =	strace $0x9000004A  }
0x3fe: {  	s0 =	stileid.u32;
	[bflag:$0x2] =	sbarrier.arrive $0xFFFF  }
0x3ff: {  	p0 =	sne.s32 s0, $0x0;
	s0 =	rddreg [dreg:$0x7]  }
0x400: {  	s0 =	sadd.s32 @!p0 $0x100000, s0  }
0x401: {  	[sflag:s0] =	ssyncadd.tile.s32 @!p0 $0x1;
	_ =	shalt  }
.Lfunc_end2:
_tile_overlayer_lowered:
.L_overlay_start_2:
0x402: {  	(tag) =	ssettag $0x2  }
0x403: {  	s0 =	rddreg [dreg:$0x0];
	s2 =	stileid.u32  }
0x404: {  	s1 =	rddreg [dreg:$0x1];
	p0 =	sne.s32 s2, $0x0  }
0x405: {  	s3 =	rddreg [dreg:$0x2];
	[bflag:$0x3] =	sbarrier.arrive $0xFFFF;
	s2 =	simm.s32 @!p0 $0x1C06  }
0x406: {  	[timem:s3], [sflag:s2] =	dma.local @!p0 [hbm:s0], s1  }
0x407: {  	s0 =	simm.s32 @!p0 $0x6  }
0x408: {  	_ =	swait.ge @!p0 [sflag:s0], s1  }
0x409: {  	s1 =	ssub.s32 @!p0 $0x0, s1;
	[sflag:s0] =	ssyncset.done @!p0 $0x0  }
0x40a: {  	[sflag:s0] =	ssyncadd.s32 @!p0 s1  }
0x40b: {  	[bflag:$0x3] =	sbarrier.arrive $0xFFFF  }
0x40c: {  	_ =	shalt  }

// kernel: sparse-core-data-format-call.1.cloned.1.call-start
scs
called_computation.1_lowered:
.L_overlay_start_0:
0x0: {  	s2 =	sld [smem:$0x3FD9]  }
0x1: {  	s3 =	sld [smem:$0x3FFE];
	_ =	sdelay $0x1  }
0x2: {  	s1 =	srdreg.scid  }
0x3: {  	s0 =	sand.u32 $0x1, s1  }
0x4: {  	s19 =	sshll.u32 s0, $0xA;
	s2 =	sadd.s32 s3, s2  }
0x5: {  	s2 =	sadd.s32 s2, s19  }
0x6: {  	[smem:$0x3FC2] =	sst s2  }
0x7: {  	_ = 	snop  }
0x8: {  	s2 =	sld [smem:$0x3FC9]  }
0x9: {  	s20 =	sld [smem:$0x3FD0];
	(tm) =	ssettm $0x1  }
0xa: {  	s4 =	sld [smem:$0x3FFB];
	_ =	sdelay $0x3  }
0xb: {  	_ =	strace s4  }
0xc: {  	s4 =	sld [smem:$0x3FFC];
	_ =	sdelay $0x3  }
0xd: {  	_ =	strace s4  }
0xe: {  	s4 =	sld [smem:$0x3FFD];
	_ =	sdelay $0x3  }
0xf: {  	_ =	strace s4  }
0x10: {  	_ =	strace $0x8FFFFFFF  }
0x11: {  	s21 =	sld [smem:$0x3FDB];
	_ =	sdelay $0x1  }
0x12: {  	s5 =	simm.s32 $_scs_section_size  }
0x13: {  	s6 =	simm.s32 $_size__tile_overlayer_lowered;
	s7 =	simm.s32 $_tile_overlayer_lowered  }
0x14: {  	s24 =	simm.s32 $0x1BFF;
	s23 =	sshll.u32 s7, $0x1;
	s4 =	sadd.s32 s5, s21  }
0x15: {  	s8 =	simm.s32 $0x0;
	s22 =	sshll.u32 s6, $0x1;
	s6 =	sadd.s32 s23, s4  }
0x16: {  	[timem:s8], [sflag:s24] =	dma.local [hbm:s6], s22  }
0x17: {  	_ =	swait.ge [sflag:s24], s22  }
0x18: {  	s5 =	ssub.s32 $0x0, s22;
	[sflag:s24] =	ssyncset.done $0x0  }
0x19: {  	[sflag:s24] =	ssyncadd.s32 s5;
	_ =	sdelay $0x1  }
0x1a: {  	s25 =	simm.s32 $0x1B8B  }
0x1b: {  	_ =	swait.ge [sflag:s25], $0x1  }
0x1c: {  	[sflag:s25] =	ssyncset.done $0x0  }
0x1d: {  	s26 =	simm.s32 $0x1B8E;
	[sflag:s25] =	ssyncadd.s32 $0xFFFFFFFF  }
0x1e: {  	s27 =	simm.s32 $execute0_lowered;
	[smem:$0x3FD2] =	sst s26  }
0x1f: {  	s5 =	sshll.u32 s27, $0x1;
	_ =	strace $0x80000046;
	[dreg:$0x1] =	wrdreg $0xFFFFFFFF  }
0x20: {  	s28 =	simm.s32 $_size_execute0_lowered;
	s4 =	sadd.s32 s4, s5;
	[dreg:$0x0] =	wrdreg $0x0  }
0x21: {  	s5 =	sshll.u32 s28, $0x1;
	[dreg:$0x2] =	wrdreg s4  }
0x22: {  	[dreg:$0x3] =	wrdreg s5  }
0x23: {  	[dreg:$0x4] =	wrdreg $0xC0  }
0x24: {  	_ =	task [dreg:s8], $0x5FFFF  }
0x25: {  	[dreg:$0x1] =	wrdreg $0xFFFFFFFF  }
0x26: {  	[dreg:$0x0] =	wrdreg $0x60  }
0x27: {  	[dreg:$0x2] =	wrdreg s2  }
0x28: {  	[dreg:$0x3] =	wrdreg s20  }
0x29: {  	[dreg:$0x4] =	wrdreg $0x9  }
0x2a: {  	_ =	task.clear_ibuf [dreg:s8], $0x5FFFF;
	_ =	strace $0x90000046  }
0x2b: {  	s29 =	simm.s32 $0x9;
	_ =	strace $0x80000048  }
0x2c: {  	_ =	swait.ge [sflag:s29], $0x1  }
0x2d: {  	[sflag:s29] =	ssyncadd.s32 $0xFFFFFFFF  }
0x2e: {  	_ =	strace $0x90000048  }
0x2f: {  	_ =	sfence  }
0x30: {  	s30 =	sld [smem:$0x0];
	_ =	sdelay $0x2  }
0x31: {  	s31 =	sshll.u32 s1, $0xD;
	s1 =	sshrl.u32 s1, $0x2  }
0x32: {  	s3 =	sand.u32 $0x4000, s31;
	s1 =	sadd.s32 s1, s30  }
0x33: {  	s0 =	sor.u32 s3, s0;
	s1 =	sshll.u32 s1, $0x11  }
0x34: {  	s0 =	sor.u32 s1, s0  }
0x35: {  	s0 =	sadd.s32 $0x8F2B, s0  }
0x36: {  	[sflag:s0] =	ssyncadd.remote.s32 $0x1  }
0x37: {  	_ =	sfence.sel $0xFFFF  }
0x38: {  	[dreg:$0x0] =	wrdreg $0xFFFFFFFF;
	(pc) =	sbr.abs _section_cstart, $3  }
0x39: {  	[dreg:$0x1] =	wrdreg $0xFFFFFFFF  }
0x3a: {  	_ =	task.clear_ibuf [dreg:s8], $0x2FFFF;
	_ =	strace $0x9FFFFFFF  }
0x3b: {  	(tm) =	ssettm $0x7FFFFFFF  }
tec
execute0_lowered:
.L_overlay_start_1:
0x0: {  	(tag) =	ssettag $0x1  }
0x1: {  	s0 =	stileid.u32  }
0x2: {  	s3 =	srdreg.scid;
	s1 =	rddreg [dreg:$0x0]  }
0x3: {  	s8 =	simm.s32 $0x1;
	s31 =	simm.s32 $0x2;
	s17 =	simm.s32 $0x0  }
0x4: {  	s10 =	simm.s32 $0x1000;
	s15 =	simm.s32 $0x0;
	s16 =	simm.s32 $0x0  }
0x5: {  	s14 =	simm.s32 $0x0;
	s2 =	sshll.u32 s0, $0x5;
	s4 =	sshll.u32 s3, $0x7  }
0x6: {  	s3 =	rddreg [dreg:$0x1];
	s2 =	sand.u32 $0x180, s2;
	s4 =	sand.u32 $0x80, s4  }
0x7: {  	s5 =	ssub.s32 $0x200, s2;
	s7 =	ssub.s32 $0x2000, s4;
	s11 =	smov.u32 s4  }
0x8: {  	s12 =	smov.u32 s2;
	s6 =	sshrl.u32 s5, $0x9;
	s5 =	sand.u32 $0x180, s5  }
0x9: {  	s30 =	sshrl.u32 s7, $0x7;
	s7 =	sshrl.u32 s7, $0x8;
	p0 =	sne.s32 s5, $0x0  }
.Ltmp0:
0xa: {  	s9 =	sand.u32 $0x1, s30;
	s8 =	simm.s32 @!p0 $0x0;
	(pc) =	sbr.rel .LBB1_1-.Ltmp0, $4  }
0xb: {  	s5 =	rddreg [dreg:$0x2];
	s7 =	sadd.s32 s7, s9;
	s8 =	sadd.s32 s8, s6  }
0xc: {  	_ =	strace $0x80000047;
	s6 =	simm.s32 $0x1;
	s7 =	smul.u32 s7, s8  }
0xd: {  	p0 =	por $0x0, $0x0;
	[sflag:s6] =	ssyncpa.u1 $0x0;
	s8 =	sand.u32 $0x3, s0  }
0xe: {  	[sflag:s31] =	ssyncpa.u1 $0x0;
	s13 =	smov.u32 s8;
	s9 =	sadd.s32 $0x1, s7  }
.LBB1_4:
0xf: {  	v5 =	vld [tilespmem:s20+$0xFFFFFFD0]  }
0x10: {  	[tilespmem:s21+$0x2040 ss:$0x81] =	vst.msk $0xffff, v1;
	v58 =	vld [tilespmem:s20+$0xFFFFFFE0]  }
0x11: {  	[tilespmem:s21+$0x2850 ss:$0x81] =	vst.msk $0xffff, v2;
	v59 =	vld [tilespmem:s20+$0xFFFFFFF0]  }
0x12: {  	s22 =	sshra.s32 s22, $0x2;
	[tilespmem:s21+$0x3060 ss:$0x81] =	vst.msk $0xffff, v3;
	v60 =	vld [tilespmem:s20+$0x0]  }
0x13: {  	[tilespmem:s21+$0x0 ss:$0x81] =	vst.msk $0xffff, v0;
	v61 =	vld [tilespmem:s20+$0x10];
	s19 =	sadd.s32 s22, s19  }
0x14: {  	s25 =	sshll.u32 s17, $0x9;
	v62 =	vld [tilespmem:s20+$0x20];
	[tilespmem:s19+$0x3870 ss:$0x81] =	vst.msk $0xffff, v4  }
0x15: {  	s26 =	sshll.u32 s15, $0x3;
	s27 =	sshll.u32 s17, $0x7;
	v63 =	vld [tilespmem:s20+$0xFFFFFFC0];
	s30 =	sand.u32 $0x78, s15;
	[tilespmem:s19+$0x810 ss:$0x81] =	vst.msk $0xffff, v5  }
0x16: {  	s16 =	sshll.u32 s16, $0x13;
	s21 =	sand.u32 $0x3FF000, s25;
	s22 =	sand.u32 $0x3FFC00, s26;
	[tilespmem:s19+$0x1020 ss:$0x81] =	vst.msk $0xffff, v58  }
0x17: {  	s29 =	sand.u32 $0x200, s27;
	s17 =	sand.u32 $0x180, s27;
	s28 =	sadd.s32 s22, s21;
	[tilespmem:s19+$0x1830 ss:$0x81] =	vst.msk $0xffff, v59  }
0x18: {  	s31 =	sand.u32 $0x7, s15;
	s17 =	sor.u32 s30, s17;
	s20 =	sor.u32 s29, s28;
	[tilespmem:s19+$0x2040 ss:$0x81] =	vst.msk $0xffff, v60  }
0x19: {  	s16 =	sadd.s32 s3, s16;
	s17 =	sshrl.u32 s17, $0x3;
	s20 =	sshrl.u32 s20, $0x3;
	[tilespmem:s19+$0x2850 ss:$0x81] =	vst.msk $0xffff, v61  }
0x1a: {  	s15 =	sshll.u32 s31, $0x12;
	s16 =	sadd.s32 s17, s16;
	[tilespmem:s19+$0x3060 ss:$0x81] =	vst.msk $0xffff, v62;
	s20 =	sand.u32 $0x7FFC0, s20  }
0x1b: {  	s15 =	sor.u32 $0x400, s15;
	[tilespmem:s19+$0x0 ss:$0x81] =	vst.msk $0xffff, v63;
	s16 =	sadd.s32 s20, s16  }
0x1c: {  	[hbm4b:s16+s15] =	stream.strided.scatter [tilespmem:s18], [sflag:$0x2], $0x4000, s10, s15, $0x20;
	[tilespmem:$0x10100] =	vst v63  }
.LBB1_5:
0x1d: {  	s18 =	sadd.s32 $0x100, s11  }
0x1e: {  	s15 =	sadd.s32 $0x200, s12;
	s19 =	smov.u32 s12;
	p2 =	sgt.s32 s18, $0x1FFF  }
0x1f: {  	s19 =	smov.u32 @p2 s15  }
0x20: {  	s21 =	smov.u32 s13;
	s15 =	sadd.s32 $0x4, s13;
	p3 =	sgt.s32 s19, $0x1FF  }
0x21: {  	s21 =	smov.u32 @p3 s15  }
0x22: {  	s18 =	smov.u32 @p2 s4;
	p2 =	sgt.s32 s21, $0x3  }
0x23: {  	p1 =	slt.u32 s14, $0x2;
	s21 =	smov.u32 @p2 s8;
	p2 =	sne.s32 s14, s9  }
.Ltmp1:
0x24: {  	s20 =	simm.s32 @!p1 $0x2;
	(pc) =	sbr.rel @!p2 .LBB1_6-.Ltmp1, $4  }
0x25: {  	s17 =	smov.u32 s11;
	s16 =	smov.u32 s13;
	_ =	swait.ge @!p1 [sflag:s20], $0x4000  }
0x26: {  	p0 =	por !p0, !p0;
	[sflag:s20] =	ssyncset.done @!p1 $0x0;
	s11 =	smov.u32 s18  }
0x27: {  	s19 =	smov.u32 @p3 s2;
	s15 =	smov.u32 s12;
	[sflag:s20] =	ssyncadd.s32 @!p1 $0xFFFFC000  }
0x28: {  	s12 =	smov.u32 s19;
	s14 =	sadd.s32 $0x1, s14;
	s13 =	smov.u32 s21  }
.LBB1_1:
0x29: {  	p1 =	sge.u32 s14, s7;
	s31 =	sadd.s32 $0xFFFFFFFF, s14  }
0x2a: {  	s18 =	sxor.u32 @!p1 $0xFFFFFFFF, s14;
	s19 =	sand.u32 @!p1 $0x78, s11;
	s20 =	sshll.u32 @!p1 s12, $0xD  }
0x2b: {  	s21 =	sshll.u32 @!p1 s12, $0x7;
	s22 =	sshll.u32 @!p1 s11, $0x3;
	s18 =	sshll.u32 @!p1 s18, $0xE  }
0x2c: {  	s20 =	sand.u32 @!p1 $0x3F0000, s20;
	s21 =	sand.u32 @!p1 $0x380, s21;
	s18 =	sand.u32 @!p1 $0x4000, s18  }
0x2d: {  	s20 =	sadd.s32 @!p1 s20, s22;
	s22 =	sand.u32 @!p1 $0x1C00, s22;
	s19 =	sor.u32 @!p1 s21, s19  }
0x2e: {  	s21 =	sshll.u32 @!p1 s13, $0x13;
	s19 =	sor.u32 @!p1 s22, s19;
	s20 =	sshrl.u32 @!p1 s20, $0x3  }
0x2f: {  	s21 =	sadd.s32 @!p1 s1, s21;
	s22 =	sand.u32 @!p1 $0x7, s11;
	s20 =	sand.u32 @!p1 $0x7FC00, s20  }
0x30: {  	s19 =	sshrl.u32 @!p1 s19, $0x3;
	s20 =	sadd.s32 @!p1 s20, s21;
	s21 =	sshll.u32 @!p1 s22, $0x12  }
0x31: {  	s19 =	sadd.s32 @!p1 s19, s20;
	s20 =	sor.u32 @!p1 $0x400, s21;
	s21 =	simm.s32 @!p1 $0x10000  }
0x32: {  	[tilespmem:s18], [sflag:$0x1] =	stream.strided.gather @!p1 [hbm4b:s19+s20], $0x4000, s21, s20, $0x38;
	[tilespmem:$0x10100] =	vst v63  }
0x33: {  	p1 =	sge.u32 s31, s7  }
.Ltmp2:
0x34: {  	_ = 	snop;
	(pc) =	sbr.rel @p1 .LBB1_5-.Ltmp2, $1  }
0x35: {  	_ =	sdelay $0x3  }
0x36: {  	s18 =	simm.s32 $0x1  }
0x37: {  	_ =	swait.ge [sflag:s6], $0x4000;
	s18 =	simm.s32 @!p0 $0x0  }
0x38: {  	[sflag:s6] =	ssyncset.done $0x0;
	s19 =	sshll.u32 s18, $0xE  }
0x39: {  	[sflag:s6] =	ssyncadd.s32 $0xFFFFC000;
	s20 =	sor.u32 $0x40, s19  }
0x3a: {  	s18 =	smul.u32 $0x10200, s18;
	v0 =	vld [tilespmem:s20+$0x30]  }
0x3b: {  	v3 =	vld [tilespmem:s20+$0xFFFFFFD0]  }
0x3c: {  	s18 =	sshrl.u32 s18, $0x2;
	v4 =	vld [tilespmem:s20+$0xFFFFFFE0]  }
0x3d: {  	v5 =	vld [tilespmem:s20+$0xFFFFFFF0];
	s19 =	sor.u32 $0x8000, s18  }
0x3e: {  	s31 =	sand.u32 $0x1, s14;
	v1 =	vld [tilespmem:s20+$0x0];
	s21 =	sadd.s32 $0x0, s19  }
0x3f: {  	v2 =	vld [tilespmem:s20+$0x10];
	s18 =	smul.u32 $0x10200, s31;
	[tilespmem:s21+$0x3870 ss:$0x81] =	vst.msk $0xffff, v0  }
0x40: {  	[tilespmem:s21+$0x810 ss:$0x81] =	vst.msk $0xffff, v3;
	v3 =	vld [tilespmem:s20+$0x20]  }
0x41: {  	s18 =	sshrl.u32 s18, $0x2;
	v0 =	vld [tilespmem:s20+$0xFFFFFFC0];
	[tilespmem:s21+$0x1020 ss:$0x81] =	vst.msk $0xffff, v4;
	s20 =	sadd.s32 $0x80, s20  }
0x42: {  	s22 =	simm.s32 $0x4;
	s23 =	simm.s32 $0x8;
	s18 =	sor.u32 $0x8000, s18;
	[tilespmem:s21+$0x1830 ss:$0x81] =	vst.msk $0xffff, v5;
	v4 =	vld [tilespmem:s20+$0x30]  }
.LBB1_3:
0x43: {  	p1 =	sne.s32 s23, $0x1FC;
	v5 =	vld [tilespmem:s20+$0xFFFFFFD0];
	[tilespmem:s21+$0x2040 ss:$0x81] =	vst.msk $0xffff, v1  }
0x44: {  	v6 =	vld [tilespmem:s20+$0xFFFFFFE0];
	[tilespmem:s21+$0x2850 ss:$0x81] =	vst.msk $0xffff, v2  }
0x45: {  	s24 =	sshra.s32 s22, $0x2;
	s22 =	smov.u32 s23;
	v7 =	vld [tilespmem:s20+$0xFFFFFFF0];
	[tilespmem:s21+$0x3060 ss:$0x81] =	vst.msk $0xffff, v3  }
.Ltmp3:
0x46: {  	v1 =	vld [tilespmem:s20+$0x0];
	[tilespmem:s21+$0x0 ss:$0x81] =	vst.msk $0xffff, v0;
	s21 =	sadd.s32 s24, s19;
	(pc) =	sbr.rel @p1 .LBB1_3-.Ltmp3, $4  }
0x47: {  	v2 =	vld [tilespmem:s20+$0x10];
	[tilespmem:s21+$0x3870 ss:$0x81] =	vst.msk $0xffff, v4  }
0x48: {  	[tilespmem:s21+$0x810 ss:$0x81] =	vst.msk $0xffff, v5;
	v3 =	vld [tilespmem:s20+$0x20]  }
0x49: {  	v0 =	vld [tilespmem:s20+$0xFFFFFFC0];
	[tilespmem:s21+$0x1020 ss:$0x81] =	vst.msk $0xffff, v6;
	s20 =	sadd.s32 $0x80, s20  }
0x4a: {  	s23 =	sadd.s32 $0x4, s23;
	v4 =	vld [tilespmem:s20+$0x30];
	[tilespmem:s21+$0x1830 ss:$0x81] =	vst.msk $0xffff, v7  }
.Ltmp4:
0x4b: {  	_ = 	snop;
	(pc) =	sbr.rel .LBB1_4-.Ltmp4, $1  }
0x4c: {  	_ =	sdelay $0x3  }
.LBB1_6:
0x4d: {  	_ =	sfence.sel $0x180000  }
0x4e: {  	s1 =	simm.s32 $0x1;
	[bflag:$0x0] =	sbarrier.arrive $0xFFFF  }
0x4f: {  	s31 =	simm.s32 $0x2;
	[sflag:s1] =	ssyncpa.u1 $0x1  }
0x50: {  	[sflag:s31] =	ssyncpa.u1 $0x1  }
0x51: {  	p0 =	sne.s32 s0, $0x0;
	_ =	strace $0x90000047  }
0x52: {  	s0 =	sadd.s32 @!p0 $0x100000, s5;
	[bflag:$0x2] =	sbarrier.arrive $0xFFFF  }
0x53: {  	[sflag:s0] =	ssyncadd.tile.s32 @!p0 $0x1;
	_ =	shalt  }
.Lfunc_end1:
_tile_overlayer_lowered:
.L_overlay_start_2:
0x54: {  	(tag) =	ssettag $0x2  }
0x55: {  	s0 =	rddreg [dreg:$0x0];
	s2 =	stileid.u32  }
0x56: {  	s1 =	rddreg [dreg:$0x1];
	p0 =	sne.s32 s2, $0x0  }
0x57: {  	s3 =	rddreg [dreg:$0x2];
	[bflag:$0x3] =	sbarrier.arrive $0xFFFF;
	s2 =	simm.s32 @!p0 $0x1C01  }
0x58: {  	[timem:s3], [sflag:s2] =	dma.local @!p0 [hbm:s0], s1  }
0x59: {  	s0 =	simm.s32 @!p0 $0x1  }
0x5a: {  	_ =	swait.ge @!p0 [sflag:s0], s1  }
0x5b: {  	s1 =	ssub.s32 @!p0 $0x0, s1;
	[sflag:s0] =	ssyncset.done @!p0 $0x0  }
0x5c: {  	[sflag:s0] =	ssyncadd.s32 @!p0 s1  }
0x5d: {  	[bflag:$0x3] =	sbarrier.arrive $0xFFFF  }
0x5e: {  	_ =	shalt  }

// kernel: sparse-core-data-format-call.cloned.1.call-start
scs
called_computation_lowered:
.L_overlay_start_0:
0x0: {  	s2 =	sld [smem:$0x3FD9]  }
0x1: {  	s3 =	sld [smem:$0x3FFE];
	_ =	sdelay $0x1  }
0x2: {  	s1 =	srdreg.scid  }
0x3: {  	s0 =	sand.u32 $0x1, s1  }
0x4: {  	s18 =	sshll.u32 s0, $0xA;
	s2 =	sadd.s32 s3, s2  }
0x5: {  	s2 =	sadd.s32 s2, s18  }
0x6: {  	[smem:$0x3FC2] =	sst s2  }
0x7: {  	_ = 	snop  }
0x8: {  	s2 =	sld [smem:$0x3FD0];
	(tm) =	ssettm $0x1  }
0x9: {  	s19 =	sld [smem:$0x3FFB];
	_ =	sdelay $0x3  }
0xa: {  	_ =	strace s19  }
0xb: {  	s3 =	sld [smem:$0x3FFC];
	_ =	sdelay $0x3  }
0xc: {  	_ =	strace s3  }
0xd: {  	s3 =	sld [smem:$0x3FFD];
	_ =	sdelay $0x3  }
0xe: {  	_ =	strace s3  }
0xf: {  	_ =	strace $0x8FFFFFFF  }
0x10: {  	s20 =	sld [smem:$0x3FDB];
	_ =	sdelay $0x1  }
0x11: {  	s4 =	simm.s32 $_scs_section_size  }
0x12: {  	s5 =	simm.s32 $_size__tile_overlayer_lowered;
	s6 =	simm.s32 $_tile_overlayer_lowered  }
0x13: {  	s23 =	simm.s32 $0x1BFF;
	s22 =	sshll.u32 s6, $0x1;
	s3 =	sadd.s32 s4, s20  }
0x14: {  	s7 =	simm.s32 $0x0;
	s21 =	sshll.u32 s5, $0x1;
	s5 =	sadd.s32 s22, s3  }
0x15: {  	[timem:s7], [sflag:s23] =	dma.local [hbm:s5], s21  }
0x16: {  	_ =	swait.ge [sflag:s23], s21  }
0x17: {  	s4 =	ssub.s32 $0x0, s21;
	[sflag:s23] =	ssyncset.done $0x0  }
0x18: {  	[sflag:s23] =	ssyncadd.s32 s4;
	_ =	sdelay $0x1  }
0x19: {  	s24 =	simm.s32 $0x1B8B  }
0x1a: {  	_ =	swait.ge [sflag:s24], $0x1  }
0x1b: {  	[sflag:s24] =	ssyncset.done $0x0  }
0x1c: {  	s26 =	simm.s32 $0x1B8E;
	s25 =	sld [smem:$0x3FFE];
	[sflag:s24] =	ssyncadd.s32 $0xFFFFFFFF  }
0x1d: {  	s27 =	simm.s32 $execute0_lowered;
	[smem:$0x3FD2] =	sst s26  }
0x1e: {  	s5 =	sshll.u32 s27, $0x1;
	_ =	strace $0x8000004C;
	[dreg:$0x1] =	wrdreg $0xFFFFFFFF  }
0x1f: {  	s28 =	simm.s32 $_size_execute0_lowered;
	s3 =	sadd.s32 s3, s5;
	[dreg:$0x0] =	wrdreg $0x0  }
0x20: {  	s5 =	sshll.u32 s28, $0x1;
	[dreg:$0x2] =	wrdreg s3  }
0x21: {  	[dreg:$0x3] =	wrdreg s5  }
0x22: {  	[dreg:$0x4] =	wrdreg $0xC0  }
0x23: {  	_ =	task [dreg:s7], $0x5FFFF  }
0x24: {  	[dreg:$0x1] =	wrdreg $0xFFFFFFFF  }
0x25: {  	[dreg:$0x0] =	wrdreg $0x60  }
0x26: {  	[dreg:$0x2] =	wrdreg s25  }
0x27: {  	[dreg:$0x3] =	wrdreg s2  }
0x28: {  	[dreg:$0x4] =	wrdreg $0x9  }
0x29: {  	_ =	task.clear_ibuf [dreg:s7], $0x5FFFF;
	_ =	strace $0x9000004C  }
0x2a: {  	s29 =	simm.s32 $0x9;
	_ =	strace $0x8000004E  }
0x2b: {  	_ =	swait.ge [sflag:s29], $0x1  }
0x2c: {  	[sflag:s29] =	ssyncadd.s32 $0xFFFFFFFF  }
0x2d: {  	_ =	strace $0x9000004E  }
0x2e: {  	_ =	sfence  }
0x2f: {  	s30 =	sld [smem:$0x0];
	_ =	sdelay $0x2  }
0x30: {  	s31 =	sshll.u32 s1, $0xD;
	s1 =	sshrl.u32 s1, $0x2  }
0x31: {  	s3 =	sand.u32 $0x4000, s31;
	s1 =	sadd.s32 s1, s30  }
0x32: {  	s0 =	sor.u32 s3, s0;
	s1 =	sshll.u32 s1, $0x11  }
0x33: {  	s0 =	sor.u32 s1, s0  }
0x34: {  	s0 =	sadd.s32 $0x8F2B, s0  }
0x35: {  	[sflag:s0] =	ssyncadd.remote.s32 $0x1  }
0x36: {  	_ =	sfence.sel $0xFFFF  }
0x37: {  	[dreg:$0x0] =	wrdreg $0xFFFFFFFF;
	(pc) =	sbr.abs _section_cstart, $3  }
0x38: {  	[dreg:$0x1] =	wrdreg $0xFFFFFFFF  }
0x39: {  	_ =	task.clear_ibuf [dreg:s7], $0x2FFFF;
	_ =	strace $0x9FFFFFFF  }
0x3a: {  	(tm) =	ssettm $0x7FFFFFFF  }
0x3b: {  	_ =	shalt  }
tec
execute0_lowered:
.L_overlay_start_1:
0x0: {  	(tag) =	ssettag $0x1  }
0x1: {  	s0 =	stileid.u32;
	s4 =	rddreg [dreg:$0x0]  }
0x2: {  	s1 =	srdreg.scid;
	s3 =	rddreg [dreg:$0x1];
	s7 =	simm.s32 $0x1  }
0x3: {  	s31 =	simm.s32 $0x2;
	s2 =	sshll.u32 s0, $0x5;
	s1 =	sshll.u32 s1, $0x9  }
0x4: {  	s16 =	simm.s32 $0x0;
	s9 =	simm.s32 $0x20000;
	s1 =	sor.u32 s2, s1  }
0x5: {  	s14 =	simm.s32 $0x0;
	s15 =	simm.s32 $0x0;
	s2 =	sand.u32 $0x380, s1  }
0x6: {  	s10 =	simm.s32 $0x0;
	s13 =	simm.s32 $0x0;
	s5 =	ssub.s32 $0x4000, s2  }
0x7: {  	s4 =	sadd.s32 $0xE00, s4;
	s1 =	rddreg [dreg:$0x2];
	s6 =	sand.u32 $0x380, s5  }
.Ltmp0:
0x8: {  	_ =	strace $0x8000004D;
	p0 =	sne.s32 s6, $0x0;
	(pc) =	sbr.rel .LBB1_1-.Ltmp0, $4  }
0x9: {  	s11 =	smov.u32 s2;
	s8 =	sshrl.u32 s5, $0xA;
	s7 =	simm.s32 @!p0 $0x0  }
0xa: {  	s5 =	sand.u32 $0x3, s0;
	s6 =	simm.s32 $0x1;
	s7 =	sadd.s32 s7, s8  }
0xb: {  	s12 =	smov.u32 s5;
	[sflag:s6] =	ssyncpa.u1 $0x0;
	s7 =	sshll.u32 s7, $0x2  }
0xc: {  	p0 =	por $0x0, $0x0;
	[sflag:s31] =	ssyncpa.u1 $0x0;
	s8 =	sor.u32 $0x1, s7  }
.LBB1_4:
0xd: {  	v5 =	vld [tilespmem:s19+$0xFFFFFFD0]  }
0xe: {  	[tilespmem:s20+$0x2040 ss:$0x81] =	vst.msk $0xffff, v1;
	v58 =	vld [tilespmem:s19+$0xFFFFFFE0]  }
0xf: {  	[tilespmem:s20+$0x2850 ss:$0x81] =	vst.msk $0xffff, v2;
	v59 =	vld [tilespmem:s19+$0xFFFFFFF0]  }
0x10: {  	s21 =	sshra.s32 s21, $0x2;
	[tilespmem:s20+$0x3060 ss:$0x81] =	vst.msk $0xffff, v3;
	v60 =	vld [tilespmem:s19+$0x0]  }
0x11: {  	[tilespmem:s20+$0x0 ss:$0x81] =	vst.msk $0xffff, v0;
	v61 =	vld [tilespmem:s19+$0x10];
	s18 =	sadd.s32 s21, s18  }
0x12: {  	s26 =	sshll.u32 s16, $0xE;
	v62 =	vld [tilespmem:s19+$0x20];
	[tilespmem:s18+$0x3870 ss:$0x81] =	vst.msk $0xffff, v4  }
0x13: {  	s27 =	sand.u32 $0x78, s14;
	s22 =	sshll.u32 s14, $0x3;
	v63 =	vld [tilespmem:s19+$0xFFFFFFC0];
	s29 =	sshll.u32 s16, $0x7;
	[tilespmem:s18+$0x810 ss:$0x81] =	vst.msk $0xffff, v5  }
0x14: {  	s15 =	sshll.u32 s15, $0x14;
	s20 =	sand.u32 $0x7E0000, s26;
	s28 =	sand.u32 $0x7FFC00, s22;
	[tilespmem:s18+$0x1020 ss:$0x81] =	vst.msk $0xffff, v58  }
0x15: {  	s31 =	sand.u32 $0x7, s14;
	s22 =	sand.u32 $0x3C00, s22;
	s19 =	sadd.s32 s28, s20;
	[tilespmem:s18+$0x1830 ss:$0x81] =	vst.msk $0xffff, v59  }
0x16: {  	s16 =	sand.u32 $0x380, s29;
	s30 =	sor.u32 s27, s22;
	s19 =	sshrl.u32 s19, $0x3;
	[tilespmem:s18+$0x2040 ss:$0x81] =	vst.msk $0xffff, v60  }
0x17: {  	s15 =	sadd.s32 s3, s15;
	s16 =	sor.u32 s16, s30;
	s19 =	sand.u32 $0xFF800, s19;
	[tilespmem:s18+$0x2850 ss:$0x81] =	vst.msk $0xffff, v61  }
0x18: {  	s14 =	sshll.u32 s31, $0x12;
	s16 =	sshrl.u32 s16, $0x3;
	[tilespmem:s18+$0x3060 ss:$0x81] =	vst.msk $0xffff, v62;
	s15 =	sadd.s32 s19, s15  }
0x19: {  	s14 =	sor.u32 $0x400, s14;
	[tilespmem:s18+$0x0 ss:$0x81] =	vst.msk $0xffff, v63;
	s15 =	sadd.s32 s16, s15  }
0x1a: {  	[hbm4b:s15+s14] =	stream.strided.scatter [tilespmem:s17], [sflag:$0x2], $0x4000, s9, s14, $0x20;
	[tilespmem:$0x10100] =	vst v63  }
.LBB1_5:
0x1b: {  	s17 =	sadd.s32 $0x80, s10  }
0x1c: {  	s14 =	sadd.s32 $0x400, s11;
	s18 =	smov.u32 s11;
	p2 =	sgt.s32 s17, $0x1FF  }
0x1d: {  	s18 =	smov.u32 @p2 s14  }
0x1e: {  	s20 =	smov.u32 s12;
	s14 =	sadd.s32 $0x4, s12;
	p3 =	sgt.s32 s18, $0x3FFF  }
0x1f: {  	s20 =	smov.u32 @p3 s14  }
0x20: {  	s17 =	simm.s32 @p2 $0x0;
	p2 =	sgt.s32 s20, $0x3  }
0x21: {  	p1 =	slt.u32 s13, $0x2;
	s20 =	smov.u32 @p2 s5;
	p2 =	sne.s32 s13, s8  }
.Ltmp1:
0x22: {  	s19 =	simm.s32 @!p1 $0x2;
	(pc) =	sbr.rel @!p2 .LBB1_6-.Ltmp1, $4  }
0x23: {  	s16 =	smov.u32 s10;
	s15 =	smov.u32 s12;
	_ =	swait.ge @!p1 [sflag:s19], $0x4000  }
0x24: {  	p0 =	por !p0, !p0;
	[sflag:s19] =	ssyncset.done @!p1 $0x0;
	s10 =	smov.u32 s17  }
0x25: {  	s18 =	smov.u32 @p3 s2;
	s14 =	smov.u32 s11;
	[sflag:s19] =	ssyncadd.s32 @!p1 $0xFFFFC000  }
0x26: {  	s11 =	smov.u32 s18;
	s13 =	sadd.s32 $0x1, s13;
	s12 =	smov.u32 s20  }
.LBB1_1:
0x27: {  	p1 =	sge.u32 s13, s7  }
0x28: {  	s31 =	sadd.s32 $0xFFFFFFFF, s13;
	s17 =	sxor.u32 @!p1 $0xFFFFFFFF, s13  }
0x29: {  	s18 =	sshll.u32 @!p1 s11, $0x9;
	s19 =	sshll.u32 @!p1 s10, $0x3;
	s20 =	sshll.u32 @!p1 s11, $0x7  }
0x2a: {  	s21 =	sand.u32 @!p1 $0x78, s10;
	s18 =	sand.u32 @!p1 $0x7FF000, s18;
	s19 =	sand.u32 @!p1 $0x7FFC00, s19  }
0x2b: {  	s17 =	sshll.u32 @!p1 s17, $0xE;
	s18 =	sadd.s32 @!p1 s18, s19;
	s19 =	sand.u32 @!p1 $0x200, s20  }
0x2c: {  	s17 =	sand.u32 @!p1 $0x4000, s17;
	s18 =	sor.u32 @!p1 s19, s18;
	s19 =	sand.u32 @!p1 $0x180, s20  }
0x2d: {  	s20 =	sshll.u32 @!p1 s12, $0x14;
	s19 =	sor.u32 @!p1 s21, s19;
	s18 =	sshrl.u32 @!p1 s18, $0x3  }
0x2e: {  	s20 =	sadd.s32 @!p1 s4, s20;
	s21 =	sand.u32 @!p1 $0x7, s10;
	s19 =	sshrl.u32 @!p1 s19, $0x3  }
0x2f: {  	s18 =	sand.u32 @!p1 $0xFFFC0, s18;
	s19 =	sadd.s32 @!p1 s19, s20;
	s20 =	sshll.u32 @!p1 s21, $0x12  }
0x30: {  	s18 =	sadd.s32 @!p1 s18, s19;
	s19 =	sor.u32 @!p1 $0x400, s20;
	s20 =	simm.s32 @!p1 $0x1000  }
0x31: {  	[tilespmem:s17], [sflag:$0x1] =	stream.strided.gather @!p1 [hbm4b:s18+s19], $0x4000, s20, s19, $0x38;
	[tilespmem:$0x10100] =	vst v63  }
0x32: {  	p1 =	sge.u32 s31, s7  }
.Ltmp2:
0x33: {  	_ = 	snop;
	(pc) =	sbr.rel @p1 .LBB1_5-.Ltmp2, $1  }
0x34: {  	_ =	sdelay $0x3  }
0x35: {  	s17 =	simm.s32 $0x1  }
0x36: {  	_ =	swait.ge [sflag:s6], $0x4000;
	s17 =	simm.s32 @!p0 $0x0  }
0x37: {  	[sflag:s6] =	ssyncset.done $0x0;
	s18 =	sshll.u32 s17, $0xE  }
0x38: {  	[sflag:s6] =	ssyncadd.s32 $0xFFFFC000;
	s19 =	sor.u32 $0x40, s18  }
0x39: {  	s17 =	smul.u32 $0x10200, s17;
	v0 =	vld [tilespmem:s19+$0x30]  }
0x3a: {  	v3 =	vld [tilespmem:s19+$0xFFFFFFD0]  }
0x3b: {  	s17 =	sshrl.u32 s17, $0x2;
	v4 =	vld [tilespmem:s19+$0xFFFFFFE0]  }
0x3c: {  	v5 =	vld [tilespmem:s19+$0xFFFFFFF0];
	s18 =	sor.u32 $0x8000, s17  }
0x3d: {  	s31 =	sand.u32 $0x1, s13;
	v1 =	vld [tilespmem:s19+$0x0];
	s20 =	sadd.s32 $0x0, s18  }
0x3e: {  	v2 =	vld [tilespmem:s19+$0x10];
	s17 =	smul.u32 $0x10200, s31;
	[tilespmem:s20+$0x3870 ss:$0x81] =	vst.msk $0xffff, v0  }
0x3f: {  	[tilespmem:s20+$0x810 ss:$0x81] =	vst.msk $0xffff, v3;
	v3 =	vld [tilespmem:s19+$0x20]  }
0x40: {  	s17 =	sshrl.u32 s17, $0x2;
	v0 =	vld [tilespmem:s19+$0xFFFFFFC0];
	[tilespmem:s20+$0x1020 ss:$0x81] =	vst.msk $0xffff, v4;
	s19 =	sadd.s32 $0x80, s19  }
0x41: {  	s21 =	simm.s32 $0x4;
	s22 =	simm.s32 $0x8;
	s17 =	sor.u32 $0x8000, s17;
	[tilespmem:s20+$0x1830 ss:$0x81] =	vst.msk $0xffff, v5;
	v4 =	vld [tilespmem:s19+$0x30]  }
.LBB1_3:
0x42: {  	p1 =	sne.s32 s22, $0x1FC;
	v5 =	vld [tilespmem:s19+$0xFFFFFFD0];
	[tilespmem:s20+$0x2040 ss:$0x81] =	vst.msk $0xffff, v1  }
0x43: {  	v6 =	vld [tilespmem:s19+$0xFFFFFFE0];
	[tilespmem:s20+$0x2850 ss:$0x81] =	vst.msk $0xffff, v2  }
0x44: {  	s23 =	sshra.s32 s21, $0x2;
	s21 =	smov.u32 s22;
	v7 =	vld [tilespmem:s19+$0xFFFFFFF0];
	[tilespmem:s20+$0x3060 ss:$0x81] =	vst.msk $0xffff, v3  }
.Ltmp3:
0x45: {  	v1 =	vld [tilespmem:s19+$0x0];
	[tilespmem:s20+$0x0 ss:$0x81] =	vst.msk $0xffff, v0;
	s20 =	sadd.s32 s23, s18;
	(pc) =	sbr.rel @p1 .LBB1_3-.Ltmp3, $4  }
0x46: {  	v2 =	vld [tilespmem:s19+$0x10];
	[tilespmem:s20+$0x3870 ss:$0x81] =	vst.msk $0xffff, v4  }
0x47: {  	[tilespmem:s20+$0x810 ss:$0x81] =	vst.msk $0xffff, v5;
	v3 =	vld [tilespmem:s19+$0x20]  }
0x48: {  	v0 =	vld [tilespmem:s19+$0xFFFFFFC0];
	[tilespmem:s20+$0x1020 ss:$0x81] =	vst.msk $0xffff, v6;
	s19 =	sadd.s32 $0x80, s19  }
0x49: {  	s22 =	sadd.s32 $0x4, s22;
	v4 =	vld [tilespmem:s19+$0x30];
	[tilespmem:s20+$0x1830 ss:$0x81] =	vst.msk $0xffff, v7  }
.Ltmp4:
0x4a: {  	_ = 	snop;
	(pc) =	sbr.rel .LBB1_4-.Ltmp4, $1  }
0x4b: {  	_ =	sdelay $0x3  }
.LBB1_6:
0x4c: {  	_ =	sfence.sel $0x180000  }
0x4d: {  	s2 =	simm.s32 $0x1;
	[bflag:$0x0] =	sbarrier.arrive $0xFFFF  }
0x4e: {  	s31 =	simm.s32 $0x2;
	[sflag:s2] =	ssyncpa.u1 $0x1  }
0x4f: {  	[sflag:s31] =	ssyncpa.u1 $0x1  }
0x50: {  	p0 =	sne.s32 s0, $0x0;
	_ =	strace $0x9000004D  }
0x51: {  	s0 =	sadd.s32 @!p0 $0x100000, s1;
	[bflag:$0x2] =	sbarrier.arrive $0xFFFF  }
0x52: {  	[sflag:s0] =	ssyncadd.tile.s32 @!p0 $0x1;
	_ =	shalt  }
.Lfunc_end1:
_tile_overlayer_lowered:
.L_overlay_start_2:
0x53: {  	(tag) =	ssettag $0x2  }
0x54: {  	s0 =	rddreg [dreg:$0x0];
	s2 =	stileid.u32  }
0x55: {  	s1 =	rddreg [dreg:$0x1];
	p0 =	sne.s32 s2, $0x0  }
0x56: {  	s3 =	rddreg [dreg:$0x2];
	[bflag:$0x3] =	sbarrier.arrive $0xFFFF;
	s2 =	simm.s32 @!p0 $0x1C01  }
0x57: {  	[timem:s3], [sflag:s2] =	dma.local @!p0 [hbm:s0], s1  }
0x58: {  	s0 =	simm.s32 @!p0 $0x1  }
0x59: {  	_ =	swait.ge @!p0 [sflag:s0], s1  }
0x5a: {  	s1 =	ssub.s32 @!p0 $0x0, s1;
	[sflag:s0] =	ssyncset.done @!p0 $0x0  }
0x5b: {  	[sflag:s0] =	ssyncadd.s32 @!p0 s1  }
0x5c: {  	[bflag:$0x3] =	sbarrier.arrive $0xFFFF  }
0x5d: {  	_ =	shalt  }

</sc_bundles>
